<compile_context>
chip_gen: v7x
topology: tpu7x:2x2x1
jax: 0.10.2.dev20260603
libtpu: 0.0.44.dev20260713+nightly
codegen_flags: <defaults>
</compile_context>

<pallas_src>
import functools

import jax
import jax.numpy as jnp
from jax import lax
from jax.experimental import pallas as pl
from jax.experimental.pallas import tpu as pltpu
from jax.experimental.pallas import tpu_sc as plsc

N = 10000
N_PAD = 10240
D = 256
H = 128
E = 160000
N_STEPS = 2
NS = 16
EB = 80
R = 1000

_BF = jnp.bfloat16



def _wh_body(h_ref, wt_ref, b_ref, lo_ref, hi_ref):
    wh = jnp.dot(h_ref[...].astype(_BF), wt_ref[0],
                 preferred_element_type=jnp.float32)
    wh = wh + b_ref[0]
    lo_ref[...] = wh[:, :H]
    hi_ref[...] = wh[:, H:]


def _wh_call(h, wT, b, K):
    nb = N // R
    return pl.pallas_call(
        _wh_body,
        grid=(K, nb),
        in_specs=[
            pl.BlockSpec((R, D), lambda k, i: (i, 0)),
            pl.BlockSpec((1, D, D), lambda k, i: (k, 0, 0)),
            pl.BlockSpec((1, 1, D), lambda k, i: (k, 0, 0)),
        ],
        out_specs=[
            pl.BlockSpec((R, H), lambda k, i: (k * nb + i, 0)),
            pl.BlockSpec((R, H), lambda k, i: (k * nb + i, 0)),
        ],
        out_shape=[
            jax.ShapeDtypeStruct((K * N, H), jnp.float32),
            jax.ShapeDtypeStruct((K * N, H), jnp.float32),
        ],
    )(h, wT, b)


def _make_fused(K, with_lin):

    def body(*refs):
        (alo_ref, ahi_ref, h_ref, wihT_ref, bih_ref, whhT_ref,
         bhh_ref) = refs[:7]
        idx = 7
        if with_lin:
            x2_ref, wta_ref, wtb_ref, bias_ref = refs[idx:idx + 4]
            idx += 4
        if K:
            wt_ref, b_ref = refs[idx:idx + 2]
            idx += 2
        outs = refs[idx:]
        gi = jnp.dot(alo_ref[...].astype(_BF), wihT_ref[:H],
                     preferred_element_type=jnp.float32)
        gi = gi + jnp.dot(ahi_ref[...].astype(_BF), wihT_ref[H:],
                          preferred_element_type=jnp.float32)
        gi = gi + bih_ref[...]
        h = h_ref[...]
        gh = jnp.dot(h.astype(_BF), whhT_ref[...],
                     preferred_element_type=jnp.float32)
        gh = gh + bhh_ref[...]
        r = jax.nn.sigmoid(gi[:, :D] + gh[:, :D])
        z = jax.nn.sigmoid(gi[:, D:2 * D] + gh[:, D:2 * D])
        n = jnp.tanh(gi[:, 2 * D:] + r * gh[:, 2 * D:])
        h_new = (1.0 - z) * n + z * h
        if with_lin:
            main = jnp.dot(h_new.astype(_BF), wta_ref[...],
                           preferred_element_type=jnp.float32)
            main = main + jnp.dot(x2_ref[...].astype(_BF), wtb_ref[...],
                                  preferred_element_type=jnp.float32)
            main = main + bias_ref[...]
        else:
            main = h_new
        outs[0][...] = main
        if K:
            mb = main.astype(_BF)
            for k in range(K):
                whk = jnp.dot(mb, wt_ref[k], preferred_element_type=jnp.float32)
                whk = whk + b_ref[k]
                outs[1][k] = whk[:, :H]
                outs[2][k] = whk[:, H:]

    nb = N // R
    in_specs = [
        pl.BlockSpec((R, H), lambda i: (i, 0)),
        pl.BlockSpec((R, H), lambda i: (i, 0)),
        pl.BlockSpec((R, D), lambda i: (i, 0)),
        pl.BlockSpec((D, 3 * D), lambda i: (0, 0)),
        pl.BlockSpec((1, 3 * D), lambda i: (0, 0)),
        pl.BlockSpec((D, 3 * D), lambda i: (0, 0)),
        pl.BlockSpec((1, 3 * D), lambda i: (0, 0)),
    ]
    if with_lin:
        in_specs += [
            pl.BlockSpec((R, D), lambda i: (i, 0)),
            pl.BlockSpec((D, D), lambda i: (0, 0)),
            pl.BlockSpec((D, D), lambda i: (0, 0)),
            pl.BlockSpec((1, D), lambda i: (0, 0)),
        ]
    if K:
        in_specs += [
            pl.BlockSpec((K, D, D), lambda i: (0, 0, 0)),
            pl.BlockSpec((K, 1, D), lambda i: (0, 0, 0)),
        ]
    out_specs = [pl.BlockSpec((R, D), lambda i: (i, 0))]
    out_shape = [jax.ShapeDtypeStruct((N, D), jnp.float32)]
    if K:
        out_specs += [pl.BlockSpec((K, R, H), lambda i: (0, i, 0))] * 2
        out_shape += [jax.ShapeDtypeStruct((K, N, H), jnp.float32)] * 2

    call = pl.pallas_call(body, grid=(nb,), in_specs=in_specs,
                          out_specs=out_specs, out_shape=out_shape)

    def run(*args):
        res = call(*args)
        if K:
            main, lo, hi = res
            return main, lo.reshape(K * N, H), hi.reshape(K * N, H)
        return res[0]

    return run


_fused_ast_wh1 = _make_fused(1, False)
_fused_fn1_cpg = _make_fused(3, True)
_fused_cpg_wh1 = _make_fused(3, False)
_fused_fn2 = _make_fused(0, True)




def _make_scatter(KN):
    mesh = plsc.VectorSubcoreMesh(core_axis_name="c", subcore_axis_name="s")
    ept = E // NS
    nbatch = ept // EB
    rpt = N_PAD // NS

    @functools.partial(
        pl.kernel,
        out_type=[
            jax.ShapeDtypeStruct((N_PAD, H), jnp.float32),
            jax.ShapeDtypeStruct((N_PAD, H), jnp.float32),
        ],
        mesh=mesh,
        scratch_types=[
            pltpu.VMEM((ept,), jnp.int32),
            pltpu.VMEM((nbatch, EB), jnp.int32),
            pltpu.VMEM((EB, H), jnp.float32),
            pltpu.VMEM((EB, H), jnp.float32),
            pltpu.VMEM_SHARED((N_PAD, H), jnp.float32),
            pltpu.SemaphoreType.DMA,
            pltpu.SemaphoreType.DMA,
            pltpu.SemaphoreType.DMA,
            pltpu.SemaphoreType.DMA,
            pltpu.SemaphoreType.DMA,
        ],
    )
    def scatter_k(wh_lo, wh_hi, gidx_hbm, dst_hbm, zeros_hbm, out_lo, out_hi,
                  gidx_v, dst_v, rows0, rows1, acc, gsem0, gsem1, ssem0,
                  ssem1, isem):
        c = lax.axis_index("c")
        s = lax.axis_index("s")
        icp0 = pltpu.async_copy(gidx_hbm.at[s], gidx_v, isem)
        icp1 = pltpu.async_copy(dst_hbm.at[s], dst_v, isem)
        pltpu.sync_copy(zeros_hbm.at[pl.ds(s * rpt, rpt)],
                        acc.at[pl.ds(s * rpt, rpt)])
        icp0.wait()
        icp1.wait()
        plsc.subcore_barrier()

        rows = (rows0, rows1)
        gsem = (gsem0, gsem1)
        ssem = (ssem0, ssem1)

        def run(wh):
            def gather_start(i, b):
                pltpu.async_copy(wh.at[gidx_v.at[pl.ds(i * EB, EB)]],
                                 rows[b], gsem[b])

            def gather_wait(i, b):
                pltpu.make_async_copy(wh.at[gidx_v.at[pl.ds(i * EB, EB)]],
                                      rows[b], gsem[b]).wait()

            def scat_start(i, b):
                pltpu.async_copy(rows[b], acc.at[dst_v.at[i]], ssem[b],
                                 add=True)

            def scat_wait(i, b):
                pltpu.make_async_copy(rows[b], acc.at[dst_v.at[i]],
                                      ssem[b]).wait()

            gather_start(0, 0)

            @pl.loop(0, nbatch - 1, step=2)
            def _(g):
                gather_wait(g, 0)

                @pl.when(g > 0)
                def _():
                    scat_wait(g - 1, 1)

                gather_start(g + 1, 1)
                scat_start(g, 0)

                gather_wait(g + 1, 1)
                scat_wait(g, 0)
                gather_start(g + 2, 0)
                scat_start(g + 1, 1)

            gather_wait(nbatch - 1, 0)
            scat_wait(nbatch - 2, 1)
            pltpu.sync_copy(rows[0], acc.at[dst_v.at[nbatch - 1]], add=True)

        @pl.when(c == 0)
        def _():
            run(wh_lo)

        @pl.when(c == 1)
        def _():
            run(wh_hi)

        plsc.subcore_barrier()

        ob = s * rpt

        @pl.when(c == 0)
        def _():
            pltpu.sync_copy(acc.at[pl.ds(ob, rpt)], out_lo.at[pl.ds(ob, rpt)])

        @pl.when(c == 1)
        def _():
            pltpu.sync_copy(acc.at[pl.ds(ob, rpt)], out_hi.at[pl.ds(ob, rpt)])

    return scatter_k


_scatter_ast = _make_scatter(N)
_scatter_cpg = _make_scatter(3 * N)




def kernel(x, ast_edge_index, cpg_edge_index, cpg_etypes, ast_W, ast_b,
           ast_Wih, ast_bih, ast_Whh, ast_bhh, cpg_Ws, cpg_bs, cpg_Wih,
           cpg_bih, cpg_Whh, cpg_bhh, fn1_W, fn1_b, fn2_W, fn2_b):
    zeros = jnp.zeros((N_PAD, H), jnp.float32)
    nbt = (E // NS) // EB

    gidx_a = ast_edge_index[0].astype(jnp.int32).reshape(NS, E // NS)
    dst_a = ast_edge_index[1].astype(jnp.int32).reshape(NS, nbt, EB)
    gidx_c = (cpg_etypes.astype(jnp.int32) * N
              + cpg_edge_index[0].astype(jnp.int32)).reshape(NS, E // NS)
    dst_c = cpg_edge_index[1].astype(jnp.int32).reshape(NS, nbt, EB)

    astWT = jnp.transpose(ast_W)[None].astype(_BF)
    astB = ast_b[None, None]
    ast_gru = (jnp.transpose(ast_Wih).astype(_BF), ast_bih[None],
               jnp.transpose(ast_Whh).astype(_BF), ast_bhh[None])
    cpgWT = jnp.transpose(cpg_Ws, (0, 2, 1)).astype(_BF)
    cpgB = cpg_bs[:, None]
    cpg_gru = (jnp.transpose(cpg_Wih).astype(_BF), cpg_bih[None],
               jnp.transpose(cpg_Whh).astype(_BF), cpg_bhh[None])
    fn1_WT = jnp.transpose(fn1_W).astype(_BF)
    fn2_WT = jnp.transpose(fn2_W).astype(_BF)

    lo, hi = _wh_call(x, astWT, astB, 1)
    alo, ahi = _scatter_ast(lo, hi, gidx_a, dst_a, zeros)
    h1, lo, hi = _fused_ast_wh1(alo, ahi, x, *ast_gru, astWT, astB)
    alo, ahi = _scatter_ast(lo, hi, gidx_a, dst_a, zeros)
    hiddens, lo, hi = _fused_fn1_cpg(alo, ahi, h1, *ast_gru, x,
                                     fn1_WT[:D], fn1_WT[D:], fn1_b[None],
                                     cpgWT, cpgB)
    alo, ahi = _scatter_cpg(lo, hi, gidx_c, dst_c, zeros)
    h1c, lo, hi = _fused_cpg_wh1(alo, ahi, hiddens, *cpg_gru, cpgWT, cpgB)
    alo, ahi = _scatter_cpg(lo, hi, gidx_c, dst_c, zeros)
    logits = _fused_fn2(alo, ahi, h1c, *cpg_gru, hiddens,
                        fn2_WT[:D], fn2_WT[D:], fn2_b[None])
    return logits

# --- scband reference (transcript-rebuilt; emitter-appended) ---
"""Pipeline reference for scband-cpgnn-64132451664067 (READ-ONLY COPY).

The authoritative reference and input builder live on the scoring server;
editing this copy changes nothing except your own understanding.
"""

import jax, jax.numpy as jnp
import numpy as np

N = 10000
D = 256
OUT = 256
E_AST = 160000
E_CPG = 160000
N_STEPS = 2


def setup_inputs(seed: int = 0) -> dict:
    key = jax.random.key(seed)
    ks = jax.random.split(key, 22)
    s = 1.0 / np.sqrt(D)
    inp = {}
    inp["x"] = jax.random.normal(ks[0], (N, D), dtype=jnp.float32)
    inp["ast_edge_index"] = jax.random.randint(ks[1], (2, E_AST), 0, N)
    inp["cpg_edge_index"] = jax.random.randint(ks[2], (2, E_CPG), 0, N)
    inp["cpg_etypes"] = jax.random.randint(ks[3], (E_CPG,), 0, 3)
    # ast GatedGraphConv params (1 etype)
    inp["ast_W"] = jax.random.uniform(ks[4], (D, D), minval=-s, maxval=s, dtype=jnp.float32)
    inp["ast_b"] = jax.random.uniform(ks[5], (D,), minval=-s, maxval=s, dtype=jnp.float32)
    inp["ast_Wih"] = jax.random.uniform(ks[6], (3 * D, D), minval=-s, maxval=s, dtype=jnp.float32)
    inp["ast_bih"] = jax.random.uniform(ks[7], (3 * D,), minval=-s, maxval=s, dtype=jnp.float32)
    inp["ast_Whh"] = jax.random.uniform(ks[8], (3 * D, D), minval=-s, maxval=s, dtype=jnp.float32)
    inp["ast_bhh"] = jax.random.uniform(ks[9], (3 * D,), minval=-s, maxval=s, dtype=jnp.float32)
    # cpg GatedGraphConv params (3 etypes)
    inp["cpg_Ws"] = jax.random.uniform(ks[10], (3, D, D), minval=-s, maxval=s, dtype=jnp.float32)
    inp["cpg_bs"] = jax.random.uniform(ks[11], (3, D), minval=-s, maxval=s, dtype=jnp.float32)
    inp["cpg_Wih"] = jax.random.uniform(ks[12], (3 * D, D), minval=-s, maxval=s, dtype=jnp.float32)
    inp["cpg_bih"] = jax.random.uniform(ks[13], (3 * D,), minval=-s, maxval=s, dtype=jnp.float32)
    inp["cpg_Whh"] = jax.random.uniform(ks[14], (3 * D, D), minval=-s, maxval=s, dtype=jnp.float32)
    inp["cpg_bhh"] = jax.random.uniform(ks[15], (3 * D,), minval=-s, maxval=s, dtype=jnp.float32)
    # fn_1: Linear(2D, D), fn_2: Linear(2D, OUT)
    s2 = 1.0 / np.sqrt(2 * D)
    inp["fn1_W"] = jax.random.uniform(ks[16], (D, 2 * D), minval=-s2, maxval=s2, dtype=jnp.float32)
    inp["fn1_b"] = jax.random.uniform(ks[17], (D,), minval=-s2, maxval=s2, dtype=jnp.float32)
    inp["fn2_W"] = jax.random.uniform(ks[18], (OUT, 2 * D), minval=-s2, maxval=s2, dtype=jnp.float32)
    inp["fn2_b"] = jax.random.uniform(ks[19], (OUT,), minval=-s2, maxval=s2, dtype=jnp.float32)
    return inp


def _gru_cell(a, h, Wih, bih, Whh, bhh):
    gi = a @ Wih.T + bih
    gh = h @ Whh.T + bhh
    ir, iz, inew = jnp.split(gi, 3, axis=-1)
    hr, hz, hnew = jnp.split(gh, 3, axis=-1)
    r = jax.nn.sigmoid(ir + hr)
    z = jax.nn.sigmoid(iz + hz)
    n = jnp.tanh(inew + r * hnew)
    return (1.0 - z) * n + z * h


def _gated_graph_conv(x, src, dst, etype, Ws, bs, Wih, bih, Whh, bhh, n_steps, n_nodes):
    # DGL GatedGraphConv: per step, per etype linear on nodes, gather to edges,
    # scatter-add at dst, then GRU node update.
    h = x
    for _ in range(n_steps):
        Wh = jnp.einsum('kod,nd->kno', Ws, h) + bs[:, None, :]  # [K, N, D]
        m = Wh[etype, src]  # [E, D] gather
        a = jax.ops.segment_sum(m, dst, num_segments=n_nodes)  # scatter-add
        h = _gru_cell(a, h, Wih, bih, Whh, bhh)
    return h


def reference(x, ast_edge_index, cpg_edge_index, cpg_etypes, ast_W, ast_b, ast_Wih, ast_bih, ast_Whh, ast_bhh, cpg_Ws, cpg_bs, cpg_Wih, cpg_bih, cpg_Whh, cpg_bhh, fn1_W, fn1_b, fn2_W, fn2_b):
    src_a, dst_a = ast_edge_index[0], ast_edge_index[1]
    h_ast = _gated_graph_conv(x, src_a, dst_a, jnp.zeros_like(src_a), ast_W[None], ast_b[None], ast_Wih, ast_bih, ast_Whh, ast_bhh, N_STEPS, N)
    hiddens = jnp.concatenate([h_ast, x], axis=-1) @ fn1_W.T + fn1_b
    src_c, dst_c = cpg_edge_index[0], cpg_edge_index[1]
    h_cpg = _gated_graph_conv(hiddens, src_c, dst_c, cpg_etypes, cpg_Ws, cpg_bs, cpg_Wih, cpg_bih, cpg_Whh, cpg_bhh, N_STEPS, N)
    logits = jnp.concatenate([h_cpg, hiddens], axis=-1) @ fn2_W.T + fn2_b
    return logits

if __name__ == "__main__":
    import jax
    _d = setup_inputs()
    print(jax.jit(kernel)(*tuple(_d.values())))

</pallas_src>

<mosaic_0001>
#map = affine_map<(d0, d1) -> (0, 0)>
#map1 = affine_map<(d0, d1) -> (0, 0, 0)>
module attributes {stable_mosaic.version = 14 : i64} {
  func.func @scatter_k(%arg0: i32, %arg1: i32, %arg2: memref<10000x128xf32, #tpu.memory_space<hbm>>, %arg3: memref<10000x128xf32, #tpu.memory_space<hbm>>, %arg4: memref<16x10000xi32, #tpu.memory_space<hbm>>, %arg5: memref<16x125x80xi32, #tpu.memory_space<hbm>>, %arg6: memref<10240x128xf32, #tpu.memory_space<hbm>>, %arg7: memref<10240x128xf32, #tpu.memory_space<hbm>>, %arg8: memref<10240x128xf32, #tpu.memory_space<hbm>>, %arg9: memref<10000xi32, #tpu.memory_space<vmem>>, %arg10: memref<125x80xi32, #tpu.memory_space<vmem>>, %arg11: memref<80x128xf32, #tpu.memory_space<vmem>>, %arg12: memref<80x128xf32, #tpu.memory_space<vmem>>, %arg13: memref<10240x128xf32, #tpu.memory_space<vmem_shared>>, %arg14: memref<!tpu.dma_semaphore, #tpu.memory_space<semaphore_mem>>, %arg15: memref<!tpu.dma_semaphore, #tpu.memory_space<semaphore_mem>>, %arg16: memref<!tpu.dma_semaphore, #tpu.memory_space<semaphore_mem>>, %arg17: memref<!tpu.dma_semaphore, #tpu.memory_space<semaphore_mem>>, %arg18: memref<!tpu.dma_semaphore, #tpu.memory_space<semaphore_mem>>) attributes {dimension_semantics = [#tpu.dimension_semantics<core_parallel>, #tpu.dimension_semantics<subcore_parallel>], iteration_bounds = array<i64: 2, 16>, scalar_prefetch = 0 : i64, scratch_operands = 10 : i64, tpu.core_type = #tpu.core_type<sc_vector_subcore>, window_params = [{transform_indices = #map}, {transform_indices = #map}, {transform_indices = #map}, {transform_indices = #map1}, {transform_indices = #map}, {transform_indices = #map}, {transform_indices = #map}]} {
    %dma_start3A = arith.constant 0 : i32
    %dma_start3A_0 = tpu.memref_slice %arg4[%arg1, %dma_start3A] : memref<16x10000xi32, #tpu.memory_space<hbm>> -> memref<1x10000xi32, #tpu.memory_space<hbm>>
    %dma_start3A_1 = tpu.memref_squeeze %dma_start3A_0 : memref<1x10000xi32, #tpu.memory_space<hbm>> -> memref<10000xi32, #tpu.memory_space<hbm>>
    %dma_start3A_2 = arith.constant 0 : i32
    %dma_start3A_3 = tpu.memref_slice %arg4[%arg1, %dma_start3A_2] : memref<16x10000xi32, #tpu.memory_space<hbm>> -> memref<1x10000xi32, #tpu.memory_space<hbm>>
    %dma_start3A_4 = tpu.memref_squeeze %dma_start3A_3 : memref<1x10000xi32, #tpu.memory_space<hbm>> -> memref<10000xi32, #tpu.memory_space<hbm>>
    tpu.enqueue_dma source(%dma_start3A_4 : memref<10000xi32, #tpu.memory_space<hbm>>) target(%arg9 : memref<10000xi32, #tpu.memory_space<vmem>>) target_semaphore(%arg18 : memref<!tpu.dma_semaphore, #tpu.memory_space<semaphore_mem>>)
    %dma_start3A_5 = arith.constant 0 : i32
    %dma_start3A_6 = arith.constant 0 : i32
    %dma_start3A_7 = tpu.memref_slice %arg5[%arg1, %dma_start3A_5, %dma_start3A_6] : memref<16x125x80xi32, #tpu.memory_space<hbm>> -> memref<1x125x80xi32, #tpu.memory_space<hbm>>
    %dma_start3A_8 = tpu.memref_squeeze %dma_start3A_7 : memref<1x125x80xi32, #tpu.memory_space<hbm>> -> memref<125x80xi32, #tpu.memory_space<hbm>>
    %dma_start3A_9 = arith.constant 0 : i32
    %dma_start3A_10 = arith.constant 0 : i32
    %dma_start3A_11 = tpu.memref_slice %arg5[%arg1, %dma_start3A_9, %dma_start3A_10] : memref<16x125x80xi32, #tpu.memory_space<hbm>> -> memref<1x125x80xi32, #tpu.memory_space<hbm>>
    %dma_start3A_12 = tpu.memref_squeeze %dma_start3A_11 : memref<1x125x80xi32, #tpu.memory_space<hbm>> -> memref<125x80xi32, #tpu.memory_space<hbm>>
    tpu.enqueue_dma source(%dma_start3A_12 : memref<125x80xi32, #tpu.memory_space<hbm>>) target(%arg10 : memref<125x80xi32, #tpu.memory_space<vmem>>) target_semaphore(%arg18 : memref<!tpu.dma_semaphore, #tpu.memory_space<semaphore_mem>>)
    %mul3A = arith.constant 640 : i32
    %mul3A_13 = arith.muli %arg1, %mul3A : i32
    %mul3A_14 = arith.constant 640 : i32
    %mul3A_15 = arith.muli %arg1, %mul3A_14 : i32
    "tpu.region"() ({
      %run_scoped3A = tpu.sem_alloc : memref<!tpu.dma_semaphore, #tpu.memory_space<semaphore_mem>>
      %dma_start3A_49 = arith.constant 0 : i32
      %dma_start3A_50 = tpu.memref_slice %arg13[%mul3A_15, %dma_start3A_49] : memref<10240x128xf32, #tpu.memory_space<vmem_shared>> -> memref<640x128xf32, #tpu.memory_space<vmem_shared>>
      %dma_start3A_51 = arith.constant 0 : i32
      %dma_start3A_52 = tpu.memref_slice %arg6[%mul3A_13, %dma_start3A_51] : memref<10240x128xf32, #tpu.memory_space<hbm>> -> memref<640x128xf32, #tpu.memory_space<hbm>>
      tpu.enqueue_dma source(%dma_start3A_52 : memref<640x128xf32, #tpu.memory_space<hbm>>) target(%dma_start3A_50 : memref<640x128xf32, #tpu.memory_space<vmem_shared>>) target_semaphore(%run_scoped3A : memref<!tpu.dma_semaphore, #tpu.memory_space<semaphore_mem>>)
      %dma_wait3A_53 = arith.constant 0 : i32
      %dma_wait3A_54 = tpu.memref_slice %arg13[%mul3A_15, %dma_wait3A_53] : memref<10240x128xf32, #tpu.memory_space<vmem_shared>> -> memref<640x128xf32, #tpu.memory_space<vmem_shared>>
      %dma_wait3A_55 = arith.constant 0 : i32
      %dma_wait3A_56 = tpu.memref_slice %arg6[%mul3A_13, %dma_wait3A_55] : memref<10240x128xf32, #tpu.memory_space<hbm>> -> memref<640x128xf32, #tpu.memory_space<hbm>>
      tpu.wait_dma2 semaphore(%run_scoped3A : memref<!tpu.dma_semaphore, #tpu.memory_space<semaphore_mem>>) src(%dma_wait3A_56 : memref<640x128xf32, #tpu.memory_space<hbm>>) dst(%dma_wait3A_54 : memref<640x128xf32, #tpu.memory_space<vmem_shared>>)
      tpu.yield
    }) : () -> ()
    %dma_wait3A = arith.constant 0 : i32
    %dma_wait3A_16 = tpu.memref_slice %arg4[%arg1, %dma_wait3A] : memref<16x10000xi32, #tpu.memory_space<hbm>> -> memref<1x10000xi32, #tpu.memory_space<hbm>>
    %dma_wait3A_17 = tpu.memref_squeeze %dma_wait3A_16 : memref<1x10000xi32, #tpu.memory_space<hbm>> -> memref<10000xi32, #tpu.memory_space<hbm>>
    %dma_wait3A_18 = arith.constant 0 : i32
    %dma_wait3A_19 = tpu.memref_slice %arg4[%arg1, %dma_wait3A_18] : memref<16x10000xi32, #tpu.memory_space<hbm>> -> memref<1x10000xi32, #tpu.memory_space<hbm>>
    %dma_wait3A_20 = tpu.memref_squeeze %dma_wait3A_19 : memref<1x10000xi32, #tpu.memory_space<hbm>> -> memref<10000xi32, #tpu.memory_space<hbm>>
    tpu.wait_dma2 semaphore(%arg18 : memref<!tpu.dma_semaphore, #tpu.memory_space<semaphore_mem>>) src(%dma_wait3A_20 : memref<10000xi32, #tpu.memory_space<hbm>>) dst(%arg9 : memref<10000xi32, #tpu.memory_space<vmem>>)
    %dma_wait3A_21 = arith.constant 0 : i32
    %dma_wait3A_22 = arith.constant 0 : i32
    %dma_wait3A_23 = tpu.memref_slice %arg5[%arg1, %dma_wait3A_21, %dma_wait3A_22] : memref<16x125x80xi32, #tpu.memory_space<hbm>> -> memref<1x125x80xi32, #tpu.memory_space<hbm>>
    %dma_wait3A_24 = tpu.memref_squeeze %dma_wait3A_23 : memref<1x125x80xi32, #tpu.memory_space<hbm>> -> memref<125x80xi32, #tpu.memory_space<hbm>>
    %dma_wait3A_25 = arith.constant 0 : i32
    %dma_wait3A_26 = arith.constant 0 : i32
    %dma_wait3A_27 = tpu.memref_slice %arg5[%arg1, %dma_wait3A_25, %dma_wait3A_26] : memref<16x125x80xi32, #tpu.memory_space<hbm>> -> memref<1x125x80xi32, #tpu.memory_space<hbm>>
    %dma_wait3A_28 = tpu.memref_squeeze %dma_wait3A_27 : memref<1x125x80xi32, #tpu.memory_space<hbm>> -> memref<125x80xi32, #tpu.memory_space<hbm>>
    tpu.wait_dma2 semaphore(%arg18 : memref<!tpu.dma_semaphore, #tpu.memory_space<semaphore_mem>>) src(%dma_wait3A_28 : memref<125x80xi32, #tpu.memory_space<hbm>>) dst(%arg10 : memref<125x80xi32, #tpu.memory_space<vmem>>)
    %barrier3A = arith.constant 0 : index
    tpu.barrier barrier_id(%barrier3A)
    %eq3A = arith.constant 0 : i32
    %eq3A_29 = arith.cmpi eq, %arg0, %eq3A : i32
    %convert_element_type3A = arith.extui %eq3A_29 : i1 to i32
    %cond3A = arith.constant 0 : i32
    %cond3A_30 = arith.cmpi ne, %convert_element_type3A, %cond3A : i32
    scf.if %cond3A_30 {
      %dma_start3A_49 = arith.constant 0 : i32
      %dma_start3A_50 = tpu.memref_slice %arg9[%dma_start3A_49] : memref<10000xi32, #tpu.memory_space<vmem>> -> memref<80xi32, #tpu.memory_space<vmem>>
      %dma_start3A_51 = arith.constant 0 : i32
      %dma_start3A_52 = arith.constant 0 : i32
      %dma_start3A_53 = tpu.memref_slice %arg2[%dma_start3A_51, %dma_start3A_52] : memref<10000x128xf32, #tpu.memory_space<hbm>> -> memref<10000x128xf32, #tpu.memory_space<hbm>>
      tpu.enqueue_indirect_dma source(%dma_start3A_53 : memref<10000x128xf32, #tpu.memory_space<hbm>>) target(%arg11 : memref<80x128xf32, #tpu.memory_space<vmem>>) offsets(%dma_start3A_50 : memref<80xi32, #tpu.memory_space<vmem>>) semaphore(%arg14 : memref<!tpu.dma_semaphore, #tpu.memory_space<semaphore_mem>>)
      %scan3A = arith.constant 0 : i32
      %scan3A_54 = arith.constant 62 : i32
      %scan3A_55 = arith.addi %scan3A, %scan3A_54 : i32
      %scan3A_56 = arith.constant 1 : i32
      scf.for %scan3A_70 = %scan3A to %scan3A_55 step %scan3A_56  : i32 {
        %mul3A_71 = arith.constant 2 : i32
        %mul3A_72 = arith.muli %scan3A_70, %mul3A_71 : i32
        %add3A = arith.constant 0 : i32
        %add3A_73 = arith.addi %add3A, %mul3A_72 : i32
        %mul3A_74 = arith.constant 80 : i32
        %mul3A_75 = arith.muli %add3A_73, %mul3A_74 : i32
        %dma_wait3A_76 = tpu.memref_slice %arg9[%mul3A_75] : memref<10000xi32, #tpu.memory_space<vmem>> -> memref<80xi32, #tpu.memory_space<vmem>>
        %dma_wait3A_77 = arith.constant 0 : i32
        %dma_wait3A_78 = arith.constant 0 : i32
        %dma_wait3A_79 = tpu.memref_slice %arg2[%dma_wait3A_77, %dma_wait3A_78] : memref<10000x128xf32, #tpu.memory_space<hbm>> -> memref<10000x128xf32, #tpu.memory_space<hbm>>
        tpu.wait_indirect_dma semaphore(%arg14 : memref<!tpu.dma_semaphore, #tpu.memory_space<semaphore_mem>>) src(%dma_wait3A_79 : memref<10000x128xf32, #tpu.memory_space<hbm>>) dst(%arg11 : memref<80x128xf32, #tpu.memory_space<vmem>>)
        %gt3A = arith.constant 0 : i32
        %gt3A_80 = arith.cmpi sgt, %add3A_73, %gt3A : i32
        %convert_element_type3A_81 = arith.extui %gt3A_80 : i1 to i32
        %cond3A_82 = arith.constant 0 : i32
        %cond3A_83 = arith.cmpi ne, %convert_element_type3A_81, %cond3A_82 : i32
        scf.if %cond3A_83 {
          %sub3A = arith.constant 1 : i32
          %sub3A_128 = arith.subi %add3A_73, %sub3A : i32
          %dma_wait3A_129 = arith.constant 0 : i32
          %dma_wait3A_130 = tpu.memref_slice %arg10[%sub3A_128, %dma_wait3A_129] : memref<125x80xi32, #tpu.memory_space<vmem>> -> memref<1x80xi32, #tpu.memory_space<vmem>>
          %dma_wait3A_131 = tpu.memref_squeeze %dma_wait3A_130 : memref<1x80xi32, #tpu.memory_space<vmem>> -> memref<80xi32, #tpu.memory_space<vmem>>
          %dma_wait3A_132 = arith.constant 0 : i32
          %dma_wait3A_133 = arith.constant 0 : i32
          %dma_wait3A_134 = tpu.memref_slice %arg13[%dma_wait3A_132, %dma_wait3A_133] : memref<10240x128xf32, #tpu.memory_space<vmem_shared>> -> memref<10240x128xf32, #tpu.memory_space<vmem_shared>>
          tpu.wait_indirect_dma semaphore(%arg17 : memref<!tpu.dma_semaphore, #tpu.memory_space<semaphore_mem>>) src(%arg12 : memref<80x128xf32, #tpu.memory_space<vmem>>) dst(%dma_wait3A_134 : memref<10240x128xf32, #tpu.memory_space<vmem_shared>>)
        } else {
        }
        %add3A_84 = arith.constant 1 : i32
        %add3A_85 = arith.addi %add3A_73, %add3A_84 : i32
        %mul3A_86 = arith.constant 80 : i32
        %mul3A_87 = arith.muli %add3A_85, %mul3A_86 : i32
        %dma_start3A_88 = tpu.memref_slice %arg9[%mul3A_87] : memref<10000xi32, #tpu.memory_space<vmem>> -> memref<80xi32, #tpu.memory_space<vmem>>
        %dma_start3A_89 = arith.constant 0 : i32
        %dma_start3A_90 = arith.constant 0 : i32
        %dma_start3A_91 = tpu.memref_slice %arg2[%dma_start3A_89, %dma_start3A_90] : memref<10000x128xf32, #tpu.memory_space<hbm>> -> memref<10000x128xf32, #tpu.memory_space<hbm>>
        tpu.enqueue_indirect_dma source(%dma_start3A_91 : memref<10000x128xf32, #tpu.memory_space<hbm>>) target(%arg12 : memref<80x128xf32, #tpu.memory_space<vmem>>) offsets(%dma_start3A_88 : memref<80xi32, #tpu.memory_space<vmem>>) semaphore(%arg15 : memref<!tpu.dma_semaphore, #tpu.memory_space<semaphore_mem>>)
        %dma_start3A_92 = arith.constant 0 : i32
        %dma_start3A_93 = tpu.memref_slice %arg10[%add3A_73, %dma_start3A_92] : memref<125x80xi32, #tpu.memory_space<vmem>> -> memref<1x80xi32, #tpu.memory_space<vmem>>
        %dma_start3A_94 = tpu.memref_squeeze %dma_start3A_93 : memref<1x80xi32, #tpu.memory_space<vmem>> -> memref<80xi32, #tpu.memory_space<vmem>>
        %dma_start3A_95 = arith.constant 0 : i32
        %dma_start3A_96 = arith.constant 0 : i32
        %dma_start3A_97 = tpu.memref_slice %arg13[%dma_start3A_95, %dma_start3A_96] : memref<10240x128xf32, #tpu.memory_space<vmem_shared>> -> memref<10240x128xf32, #tpu.memory_space<vmem_shared>>
        tpu.enqueue_indirect_dma source(%arg11 : memref<80x128xf32, #tpu.memory_space<vmem>>) target(%dma_start3A_97 : memref<10240x128xf32, #tpu.memory_space<vmem_shared>>) offsets(%dma_start3A_94 : memref<80xi32, #tpu.memory_space<vmem>>) semaphore(%arg16 : memref<!tpu.dma_semaphore, #tpu.memory_space<semaphore_mem>>) {add = true}
        %add3A_98 = arith.constant 1 : i32
        %add3A_99 = arith.addi %add3A_73, %add3A_98 : i32
        %mul3A_100 = arith.constant 80 : i32
        %mul3A_101 = arith.muli %add3A_99, %mul3A_100 : i32
        %dma_wait3A_102 = tpu.memref_slice %arg9[%mul3A_101] : memref<10000xi32, #tpu.memory_space<vmem>> -> memref<80xi32, #tpu.memory_space<vmem>>
        %dma_wait3A_103 = arith.constant 0 : i32
        %dma_wait3A_104 = arith.constant 0 : i32
        %dma_wait3A_105 = tpu.memref_slice %arg2[%dma_wait3A_103, %dma_wait3A_104] : memref<10000x128xf32, #tpu.memory_space<hbm>> -> memref<10000x128xf32, #tpu.memory_space<hbm>>
        tpu.wait_indirect_dma semaphore(%arg15 : memref<!tpu.dma_semaphore, #tpu.memory_space<semaphore_mem>>) src(%dma_wait3A_105 : memref<10000x128xf32, #tpu.memory_space<hbm>>) dst(%arg12 : memref<80x128xf32, #tpu.memory_space<vmem>>)
        %dma_wait3A_106 = arith.constant 0 : i32
        %dma_wait3A_107 = tpu.memref_slice %arg10[%add3A_73, %dma_wait3A_106] : memref<125x80xi32, #tpu.memory_space<vmem>> -> memref<1x80xi32, #tpu.memory_space<vmem>>
        %dma_wait3A_108 = tpu.memref_squeeze %dma_wait3A_107 : memref<1x80xi32, #tpu.memory_space<vmem>> -> memref<80xi32, #tpu.memory_space<vmem>>
        %dma_wait3A_109 = arith.constant 0 : i32
        %dma_wait3A_110 = arith.constant 0 : i32
        %dma_wait3A_111 = tpu.memref_slice %arg13[%dma_wait3A_109, %dma_wait3A_110] : memref<10240x128xf32, #tpu.memory_space<vmem_shared>> -> memref<10240x128xf32, #tpu.memory_space<vmem_shared>>
        tpu.wait_indirect_dma semaphore(%arg16 : memref<!tpu.dma_semaphore, #tpu.memory_space<semaphore_mem>>) src(%arg11 : memref<80x128xf32, #tpu.memory_space<vmem>>) dst(%dma_wait3A_111 : memref<10240x128xf32, #tpu.memory_space<vmem_shared>>)
        %add3A_112 = arith.constant 2 : i32
        %add3A_113 = arith.addi %add3A_73, %add3A_112 : i32
        %mul3A_114 = arith.constant 80 : i32
        %mul3A_115 = arith.muli %add3A_113, %mul3A_114 : i32
        %dma_start3A_116 = tpu.memref_slice %arg9[%mul3A_115] : memref<10000xi32, #tpu.memory_space<vmem>> -> memref<80xi32, #tpu.memory_space<vmem>>
        %dma_start3A_117 = arith.constant 0 : i32
        %dma_start3A_118 = arith.constant 0 : i32
        %dma_start3A_119 = tpu.memref_slice %arg2[%dma_start3A_117, %dma_start3A_118] : memref<10000x128xf32, #tpu.memory_space<hbm>> -> memref<10000x128xf32, #tpu.memory_space<hbm>>
        tpu.enqueue_indirect_dma source(%dma_start3A_119 : memref<10000x128xf32, #tpu.memory_space<hbm>>) target(%arg11 : memref<80x128xf32, #tpu.memory_space<vmem>>) offsets(%dma_start3A_116 : memref<80xi32, #tpu.memory_space<vmem>>) semaphore(%arg14 : memref<!tpu.dma_semaphore, #tpu.memory_space<semaphore_mem>>)
        %add3A_120 = arith.constant 1 : i32
        %add3A_121 = arith.addi %add3A_73, %add3A_120 : i32
        %dma_start3A_122 = arith.constant 0 : i32
        %dma_start3A_123 = tpu.memref_slice %arg10[%add3A_121, %dma_start3A_122] : memref<125x80xi32, #tpu.memory_space<vmem>> -> memref<1x80xi32, #tpu.memory_space<vmem>>
        %dma_start3A_124 = tpu.memref_squeeze %dma_start3A_123 : memref<1x80xi32, #tpu.memory_space<vmem>> -> memref<80xi32, #tpu.memory_space<vmem>>
        %dma_start3A_125 = arith.constant 0 : i32
        %dma_start3A_126 = arith.constant 0 : i32
        %dma_start3A_127 = tpu.memref_slice %arg13[%dma_start3A_125, %dma_start3A_126] : memref<10240x128xf32, #tpu.memory_space<vmem_shared>> -> memref<10240x128xf32, #tpu.memory_space<vmem_shared>>
        tpu.enqueue_indirect_dma source(%arg12 : memref<80x128xf32, #tpu.memory_space<vmem>>) target(%dma_start3A_127 : memref<10240x128xf32, #tpu.memory_space<vmem_shared>>) offsets(%dma_start3A_124 : memref<80xi32, #tpu.memory_space<vmem>>) semaphore(%arg17 : memref<!tpu.dma_semaphore, #tpu.memory_space<semaphore_mem>>) {add = true}
      }
      %scan3A_57 = arith.constant 62 : i32
      %dma_wait3A_58 = arith.constant 9920 : i32
      %dma_wait3A_59 = tpu.memref_slice %arg9[%dma_wait3A_58] : memref<10000xi32, #tpu.memory_space<vmem>> -> memref<80xi32, #tpu.memory_space<vmem>>
      %dma_wait3A_60 = arith.constant 0 : i32
      %dma_wait3A_61 = arith.constant 0 : i32
      %dma_wait3A_62 = tpu.memref_slice %arg2[%dma_wait3A_60, %dma_wait3A_61] : memref<10000x128xf32, #tpu.memory_space<hbm>> -> memref<10000x128xf32, #tpu.memory_space<hbm>>
      tpu.wait_indirect_dma semaphore(%arg14 : memref<!tpu.dma_semaphore, #tpu.memory_space<semaphore_mem>>) src(%dma_wait3A_62 : memref<10000x128xf32, #tpu.memory_space<hbm>>) dst(%arg11 : memref<80x128xf32, #tpu.memory_space<vmem>>)
      %dma_wait3A_63 = arith.constant 123 : i32
      %dma_wait3A_64 = arith.constant 0 : i32
      %dma_wait3A_65 = tpu.memref_slice %arg10[%dma_wait3A_63, %dma_wait3A_64] : memref<125x80xi32, #tpu.memory_space<vmem>> -> memref<1x80xi32, #tpu.memory_space<vmem>>
      %dma_wait3A_66 = tpu.memref_squeeze %dma_wait3A_65 : memref<1x80xi32, #tpu.memory_space<vmem>> -> memref<80xi32, #tpu.memory_space<vmem>>
      %dma_wait3A_67 = arith.constant 0 : i32
      %dma_wait3A_68 = arith.constant 0 : i32
      %dma_wait3A_69 = tpu.memref_slice %arg13[%dma_wait3A_67, %dma_wait3A_68] : memref<10240x128xf32, #tpu.memory_space<vmem_shared>> -> memref<10240x128xf32, #tpu.memory_space<vmem_shared>>
      tpu.wait_indirect_dma semaphore(%arg17 : memref<!tpu.dma_semaphore, #tpu.memory_space<semaphore_mem>>) src(%arg12 : memref<80x128xf32, #tpu.memory_space<vmem>>) dst(%dma_wait3A_69 : memref<10240x128xf32, #tpu.memory_space<vmem_shared>>)
      %run_scoped3A = arith.constant 124 : i32
      "tpu.region"() ({
        %run_scoped3A_70 = tpu.sem_alloc : memref<!tpu.dma_semaphore, #tpu.memory_space<semaphore_mem>>
        %dma_start3A_71 = arith.constant 0 : i32
        %dma_start3A_72 = tpu.memref_slice %arg10[%run_scoped3A, %dma_start3A_71] : memref<125x80xi32, #tpu.memory_space<vmem>> -> memref<1x80xi32, #tpu.memory_space<vmem>>
        %dma_start3A_73 = tpu.memref_squeeze %dma_start3A_72 : memref<1x80xi32, #tpu.memory_space<vmem>> -> memref<80xi32, #tpu.memory_space<vmem>>
        %dma_start3A_74 = arith.constant 0 : i32
        %dma_start3A_75 = arith.constant 0 : i32
        %dma_start3A_76 = tpu.memref_slice %arg13[%dma_start3A_74, %dma_start3A_75] : memref<10240x128xf32, #tpu.memory_space<vmem_shared>> -> memref<10240x128xf32, #tpu.memory_space<vmem_shared>>
        tpu.enqueue_indirect_dma source(%arg11 : memref<80x128xf32, #tpu.memory_space<vmem>>) target(%dma_start3A_76 : memref<10240x128xf32, #tpu.memory_space<vmem_shared>>) offsets(%dma_start3A_73 : memref<80xi32, #tpu.memory_space<vmem>>) semaphore(%run_scoped3A_70 : memref<!tpu.dma_semaphore, #tpu.memory_space<semaphore_mem>>) {add = true}
        %dma_wait3A_77 = arith.constant 0 : i32
        %dma_wait3A_78 = tpu.memref_slice %arg10[%run_scoped3A, %dma_wait3A_77] : memref<125x80xi32, #tpu.memory_space<vmem>> -> memref<1x80xi32, #tpu.memory_space<vmem>>
        %dma_wait3A_79 = tpu.memref_squeeze %dma_wait3A_78 : memref<1x80xi32, #tpu.memory_space<vmem>> -> memref<80xi32, #tpu.memory_space<vmem>>
        %dma_wait3A_80 = arith.constant 0 : i32
        %dma_wait3A_81 = arith.constant 0 : i32
        %dma_wait3A_82 = tpu.memref_slice %arg13[%dma_wait3A_80, %dma_wait3A_81] : memref<10240x128xf32, #tpu.memory_space<vmem_shared>> -> memref<10240x128xf32, #tpu.memory_space<vmem_shared>>
        tpu.wait_indirect_dma semaphore(%run_scoped3A_70 : memref<!tpu.dma_semaphore, #tpu.memory_space<semaphore_mem>>) src(%arg11 : memref<80x128xf32, #tpu.memory_space<vmem>>) dst(%dma_wait3A_82 : memref<10240x128xf32, #tpu.memory_space<vmem_shared>>)
        tpu.yield
      }) : () -> ()
    } else {
    }
    %eq3A_31 = arith.constant 1 : i32
    %eq3A_32 = arith.cmpi eq, %arg0, %eq3A_31 : i32
    %convert_element_type3A_33 = arith.extui %eq3A_32 : i1 to i32
    %cond3A_34 = arith.constant 0 : i32
    %cond3A_35 = arith.cmpi ne, %convert_element_type3A_33, %cond3A_34 : i32
    scf.if %cond3A_35 {
      %dma_start3A_49 = arith.constant 0 : i32
      %dma_start3A_50 = tpu.memref_slice %arg9[%dma_start3A_49] : memref<10000xi32, #tpu.memory_space<vmem>> -> memref<80xi32, #tpu.memory_space<vmem>>
      %dma_start3A_51 = arith.constant 0 : i32
      %dma_start3A_52 = arith.constant 0 : i32
      %dma_start3A_53 = tpu.memref_slice %arg3[%dma_start3A_51, %dma_start3A_52] : memref<10000x128xf32, #tpu.memory_space<hbm>> -> memref<10000x128xf32, #tpu.memory_space<hbm>>
      tpu.enqueue_indirect_dma source(%dma_start3A_53 : memref<10000x128xf32, #tpu.memory_space<hbm>>) target(%arg11 : memref<80x128xf32, #tpu.memory_space<vmem>>) offsets(%dma_start3A_50 : memref<80xi32, #tpu.memory_space<vmem>>) semaphore(%arg14 : memref<!tpu.dma_semaphore, #tpu.memory_space<semaphore_mem>>)
      %scan3A = arith.constant 0 : i32
      %scan3A_54 = arith.constant 62 : i32
      %scan3A_55 = arith.addi %scan3A, %scan3A_54 : i32
      %scan3A_56 = arith.constant 1 : i32
      scf.for %scan3A_70 = %scan3A to %scan3A_55 step %scan3A_56  : i32 {
        %mul3A_71 = arith.constant 2 : i32
        %mul3A_72 = arith.muli %scan3A_70, %mul3A_71 : i32
        %add3A = arith.constant 0 : i32
        %add3A_73 = arith.addi %add3A, %mul3A_72 : i32
        %mul3A_74 = arith.constant 80 : i32
        %mul3A_75 = arith.muli %add3A_73, %mul3A_74 : i32
        %dma_wait3A_76 = tpu.memref_slice %arg9[%mul3A_75] : memref<10000xi32, #tpu.memory_space<vmem>> -> memref<80xi32, #tpu.memory_space<vmem>>
        %dma_wait3A_77 = arith.constant 0 : i32
        %dma_wait3A_78 = arith.constant 0 : i32
        %dma_wait3A_79 = tpu.memref_slice %arg3[%dma_wait3A_77, %dma_wait3A_78] : memref<10000x128xf32, #tpu.memory_space<hbm>> -> memref<10000x128xf32, #tpu.memory_space<hbm>>
        tpu.wait_indirect_dma semaphore(%arg14 : memref<!tpu.dma_semaphore, #tpu.memory_space<semaphore_mem>>) src(%dma_wait3A_79 : memref<10000x128xf32, #tpu.memory_space<hbm>>) dst(%arg11 : memref<80x128xf32, #tpu.memory_space<vmem>>)
        %gt3A = arith.constant 0 : i32
        %gt3A_80 = arith.cmpi sgt, %add3A_73, %gt3A : i32
        %convert_element_type3A_81 = arith.extui %gt3A_80 : i1 to i32
        %cond3A_82 = arith.constant 0 : i32
        %cond3A_83 = arith.cmpi ne, %convert_element_type3A_81, %cond3A_82 : i32
        scf.if %cond3A_83 {
          %sub3A = arith.constant 1 : i32
          %sub3A_128 = arith.subi %add3A_73, %sub3A : i32
          %dma_wait3A_129 = arith.constant 0 : i32
          %dma_wait3A_130 = tpu.memref_slice %arg10[%sub3A_128, %dma_wait3A_129] : memref<125x80xi32, #tpu.memory_space<vmem>> -> memref<1x80xi32, #tpu.memory_space<vmem>>
          %dma_wait3A_131 = tpu.memref_squeeze %dma_wait3A_130 : memref<1x80xi32, #tpu.memory_space<vmem>> -> memref<80xi32, #tpu.memory_space<vmem>>
          %dma_wait3A_132 = arith.constant 0 : i32
          %dma_wait3A_133 = arith.constant 0 : i32
          %dma_wait3A_134 = tpu.memref_slice %arg13[%dma_wait3A_132, %dma_wait3A_133] : memref<10240x128xf32, #tpu.memory_space<vmem_shared>> -> memref<10240x128xf32, #tpu.memory_space<vmem_shared>>
          tpu.wait_indirect_dma semaphore(%arg17 : memref<!tpu.dma_semaphore, #tpu.memory_space<semaphore_mem>>) src(%arg12 : memref<80x128xf32, #tpu.memory_space<vmem>>) dst(%dma_wait3A_134 : memref<10240x128xf32, #tpu.memory_space<vmem_shared>>)
        } else {
        }
        %add3A_84 = arith.constant 1 : i32
        %add3A_85 = arith.addi %add3A_73, %add3A_84 : i32
        %mul3A_86 = arith.constant 80 : i32
        %mul3A_87 = arith.muli %add3A_85, %mul3A_86 : i32
        %dma_start3A_88 = tpu.memref_slice %arg9[%mul3A_87] : memref<10000xi32, #tpu.memory_space<vmem>> -> memref<80xi32, #tpu.memory_space<vmem>>
        %dma_start3A_89 = arith.constant 0 : i32
        %dma_start3A_90 = arith.constant 0 : i32
        %dma_start3A_91 = tpu.memref_slice %arg3[%dma_start3A_89, %dma_start3A_90] : memref<10000x128xf32, #tpu.memory_space<hbm>> -> memref<10000x128xf32, #tpu.memory_space<hbm>>
        tpu.enqueue_indirect_dma source(%dma_start3A_91 : memref<10000x128xf32, #tpu.memory_space<hbm>>) target(%arg12 : memref<80x128xf32, #tpu.memory_space<vmem>>) offsets(%dma_start3A_88 : memref<80xi32, #tpu.memory_space<vmem>>) semaphore(%arg15 : memref<!tpu.dma_semaphore, #tpu.memory_space<semaphore_mem>>)
        %dma_start3A_92 = arith.constant 0 : i32
        %dma_start3A_93 = tpu.memref_slice %arg10[%add3A_73, %dma_start3A_92] : memref<125x80xi32, #tpu.memory_space<vmem>> -> memref<1x80xi32, #tpu.memory_space<vmem>>
        %dma_start3A_94 = tpu.memref_squeeze %dma_start3A_93 : memref<1x80xi32, #tpu.memory_space<vmem>> -> memref<80xi32, #tpu.memory_space<vmem>>
        %dma_start3A_95 = arith.constant 0 : i32
        %dma_start3A_96 = arith.constant 0 : i32
        %dma_start3A_97 = tpu.memref_slice %arg13[%dma_start3A_95, %dma_start3A_96] : memref<10240x128xf32, #tpu.memory_space<vmem_shared>> -> memref<10240x128xf32, #tpu.memory_space<vmem_shared>>
        tpu.enqueue_indirect_dma source(%arg11 : memref<80x128xf32, #tpu.memory_space<vmem>>) target(%dma_start3A_97 : memref<10240x128xf32, #tpu.memory_space<vmem_shared>>) offsets(%dma_start3A_94 : memref<80xi32, #tpu.memory_space<vmem>>) semaphore(%arg16 : memref<!tpu.dma_semaphore, #tpu.memory_space<semaphore_mem>>) {add = true}
        %add3A_98 = arith.constant 1 : i32
        %add3A_99 = arith.addi %add3A_73, %add3A_98 : i32
        %mul3A_100 = arith.constant 80 : i32
        %mul3A_101 = arith.muli %add3A_99, %mul3A_100 : i32
        %dma_wait3A_102 = tpu.memref_slice %arg9[%mul3A_101] : memref<10000xi32, #tpu.memory_space<vmem>> -> memref<80xi32, #tpu.memory_space<vmem>>
        %dma_wait3A_103 = arith.constant 0 : i32
        %dma_wait3A_104 = arith.constant 0 : i32
        %dma_wait3A_105 = tpu.memref_slice %arg3[%dma_wait3A_103, %dma_wait3A_104] : memref<10000x128xf32, #tpu.memory_space<hbm>> -> memref<10000x128xf32, #tpu.memory_space<hbm>>
        tpu.wait_indirect_dma semaphore(%arg15 : memref<!tpu.dma_semaphore, #tpu.memory_space<semaphore_mem>>) src(%dma_wait3A_105 : memref<10000x128xf32, #tpu.memory_space<hbm>>) dst(%arg12 : memref<80x128xf32, #tpu.memory_space<vmem>>)
        %dma_wait3A_106 = arith.constant 0 : i32
        %dma_wait3A_107 = tpu.memref_slice %arg10[%add3A_73, %dma_wait3A_106] : memref<125x80xi32, #tpu.memory_space<vmem>> -> memref<1x80xi32, #tpu.memory_space<vmem>>
        %dma_wait3A_108 = tpu.memref_squeeze %dma_wait3A_107 : memref<1x80xi32, #tpu.memory_space<vmem>> -> memref<80xi32, #tpu.memory_space<vmem>>
        %dma_wait3A_109 = arith.constant 0 : i32
        %dma_wait3A_110 = arith.constant 0 : i32
        %dma_wait3A_111 = tpu.memref_slice %arg13[%dma_wait3A_109, %dma_wait3A_110] : memref<10240x128xf32, #tpu.memory_space<vmem_shared>> -> memref<10240x128xf32, #tpu.memory_space<vmem_shared>>
        tpu.wait_indirect_dma semaphore(%arg16 : memref<!tpu.dma_semaphore, #tpu.memory_space<semaphore_mem>>) src(%arg11 : memref<80x128xf32, #tpu.memory_space<vmem>>) dst(%dma_wait3A_111 : memref<10240x128xf32, #tpu.memory_space<vmem_shared>>)
        %add3A_112 = arith.constant 2 : i32
        %add3A_113 = arith.addi %add3A_73, %add3A_112 : i32
        %mul3A_114 = arith.constant 80 : i32
        %mul3A_115 = arith.muli %add3A_113, %mul3A_114 : i32
        %dma_start3A_116 = tpu.memref_slice %arg9[%mul3A_115] : memref<10000xi32, #tpu.memory_space<vmem>> -> memref<80xi32, #tpu.memory_space<vmem>>
        %dma_start3A_117 = arith.constant 0 : i32
        %dma_start3A_118 = arith.constant 0 : i32
        %dma_start3A_119 = tpu.memref_slice %arg3[%dma_start3A_117, %dma_start3A_118] : memref<10000x128xf32, #tpu.memory_space<hbm>> -> memref<10000x128xf32, #tpu.memory_space<hbm>>
        tpu.enqueue_indirect_dma source(%dma_start3A_119 : memref<10000x128xf32, #tpu.memory_space<hbm>>) target(%arg11 : memref<80x128xf32, #tpu.memory_space<vmem>>) offsets(%dma_start3A_116 : memref<80xi32, #tpu.memory_space<vmem>>) semaphore(%arg14 : memref<!tpu.dma_semaphore, #tpu.memory_space<semaphore_mem>>)
        %add3A_120 = arith.constant 1 : i32
        %add3A_121 = arith.addi %add3A_73, %add3A_120 : i32
        %dma_start3A_122 = arith.constant 0 : i32
        %dma_start3A_123 = tpu.memref_slice %arg10[%add3A_121, %dma_start3A_122] : memref<125x80xi32, #tpu.memory_space<vmem>> -> memref<1x80xi32, #tpu.memory_space<vmem>>
        %dma_start3A_124 = tpu.memref_squeeze %dma_start3A_123 : memref<1x80xi32, #tpu.memory_space<vmem>> -> memref<80xi32, #tpu.memory_space<vmem>>
        %dma_start3A_125 = arith.constant 0 : i32
        %dma_start3A_126 = arith.constant 0 : i32
        %dma_start3A_127 = tpu.memref_slice %arg13[%dma_start3A_125, %dma_start3A_126] : memref<10240x128xf32, #tpu.memory_space<vmem_shared>> -> memref<10240x128xf32, #tpu.memory_space<vmem_shared>>
        tpu.enqueue_indirect_dma source(%arg12 : memref<80x128xf32, #tpu.memory_space<vmem>>) target(%dma_start3A_127 : memref<10240x128xf32, #tpu.memory_space<vmem_shared>>) offsets(%dma_start3A_124 : memref<80xi32, #tpu.memory_space<vmem>>) semaphore(%arg17 : memref<!tpu.dma_semaphore, #tpu.memory_space<semaphore_mem>>) {add = true}
      }
      %scan3A_57 = arith.constant 62 : i32
      %dma_wait3A_58 = arith.constant 9920 : i32
      %dma_wait3A_59 = tpu.memref_slice %arg9[%dma_wait3A_58] : memref<10000xi32, #tpu.memory_space<vmem>> -> memref<80xi32, #tpu.memory_space<vmem>>
      %dma_wait3A_60 = arith.constant 0 : i32
      %dma_wait3A_61 = arith.constant 0 : i32
      %dma_wait3A_62 = tpu.memref_slice %arg3[%dma_wait3A_60, %dma_wait3A_61] : memref<10000x128xf32, #tpu.memory_space<hbm>> -> memref<10000x128xf32, #tpu.memory_space<hbm>>
      tpu.wait_indirect_dma semaphore(%arg14 : memref<!tpu.dma_semaphore, #tpu.memory_space<semaphore_mem>>) src(%dma_wait3A_62 : memref<10000x128xf32, #tpu.memory_space<hbm>>) dst(%arg11 : memref<80x128xf32, #tpu.memory_space<vmem>>)
      %dma_wait3A_63 = arith.constant 123 : i32
      %dma_wait3A_64 = arith.constant 0 : i32
      %dma_wait3A_65 = tpu.memref_slice %arg10[%dma_wait3A_63, %dma_wait3A_64] : memref<125x80xi32, #tpu.memory_space<vmem>> -> memref<1x80xi32, #tpu.memory_space<vmem>>
      %dma_wait3A_66 = tpu.memref_squeeze %dma_wait3A_65 : memref<1x80xi32, #tpu.memory_space<vmem>> -> memref<80xi32, #tpu.memory_space<vmem>>
      %dma_wait3A_67 = arith.constant 0 : i32
      %dma_wait3A_68 = arith.constant 0 : i32
      %dma_wait3A_69 = tpu.memref_slice %arg13[%dma_wait3A_67, %dma_wait3A_68] : memref<10240x128xf32, #tpu.memory_space<vmem_shared>> -> memref<10240x128xf32, #tpu.memory_space<vmem_shared>>
      tpu.wait_indirect_dma semaphore(%arg17 : memref<!tpu.dma_semaphore, #tpu.memory_space<semaphore_mem>>) src(%arg12 : memref<80x128xf32, #tpu.memory_space<vmem>>) dst(%dma_wait3A_69 : memref<10240x128xf32, #tpu.memory_space<vmem_shared>>)
      %run_scoped3A = arith.constant 124 : i32
      "tpu.region"() ({
        %run_scoped3A_70 = tpu.sem_alloc : memref<!tpu.dma_semaphore, #tpu.memory_space<semaphore_mem>>
        %dma_start3A_71 = arith.constant 0 : i32
        %dma_start3A_72 = tpu.memref_slice %arg10[%run_scoped3A, %dma_start3A_71] : memref<125x80xi32, #tpu.memory_space<vmem>> -> memref<1x80xi32, #tpu.memory_space<vmem>>
        %dma_start3A_73 = tpu.memref_squeeze %dma_start3A_72 : memref<1x80xi32, #tpu.memory_space<vmem>> -> memref<80xi32, #tpu.memory_space<vmem>>
        %dma_start3A_74 = arith.constant 0 : i32
        %dma_start3A_75 = arith.constant 0 : i32
        %dma_start3A_76 = tpu.memref_slice %arg13[%dma_start3A_74, %dma_start3A_75] : memref<10240x128xf32, #tpu.memory_space<vmem_shared>> -> memref<10240x128xf32, #tpu.memory_space<vmem_shared>>
        tpu.enqueue_indirect_dma source(%arg11 : memref<80x128xf32, #tpu.memory_space<vmem>>) target(%dma_start3A_76 : memref<10240x128xf32, #tpu.memory_space<vmem_shared>>) offsets(%dma_start3A_73 : memref<80xi32, #tpu.memory_space<vmem>>) semaphore(%run_scoped3A_70 : memref<!tpu.dma_semaphore, #tpu.memory_space<semaphore_mem>>) {add = true}
        %dma_wait3A_77 = arith.constant 0 : i32
        %dma_wait3A_78 = tpu.memref_slice %arg10[%run_scoped3A, %dma_wait3A_77] : memref<125x80xi32, #tpu.memory_space<vmem>> -> memref<1x80xi32, #tpu.memory_space<vmem>>
        %dma_wait3A_79 = tpu.memref_squeeze %dma_wait3A_78 : memref<1x80xi32, #tpu.memory_space<vmem>> -> memref<80xi32, #tpu.memory_space<vmem>>
        %dma_wait3A_80 = arith.constant 0 : i32
        %dma_wait3A_81 = arith.constant 0 : i32
        %dma_wait3A_82 = tpu.memref_slice %arg13[%dma_wait3A_80, %dma_wait3A_81] : memref<10240x128xf32, #tpu.memory_space<vmem_shared>> -> memref<10240x128xf32, #tpu.memory_space<vmem_shared>>
        tpu.wait_indirect_dma semaphore(%run_scoped3A_70 : memref<!tpu.dma_semaphore, #tpu.memory_space<semaphore_mem>>) src(%arg11 : memref<80x128xf32, #tpu.memory_space<vmem>>) dst(%dma_wait3A_82 : memref<10240x128xf32, #tpu.memory_space<vmem_shared>>)
        tpu.yield
      }) : () -> ()
    } else {
    }
    %barrier3A_36 = arith.constant 0 : index
    tpu.barrier barrier_id(%barrier3A_36)
    %mul3A_37 = arith.constant 640 : i32
    %mul3A_38 = arith.muli %arg1, %mul3A_37 : i32
    %eq3A_39 = arith.constant 0 : i32
    %eq3A_40 = arith.cmpi eq, %arg0, %eq3A_39 : i32
    %convert_element_type3A_41 = arith.extui %eq3A_40 : i1 to i32
    %cond3A_42 = arith.constant 0 : i32
    %cond3A_43 = arith.cmpi ne, %convert_element_type3A_41, %cond3A_42 : i32
    scf.if %cond3A_43 {
      "tpu.region"() ({
        %run_scoped3A = tpu.sem_alloc : memref<!tpu.dma_semaphore, #tpu.memory_space<semaphore_mem>>
        %dma_start3A_49 = arith.constant 0 : i32
        %dma_start3A_50 = tpu.memref_slice %arg7[%mul3A_38, %dma_start3A_49] : memref<10240x128xf32, #tpu.memory_space<hbm>> -> memref<640x128xf32, #tpu.memory_space<hbm>>
        %dma_start3A_51 = arith.constant 0 : i32
        %dma_start3A_52 = tpu.memref_slice %arg13[%mul3A_38, %dma_start3A_51] : memref<10240x128xf32, #tpu.memory_space<vmem_shared>> -> memref<640x128xf32, #tpu.memory_space<vmem_shared>>
        tpu.enqueue_dma source(%dma_start3A_52 : memref<640x128xf32, #tpu.memory_space<vmem_shared>>) target(%dma_start3A_50 : memref<640x128xf32, #tpu.memory_space<hbm>>) target_semaphore(%run_scoped3A : memref<!tpu.dma_semaphore, #tpu.memory_space<semaphore_mem>>)
        %dma_wait3A_53 = arith.constant 0 : i32
        %dma_wait3A_54 = tpu.memref_slice %arg7[%mul3A_38, %dma_wait3A_53] : memref<10240x128xf32, #tpu.memory_space<hbm>> -> memref<640x128xf32, #tpu.memory_space<hbm>>
        %dma_wait3A_55 = arith.constant 0 : i32
        %dma_wait3A_56 = tpu.memref_slice %arg13[%mul3A_38, %dma_wait3A_55] : memref<10240x128xf32, #tpu.memory_space<vmem_shared>> -> memref<640x128xf32, #tpu.memory_space<vmem_shared>>
        tpu.wait_dma2 semaphore(%run_scoped3A : memref<!tpu.dma_semaphore, #tpu.memory_space<semaphore_mem>>) src(%dma_wait3A_56 : memref<640x128xf32, #tpu.memory_space<vmem_shared>>) dst(%dma_wait3A_54 : memref<640x128xf32, #tpu.memory_space<hbm>>)
        tpu.yield
      }) : () -> ()
    } else {
    }
    %eq3A_44 = arith.constant 1 : i32
    %eq3A_45 = arith.cmpi eq, %arg0, %eq3A_44 : i32
    %convert_element_type3A_46 = arith.extui %eq3A_45 : i1 to i32
    %cond3A_47 = arith.constant 0 : i32
    %cond3A_48 = arith.cmpi ne, %convert_element_type3A_46, %cond3A_47 : i32
    scf.if %cond3A_48 {
      "tpu.region"() ({
        %run_scoped3A = tpu.sem_alloc : memref<!tpu.dma_semaphore, #tpu.memory_space<semaphore_mem>>
        %dma_start3A_49 = arith.constant 0 : i32
        %dma_start3A_50 = tpu.memref_slice %arg8[%mul3A_38, %dma_start3A_49] : memref<10240x128xf32, #tpu.memory_space<hbm>> -> memref<640x128xf32, #tpu.memory_space<hbm>>
        %dma_start3A_51 = arith.constant 0 : i32
        %dma_start3A_52 = tpu.memref_slice %arg13[%mul3A_38, %dma_start3A_51] : memref<10240x128xf32, #tpu.memory_space<vmem_shared>> -> memref<640x128xf32, #tpu.memory_space<vmem_shared>>
        tpu.enqueue_dma source(%dma_start3A_52 : memref<640x128xf32, #tpu.memory_space<vmem_shared>>) target(%dma_start3A_50 : memref<640x128xf32, #tpu.memory_space<hbm>>) target_semaphore(%run_scoped3A : memref<!tpu.dma_semaphore, #tpu.memory_space<semaphore_mem>>)
        %dma_wait3A_53 = arith.constant 0 : i32
        %dma_wait3A_54 = tpu.memref_slice %arg8[%mul3A_38, %dma_wait3A_53] : memref<10240x128xf32, #tpu.memory_space<hbm>> -> memref<640x128xf32, #tpu.memory_space<hbm>>
        %dma_wait3A_55 = arith.constant 0 : i32
        %dma_wait3A_56 = tpu.memref_slice %arg13[%mul3A_38, %dma_wait3A_55] : memref<10240x128xf32, #tpu.memory_space<vmem_shared>> -> memref<640x128xf32, #tpu.memory_space<vmem_shared>>
        tpu.wait_dma2 semaphore(%run_scoped3A : memref<!tpu.dma_semaphore, #tpu.memory_space<semaphore_mem>>) src(%dma_wait3A_56 : memref<640x128xf32, #tpu.memory_space<vmem_shared>>) dst(%dma_wait3A_54 : memref<640x128xf32, #tpu.memory_space<hbm>>)
        tpu.yield
      }) : () -> ()
    } else {
    }
    return
  }
}

#map = affine_map<(d0, d1) -> (0, 0)>
#map1 = affine_map<(d0, d1) -> (0, 0, 0)>
module attributes {stable_mosaic.version = 14 : i64} {
  func.func @scatter_k(%arg0: i32, %arg1: i32, %arg2: memref<10000x128xf32, #tpu.memory_space<hbm>>, %arg3: memref<10000x128xf32, #tpu.memory_space<hbm>>, %arg4: memref<16x10000xi32, #tpu.memory_space<hbm>>, %arg5: memref<16x125x80xi32, #tpu.memory_space<hbm>>, %arg6: memref<10240x128xf32, #tpu.memory_space<hbm>>, %arg7: memref<10240x128xf32, #tpu.memory_space<hbm>>, %arg8: memref<10240x128xf32, #tpu.memory_space<hbm>>, %arg9: memref<10000xi32, #tpu.memory_space<vmem>>, %arg10: memref<125x80xi32, #tpu.memory_space<vmem>>, %arg11: memref<80x128xf32, #tpu.memory_space<vmem>>, %arg12: memref<80x128xf32, #tpu.memory_space<vmem>>, %arg13: memref<10240x128xf32, #tpu.memory_space<vmem_shared>>, %arg14: memref<!tpu.dma_semaphore, #tpu.memory_space<semaphore_mem>>, %arg15: memref<!tpu.dma_semaphore, #tpu.memory_space<semaphore_mem>>, %arg16: memref<!tpu.dma_semaphore, #tpu.memory_space<semaphore_mem>>, %arg17: memref<!tpu.dma_semaphore, #tpu.memory_space<semaphore_mem>>, %arg18: memref<!tpu.dma_semaphore, #tpu.memory_space<semaphore_mem>>) attributes {dimension_semantics = [#tpu.dimension_semantics<core_parallel>, #tpu.dimension_semantics<subcore_parallel>], iteration_bounds = array<i64: 2, 16>, scalar_prefetch = 0 : i64, scratch_operands = 10 : i64, tpu.core_type = #tpu.core_type<sc_vector_subcore>, window_params = [{transform_indices = #map}, {transform_indices = #map}, {transform_indices = #map}, {transform_indices = #map1}, {transform_indices = #map}, {transform_indices = #map}, {transform_indices = #map}]} {
    %dma_start3A = arith.constant 0 : i32
    %dma_start3A_0 = tpu.memref_slice %arg4[%arg1, %dma_start3A] : memref<16x10000xi32, #tpu.memory_space<hbm>> -> memref<1x10000xi32, #tpu.memory_space<hbm>>
    %dma_start3A_1 = tpu.memref_squeeze %dma_start3A_0 : memref<1x10000xi32, #tpu.memory_space<hbm>> -> memref<10000xi32, #tpu.memory_space<hbm>>
    %dma_start3A_2 = arith.constant 0 : i32
    %dma_start3A_3 = tpu.memref_slice %arg4[%arg1, %dma_start3A_2] : memref<16x10000xi32, #tpu.memory_space<hbm>> -> memref<1x10000xi32, #tpu.memory_space<hbm>>
    %dma_start3A_4 = tpu.memref_squeeze %dma_start3A_3 : memref<1x10000xi32, #tpu.memory_space<hbm>> -> memref<10000xi32, #tpu.memory_space<hbm>>
    tpu.enqueue_dma source(%dma_start3A_4 : memref<10000xi32, #tpu.memory_space<hbm>>) target(%arg9 : memref<10000xi32, #tpu.memory_space<vmem>>) target_semaphore(%arg18 : memref<!tpu.dma_semaphore, #tpu.memory_space<semaphore_mem>>)
    %dma_start3A_5 = arith.constant 0 : i32
    %dma_start3A_6 = arith.constant 0 : i32
    %dma_start3A_7 = tpu.memref_slice %arg5[%arg1, %dma_start3A_5, %dma_start3A_6] : memref<16x125x80xi32, #tpu.memory_space<hbm>> -> memref<1x125x80xi32, #tpu.memory_space<hbm>>
    %dma_start3A_8 = tpu.memref_squeeze %dma_start3A_7 : memref<1x125x80xi32, #tpu.memory_space<hbm>> -> memref<125x80xi32, #tpu.memory_space<hbm>>
    %dma_start3A_9 = arith.constant 0 : i32
    %dma_start3A_10 = arith.constant 0 : i32
    %dma_start3A_11 = tpu.memref_slice %arg5[%arg1, %dma_start3A_9, %dma_start3A_10] : memref<16x125x80xi32, #tpu.memory_space<hbm>> -> memref<1x125x80xi32, #tpu.memory_space<hbm>>
    %dma_start3A_12 = tpu.memref_squeeze %dma_start3A_11 : memref<1x125x80xi32, #tpu.memory_space<hbm>> -> memref<125x80xi32, #tpu.memory_space<hbm>>
    tpu.enqueue_dma source(%dma_start3A_12 : memref<125x80xi32, #tpu.memory_space<hbm>>) target(%arg10 : memref<125x80xi32, #tpu.memory_space<vmem>>) target_semaphore(%arg18 : memref<!tpu.dma_semaphore, #tpu.memory_space<semaphore_mem>>)
    %mul3A = arith.constant 640 : i32
    %mul3A_13 = arith.muli %arg1, %mul3A : i32
    %mul3A_14 = arith.constant 640 : i32
    %mul3A_15 = arith.muli %arg1, %mul3A_14 : i32
    "tpu.region"() ({
      %run_scoped3A = tpu.sem_alloc : memref<!tpu.dma_semaphore, #tpu.memory_space<semaphore_mem>>
      %dma_start3A_49 = arith.constant 0 : i32
      %dma_start3A_50 = tpu.memref_slice %arg13[%mul3A_15, %dma_start3A_49] : memref<10240x128xf32, #tpu.memory_space<vmem_shared>> -> memref<640x128xf32, #tpu.memory_space<vmem_shared>>
      %dma_start3A_51 = arith.constant 0 : i32
      %dma_start3A_52 = tpu.memref_slice %arg6[%mul3A_13, %dma_start3A_51] : memref<10240x128xf32, #tpu.memory_space<hbm>> -> memref<640x128xf32, #tpu.memory_space<hbm>>
      tpu.enqueue_dma source(%dma_start3A_52 : memref<640x128xf32, #tpu.memory_space<hbm>>) target(%dma_start3A_50 : memref<640x128xf32, #tpu.memory_space<vmem_shared>>) target_semaphore(%run_scoped3A : memref<!tpu.dma_semaphore, #tpu.memory_space<semaphore_mem>>)
      %dma_wait3A_53 = arith.constant 0 : i32
      %dma_wait3A_54 = tpu.memref_slice %arg13[%mul3A_15, %dma_wait3A_53] : memref<10240x128xf32, #tpu.memory_space<vmem_shared>> -> memref<640x128xf32, #tpu.memory_space<vmem_shared>>
      %dma_wait3A_55 = arith.constant 0 : i32
      %dma_wait3A_56 = tpu.memref_slice %arg6[%mul3A_13, %dma_wait3A_55] : memref<10240x128xf32, #tpu.memory_space<hbm>> -> memref<640x128xf32, #tpu.memory_space<hbm>>
      tpu.wait_dma2 semaphore(%run_scoped3A : memref<!tpu.dma_semaphore, #tpu.memory_space<semaphore_mem>>) src(%dma_wait3A_56 : memref<640x128xf32, #tpu.memory_space<hbm>>) dst(%dma_wait3A_54 : memref<640x128xf32, #tpu.memory_space<vmem_shared>>)
      tpu.yield
    }) : () -> ()
    %dma_wait3A = arith.constant 0 : i32
    %dma_wait3A_16 = tpu.memref_slice %arg4[%arg1, %dma_wait3A] : memref<16x10000xi32, #tpu.memory_space<hbm>> -> memref<1x10000xi32, #tpu.memory_space<hbm>>
    %dma_wait3A_17 = tpu.memref_squeeze %dma_wait3A_16 : memref<1x10000xi32, #tpu.memory_space<hbm>> -> memref<10000xi32, #tpu.memory_space<hbm>>
    %dma_wait3A_18 = arith.constant 0 : i32
    %dma_wait3A_19 = tpu.memref_slice %arg4[%arg1, %dma_wait3A_18] : memref<16x10000xi32, #tpu.memory_space<hbm>> -> memref<1x10000xi32, #tpu.memory_space<hbm>>
    %dma_wait3A_20 = tpu.memref_squeeze %dma_wait3A_19 : memref<1x10000xi32, #tpu.memory_space<hbm>> -> memref<10000xi32, #tpu.memory_space<hbm>>
    tpu.wait_dma2 semaphore(%arg18 : memref<!tpu.dma_semaphore, #tpu.memory_space<semaphore_mem>>) src(%dma_wait3A_20 : memref<10000xi32, #tpu.memory_space<hbm>>) dst(%arg9 : memref<10000xi32, #tpu.memory_space<vmem>>)
    %dma_wait3A_21 = arith.constant 0 : i32
    %dma_wait3A_22 = arith.constant 0 : i32
    %dma_wait3A_23 = tpu.memref_slice %arg5[%arg1, %dma_wait3A_21, %dma_wait3A_22] : memref<16x125x80xi32, #tpu.memory_space<hbm>> -> memref<1x125x80xi32, #tpu.memory_space<hbm>>
    %dma_wait3A_24 = tpu.memref_squeeze %dma_wait3A_23 : memref<1x125x80xi32, #tpu.memory_space<hbm>> -> memref<125x80xi32, #tpu.memory_space<hbm>>
    %dma_wait3A_25 = arith.constant 0 : i32
    %dma_wait3A_26 = arith.constant 0 : i32
    %dma_wait3A_27 = tpu.memref_slice %arg5[%arg1, %dma_wait3A_25, %dma_wait3A_26] : memref<16x125x80xi32, #tpu.memory_space<hbm>> -> memref<1x125x80xi32, #tpu.memory_space<hbm>>
    %dma_wait3A_28 = tpu.memref_squeeze %dma_wait3A_27 : memref<1x125x80xi32, #tpu.memory_space<hbm>> -> memref<125x80xi32, #tpu.memory_space<hbm>>
    tpu.wait_dma2 semaphore(%arg18 : memref<!tpu.dma_semaphore, #tpu.memory_space<semaphore_mem>>) src(%dma_wait3A_28 : memref<125x80xi32, #tpu.memory_space<hbm>>) dst(%arg10 : memref<125x80xi32, #tpu.memory_space<vmem>>)
    %barrier3A = arith.constant 0 : index
    tpu.barrier barrier_id(%barrier3A)
    %eq3A = arith.constant 0 : i32
    %eq3A_29 = arith.cmpi eq, %arg0, %eq3A : i32
    %convert_element_type3A = arith.extui %eq3A_29 : i1 to i32
    %cond3A = arith.constant 0 : i32
    %cond3A_30 = arith.cmpi ne, %convert_element_type3A, %cond3A : i32
    scf.if %cond3A_30 {
      %dma_start3A_49 = arith.constant 0 : i32
      %dma_start3A_50 = tpu.memref_slice %arg9[%dma_start3A_49] : memref<10000xi32, #tpu.memory_space<vmem>> -> memref<80xi32, #tpu.memory_space<vmem>>
      %dma_start3A_51 = arith.constant 0 : i32
      %dma_start3A_52 = arith.constant 0 : i32
      %dma_start3A_53 = tpu.memref_slice %arg2[%dma_start3A_51, %dma_start3A_52] : memref<10000x128xf32, #tpu.memory_space<hbm>> -> memref<10000x128xf32, #tpu.memory_space<hbm>>
      tpu.enqueue_indirect_dma source(%dma_start3A_53 : memref<10000x128xf32, #tpu.memory_space<hbm>>) target(%arg11 : memref<80x128xf32, #tpu.memory_space<vmem>>) offsets(%dma_start3A_50 : memref<80xi32, #tpu.memory_space<vmem>>) semaphore(%arg14 : memref<!tpu.dma_semaphore, #tpu.memory_space<semaphore_mem>>)
      %scan3A = arith.constant 0 : i32
      %scan3A_54 = arith.constant 62 : i32
      %scan3A_55 = arith.addi %scan3A, %scan3A_54 : i32
      %scan3A_56 = arith.constant 1 : i32
      scf.for %scan3A_70 = %scan3A to %scan3A_55 step %scan3A_56  : i32 {
        %mul3A_71 = arith.constant 2 : i32
        %mul3A_72 = arith.muli %scan3A_70, %mul3A_71 : i32
        %add3A = arith.constant 0 : i32
        %add3A_73 = arith.addi %add3A, %mul3A_72 : i32
        %mul3A_74 = arith.constant 80 : i32
        %mul3A_75 = arith.muli %add3A_73, %mul3A_74 : i32
        %dma_wait3A_76 = tpu.memref_slice %arg9[%mul3A_75] : memref<10000xi32, #tpu.memory_space<vmem>> -> memref<80xi32, #tpu.memory_space<vmem>>
        %dma_wait3A_77 = arith.constant 0 : i32
        %dma_wait3A_78 = arith.constant 0 : i32
        %dma_wait3A_79 = tpu.memref_slice %arg2[%dma_wait3A_77, %dma_wait3A_78] : memref<10000x128xf32, #tpu.memory_space<hbm>> -> memref<10000x128xf32, #tpu.memory_space<hbm>>
        tpu.wait_indirect_dma semaphore(%arg14 : memref<!tpu.dma_semaphore, #tpu.memory_space<semaphore_mem>>) src(%dma_wait3A_79 : memref<10000x128xf32, #tpu.memory_space<hbm>>) dst(%arg11 : memref<80x128xf32, #tpu.memory_space<vmem>>)
        %gt3A = arith.constant 0 : i32
        %gt3A_80 = arith.cmpi sgt, %add3A_73, %gt3A : i32
        %convert_element_type3A_81 = arith.extui %gt3A_80 : i1 to i32
        %cond3A_82 = arith.constant 0 : i32
        %cond3A_83 = arith.cmpi ne, %convert_element_type3A_81, %cond3A_82 : i32
        scf.if %cond3A_83 {
          %sub3A = arith.constant 1 : i32
          %sub3A_128 = arith.subi %add3A_73, %sub3A : i32
          %dma_wait3A_129 = arith.constant 0 : i32
          %dma_wait3A_130 = tpu.memref_slice %arg10[%sub3A_128, %dma_wait3A_129] : memref<125x80xi32, #tpu.memory_space<vmem>> -> memref<1x80xi32, #tpu.memory_space<vmem>>
          %dma_wait3A_131 = tpu.memref_squeeze %dma_wait3A_130 : memref<1x80xi32, #tpu.memory_space<vmem>> -> memref<80xi32, #tpu.memory_space<vmem>>
          %dma_wait3A_132 = arith.constant 0 : i32
          %dma_wait3A_133 = arith.constant 0 : i32
          %dma_wait3A_134 = tpu.memref_slice %arg13[%dma_wait3A_132, %dma_wait3A_133] : memref<10240x128xf32, #tpu.memory_space<vmem_shared>> -> memref<10240x128xf32, #tpu.memory_space<vmem_shared>>
          tpu.wait_indirect_dma semaphore(%arg17 : memref<!tpu.dma_semaphore, #tpu.memory_space<semaphore_mem>>) src(%arg12 : memref<80x128xf32, #tpu.memory_space<vmem>>) dst(%dma_wait3A_134 : memref<10240x128xf32, #tpu.memory_space<vmem_shared>>)
        } else {
        }
        %add3A_84 = arith.constant 1 : i32
        %add3A_85 = arith.addi %add3A_73, %add3A_84 : i32
        %mul3A_86 = arith.constant 80 : i32
        %mul3A_87 = arith.muli %add3A_85, %mul3A_86 : i32
        %dma_start3A_88 = tpu.memref_slice %arg9[%mul3A_87] : memref<10000xi32, #tpu.memory_space<vmem>> -> memref<80xi32, #tpu.memory_space<vmem>>
        %dma_start3A_89 = arith.constant 0 : i32
        %dma_start3A_90 = arith.constant 0 : i32
        %dma_start3A_91 = tpu.memref_slice %arg2[%dma_start3A_89, %dma_start3A_90] : memref<10000x128xf32, #tpu.memory_space<hbm>> -> memref<10000x128xf32, #tpu.memory_space<hbm>>
        tpu.enqueue_indirect_dma source(%dma_start3A_91 : memref<10000x128xf32, #tpu.memory_space<hbm>>) target(%arg12 : memref<80x128xf32, #tpu.memory_space<vmem>>) offsets(%dma_start3A_88 : memref<80xi32, #tpu.memory_space<vmem>>) semaphore(%arg15 : memref<!tpu.dma_semaphore, #tpu.memory_space<semaphore_mem>>)
        %dma_start3A_92 = arith.constant 0 : i32
        %dma_start3A_93 = tpu.memref_slice %arg10[%add3A_73, %dma_start3A_92] : memref<125x80xi32, #tpu.memory_space<vmem>> -> memref<1x80xi32, #tpu.memory_space<vmem>>
        %dma_start3A_94 = tpu.memref_squeeze %dma_start3A_93 : memref<1x80xi32, #tpu.memory_space<vmem>> -> memref<80xi32, #tpu.memory_space<vmem>>
        %dma_start3A_95 = arith.constant 0 : i32
        %dma_start3A_96 = arith.constant 0 : i32
        %dma_start3A_97 = tpu.memref_slice %arg13[%dma_start3A_95, %dma_start3A_96] : memref<10240x128xf32, #tpu.memory_space<vmem_shared>> -> memref<10240x128xf32, #tpu.memory_space<vmem_shared>>
        tpu.enqueue_indirect_dma source(%arg11 : memref<80x128xf32, #tpu.memory_space<vmem>>) target(%dma_start3A_97 : memref<10240x128xf32, #tpu.memory_space<vmem_shared>>) offsets(%dma_start3A_94 : memref<80xi32, #tpu.memory_space<vmem>>) semaphore(%arg16 : memref<!tpu.dma_semaphore, #tpu.memory_space<semaphore_mem>>) {add = true}
        %add3A_98 = arith.constant 1 : i32
        %add3A_99 = arith.addi %add3A_73, %add3A_98 : i32
        %mul3A_100 = arith.constant 80 : i32
        %mul3A_101 = arith.muli %add3A_99, %mul3A_100 : i32
        %dma_wait3A_102 = tpu.memref_slice %arg9[%mul3A_101] : memref<10000xi32, #tpu.memory_space<vmem>> -> memref<80xi32, #tpu.memory_space<vmem>>
        %dma_wait3A_103 = arith.constant 0 : i32
        %dma_wait3A_104 = arith.constant 0 : i32
        %dma_wait3A_105 = tpu.memref_slice %arg2[%dma_wait3A_103, %dma_wait3A_104] : memref<10000x128xf32, #tpu.memory_space<hbm>> -> memref<10000x128xf32, #tpu.memory_space<hbm>>
        tpu.wait_indirect_dma semaphore(%arg15 : memref<!tpu.dma_semaphore, #tpu.memory_space<semaphore_mem>>) src(%dma_wait3A_105 : memref<10000x128xf32, #tpu.memory_space<hbm>>) dst(%arg12 : memref<80x128xf32, #tpu.memory_space<vmem>>)
        %dma_wait3A_106 = arith.constant 0 : i32
        %dma_wait3A_107 = tpu.memref_slice %arg10[%add3A_73, %dma_wait3A_106] : memref<125x80xi32, #tpu.memory_space<vmem>> -> memref<1x80xi32, #tpu.memory_space<vmem>>
        %dma_wait3A_108 = tpu.memref_squeeze %dma_wait3A_107 : memref<1x80xi32, #tpu.memory_space<vmem>> -> memref<80xi32, #tpu.memory_space<vmem>>
        %dma_wait3A_109 = arith.constant 0 : i32
        %dma_wait3A_110 = arith.constant 0 : i32
        %dma_wait3A_111 = tpu.memref_slice %arg13[%dma_wait3A_109, %dma_wait3A_110] : memref<10240x128xf32, #tpu.memory_space<vmem_shared>> -> memref<10240x128xf32, #tpu.memory_space<vmem_shared>>
        tpu.wait_indirect_dma semaphore(%arg16 : memref<!tpu.dma_semaphore, #tpu.memory_space<semaphore_mem>>) src(%arg11 : memref<80x128xf32, #tpu.memory_space<vmem>>) dst(%dma_wait3A_111 : memref<10240x128xf32, #tpu.memory_space<vmem_shared>>)
        %add3A_112 = arith.constant 2 : i32
        %add3A_113 = arith.addi %add3A_73, %add3A_112 : i32
        %mul3A_114 = arith.constant 80 : i32
        %mul3A_115 = arith.muli %add3A_113, %mul3A_114 : i32
        %dma_start3A_116 = tpu.memref_slice %arg9[%mul3A_115] : memref<10000xi32, #tpu.memory_space<vmem>> -> memref<80xi32, #tpu.memory_space<vmem>>
        %dma_start3A_117 = arith.constant 0 : i32
        %dma_start3A_118 = arith.constant 0 : i32
        %dma_start3A_119 = tpu.memref_slice %arg2[%dma_start3A_117, %dma_start3A_118] : memref<10000x128xf32, #tpu.memory_space<hbm>> -> memref<10000x128xf32, #tpu.memory_space<hbm>>
        tpu.enqueue_indirect_dma source(%dma_start3A_119 : memref<10000x128xf32, #tpu.memory_space<hbm>>) target(%arg11 : memref<80x128xf32, #tpu.memory_space<vmem>>) offsets(%dma_start3A_116 : memref<80xi32, #tpu.memory_space<vmem>>) semaphore(%arg14 : memref<!tpu.dma_semaphore, #tpu.memory_space<semaphore_mem>>)
        %add3A_120 = arith.constant 1 : i32
        %add3A_121 = arith.addi %add3A_73, %add3A_120 : i32
        %dma_start3A_122 = arith.constant 0 : i32
        %dma_start3A_123 = tpu.memref_slice %arg10[%add3A_121, %dma_start3A_122] : memref<125x80xi32, #tpu.memory_space<vmem>> -> memref<1x80xi32, #tpu.memory_space<vmem>>
        %dma_start3A_124 = tpu.memref_squeeze %dma_start3A_123 : memref<1x80xi32, #tpu.memory_space<vmem>> -> memref<80xi32, #tpu.memory_space<vmem>>
        %dma_start3A_125 = arith.constant 0 : i32
        %dma_start3A_126 = arith.constant 0 : i32
        %dma_start3A_127 = tpu.memref_slice %arg13[%dma_start3A_125, %dma_start3A_126] : memref<10240x128xf32, #tpu.memory_space<vmem_shared>> -> memref<10240x128xf32, #tpu.memory_space<vmem_shared>>
        tpu.enqueue_indirect_dma source(%arg12 : memref<80x128xf32, #tpu.memory_space<vmem>>) target(%dma_start3A_127 : memref<10240x128xf32, #tpu.memory_space<vmem_shared>>) offsets(%dma_start3A_124 : memref<80xi32, #tpu.memory_space<vmem>>) semaphore(%arg17 : memref<!tpu.dma_semaphore, #tpu.memory_space<semaphore_mem>>) {add = true}
      }
      %scan3A_57 = arith.constant 62 : i32
      %dma_wait3A_58 = arith.constant 9920 : i32
      %dma_wait3A_59 = tpu.memref_slice %arg9[%dma_wait3A_58] : memref<10000xi32, #tpu.memory_space<vmem>> -> memref<80xi32, #tpu.memory_space<vmem>>
      %dma_wait3A_60 = arith.constant 0 : i32
      %dma_wait3A_61 = arith.constant 0 : i32
      %dma_wait3A_62 = tpu.memref_slice %arg2[%dma_wait3A_60, %dma_wait3A_61] : memref<10000x128xf32, #tpu.memory_space<hbm>> -> memref<10000x128xf32, #tpu.memory_space<hbm>>
      tpu.wait_indirect_dma semaphore(%arg14 : memref<!tpu.dma_semaphore, #tpu.memory_space<semaphore_mem>>) src(%dma_wait3A_62 : memref<10000x128xf32, #tpu.memory_space<hbm>>) dst(%arg11 : memref<80x128xf32, #tpu.memory_space<vmem>>)
      %dma_wait3A_63 = arith.constant 123 : i32
      %dma_wait3A_64 = arith.constant 0 : i32
      %dma_wait3A_65 = tpu.memref_slice %arg10[%dma_wait3A_63, %dma_wait3A_64] : memref<125x80xi32, #tpu.memory_space<vmem>> -> memref<1x80xi32, #tpu.memory_space<vmem>>
      %dma_wait3A_66 = tpu.memref_squeeze %dma_wait3A_65 : memref<1x80xi32, #tpu.memory_space<vmem>> -> memref<80xi32, #tpu.memory_space<vmem>>
      %dma_wait3A_67 = arith.constant 0 : i32
      %dma_wait3A_68 = arith.constant 0 : i32
      %dma_wait3A_69 = tpu.memref_slice %arg13[%dma_wait3A_67, %dma_wait3A_68] : memref<10240x128xf32, #tpu.memory_space<vmem_shared>> -> memref<10240x128xf32, #tpu.memory_space<vmem_shared>>
      tpu.wait_indirect_dma semaphore(%arg17 : memref<!tpu.dma_semaphore, #tpu.memory_space<semaphore_mem>>) src(%arg12 : memref<80x128xf32, #tpu.memory_space<vmem>>) dst(%dma_wait3A_69 : memref<10240x128xf32, #tpu.memory_space<vmem_shared>>)
      %run_scoped3A = arith.constant 124 : i32
      "tpu.region"() ({
        %run_scoped3A_70 = tpu.sem_alloc : memref<!tpu.dma_semaphore, #tpu.memory_space<semaphore_mem>>
        %dma_start3A_71 = arith.constant 0 : i32
        %dma_start3A_72 = tpu.memref_slice %arg10[%run_scoped3A, %dma_start3A_71] : memref<125x80xi32, #tpu.memory_space<vmem>> -> memref<1x80xi32, #tpu.memory_space<vmem>>
        %dma_start3A_73 = tpu.memref_squeeze %dma_start3A_72 : memref<1x80xi32, #tpu.memory_space<vmem>> -> memref<80xi32, #tpu.memory_space<vmem>>
        %dma_start3A_74 = arith.constant 0 : i32
        %dma_start3A_75 = arith.constant 0 : i32
        %dma_start3A_76 = tpu.memref_slice %arg13[%dma_start3A_74, %dma_start3A_75] : memref<10240x128xf32, #tpu.memory_space<vmem_shared>> -> memref<10240x128xf32, #tpu.memory_space<vmem_shared>>
        tpu.enqueue_indirect_dma source(%arg11 : memref<80x128xf32, #tpu.memory_space<vmem>>) target(%dma_start3A_76 : memref<10240x128xf32, #tpu.memory_space<vmem_shared>>) offsets(%dma_start3A_73 : memref<80xi32, #tpu.memory_space<vmem>>) semaphore(%run_scoped3A_70 : memref<!tpu.dma_semaphore, #tpu.memory_space<semaphore_mem>>) {add = true}
        %dma_wait3A_77 = arith.constant 0 : i32
        %dma_wait3A_78 = tpu.memref_slice %arg10[%run_scoped3A, %dma_wait3A_77] : memref<125x80xi32, #tpu.memory_space<vmem>> -> memref<1x80xi32, #tpu.memory_space<vmem>>
        %dma_wait3A_79 = tpu.memref_squeeze %dma_wait3A_78 : memref<1x80xi32, #tpu.memory_space<vmem>> -> memref<80xi32, #tpu.memory_space<vmem>>
        %dma_wait3A_80 = arith.constant 0 : i32
        %dma_wait3A_81 = arith.constant 0 : i32
        %dma_wait3A_82 = tpu.memref_slice %arg13[%dma_wait3A_80, %dma_wait3A_81] : memref<10240x128xf32, #tpu.memory_space<vmem_shared>> -> memref<10240x128xf32, #tpu.memory_space<vmem_shared>>
        tpu.wait_indirect_dma semaphore(%run_scoped3A_70 : memref<!tpu.dma_semaphore, #tpu.memory_space<semaphore_mem>>) src(%arg11 : memref<80x128xf32, #tpu.memory_space<vmem>>) dst(%dma_wait3A_82 : memref<10240x128xf32, #tpu.memory_space<vmem_shared>>)
        tpu.yield
      }) : () -> ()
    } else {
    }
    %eq3A_31 = arith.constant 1 : i32
    %eq3A_32 = arith.cmpi eq, %arg0, %eq3A_31 : i32
    %convert_element_type3A_33 = arith.extui %eq3A_32 : i1 to i32
    %cond3A_34 = arith.constant 0 : i32
    %cond3A_35 = arith.cmpi ne, %convert_element_type3A_33, %cond3A_34 : i32
    scf.if %cond3A_35 {
      %dma_start3A_49 = arith.constant 0 : i32
      %dma_start3A_50 = tpu.memref_slice %arg9[%dma_start3A_49] : memref<10000xi32, #tpu.memory_space<vmem>> -> memref<80xi32, #tpu.memory_space<vmem>>
      %dma_start3A_51 = arith.constant 0 : i32
      %dma_start3A_52 = arith.constant 0 : i32
      %dma_start3A_53 = tpu.memref_slice %arg3[%dma_start3A_51, %dma_start3A_52] : memref<10000x128xf32, #tpu.memory_space<hbm>> -> memref<10000x128xf32, #tpu.memory_space<hbm>>
      tpu.enqueue_indirect_dma source(%dma_start3A_53 : memref<10000x128xf32, #tpu.memory_space<hbm>>) target(%arg11 : memref<80x128xf32, #tpu.memory_space<vmem>>) offsets(%dma_start3A_50 : memref<80xi32, #tpu.memory_space<vmem>>) semaphore(%arg14 : memref<!tpu.dma_semaphore, #tpu.memory_space<semaphore_mem>>)
      %scan3A = arith.constant 0 : i32
      %scan3A_54 = arith.constant 62 : i32
      %scan3A_55 = arith.addi %scan3A, %scan3A_54 : i32
      %scan3A_56 = arith.constant 1 : i32
      scf.for %scan3A_70 = %scan3A to %scan3A_55 step %scan3A_56  : i32 {
        %mul3A_71 = arith.constant 2 : i32
        %mul3A_72 = arith.muli %scan3A_70, %mul3A_71 : i32
        %add3A = arith.constant 0 : i32
        %add3A_73 = arith.addi %add3A, %mul3A_72 : i32
        %mul3A_74 = arith.constant 80 : i32
        %mul3A_75 = arith.muli %add3A_73, %mul3A_74 : i32
        %dma_wait3A_76 = tpu.memref_slice %arg9[%mul3A_75] : memref<10000xi32, #tpu.memory_space<vmem>> -> memref<80xi32, #tpu.memory_space<vmem>>
        %dma_wait3A_77 = arith.constant 0 : i32
        %dma_wait3A_78 = arith.constant 0 : i32
        %dma_wait3A_79 = tpu.memref_slice %arg3[%dma_wait3A_77, %dma_wait3A_78] : memref<10000x128xf32, #tpu.memory_space<hbm>> -> memref<10000x128xf32, #tpu.memory_space<hbm>>
        tpu.wait_indirect_dma semaphore(%arg14 : memref<!tpu.dma_semaphore, #tpu.memory_space<semaphore_mem>>) src(%dma_wait3A_79 : memref<10000x128xf32, #tpu.memory_space<hbm>>) dst(%arg11 : memref<80x128xf32, #tpu.memory_space<vmem>>)
        %gt3A = arith.constant 0 : i32
        %gt3A_80 = arith.cmpi sgt, %add3A_73, %gt3A : i32
        %convert_element_type3A_81 = arith.extui %gt3A_80 : i1 to i32
        %cond3A_82 = arith.constant 0 : i32
        %cond3A_83 = arith.cmpi ne, %convert_element_type3A_81, %cond3A_82 : i32
        scf.if %cond3A_83 {
          %sub3A = arith.constant 1 : i32
          %sub3A_128 = arith.subi %add3A_73, %sub3A : i32
          %dma_wait3A_129 = arith.constant 0 : i32
          %dma_wait3A_130 = tpu.memref_slice %arg10[%sub3A_128, %dma_wait3A_129] : memref<125x80xi32, #tpu.memory_space<vmem>> -> memref<1x80xi32, #tpu.memory_space<vmem>>
          %dma_wait3A_131 = tpu.memref_squeeze %dma_wait3A_130 : memref<1x80xi32, #tpu.memory_space<vmem>> -> memref<80xi32, #tpu.memory_space<vmem>>
          %dma_wait3A_132 = arith.constant 0 : i32
          %dma_wait3A_133 = arith.constant 0 : i32
          %dma_wait3A_134 = tpu.memref_slice %arg13[%dma_wait3A_132, %dma_wait3A_133] : memref<10240x128xf32, #tpu.memory_space<vmem_shared>> -> memref<10240x128xf32, #tpu.memory_space<vmem_shared>>
          tpu.wait_indirect_dma semaphore(%arg17 : memref<!tpu.dma_semaphore, #tpu.memory_space<semaphore_mem>>) src(%arg12 : memref<80x128xf32, #tpu.memory_space<vmem>>) dst(%dma_wait3A_134 : memref<10240x128xf32, #tpu.memory_space<vmem_shared>>)
        } else {
        }
        %add3A_84 = arith.constant 1 : i32
        %add3A_85 = arith.addi %add3A_73, %add3A_84 : i32
        %mul3A_86 = arith.constant 80 : i32
        %mul3A_87 = arith.muli %add3A_85, %mul3A_86 : i32
        %dma_start3A_88 = tpu.memref_slice %arg9[%mul3A_87] : memref<10000xi32, #tpu.memory_space<vmem>> -> memref<80xi32, #tpu.memory_space<vmem>>
        %dma_start3A_89 = arith.constant 0 : i32
        %dma_start3A_90 = arith.constant 0 : i32
        %dma_start3A_91 = tpu.memref_slice %arg3[%dma_start3A_89, %dma_start3A_90] : memref<10000x128xf32, #tpu.memory_space<hbm>> -> memref<10000x128xf32, #tpu.memory_space<hbm>>
        tpu.enqueue_indirect_dma source(%dma_start3A_91 : memref<10000x128xf32, #tpu.memory_space<hbm>>) target(%arg12 : memref<80x128xf32, #tpu.memory_space<vmem>>) offsets(%dma_start3A_88 : memref<80xi32, #tpu.memory_space<vmem>>) semaphore(%arg15 : memref<!tpu.dma_semaphore, #tpu.memory_space<semaphore_mem>>)
        %dma_start3A_92 = arith.constant 0 : i32
        %dma_start3A_93 = tpu.memref_slice %arg10[%add3A_73, %dma_start3A_92] : memref<125x80xi32, #tpu.memory_space<vmem>> -> memref<1x80xi32, #tpu.memory_space<vmem>>
        %dma_start3A_94 = tpu.memref_squeeze %dma_start3A_93 : memref<1x80xi32, #tpu.memory_space<vmem>> -> memref<80xi32, #tpu.memory_space<vmem>>
        %dma_start3A_95 = arith.constant 0 : i32
        %dma_start3A_96 = arith.constant 0 : i32
        %dma_start3A_97 = tpu.memref_slice %arg13[%dma_start3A_95, %dma_start3A_96] : memref<10240x128xf32, #tpu.memory_space<vmem_shared>> -> memref<10240x128xf32, #tpu.memory_space<vmem_shared>>
        tpu.enqueue_indirect_dma source(%arg11 : memref<80x128xf32, #tpu.memory_space<vmem>>) target(%dma_start3A_97 : memref<10240x128xf32, #tpu.memory_space<vmem_shared>>) offsets(%dma_start3A_94 : memref<80xi32, #tpu.memory_space<vmem>>) semaphore(%arg16 : memref<!tpu.dma_semaphore, #tpu.memory_space<semaphore_mem>>) {add = true}
        %add3A_98 = arith.constant 1 : i32
        %add3A_99 = arith.addi %add3A_73, %add3A_98 : i32
        %mul3A_100 = arith.constant 80 : i32
        %mul3A_101 = arith.muli %add3A_99, %mul3A_100 : i32
        %dma_wait3A_102 = tpu.memref_slice %arg9[%mul3A_101] : memref<10000xi32, #tpu.memory_space<vmem>> -> memref<80xi32, #tpu.memory_space<vmem>>
        %dma_wait3A_103 = arith.constant 0 : i32
        %dma_wait3A_104 = arith.constant 0 : i32
        %dma_wait3A_105 = tpu.memref_slice %arg3[%dma_wait3A_103, %dma_wait3A_104] : memref<10000x128xf32, #tpu.memory_space<hbm>> -> memref<10000x128xf32, #tpu.memory_space<hbm>>
        tpu.wait_indirect_dma semaphore(%arg15 : memref<!tpu.dma_semaphore, #tpu.memory_space<semaphore_mem>>) src(%dma_wait3A_105 : memref<10000x128xf32, #tpu.memory_space<hbm>>) dst(%arg12 : memref<80x128xf32, #tpu.memory_space<vmem>>)
        %dma_wait3A_106 = arith.constant 0 : i32
        %dma_wait3A_107 = tpu.memref_slice %arg10[%add3A_73, %dma_wait3A_106] : memref<125x80xi32, #tpu.memory_space<vmem>> -> memref<1x80xi32, #tpu.memory_space<vmem>>
        %dma_wait3A_108 = tpu.memref_squeeze %dma_wait3A_107 : memref<1x80xi32, #tpu.memory_space<vmem>> -> memref<80xi32, #tpu.memory_space<vmem>>
        %dma_wait3A_109 = arith.constant 0 : i32
        %dma_wait3A_110 = arith.constant 0 : i32
        %dma_wait3A_111 = tpu.memref_slice %arg13[%dma_wait3A_109, %dma_wait3A_110] : memref<10240x128xf32, #tpu.memory_space<vmem_shared>> -> memref<10240x128xf32, #tpu.memory_space<vmem_shared>>
        tpu.wait_indirect_dma semaphore(%arg16 : memref<!tpu.dma_semaphore, #tpu.memory_space<semaphore_mem>>) src(%arg11 : memref<80x128xf32, #tpu.memory_space<vmem>>) dst(%dma_wait3A_111 : memref<10240x128xf32, #tpu.memory_space<vmem_shared>>)
        %add3A_112 = arith.constant 2 : i32
        %add3A_113 = arith.addi %add3A_73, %add3A_112 : i32
        %mul3A_114 = arith.constant 80 : i32
        %mul3A_115 = arith.muli %add3A_113, %mul3A_114 : i32
        %dma_start3A_116 = tpu.memref_slice %arg9[%mul3A_115] : memref<10000xi32, #tpu.memory_space<vmem>> -> memref<80xi32, #tpu.memory_space<vmem>>
        %dma_start3A_117 = arith.constant 0 : i32
        %dma_start3A_118 = arith.constant 0 : i32
        %dma_start3A_119 = tpu.memref_slice %arg3[%dma_start3A_117, %dma_start3A_118] : memref<10000x128xf32, #tpu.memory_space<hbm>> -> memref<10000x128xf32, #tpu.memory_space<hbm>>
        tpu.enqueue_indirect_dma source(%dma_start3A_119 : memref<10000x128xf32, #tpu.memory_space<hbm>>) target(%arg11 : memref<80x128xf32, #tpu.memory_space<vmem>>) offsets(%dma_start3A_116 : memref<80xi32, #tpu.memory_space<vmem>>) semaphore(%arg14 : memref<!tpu.dma_semaphore, #tpu.memory_space<semaphore_mem>>)
        %add3A_120 = arith.constant 1 : i32
        %add3A_121 = arith.addi %add3A_73, %add3A_120 : i32
        %dma_start3A_122 = arith.constant 0 : i32
        %dma_start3A_123 = tpu.memref_slice %arg10[%add3A_121, %dma_start3A_122] : memref<125x80xi32, #tpu.memory_space<vmem>> -> memref<1x80xi32, #tpu.memory_space<vmem>>
        %dma_start3A_124 = tpu.memref_squeeze %dma_start3A_123 : memref<1x80xi32, #tpu.memory_space<vmem>> -> memref<80xi32, #tpu.memory_space<vmem>>
        %dma_start3A_125 = arith.constant 0 : i32
        %dma_start3A_126 = arith.constant 0 : i32
        %dma_start3A_127 = tpu.memref_slice %arg13[%dma_start3A_125, %dma_start3A_126] : memref<10240x128xf32, #tpu.memory_space<vmem_shared>> -> memref<10240x128xf32, #tpu.memory_space<vmem_shared>>
        tpu.enqueue_indirect_dma source(%arg12 : memref<80x128xf32, #tpu.memory_space<vmem>>) target(%dma_start3A_127 : memref<10240x128xf32, #tpu.memory_space<vmem_shared>>) offsets(%dma_start3A_124 : memref<80xi32, #tpu.memory_space<vmem>>) semaphore(%arg17 : memref<!tpu.dma_semaphore, #tpu.memory_space<semaphore_mem>>) {add = true}
      }
      %scan3A_57 = arith.constant 62 : i32
      %dma_wait3A_58 = arith.constant 9920 : i32
      %dma_wait3A_59 = tpu.memref_slice %arg9[%dma_wait3A_58] : memref<10000xi32, #tpu.memory_space<vmem>> -> memref<80xi32, #tpu.memory_space<vmem>>
      %dma_wait3A_60 = arith.constant 0 : i32
      %dma_wait3A_61 = arith.constant 0 : i32
      %dma_wait3A_62 = tpu.memref_slice %arg3[%dma_wait3A_60, %dma_wait3A_61] : memref<10000x128xf32, #tpu.memory_space<hbm>> -> memref<10000x128xf32, #tpu.memory_space<hbm>>
      tpu.wait_indirect_dma semaphore(%arg14 : memref<!tpu.dma_semaphore, #tpu.memory_space<semaphore_mem>>) src(%dma_wait3A_62 : memref<10000x128xf32, #tpu.memory_space<hbm>>) dst(%arg11 : memref<80x128xf32, #tpu.memory_space<vmem>>)
      %dma_wait3A_63 = arith.constant 123 : i32
      %dma_wait3A_64 = arith.constant 0 : i32
      %dma_wait3A_65 = tpu.memref_slice %arg10[%dma_wait3A_63, %dma_wait3A_64] : memref<125x80xi32, #tpu.memory_space<vmem>> -> memref<1x80xi32, #tpu.memory_space<vmem>>
      %dma_wait3A_66 = tpu.memref_squeeze %dma_wait3A_65 : memref<1x80xi32, #tpu.memory_space<vmem>> -> memref<80xi32, #tpu.memory_space<vmem>>
      %dma_wait3A_67 = arith.constant 0 : i32
      %dma_wait3A_68 = arith.constant 0 : i32
      %dma_wait3A_69 = tpu.memref_slice %arg13[%dma_wait3A_67, %dma_wait3A_68] : memref<10240x128xf32, #tpu.memory_space<vmem_shared>> -> memref<10240x128xf32, #tpu.memory_space<vmem_shared>>
      tpu.wait_indirect_dma semaphore(%arg17 : memref<!tpu.dma_semaphore, #tpu.memory_space<semaphore_mem>>) src(%arg12 : memref<80x128xf32, #tpu.memory_space<vmem>>) dst(%dma_wait3A_69 : memref<10240x128xf32, #tpu.memory_space<vmem_shared>>)
      %run_scoped3A = arith.constant 124 : i32
      "tpu.region"() ({
        %run_scoped3A_70 = tpu.sem_alloc : memref<!tpu.dma_semaphore, #tpu.memory_space<semaphore_mem>>
        %dma_start3A_71 = arith.constant 0 : i32
        %dma_start3A_72 = tpu.memref_slice %arg10[%run_scoped3A, %dma_start3A_71] : memref<125x80xi32, #tpu.memory_space<vmem>> -> memref<1x80xi32, #tpu.memory_space<vmem>>
        %dma_start3A_73 = tpu.memref_squeeze %dma_start3A_72 : memref<1x80xi32, #tpu.memory_space<vmem>> -> memref<80xi32, #tpu.memory_space<vmem>>
        %dma_start3A_74 = arith.constant 0 : i32
        %dma_start3A_75 = arith.constant 0 : i32
        %dma_start3A_76 = tpu.memref_slice %arg13[%dma_start3A_74, %dma_start3A_75] : memref<10240x128xf32, #tpu.memory_space<vmem_shared>> -> memref<10240x128xf32, #tpu.memory_space<vmem_shared>>
        tpu.enqueue_indirect_dma source(%arg11 : memref<80x128xf32, #tpu.memory_space<vmem>>) target(%dma_start3A_76 : memref<10240x128xf32, #tpu.memory_space<vmem_shared>>) offsets(%dma_start3A_73 : memref<80xi32, #tpu.memory_space<vmem>>) semaphore(%run_scoped3A_70 : memref<!tpu.dma_semaphore, #tpu.memory_space<semaphore_mem>>) {add = true}
        %dma_wait3A_77 = arith.constant 0 : i32
        %dma_wait3A_78 = tpu.memref_slice %arg10[%run_scoped3A, %dma_wait3A_77] : memref<125x80xi32, #tpu.memory_space<vmem>> -> memref<1x80xi32, #tpu.memory_space<vmem>>
        %dma_wait3A_79 = tpu.memref_squeeze %dma_wait3A_78 : memref<1x80xi32, #tpu.memory_space<vmem>> -> memref<80xi32, #tpu.memory_space<vmem>>
        %dma_wait3A_80 = arith.constant 0 : i32
        %dma_wait3A_81 = arith.constant 0 : i32
        %dma_wait3A_82 = tpu.memref_slice %arg13[%dma_wait3A_80, %dma_wait3A_81] : memref<10240x128xf32, #tpu.memory_space<vmem_shared>> -> memref<10240x128xf32, #tpu.memory_space<vmem_shared>>
        tpu.wait_indirect_dma semaphore(%run_scoped3A_70 : memref<!tpu.dma_semaphore, #tpu.memory_space<semaphore_mem>>) src(%arg11 : memref<80x128xf32, #tpu.memory_space<vmem>>) dst(%dma_wait3A_82 : memref<10240x128xf32, #tpu.memory_space<vmem_shared>>)
        tpu.yield
      }) : () -> ()
    } else {
    }
    %barrier3A_36 = arith.constant 0 : index
    tpu.barrier barrier_id(%barrier3A_36)
    %mul3A_37 = arith.constant 640 : i32
    %mul3A_38 = arith.muli %arg1, %mul3A_37 : i32
    %eq3A_39 = arith.constant 0 : i32
    %eq3A_40 = arith.cmpi eq, %arg0, %eq3A_39 : i32
    %convert_element_type3A_41 = arith.extui %eq3A_40 : i1 to i32
    %cond3A_42 = arith.constant 0 : i32
    %cond3A_43 = arith.cmpi ne, %convert_element_type3A_41, %cond3A_42 : i32
    scf.if %cond3A_43 {
      "tpu.region"() ({
        %run_scoped3A = tpu.sem_alloc : memref<!tpu.dma_semaphore, #tpu.memory_space<semaphore_mem>>
        %dma_start3A_49 = arith.constant 0 : i32
        %dma_start3A_50 = tpu.memref_slice %arg7[%mul3A_38, %dma_start3A_49] : memref<10240x128xf32, #tpu.memory_space<hbm>> -> memref<640x128xf32, #tpu.memory_space<hbm>>
        %dma_start3A_51 = arith.constant 0 : i32
        %dma_start3A_52 = tpu.memref_slice %arg13[%mul3A_38, %dma_start3A_51] : memref<10240x128xf32, #tpu.memory_space<vmem_shared>> -> memref<640x128xf32, #tpu.memory_space<vmem_shared>>
        tpu.enqueue_dma source(%dma_start3A_52 : memref<640x128xf32, #tpu.memory_space<vmem_shared>>) target(%dma_start3A_50 : memref<640x128xf32, #tpu.memory_space<hbm>>) target_semaphore(%run_scoped3A : memref<!tpu.dma_semaphore, #tpu.memory_space<semaphore_mem>>)
        %dma_wait3A_53 = arith.constant 0 : i32
        %dma_wait3A_54 = tpu.memref_slice %arg7[%mul3A_38, %dma_wait3A_53] : memref<10240x128xf32, #tpu.memory_space<hbm>> -> memref<640x128xf32, #tpu.memory_space<hbm>>
        %dma_wait3A_55 = arith.constant 0 : i32
        %dma_wait3A_56 = tpu.memref_slice %arg13[%mul3A_38, %dma_wait3A_55] : memref<10240x128xf32, #tpu.memory_space<vmem_shared>> -> memref<640x128xf32, #tpu.memory_space<vmem_shared>>
        tpu.wait_dma2 semaphore(%run_scoped3A : memref<!tpu.dma_semaphore, #tpu.memory_space<semaphore_mem>>) src(%dma_wait3A_56 : memref<640x128xf32, #tpu.memory_space<vmem_shared>>) dst(%dma_wait3A_54 : memref<640x128xf32, #tpu.memory_space<hbm>>)
        tpu.yield
      }) : () -> ()
    } else {
    }
    %eq3A_44 = arith.constant 1 : i32
    %eq3A_45 = arith.cmpi eq, %arg0, %eq3A_44 : i32
    %convert_element_type3A_46 = arith.extui %eq3A_45 : i1 to i32
    %cond3A_47 = arith.constant 0 : i32
    %cond3A_48 = arith.cmpi ne, %convert_element_type3A_46, %cond3A_47 : i32
    scf.if %cond3A_48 {
      "tpu.region"() ({
        %run_scoped3A = tpu.sem_alloc : memref<!tpu.dma_semaphore, #tpu.memory_space<semaphore_mem>>
        %dma_start3A_49 = arith.constant 0 : i32
        %dma_start3A_50 = tpu.memref_slice %arg8[%mul3A_38, %dma_start3A_49] : memref<10240x128xf32, #tpu.memory_space<hbm>> -> memref<640x128xf32, #tpu.memory_space<hbm>>
        %dma_start3A_51 = arith.constant 0 : i32
        %dma_start3A_52 = tpu.memref_slice %arg13[%mul3A_38, %dma_start3A_51] : memref<10240x128xf32, #tpu.memory_space<vmem_shared>> -> memref<640x128xf32, #tpu.memory_space<vmem_shared>>
        tpu.enqueue_dma source(%dma_start3A_52 : memref<640x128xf32, #tpu.memory_space<vmem_shared>>) target(%dma_start3A_50 : memref<640x128xf32, #tpu.memory_space<hbm>>) target_semaphore(%run_scoped3A : memref<!tpu.dma_semaphore, #tpu.memory_space<semaphore_mem>>)
        %dma_wait3A_53 = arith.constant 0 : i32
        %dma_wait3A_54 = tpu.memref_slice %arg8[%mul3A_38, %dma_wait3A_53] : memref<10240x128xf32, #tpu.memory_space<hbm>> -> memref<640x128xf32, #tpu.memory_space<hbm>>
        %dma_wait3A_55 = arith.constant 0 : i32
        %dma_wait3A_56 = tpu.memref_slice %arg13[%mul3A_38, %dma_wait3A_55] : memref<10240x128xf32, #tpu.memory_space<vmem_shared>> -> memref<640x128xf32, #tpu.memory_space<vmem_shared>>
        tpu.wait_dma2 semaphore(%run_scoped3A : memref<!tpu.dma_semaphore, #tpu.memory_space<semaphore_mem>>) src(%dma_wait3A_56 : memref<640x128xf32, #tpu.memory_space<vmem_shared>>) dst(%dma_wait3A_54 : memref<640x128xf32, #tpu.memory_space<hbm>>)
        tpu.yield
      }) : () -> ()
    } else {
    }
    return
  }
}

#map = affine_map<(d0, d1) -> (0, 0)>
#map1 = affine_map<(d0, d1) -> (0, 0, 0)>
module attributes {stable_mosaic.version = 14 : i64} {
  func.func @scatter_k(%arg0: i32, %arg1: i32, %arg2: memref<30000x128xf32, #tpu.memory_space<hbm>>, %arg3: memref<30000x128xf32, #tpu.memory_space<hbm>>, %arg4: memref<16x10000xi32, #tpu.memory_space<hbm>>, %arg5: memref<16x125x80xi32, #tpu.memory_space<hbm>>, %arg6: memref<10240x128xf32, #tpu.memory_space<hbm>>, %arg7: memref<10240x128xf32, #tpu.memory_space<hbm>>, %arg8: memref<10240x128xf32, #tpu.memory_space<hbm>>, %arg9: memref<10000xi32, #tpu.memory_space<vmem>>, %arg10: memref<125x80xi32, #tpu.memory_space<vmem>>, %arg11: memref<80x128xf32, #tpu.memory_space<vmem>>, %arg12: memref<80x128xf32, #tpu.memory_space<vmem>>, %arg13: memref<10240x128xf32, #tpu.memory_space<vmem_shared>>, %arg14: memref<!tpu.dma_semaphore, #tpu.memory_space<semaphore_mem>>, %arg15: memref<!tpu.dma_semaphore, #tpu.memory_space<semaphore_mem>>, %arg16: memref<!tpu.dma_semaphore, #tpu.memory_space<semaphore_mem>>, %arg17: memref<!tpu.dma_semaphore, #tpu.memory_space<semaphore_mem>>, %arg18: memref<!tpu.dma_semaphore, #tpu.memory_space<semaphore_mem>>) attributes {dimension_semantics = [#tpu.dimension_semantics<core_parallel>, #tpu.dimension_semantics<subcore_parallel>], iteration_bounds = array<i64: 2, 16>, scalar_prefetch = 0 : i64, scratch_operands = 10 : i64, tpu.core_type = #tpu.core_type<sc_vector_subcore>, window_params = [{transform_indices = #map}, {transform_indices = #map}, {transform_indices = #map}, {transform_indices = #map1}, {transform_indices = #map}, {transform_indices = #map}, {transform_indices = #map}]} {
    %dma_start3A = arith.constant 0 : i32
    %dma_start3A_0 = tpu.memref_slice %arg4[%arg1, %dma_start3A] : memref<16x10000xi32, #tpu.memory_space<hbm>> -> memref<1x10000xi32, #tpu.memory_space<hbm>>
    %dma_start3A_1 = tpu.memref_squeeze %dma_start3A_0 : memref<1x10000xi32, #tpu.memory_space<hbm>> -> memref<10000xi32, #tpu.memory_space<hbm>>
    %dma_start3A_2 = arith.constant 0 : i32
    %dma_start3A_3 = tpu.memref_slice %arg4[%arg1, %dma_start3A_2] : memref<16x10000xi32, #tpu.memory_space<hbm>> -> memref<1x10000xi32, #tpu.memory_space<hbm>>
    %dma_start3A_4 = tpu.memref_squeeze %dma_start3A_3 : memref<1x10000xi32, #tpu.memory_space<hbm>> -> memref<10000xi32, #tpu.memory_space<hbm>>
    tpu.enqueue_dma source(%dma_start3A_4 : memref<10000xi32, #tpu.memory_space<hbm>>) target(%arg9 : memref<10000xi32, #tpu.memory_space<vmem>>) target_semaphore(%arg18 : memref<!tpu.dma_semaphore, #tpu.memory_space<semaphore_mem>>)
    %dma_start3A_5 = arith.constant 0 : i32
    %dma_start3A_6 = arith.constant 0 : i32
    %dma_start3A_7 = tpu.memref_slice %arg5[%arg1, %dma_start3A_5, %dma_start3A_6] : memref<16x125x80xi32, #tpu.memory_space<hbm>> -> memref<1x125x80xi32, #tpu.memory_space<hbm>>
    %dma_start3A_8 = tpu.memref_squeeze %dma_start3A_7 : memref<1x125x80xi32, #tpu.memory_space<hbm>> -> memref<125x80xi32, #tpu.memory_space<hbm>>
    %dma_start3A_9 = arith.constant 0 : i32
    %dma_start3A_10 = arith.constant 0 : i32
    %dma_start3A_11 = tpu.memref_slice %arg5[%arg1, %dma_start3A_9, %dma_start3A_10] : memref<16x125x80xi32, #tpu.memory_space<hbm>> -> memref<1x125x80xi32, #tpu.memory_space<hbm>>
    %dma_start3A_12 = tpu.memref_squeeze %dma_start3A_11 : memref<1x125x80xi32, #tpu.memory_space<hbm>> -> memref<125x80xi32, #tpu.memory_space<hbm>>
    tpu.enqueue_dma source(%dma_start3A_12 : memref<125x80xi32, #tpu.memory_space<hbm>>) target(%arg10 : memref<125x80xi32, #tpu.memory_space<vmem>>) target_semaphore(%arg18 : memref<!tpu.dma_semaphore, #tpu.memory_space<semaphore_mem>>)
    %mul3A = arith.constant 640 : i32
    %mul3A_13 = arith.muli %arg1, %mul3A : i32
    %mul3A_14 = arith.constant 640 : i32
    %mul3A_15 = arith.muli %arg1, %mul3A_14 : i32
    "tpu.region"() ({
      %run_scoped3A = tpu.sem_alloc : memref<!tpu.dma_semaphore, #tpu.memory_space<semaphore_mem>>
      %dma_start3A_49 = arith.constant 0 : i32
      %dma_start3A_50 = tpu.memref_slice %arg13[%mul3A_15, %dma_start3A_49] : memref<10240x128xf32, #tpu.memory_space<vmem_shared>> -> memref<640x128xf32, #tpu.memory_space<vmem_shared>>
      %dma_start3A_51 = arith.constant 0 : i32
      %dma_start3A_52 = tpu.memref_slice %arg6[%mul3A_13, %dma_start3A_51] : memref<10240x128xf32, #tpu.memory_space<hbm>> -> memref<640x128xf32, #tpu.memory_space<hbm>>
      tpu.enqueue_dma source(%dma_start3A_52 : memref<640x128xf32, #tpu.memory_space<hbm>>) target(%dma_start3A_50 : memref<640x128xf32, #tpu.memory_space<vmem_shared>>) target_semaphore(%run_scoped3A : memref<!tpu.dma_semaphore, #tpu.memory_space<semaphore_mem>>)
      %dma_wait3A_53 = arith.constant 0 : i32
      %dma_wait3A_54 = tpu.memref_slice %arg13[%mul3A_15, %dma_wait3A_53] : memref<10240x128xf32, #tpu.memory_space<vmem_shared>> -> memref<640x128xf32, #tpu.memory_space<vmem_shared>>
      %dma_wait3A_55 = arith.constant 0 : i32
      %dma_wait3A_56 = tpu.memref_slice %arg6[%mul3A_13, %dma_wait3A_55] : memref<10240x128xf32, #tpu.memory_space<hbm>> -> memref<640x128xf32, #tpu.memory_space<hbm>>
      tpu.wait_dma2 semaphore(%run_scoped3A : memref<!tpu.dma_semaphore, #tpu.memory_space<semaphore_mem>>) src(%dma_wait3A_56 : memref<640x128xf32, #tpu.memory_space<hbm>>) dst(%dma_wait3A_54 : memref<640x128xf32, #tpu.memory_space<vmem_shared>>)
      tpu.yield
    }) : () -> ()
    %dma_wait3A = arith.constant 0 : i32
    %dma_wait3A_16 = tpu.memref_slice %arg4[%arg1, %dma_wait3A] : memref<16x10000xi32, #tpu.memory_space<hbm>> -> memref<1x10000xi32, #tpu.memory_space<hbm>>
    %dma_wait3A_17 = tpu.memref_squeeze %dma_wait3A_16 : memref<1x10000xi32, #tpu.memory_space<hbm>> -> memref<10000xi32, #tpu.memory_space<hbm>>
    %dma_wait3A_18 = arith.constant 0 : i32
    %dma_wait3A_19 = tpu.memref_slice %arg4[%arg1, %dma_wait3A_18] : memref<16x10000xi32, #tpu.memory_space<hbm>> -> memref<1x10000xi32, #tpu.memory_space<hbm>>
    %dma_wait3A_20 = tpu.memref_squeeze %dma_wait3A_19 : memref<1x10000xi32, #tpu.memory_space<hbm>> -> memref<10000xi32, #tpu.memory_space<hbm>>
    tpu.wait_dma2 semaphore(%arg18 : memref<!tpu.dma_semaphore, #tpu.memory_space<semaphore_mem>>) src(%dma_wait3A_20 : memref<10000xi32, #tpu.memory_space<hbm>>) dst(%arg9 : memref<10000xi32, #tpu.memory_space<vmem>>)
    %dma_wait3A_21 = arith.constant 0 : i32
    %dma_wait3A_22 = arith.constant 0 : i32
    %dma_wait3A_23 = tpu.memref_slice %arg5[%arg1, %dma_wait3A_21, %dma_wait3A_22] : memref<16x125x80xi32, #tpu.memory_space<hbm>> -> memref<1x125x80xi32, #tpu.memory_space<hbm>>
    %dma_wait3A_24 = tpu.memref_squeeze %dma_wait3A_23 : memref<1x125x80xi32, #tpu.memory_space<hbm>> -> memref<125x80xi32, #tpu.memory_space<hbm>>
    %dma_wait3A_25 = arith.constant 0 : i32
    %dma_wait3A_26 = arith.constant 0 : i32
    %dma_wait3A_27 = tpu.memref_slice %arg5[%arg1, %dma_wait3A_25, %dma_wait3A_26] : memref<16x125x80xi32, #tpu.memory_space<hbm>> -> memref<1x125x80xi32, #tpu.memory_space<hbm>>
    %dma_wait3A_28 = tpu.memref_squeeze %dma_wait3A_27 : memref<1x125x80xi32, #tpu.memory_space<hbm>> -> memref<125x80xi32, #tpu.memory_space<hbm>>
    tpu.wait_dma2 semaphore(%arg18 : memref<!tpu.dma_semaphore, #tpu.memory_space<semaphore_mem>>) src(%dma_wait3A_28 : memref<125x80xi32, #tpu.memory_space<hbm>>) dst(%arg10 : memref<125x80xi32, #tpu.memory_space<vmem>>)
    %barrier3A = arith.constant 0 : index
    tpu.barrier barrier_id(%barrier3A)
    %eq3A = arith.constant 0 : i32
    %eq3A_29 = arith.cmpi eq, %arg0, %eq3A : i32
    %convert_element_type3A = arith.extui %eq3A_29 : i1 to i32
    %cond3A = arith.constant 0 : i32
    %cond3A_30 = arith.cmpi ne, %convert_element_type3A, %cond3A : i32
    scf.if %cond3A_30 {
      %dma_start3A_49 = arith.constant 0 : i32
      %dma_start3A_50 = tpu.memref_slice %arg9[%dma_start3A_49] : memref<10000xi32, #tpu.memory_space<vmem>> -> memref<80xi32, #tpu.memory_space<vmem>>
      %dma_start3A_51 = arith.constant 0 : i32
      %dma_start3A_52 = arith.constant 0 : i32
      %dma_start3A_53 = tpu.memref_slice %arg2[%dma_start3A_51, %dma_start3A_52] : memref<30000x128xf32, #tpu.memory_space<hbm>> -> memref<30000x128xf32, #tpu.memory_space<hbm>>
      tpu.enqueue_indirect_dma source(%dma_start3A_53 : memref<30000x128xf32, #tpu.memory_space<hbm>>) target(%arg11 : memref<80x128xf32, #tpu.memory_space<vmem>>) offsets(%dma_start3A_50 : memref<80xi32, #tpu.memory_space<vmem>>) semaphore(%arg14 : memref<!tpu.dma_semaphore, #tpu.memory_space<semaphore_mem>>)
      %scan3A = arith.constant 0 : i32
      %scan3A_54 = arith.constant 62 : i32
      %scan3A_55 = arith.addi %scan3A, %scan3A_54 : i32
      %scan3A_56 = arith.constant 1 : i32
      scf.for %scan3A_70 = %scan3A to %scan3A_55 step %scan3A_56  : i32 {
        %mul3A_71 = arith.constant 2 : i32
        %mul3A_72 = arith.muli %scan3A_70, %mul3A_71 : i32
        %add3A = arith.constant 0 : i32
        %add3A_73 = arith.addi %add3A, %mul3A_72 : i32
        %mul3A_74 = arith.constant 80 : i32
        %mul3A_75 = arith.muli %add3A_73, %mul3A_74 : i32
        %dma_wait3A_76 = tpu.memref_slice %arg9[%mul3A_75] : memref<10000xi32, #tpu.memory_space<vmem>> -> memref<80xi32, #tpu.memory_space<vmem>>
        %dma_wait3A_77 = arith.constant 0 : i32
        %dma_wait3A_78 = arith.constant 0 : i32
        %dma_wait3A_79 = tpu.memref_slice %arg2[%dma_wait3A_77, %dma_wait3A_78] : memref<30000x128xf32, #tpu.memory_space<hbm>> -> memref<30000x128xf32, #tpu.memory_space<hbm>>
        tpu.wait_indirect_dma semaphore(%arg14 : memref<!tpu.dma_semaphore, #tpu.memory_space<semaphore_mem>>) src(%dma_wait3A_79 : memref<30000x128xf32, #tpu.memory_space<hbm>>) dst(%arg11 : memref<80x128xf32, #tpu.memory_space<vmem>>)
        %gt3A = arith.constant 0 : i32
        %gt3A_80 = arith.cmpi sgt, %add3A_73, %gt3A : i32
        %convert_element_type3A_81 = arith.extui %gt3A_80 : i1 to i32
        %cond3A_82 = arith.constant 0 : i32
        %cond3A_83 = arith.cmpi ne, %convert_element_type3A_81, %cond3A_82 : i32
        scf.if %cond3A_83 {
          %sub3A = arith.constant 1 : i32
          %sub3A_128 = arith.subi %add3A_73, %sub3A : i32
          %dma_wait3A_129 = arith.constant 0 : i32
          %dma_wait3A_130 = tpu.memref_slice %arg10[%sub3A_128, %dma_wait3A_129] : memref<125x80xi32, #tpu.memory_space<vmem>> -> memref<1x80xi32, #tpu.memory_space<vmem>>
          %dma_wait3A_131 = tpu.memref_squeeze %dma_wait3A_130 : memref<1x80xi32, #tpu.memory_space<vmem>> -> memref<80xi32, #tpu.memory_space<vmem>>
          %dma_wait3A_132 = arith.constant 0 : i32
          %dma_wait3A_133 = arith.constant 0 : i32
          %dma_wait3A_134 = tpu.memref_slice %arg13[%dma_wait3A_132, %dma_wait3A_133] : memref<10240x128xf32, #tpu.memory_space<vmem_shared>> -> memref<10240x128xf32, #tpu.memory_space<vmem_shared>>
          tpu.wait_indirect_dma semaphore(%arg17 : memref<!tpu.dma_semaphore, #tpu.memory_space<semaphore_mem>>) src(%arg12 : memref<80x128xf32, #tpu.memory_space<vmem>>) dst(%dma_wait3A_134 : memref<10240x128xf32, #tpu.memory_space<vmem_shared>>)
        } else {
        }
        %add3A_84 = arith.constant 1 : i32
        %add3A_85 = arith.addi %add3A_73, %add3A_84 : i32
        %mul3A_86 = arith.constant 80 : i32
        %mul3A_87 = arith.muli %add3A_85, %mul3A_86 : i32
        %dma_start3A_88 = tpu.memref_slice %arg9[%mul3A_87] : memref<10000xi32, #tpu.memory_space<vmem>> -> memref<80xi32, #tpu.memory_space<vmem>>
        %dma_start3A_89 = arith.constant 0 : i32
        %dma_start3A_90 = arith.constant 0 : i32
        %dma_start3A_91 = tpu.memref_slice %arg2[%dma_start3A_89, %dma_start3A_90] : memref<30000x128xf32, #tpu.memory_space<hbm>> -> memref<30000x128xf32, #tpu.memory_space<hbm>>
        tpu.enqueue_indirect_dma source(%dma_start3A_91 : memref<30000x128xf32, #tpu.memory_space<hbm>>) target(%arg12 : memref<80x128xf32, #tpu.memory_space<vmem>>) offsets(%dma_start3A_88 : memref<80xi32, #tpu.memory_space<vmem>>) semaphore(%arg15 : memref<!tpu.dma_semaphore, #tpu.memory_space<semaphore_mem>>)
        %dma_start3A_92 = arith.constant 0 : i32
        %dma_start3A_93 = tpu.memref_slice %arg10[%add3A_73, %dma_start3A_92] : memref<125x80xi32, #tpu.memory_space<vmem>> -> memref<1x80xi32, #tpu.memory_space<vmem>>
        %dma_start3A_94 = tpu.memref_squeeze %dma_start3A_93 : memref<1x80xi32, #tpu.memory_space<vmem>> -> memref<80xi32, #tpu.memory_space<vmem>>
        %dma_start3A_95 = arith.constant 0 : i32
        %dma_start3A_96 = arith.constant 0 : i32
        %dma_start3A_97 = tpu.memref_slice %arg13[%dma_start3A_95, %dma_start3A_96] : memref<10240x128xf32, #tpu.memory_space<vmem_shared>> -> memref<10240x128xf32, #tpu.memory_space<vmem_shared>>
        tpu.enqueue_indirect_dma source(%arg11 : memref<80x128xf32, #tpu.memory_space<vmem>>) target(%dma_start3A_97 : memref<10240x128xf32, #tpu.memory_space<vmem_shared>>) offsets(%dma_start3A_94 : memref<80xi32, #tpu.memory_space<vmem>>) semaphore(%arg16 : memref<!tpu.dma_semaphore, #tpu.memory_space<semaphore_mem>>) {add = true}
        %add3A_98 = arith.constant 1 : i32
        %add3A_99 = arith.addi %add3A_73, %add3A_98 : i32
        %mul3A_100 = arith.constant 80 : i32
        %mul3A_101 = arith.muli %add3A_99, %mul3A_100 : i32
        %dma_wait3A_102 = tpu.memref_slice %arg9[%mul3A_101] : memref<10000xi32, #tpu.memory_space<vmem>> -> memref<80xi32, #tpu.memory_space<vmem>>
        %dma_wait3A_103 = arith.constant 0 : i32
        %dma_wait3A_104 = arith.constant 0 : i32
        %dma_wait3A_105 = tpu.memref_slice %arg2[%dma_wait3A_103, %dma_wait3A_104] : memref<30000x128xf32, #tpu.memory_space<hbm>> -> memref<30000x128xf32, #tpu.memory_space<hbm>>
        tpu.wait_indirect_dma semaphore(%arg15 : memref<!tpu.dma_semaphore, #tpu.memory_space<semaphore_mem>>) src(%dma_wait3A_105 : memref<30000x128xf32, #tpu.memory_space<hbm>>) dst(%arg12 : memref<80x128xf32, #tpu.memory_space<vmem>>)
        %dma_wait3A_106 = arith.constant 0 : i32
        %dma_wait3A_107 = tpu.memref_slice %arg10[%add3A_73, %dma_wait3A_106] : memref<125x80xi32, #tpu.memory_space<vmem>> -> memref<1x80xi32, #tpu.memory_space<vmem>>
        %dma_wait3A_108 = tpu.memref_squeeze %dma_wait3A_107 : memref<1x80xi32, #tpu.memory_space<vmem>> -> memref<80xi32, #tpu.memory_space<vmem>>
        %dma_wait3A_109 = arith.constant 0 : i32
        %dma_wait3A_110 = arith.constant 0 : i32
        %dma_wait3A_111 = tpu.memref_slice %arg13[%dma_wait3A_109, %dma_wait3A_110] : memref<10240x128xf32, #tpu.memory_space<vmem_shared>> -> memref<10240x128xf32, #tpu.memory_space<vmem_shared>>
        tpu.wait_indirect_dma semaphore(%arg16 : memref<!tpu.dma_semaphore, #tpu.memory_space<semaphore_mem>>) src(%arg11 : memref<80x128xf32, #tpu.memory_space<vmem>>) dst(%dma_wait3A_111 : memref<10240x128xf32, #tpu.memory_space<vmem_shared>>)
        %add3A_112 = arith.constant 2 : i32
        %add3A_113 = arith.addi %add3A_73, %add3A_112 : i32
        %mul3A_114 = arith.constant 80 : i32
        %mul3A_115 = arith.muli %add3A_113, %mul3A_114 : i32
        %dma_start3A_116 = tpu.memref_slice %arg9[%mul3A_115] : memref<10000xi32, #tpu.memory_space<vmem>> -> memref<80xi32, #tpu.memory_space<vmem>>
        %dma_start3A_117 = arith.constant 0 : i32
        %dma_start3A_118 = arith.constant 0 : i32
        %dma_start3A_119 = tpu.memref_slice %arg2[%dma_start3A_117, %dma_start3A_118] : memref<30000x128xf32, #tpu.memory_space<hbm>> -> memref<30000x128xf32, #tpu.memory_space<hbm>>
        tpu.enqueue_indirect_dma source(%dma_start3A_119 : memref<30000x128xf32, #tpu.memory_space<hbm>>) target(%arg11 : memref<80x128xf32, #tpu.memory_space<vmem>>) offsets(%dma_start3A_116 : memref<80xi32, #tpu.memory_space<vmem>>) semaphore(%arg14 : memref<!tpu.dma_semaphore, #tpu.memory_space<semaphore_mem>>)
        %add3A_120 = arith.constant 1 : i32
        %add3A_121 = arith.addi %add3A_73, %add3A_120 : i32
        %dma_start3A_122 = arith.constant 0 : i32
        %dma_start3A_123 = tpu.memref_slice %arg10[%add3A_121, %dma_start3A_122] : memref<125x80xi32, #tpu.memory_space<vmem>> -> memref<1x80xi32, #tpu.memory_space<vmem>>
        %dma_start3A_124 = tpu.memref_squeeze %dma_start3A_123 : memref<1x80xi32, #tpu.memory_space<vmem>> -> memref<80xi32, #tpu.memory_space<vmem>>
        %dma_start3A_125 = arith.constant 0 : i32
        %dma_start3A_126 = arith.constant 0 : i32
        %dma_start3A_127 = tpu.memref_slice %arg13[%dma_start3A_125, %dma_start3A_126] : memref<10240x128xf32, #tpu.memory_space<vmem_shared>> -> memref<10240x128xf32, #tpu.memory_space<vmem_shared>>
        tpu.enqueue_indirect_dma source(%arg12 : memref<80x128xf32, #tpu.memory_space<vmem>>) target(%dma_start3A_127 : memref<10240x128xf32, #tpu.memory_space<vmem_shared>>) offsets(%dma_start3A_124 : memref<80xi32, #tpu.memory_space<vmem>>) semaphore(%arg17 : memref<!tpu.dma_semaphore, #tpu.memory_space<semaphore_mem>>) {add = true}
      }
      %scan3A_57 = arith.constant 62 : i32
      %dma_wait3A_58 = arith.constant 9920 : i32
      %dma_wait3A_59 = tpu.memref_slice %arg9[%dma_wait3A_58] : memref<10000xi32, #tpu.memory_space<vmem>> -> memref<80xi32, #tpu.memory_space<vmem>>
      %dma_wait3A_60 = arith.constant 0 : i32
      %dma_wait3A_61 = arith.constant 0 : i32
      %dma_wait3A_62 = tpu.memref_slice %arg2[%dma_wait3A_60, %dma_wait3A_61] : memref<30000x128xf32, #tpu.memory_space<hbm>> -> memref<30000x128xf32, #tpu.memory_space<hbm>>
      tpu.wait_indirect_dma semaphore(%arg14 : memref<!tpu.dma_semaphore, #tpu.memory_space<semaphore_mem>>) src(%dma_wait3A_62 : memref<30000x128xf32, #tpu.memory_space<hbm>>) dst(%arg11 : memref<80x128xf32, #tpu.memory_space<vmem>>)
      %dma_wait3A_63 = arith.constant 123 : i32
      %dma_wait3A_64 = arith.constant 0 : i32
      %dma_wait3A_65 = tpu.memref_slice %arg10[%dma_wait3A_63, %dma_wait3A_64] : memref<125x80xi32, #tpu.memory_space<vmem>> -> memref<1x80xi32, #tpu.memory_space<vmem>>
      %dma_wait3A_66 = tpu.memref_squeeze %dma_wait3A_65 : memref<1x80xi32, #tpu.memory_space<vmem>> -> memref<80xi32, #tpu.memory_space<vmem>>
      %dma_wait3A_67 = arith.constant 0 : i32
      %dma_wait3A_68 = arith.constant 0 : i32
      %dma_wait3A_69 = tpu.memref_slice %arg13[%dma_wait3A_67, %dma_wait3A_68] : memref<10240x128xf32, #tpu.memory_space<vmem_shared>> -> memref<10240x128xf32, #tpu.memory_space<vmem_shared>>
      tpu.wait_indirect_dma semaphore(%arg17 : memref<!tpu.dma_semaphore, #tpu.memory_space<semaphore_mem>>) src(%arg12 : memref<80x128xf32, #tpu.memory_space<vmem>>) dst(%dma_wait3A_69 : memref<10240x128xf32, #tpu.memory_space<vmem_shared>>)
      %run_scoped3A = arith.constant 124 : i32
      "tpu.region"() ({
        %run_scoped3A_70 = tpu.sem_alloc : memref<!tpu.dma_semaphore, #tpu.memory_space<semaphore_mem>>
        %dma_start3A_71 = arith.constant 0 : i32
        %dma_start3A_72 = tpu.memref_slice %arg10[%run_scoped3A, %dma_start3A_71] : memref<125x80xi32, #tpu.memory_space<vmem>> -> memref<1x80xi32, #tpu.memory_space<vmem>>
        %dma_start3A_73 = tpu.memref_squeeze %dma_start3A_72 : memref<1x80xi32, #tpu.memory_space<vmem>> -> memref<80xi32, #tpu.memory_space<vmem>>
        %dma_start3A_74 = arith.constant 0 : i32
        %dma_start3A_75 = arith.constant 0 : i32
        %dma_start3A_76 = tpu.memref_slice %arg13[%dma_start3A_74, %dma_start3A_75] : memref<10240x128xf32, #tpu.memory_space<vmem_shared>> -> memref<10240x128xf32, #tpu.memory_space<vmem_shared>>
        tpu.enqueue_indirect_dma source(%arg11 : memref<80x128xf32, #tpu.memory_space<vmem>>) target(%dma_start3A_76 : memref<10240x128xf32, #tpu.memory_space<vmem_shared>>) offsets(%dma_start3A_73 : memref<80xi32, #tpu.memory_space<vmem>>) semaphore(%run_scoped3A_70 : memref<!tpu.dma_semaphore, #tpu.memory_space<semaphore_mem>>) {add = true}
        %dma_wait3A_77 = arith.constant 0 : i32
        %dma_wait3A_78 = tpu.memref_slice %arg10[%run_scoped3A, %dma_wait3A_77] : memref<125x80xi32, #tpu.memory_space<vmem>> -> memref<1x80xi32, #tpu.memory_space<vmem>>
        %dma_wait3A_79 = tpu.memref_squeeze %dma_wait3A_78 : memref<1x80xi32, #tpu.memory_space<vmem>> -> memref<80xi32, #tpu.memory_space<vmem>>
        %dma_wait3A_80 = arith.constant 0 : i32
        %dma_wait3A_81 = arith.constant 0 : i32
        %dma_wait3A_82 = tpu.memref_slice %arg13[%dma_wait3A_80, %dma_wait3A_81] : memref<10240x128xf32, #tpu.memory_space<vmem_shared>> -> memref<10240x128xf32, #tpu.memory_space<vmem_shared>>
        tpu.wait_indirect_dma semaphore(%run_scoped3A_70 : memref<!tpu.dma_semaphore, #tpu.memory_space<semaphore_mem>>) src(%arg11 : memref<80x128xf32, #tpu.memory_space<vmem>>) dst(%dma_wait3A_82 : memref<10240x128xf32, #tpu.memory_space<vmem_shared>>)
        tpu.yield
      }) : () -> ()
    } else {
    }
    %eq3A_31 = arith.constant 1 : i32
    %eq3A_32 = arith.cmpi eq, %arg0, %eq3A_31 : i32
    %convert_element_type3A_33 = arith.extui %eq3A_32 : i1 to i32
    %cond3A_34 = arith.constant 0 : i32
    %cond3A_35 = arith.cmpi ne, %convert_element_type3A_33, %cond3A_34 : i32
    scf.if %cond3A_35 {
      %dma_start3A_49 = arith.constant 0 : i32
      %dma_start3A_50 = tpu.memref_slice %arg9[%dma_start3A_49] : memref<10000xi32, #tpu.memory_space<vmem>> -> memref<80xi32, #tpu.memory_space<vmem>>
      %dma_start3A_51 = arith.constant 0 : i32
      %dma_start3A_52 = arith.constant 0 : i32
      %dma_start3A_53 = tpu.memref_slice %arg3[%dma_start3A_51, %dma_start3A_52] : memref<30000x128xf32, #tpu.memory_space<hbm>> -> memref<30000x128xf32, #tpu.memory_space<hbm>>
      tpu.enqueue_indirect_dma source(%dma_start3A_53 : memref<30000x128xf32, #tpu.memory_space<hbm>>) target(%arg11 : memref<80x128xf32, #tpu.memory_space<vmem>>) offsets(%dma_start3A_50 : memref<80xi32, #tpu.memory_space<vmem>>) semaphore(%arg14 : memref<!tpu.dma_semaphore, #tpu.memory_space<semaphore_mem>>)
      %scan3A = arith.constant 0 : i32
      %scan3A_54 = arith.constant 62 : i32
      %scan3A_55 = arith.addi %scan3A, %scan3A_54 : i32
      %scan3A_56 = arith.constant 1 : i32
      scf.for %scan3A_70 = %scan3A to %scan3A_55 step %scan3A_56  : i32 {
        %mul3A_71 = arith.constant 2 : i32
        %mul3A_72 = arith.muli %scan3A_70, %mul3A_71 : i32
        %add3A = arith.constant 0 : i32
        %add3A_73 = arith.addi %add3A, %mul3A_72 : i32
        %mul3A_74 = arith.constant 80 : i32
        %mul3A_75 = arith.muli %add3A_73, %mul3A_74 : i32
        %dma_wait3A_76 = tpu.memref_slice %arg9[%mul3A_75] : memref<10000xi32, #tpu.memory_space<vmem>> -> memref<80xi32, #tpu.memory_space<vmem>>
        %dma_wait3A_77 = arith.constant 0 : i32
        %dma_wait3A_78 = arith.constant 0 : i32
        %dma_wait3A_79 = tpu.memref_slice %arg3[%dma_wait3A_77, %dma_wait3A_78] : memref<30000x128xf32, #tpu.memory_space<hbm>> -> memref<30000x128xf32, #tpu.memory_space<hbm>>
        tpu.wait_indirect_dma semaphore(%arg14 : memref<!tpu.dma_semaphore, #tpu.memory_space<semaphore_mem>>) src(%dma_wait3A_79 : memref<30000x128xf32, #tpu.memory_space<hbm>>) dst(%arg11 : memref<80x128xf32, #tpu.memory_space<vmem>>)
        %gt3A = arith.constant 0 : i32
        %gt3A_80 = arith.cmpi sgt, %add3A_73, %gt3A : i32
        %convert_element_type3A_81 = arith.extui %gt3A_80 : i1 to i32
        %cond3A_82 = arith.constant 0 : i32
        %cond3A_83 = arith.cmpi ne, %convert_element_type3A_81, %cond3A_82 : i32
        scf.if %cond3A_83 {
          %sub3A = arith.constant 1 : i32
          %sub3A_128 = arith.subi %add3A_73, %sub3A : i32
          %dma_wait3A_129 = arith.constant 0 : i32
          %dma_wait3A_130 = tpu.memref_slice %arg10[%sub3A_128, %dma_wait3A_129] : memref<125x80xi32, #tpu.memory_space<vmem>> -> memref<1x80xi32, #tpu.memory_space<vmem>>
          %dma_wait3A_131 = tpu.memref_squeeze %dma_wait3A_130 : memref<1x80xi32, #tpu.memory_space<vmem>> -> memref<80xi32, #tpu.memory_space<vmem>>
          %dma_wait3A_132 = arith.constant 0 : i32
          %dma_wait3A_133 = arith.constant 0 : i32
          %dma_wait3A_134 = tpu.memref_slice %arg13[%dma_wait3A_132, %dma_wait3A_133] : memref<10240x128xf32, #tpu.memory_space<vmem_shared>> -> memref<10240x128xf32, #tpu.memory_space<vmem_shared>>
          tpu.wait_indirect_dma semaphore(%arg17 : memref<!tpu.dma_semaphore, #tpu.memory_space<semaphore_mem>>) src(%arg12 : memref<80x128xf32, #tpu.memory_space<vmem>>) dst(%dma_wait3A_134 : memref<10240x128xf32, #tpu.memory_space<vmem_shared>>)
        } else {
        }
        %add3A_84 = arith.constant 1 : i32
        %add3A_85 = arith.addi %add3A_73, %add3A_84 : i32
        %mul3A_86 = arith.constant 80 : i32
        %mul3A_87 = arith.muli %add3A_85, %mul3A_86 : i32
        %dma_start3A_88 = tpu.memref_slice %arg9[%mul3A_87] : memref<10000xi32, #tpu.memory_space<vmem>> -> memref<80xi32, #tpu.memory_space<vmem>>
        %dma_start3A_89 = arith.constant 0 : i32
        %dma_start3A_90 = arith.constant 0 : i32
        %dma_start3A_91 = tpu.memref_slice %arg3[%dma_start3A_89, %dma_start3A_90] : memref<30000x128xf32, #tpu.memory_space<hbm>> -> memref<30000x128xf32, #tpu.memory_space<hbm>>
        tpu.enqueue_indirect_dma source(%dma_start3A_91 : memref<30000x128xf32, #tpu.memory_space<hbm>>) target(%arg12 : memref<80x128xf32, #tpu.memory_space<vmem>>) offsets(%dma_start3A_88 : memref<80xi32, #tpu.memory_space<vmem>>) semaphore(%arg15 : memref<!tpu.dma_semaphore, #tpu.memory_space<semaphore_mem>>)
        %dma_start3A_92 = arith.constant 0 : i32
        %dma_start3A_93 = tpu.memref_slice %arg10[%add3A_73, %dma_start3A_92] : memref<125x80xi32, #tpu.memory_space<vmem>> -> memref<1x80xi32, #tpu.memory_space<vmem>>
        %dma_start3A_94 = tpu.memref_squeeze %dma_start3A_93 : memref<1x80xi32, #tpu.memory_space<vmem>> -> memref<80xi32, #tpu.memory_space<vmem>>
        %dma_start3A_95 = arith.constant 0 : i32
        %dma_start3A_96 = arith.constant 0 : i32
        %dma_start3A_97 = tpu.memref_slice %arg13[%dma_start3A_95, %dma_start3A_96] : memref<10240x128xf32, #tpu.memory_space<vmem_shared>> -> memref<10240x128xf32, #tpu.memory_space<vmem_shared>>
        tpu.enqueue_indirect_dma source(%arg11 : memref<80x128xf32, #tpu.memory_space<vmem>>) target(%dma_start3A_97 : memref<10240x128xf32, #tpu.memory_space<vmem_shared>>) offsets(%dma_start3A_94 : memref<80xi32, #tpu.memory_space<vmem>>) semaphore(%arg16 : memref<!tpu.dma_semaphore, #tpu.memory_space<semaphore_mem>>) {add = true}
        %add3A_98 = arith.constant 1 : i32
        %add3A_99 = arith.addi %add3A_73, %add3A_98 : i32
        %mul3A_100 = arith.constant 80 : i32
        %mul3A_101 = arith.muli %add3A_99, %mul3A_100 : i32
        %dma_wait3A_102 = tpu.memref_slice %arg9[%mul3A_101] : memref<10000xi32, #tpu.memory_space<vmem>> -> memref<80xi32, #tpu.memory_space<vmem>>
        %dma_wait3A_103 = arith.constant 0 : i32
        %dma_wait3A_104 = arith.constant 0 : i32
        %dma_wait3A_105 = tpu.memref_slice %arg3[%dma_wait3A_103, %dma_wait3A_104] : memref<30000x128xf32, #tpu.memory_space<hbm>> -> memref<30000x128xf32, #tpu.memory_space<hbm>>
        tpu.wait_indirect_dma semaphore(%arg15 : memref<!tpu.dma_semaphore, #tpu.memory_space<semaphore_mem>>) src(%dma_wait3A_105 : memref<30000x128xf32, #tpu.memory_space<hbm>>) dst(%arg12 : memref<80x128xf32, #tpu.memory_space<vmem>>)
        %dma_wait3A_106 = arith.constant 0 : i32
        %dma_wait3A_107 = tpu.memref_slice %arg10[%add3A_73, %dma_wait3A_106] : memref<125x80xi32, #tpu.memory_space<vmem>> -> memref<1x80xi32, #tpu.memory_space<vmem>>
        %dma_wait3A_108 = tpu.memref_squeeze %dma_wait3A_107 : memref<1x80xi32, #tpu.memory_space<vmem>> -> memref<80xi32, #tpu.memory_space<vmem>>
        %dma_wait3A_109 = arith.constant 0 : i32
        %dma_wait3A_110 = arith.constant 0 : i32
        %dma_wait3A_111 = tpu.memref_slice %arg13[%dma_wait3A_109, %dma_wait3A_110] : memref<10240x128xf32, #tpu.memory_space<vmem_shared>> -> memref<10240x128xf32, #tpu.memory_space<vmem_shared>>
        tpu.wait_indirect_dma semaphore(%arg16 : memref<!tpu.dma_semaphore, #tpu.memory_space<semaphore_mem>>) src(%arg11 : memref<80x128xf32, #tpu.memory_space<vmem>>) dst(%dma_wait3A_111 : memref<10240x128xf32, #tpu.memory_space<vmem_shared>>)
        %add3A_112 = arith.constant 2 : i32
        %add3A_113 = arith.addi %add3A_73, %add3A_112 : i32
        %mul3A_114 = arith.constant 80 : i32
        %mul3A_115 = arith.muli %add3A_113, %mul3A_114 : i32
        %dma_start3A_116 = tpu.memref_slice %arg9[%mul3A_115] : memref<10000xi32, #tpu.memory_space<vmem>> -> memref<80xi32, #tpu.memory_space<vmem>>
        %dma_start3A_117 = arith.constant 0 : i32
        %dma_start3A_118 = arith.constant 0 : i32
        %dma_start3A_119 = tpu.memref_slice %arg3[%dma_start3A_117, %dma_start3A_118] : memref<30000x128xf32, #tpu.memory_space<hbm>> -> memref<30000x128xf32, #tpu.memory_space<hbm>>
        tpu.enqueue_indirect_dma source(%dma_start3A_119 : memref<30000x128xf32, #tpu.memory_space<hbm>>) target(%arg11 : memref<80x128xf32, #tpu.memory_space<vmem>>) offsets(%dma_start3A_116 : memref<80xi32, #tpu.memory_space<vmem>>) semaphore(%arg14 : memref<!tpu.dma_semaphore, #tpu.memory_space<semaphore_mem>>)
        %add3A_120 = arith.constant 1 : i32
        %add3A_121 = arith.addi %add3A_73, %add3A_120 : i32
        %dma_start3A_122 = arith.constant 0 : i32
        %dma_start3A_123 = tpu.memref_slice %arg10[%add3A_121, %dma_start3A_122] : memref<125x80xi32, #tpu.memory_space<vmem>> -> memref<1x80xi32, #tpu.memory_space<vmem>>
        %dma_start3A_124 = tpu.memref_squeeze %dma_start3A_123 : memref<1x80xi32, #tpu.memory_space<vmem>> -> memref<80xi32, #tpu.memory_space<vmem>>
        %dma_start3A_125 = arith.constant 0 : i32
        %dma_start3A_126 = arith.constant 0 : i32
        %dma_start3A_127 = tpu.memref_slice %arg13[%dma_start3A_125, %dma_start3A_126] : memref<10240x128xf32, #tpu.memory_space<vmem_shared>> -> memref<10240x128xf32, #tpu.memory_space<vmem_shared>>
        tpu.enqueue_indirect_dma source(%arg12 : memref<80x128xf32, #tpu.memory_space<vmem>>) target(%dma_start3A_127 : memref<10240x128xf32, #tpu.memory_space<vmem_shared>>) offsets(%dma_start3A_124 : memref<80xi32, #tpu.memory_space<vmem>>) semaphore(%arg17 : memref<!tpu.dma_semaphore, #tpu.memory_space<semaphore_mem>>) {add = true}
      }
      %scan3A_57 = arith.constant 62 : i32
      %dma_wait3A_58 = arith.constant 9920 : i32
      %dma_wait3A_59 = tpu.memref_slice %arg9[%dma_wait3A_58] : memref<10000xi32, #tpu.memory_space<vmem>> -> memref<80xi32, #tpu.memory_space<vmem>>
      %dma_wait3A_60 = arith.constant 0 : i32
      %dma_wait3A_61 = arith.constant 0 : i32
      %dma_wait3A_62 = tpu.memref_slice %arg3[%dma_wait3A_60, %dma_wait3A_61] : memref<30000x128xf32, #tpu.memory_space<hbm>> -> memref<30000x128xf32, #tpu.memory_space<hbm>>
      tpu.wait_indirect_dma semaphore(%arg14 : memref<!tpu.dma_semaphore, #tpu.memory_space<semaphore_mem>>) src(%dma_wait3A_62 : memref<30000x128xf32, #tpu.memory_space<hbm>>) dst(%arg11 : memref<80x128xf32, #tpu.memory_space<vmem>>)
      %dma_wait3A_63 = arith.constant 123 : i32
      %dma_wait3A_64 = arith.constant 0 : i32
      %dma_wait3A_65 = tpu.memref_slice %arg10[%dma_wait3A_63, %dma_wait3A_64] : memref<125x80xi32, #tpu.memory_space<vmem>> -> memref<1x80xi32, #tpu.memory_space<vmem>>
      %dma_wait3A_66 = tpu.memref_squeeze %dma_wait3A_65 : memref<1x80xi32, #tpu.memory_space<vmem>> -> memref<80xi32, #tpu.memory_space<vmem>>
      %dma_wait3A_67 = arith.constant 0 : i32
      %dma_wait3A_68 = arith.constant 0 : i32
      %dma_wait3A_69 = tpu.memref_slice %arg13[%dma_wait3A_67, %dma_wait3A_68] : memref<10240x128xf32, #tpu.memory_space<vmem_shared>> -> memref<10240x128xf32, #tpu.memory_space<vmem_shared>>
      tpu.wait_indirect_dma semaphore(%arg17 : memref<!tpu.dma_semaphore, #tpu.memory_space<semaphore_mem>>) src(%arg12 : memref<80x128xf32, #tpu.memory_space<vmem>>) dst(%dma_wait3A_69 : memref<10240x128xf32, #tpu.memory_space<vmem_shared>>)
      %run_scoped3A = arith.constant 124 : i32
      "tpu.region"() ({
        %run_scoped3A_70 = tpu.sem_alloc : memref<!tpu.dma_semaphore, #tpu.memory_space<semaphore_mem>>
        %dma_start3A_71 = arith.constant 0 : i32
        %dma_start3A_72 = tpu.memref_slice %arg10[%run_scoped3A, %dma_start3A_71] : memref<125x80xi32, #tpu.memory_space<vmem>> -> memref<1x80xi32, #tpu.memory_space<vmem>>
        %dma_start3A_73 = tpu.memref_squeeze %dma_start3A_72 : memref<1x80xi32, #tpu.memory_space<vmem>> -> memref<80xi32, #tpu.memory_space<vmem>>
        %dma_start3A_74 = arith.constant 0 : i32
        %dma_start3A_75 = arith.constant 0 : i32
        %dma_start3A_76 = tpu.memref_slice %arg13[%dma_start3A_74, %dma_start3A_75] : memref<10240x128xf32, #tpu.memory_space<vmem_shared>> -> memref<10240x128xf32, #tpu.memory_space<vmem_shared>>
        tpu.enqueue_indirect_dma source(%arg11 : memref<80x128xf32, #tpu.memory_space<vmem>>) target(%dma_start3A_76 : memref<10240x128xf32, #tpu.memory_space<vmem_shared>>) offsets(%dma_start3A_73 : memref<80xi32, #tpu.memory_space<vmem>>) semaphore(%run_scoped3A_70 : memref<!tpu.dma_semaphore, #tpu.memory_space<semaphore_mem>>) {add = true}
        %dma_wait3A_77 = arith.constant 0 : i32
        %dma_wait3A_78 = tpu.memref_slice %arg10[%run_scoped3A, %dma_wait3A_77] : memref<125x80xi32, #tpu.memory_space<vmem>> -> memref<1x80xi32, #tpu.memory_space<vmem>>
        %dma_wait3A_79 = tpu.memref_squeeze %dma_wait3A_78 : memref<1x80xi32, #tpu.memory_space<vmem>> -> memref<80xi32, #tpu.memory_space<vmem>>
        %dma_wait3A_80 = arith.constant 0 : i32
        %dma_wait3A_81 = arith.constant 0 : i32
        %dma_wait3A_82 = tpu.memref_slice %arg13[%dma_wait3A_80, %dma_wait3A_81] : memref<10240x128xf32, #tpu.memory_space<vmem_shared>> -> memref<10240x128xf32, #tpu.memory_space<vmem_shared>>
        tpu.wait_indirect_dma semaphore(%run_scoped3A_70 : memref<!tpu.dma_semaphore, #tpu.memory_space<semaphore_mem>>) src(%arg11 : memref<80x128xf32, #tpu.memory_space<vmem>>) dst(%dma_wait3A_82 : memref<10240x128xf32, #tpu.memory_space<vmem_shared>>)
        tpu.yield
      }) : () -> ()
    } else {
    }
    %barrier3A_36 = arith.constant 0 : index
    tpu.barrier barrier_id(%barrier3A_36)
    %mul3A_37 = arith.constant 640 : i32
    %mul3A_38 = arith.muli %arg1, %mul3A_37 : i32
    %eq3A_39 = arith.constant 0 : i32
    %eq3A_40 = arith.cmpi eq, %arg0, %eq3A_39 : i32
    %convert_element_type3A_41 = arith.extui %eq3A_40 : i1 to i32
    %cond3A_42 = arith.constant 0 : i32
    %cond3A_43 = arith.cmpi ne, %convert_element_type3A_41, %cond3A_42 : i32
    scf.if %cond3A_43 {
      "tpu.region"() ({
        %run_scoped3A = tpu.sem_alloc : memref<!tpu.dma_semaphore, #tpu.memory_space<semaphore_mem>>
        %dma_start3A_49 = arith.constant 0 : i32
        %dma_start3A_50 = tpu.memref_slice %arg7[%mul3A_38, %dma_start3A_49] : memref<10240x128xf32, #tpu.memory_space<hbm>> -> memref<640x128xf32, #tpu.memory_space<hbm>>
        %dma_start3A_51 = arith.constant 0 : i32
        %dma_start3A_52 = tpu.memref_slice %arg13[%mul3A_38, %dma_start3A_51] : memref<10240x128xf32, #tpu.memory_space<vmem_shared>> -> memref<640x128xf32, #tpu.memory_space<vmem_shared>>
        tpu.enqueue_dma source(%dma_start3A_52 : memref<640x128xf32, #tpu.memory_space<vmem_shared>>) target(%dma_start3A_50 : memref<640x128xf32, #tpu.memory_space<hbm>>) target_semaphore(%run_scoped3A : memref<!tpu.dma_semaphore, #tpu.memory_space<semaphore_mem>>)
        %dma_wait3A_53 = arith.constant 0 : i32
        %dma_wait3A_54 = tpu.memref_slice %arg7[%mul3A_38, %dma_wait3A_53] : memref<10240x128xf32, #tpu.memory_space<hbm>> -> memref<640x128xf32, #tpu.memory_space<hbm>>
        %dma_wait3A_55 = arith.constant 0 : i32
        %dma_wait3A_56 = tpu.memref_slice %arg13[%mul3A_38, %dma_wait3A_55] : memref<10240x128xf32, #tpu.memory_space<vmem_shared>> -> memref<640x128xf32, #tpu.memory_space<vmem_shared>>
        tpu.wait_dma2 semaphore(%run_scoped3A : memref<!tpu.dma_semaphore, #tpu.memory_space<semaphore_mem>>) src(%dma_wait3A_56 : memref<640x128xf32, #tpu.memory_space<vmem_shared>>) dst(%dma_wait3A_54 : memref<640x128xf32, #tpu.memory_space<hbm>>)
        tpu.yield
      }) : () -> ()
    } else {
    }
    %eq3A_44 = arith.constant 1 : i32
    %eq3A_45 = arith.cmpi eq, %arg0, %eq3A_44 : i32
    %convert_element_type3A_46 = arith.extui %eq3A_45 : i1 to i32
    %cond3A_47 = arith.constant 0 : i32
    %cond3A_48 = arith.cmpi ne, %convert_element_type3A_46, %cond3A_47 : i32
    scf.if %cond3A_48 {
      "tpu.region"() ({
        %run_scoped3A = tpu.sem_alloc : memref<!tpu.dma_semaphore, #tpu.memory_space<semaphore_mem>>
        %dma_start3A_49 = arith.constant 0 : i32
        %dma_start3A_50 = tpu.memref_slice %arg8[%mul3A_38, %dma_start3A_49] : memref<10240x128xf32, #tpu.memory_space<hbm>> -> memref<640x128xf32, #tpu.memory_space<hbm>>
        %dma_start3A_51 = arith.constant 0 : i32
        %dma_start3A_52 = tpu.memref_slice %arg13[%mul3A_38, %dma_start3A_51] : memref<10240x128xf32, #tpu.memory_space<vmem_shared>> -> memref<640x128xf32, #tpu.memory_space<vmem_shared>>
        tpu.enqueue_dma source(%dma_start3A_52 : memref<640x128xf32, #tpu.memory_space<vmem_shared>>) target(%dma_start3A_50 : memref<640x128xf32, #tpu.memory_space<hbm>>) target_semaphore(%run_scoped3A : memref<!tpu.dma_semaphore, #tpu.memory_space<semaphore_mem>>)
        %dma_wait3A_53 = arith.constant 0 : i32
        %dma_wait3A_54 = tpu.memref_slice %arg8[%mul3A_38, %dma_wait3A_53] : memref<10240x128xf32, #tpu.memory_space<hbm>> -> memref<640x128xf32, #tpu.memory_space<hbm>>
        %dma_wait3A_55 = arith.constant 0 : i32
        %dma_wait3A_56 = tpu.memref_slice %arg13[%mul3A_38, %dma_wait3A_55] : memref<10240x128xf32, #tpu.memory_space<vmem_shared>> -> memref<640x128xf32, #tpu.memory_space<vmem_shared>>
        tpu.wait_dma2 semaphore(%run_scoped3A : memref<!tpu.dma_semaphore, #tpu.memory_space<semaphore_mem>>) src(%dma_wait3A_56 : memref<640x128xf32, #tpu.memory_space<vmem_shared>>) dst(%dma_wait3A_54 : memref<640x128xf32, #tpu.memory_space<hbm>>)
        tpu.yield
      }) : () -> ()
    } else {
    }
    return
  }
}

#map = affine_map<(d0, d1) -> (0, 0)>
#map1 = affine_map<(d0, d1) -> (0, 0, 0)>
module attributes {stable_mosaic.version = 14 : i64} {
  func.func @scatter_k(%arg0: i32, %arg1: i32, %arg2: memref<30000x128xf32, #tpu.memory_space<hbm>>, %arg3: memref<30000x128xf32, #tpu.memory_space<hbm>>, %arg4: memref<16x10000xi32, #tpu.memory_space<hbm>>, %arg5: memref<16x125x80xi32, #tpu.memory_space<hbm>>, %arg6: memref<10240x128xf32, #tpu.memory_space<hbm>>, %arg7: memref<10240x128xf32, #tpu.memory_space<hbm>>, %arg8: memref<10240x128xf32, #tpu.memory_space<hbm>>, %arg9: memref<10000xi32, #tpu.memory_space<vmem>>, %arg10: memref<125x80xi32, #tpu.memory_space<vmem>>, %arg11: memref<80x128xf32, #tpu.memory_space<vmem>>, %arg12: memref<80x128xf32, #tpu.memory_space<vmem>>, %arg13: memref<10240x128xf32, #tpu.memory_space<vmem_shared>>, %arg14: memref<!tpu.dma_semaphore, #tpu.memory_space<semaphore_mem>>, %arg15: memref<!tpu.dma_semaphore, #tpu.memory_space<semaphore_mem>>, %arg16: memref<!tpu.dma_semaphore, #tpu.memory_space<semaphore_mem>>, %arg17: memref<!tpu.dma_semaphore, #tpu.memory_space<semaphore_mem>>, %arg18: memref<!tpu.dma_semaphore, #tpu.memory_space<semaphore_mem>>) attributes {dimension_semantics = [#tpu.dimension_semantics<core_parallel>, #tpu.dimension_semantics<subcore_parallel>], iteration_bounds = array<i64: 2, 16>, scalar_prefetch = 0 : i64, scratch_operands = 10 : i64, tpu.core_type = #tpu.core_type<sc_vector_subcore>, window_params = [{transform_indices = #map}, {transform_indices = #map}, {transform_indices = #map}, {transform_indices = #map1}, {transform_indices = #map}, {transform_indices = #map}, {transform_indices = #map}]} {
    %dma_start3A = arith.constant 0 : i32
    %dma_start3A_0 = tpu.memref_slice %arg4[%arg1, %dma_start3A] : memref<16x10000xi32, #tpu.memory_space<hbm>> -> memref<1x10000xi32, #tpu.memory_space<hbm>>
    %dma_start3A_1 = tpu.memref_squeeze %dma_start3A_0 : memref<1x10000xi32, #tpu.memory_space<hbm>> -> memref<10000xi32, #tpu.memory_space<hbm>>
    %dma_start3A_2 = arith.constant 0 : i32
    %dma_start3A_3 = tpu.memref_slice %arg4[%arg1, %dma_start3A_2] : memref<16x10000xi32, #tpu.memory_space<hbm>> -> memref<1x10000xi32, #tpu.memory_space<hbm>>
    %dma_start3A_4 = tpu.memref_squeeze %dma_start3A_3 : memref<1x10000xi32, #tpu.memory_space<hbm>> -> memref<10000xi32, #tpu.memory_space<hbm>>
    tpu.enqueue_dma source(%dma_start3A_4 : memref<10000xi32, #tpu.memory_space<hbm>>) target(%arg9 : memref<10000xi32, #tpu.memory_space<vmem>>) target_semaphore(%arg18 : memref<!tpu.dma_semaphore, #tpu.memory_space<semaphore_mem>>)
    %dma_start3A_5 = arith.constant 0 : i32
    %dma_start3A_6 = arith.constant 0 : i32
    %dma_start3A_7 = tpu.memref_slice %arg5[%arg1, %dma_start3A_5, %dma_start3A_6] : memref<16x125x80xi32, #tpu.memory_space<hbm>> -> memref<1x125x80xi32, #tpu.memory_space<hbm>>
    %dma_start3A_8 = tpu.memref_squeeze %dma_start3A_7 : memref<1x125x80xi32, #tpu.memory_space<hbm>> -> memref<125x80xi32, #tpu.memory_space<hbm>>
    %dma_start3A_9 = arith.constant 0 : i32
    %dma_start3A_10 = arith.constant 0 : i32
    %dma_start3A_11 = tpu.memref_slice %arg5[%arg1, %dma_start3A_9, %dma_start3A_10] : memref<16x125x80xi32, #tpu.memory_space<hbm>> -> memref<1x125x80xi32, #tpu.memory_space<hbm>>
    %dma_start3A_12 = tpu.memref_squeeze %dma_start3A_11 : memref<1x125x80xi32, #tpu.memory_space<hbm>> -> memref<125x80xi32, #tpu.memory_space<hbm>>
    tpu.enqueue_dma source(%dma_start3A_12 : memref<125x80xi32, #tpu.memory_space<hbm>>) target(%arg10 : memref<125x80xi32, #tpu.memory_space<vmem>>) target_semaphore(%arg18 : memref<!tpu.dma_semaphore, #tpu.memory_space<semaphore_mem>>)
    %mul3A = arith.constant 640 : i32
    %mul3A_13 = arith.muli %arg1, %mul3A : i32
    %mul3A_14 = arith.constant 640 : i32
    %mul3A_15 = arith.muli %arg1, %mul3A_14 : i32
    "tpu.region"() ({
      %run_scoped3A = tpu.sem_alloc : memref<!tpu.dma_semaphore, #tpu.memory_space<semaphore_mem>>
      %dma_start3A_49 = arith.constant 0 : i32
      %dma_start3A_50 = tpu.memref_slice %arg13[%mul3A_15, %dma_start3A_49] : memref<10240x128xf32, #tpu.memory_space<vmem_shared>> -> memref<640x128xf32, #tpu.memory_space<vmem_shared>>
      %dma_start3A_51 = arith.constant 0 : i32
      %dma_start3A_52 = tpu.memref_slice %arg6[%mul3A_13, %dma_start3A_51] : memref<10240x128xf32, #tpu.memory_space<hbm>> -> memref<640x128xf32, #tpu.memory_space<hbm>>
      tpu.enqueue_dma source(%dma_start3A_52 : memref<640x128xf32, #tpu.memory_space<hbm>>) target(%dma_start3A_50 : memref<640x128xf32, #tpu.memory_space<vmem_shared>>) target_semaphore(%run_scoped3A : memref<!tpu.dma_semaphore, #tpu.memory_space<semaphore_mem>>)
      %dma_wait3A_53 = arith.constant 0 : i32
      %dma_wait3A_54 = tpu.memref_slice %arg13[%mul3A_15, %dma_wait3A_53] : memref<10240x128xf32, #tpu.memory_space<vmem_shared>> -> memref<640x128xf32, #tpu.memory_space<vmem_shared>>
      %dma_wait3A_55 = arith.constant 0 : i32
      %dma_wait3A_56 = tpu.memref_slice %arg6[%mul3A_13, %dma_wait3A_55] : memref<10240x128xf32, #tpu.memory_space<hbm>> -> memref<640x128xf32, #tpu.memory_space<hbm>>
      tpu.wait_dma2 semaphore(%run_scoped3A : memref<!tpu.dma_semaphore, #tpu.memory_space<semaphore_mem>>) src(%dma_wait3A_56 : memref<640x128xf32, #tpu.memory_space<hbm>>) dst(%dma_wait3A_54 : memref<640x128xf32, #tpu.memory_space<vmem_shared>>)
      tpu.yield
    }) : () -> ()
    %dma_wait3A = arith.constant 0 : i32
    %dma_wait3A_16 = tpu.memref_slice %arg4[%arg1, %dma_wait3A] : memref<16x10000xi32, #tpu.memory_space<hbm>> -> memref<1x10000xi32, #tpu.memory_space<hbm>>
    %dma_wait3A_17 = tpu.memref_squeeze %dma_wait3A_16 : memref<1x10000xi32, #tpu.memory_space<hbm>> -> memref<10000xi32, #tpu.memory_space<hbm>>
    %dma_wait3A_18 = arith.constant 0 : i32
    %dma_wait3A_19 = tpu.memref_slice %arg4[%arg1, %dma_wait3A_18] : memref<16x10000xi32, #tpu.memory_space<hbm>> -> memref<1x10000xi32, #tpu.memory_space<hbm>>
    %dma_wait3A_20 = tpu.memref_squeeze %dma_wait3A_19 : memref<1x10000xi32, #tpu.memory_space<hbm>> -> memref<10000xi32, #tpu.memory_space<hbm>>
    tpu.wait_dma2 semaphore(%arg18 : memref<!tpu.dma_semaphore, #tpu.memory_space<semaphore_mem>>) src(%dma_wait3A_20 : memref<10000xi32, #tpu.memory_space<hbm>>) dst(%arg9 : memref<10000xi32, #tpu.memory_space<vmem>>)
    %dma_wait3A_21 = arith.constant 0 : i32
    %dma_wait3A_22 = arith.constant 0 : i32
    %dma_wait3A_23 = tpu.memref_slice %arg5[%arg1, %dma_wait3A_21, %dma_wait3A_22] : memref<16x125x80xi32, #tpu.memory_space<hbm>> -> memref<1x125x80xi32, #tpu.memory_space<hbm>>
    %dma_wait3A_24 = tpu.memref_squeeze %dma_wait3A_23 : memref<1x125x80xi32, #tpu.memory_space<hbm>> -> memref<125x80xi32, #tpu.memory_space<hbm>>
    %dma_wait3A_25 = arith.constant 0 : i32
    %dma_wait3A_26 = arith.constant 0 : i32
    %dma_wait3A_27 = tpu.memref_slice %arg5[%arg1, %dma_wait3A_25, %dma_wait3A_26] : memref<16x125x80xi32, #tpu.memory_space<hbm>> -> memref<1x125x80xi32, #tpu.memory_space<hbm>>
    %dma_wait3A_28 = tpu.memref_squeeze %dma_wait3A_27 : memref<1x125x80xi32, #tpu.memory_space<hbm>> -> memref<125x80xi32, #tpu.memory_space<hbm>>
    tpu.wait_dma2 semaphore(%arg18 : memref<!tpu.dma_semaphore, #tpu.memory_space<semaphore_mem>>) src(%dma_wait3A_28 : memref<125x80xi32, #tpu.memory_space<hbm>>) dst(%arg10 : memref<125x80xi32, #tpu.memory_space<vmem>>)
    %barrier3A = arith.constant 0 : index
    tpu.barrier barrier_id(%barrier3A)
    %eq3A = arith.constant 0 : i32
    %eq3A_29 = arith.cmpi eq, %arg0, %eq3A : i32
    %convert_element_type3A = arith.extui %eq3A_29 : i1 to i32
    %cond3A = arith.constant 0 : i32
    %cond3A_30 = arith.cmpi ne, %convert_element_type3A, %cond3A : i32
    scf.if %cond3A_30 {
      %dma_start3A_49 = arith.constant 0 : i32
      %dma_start3A_50 = tpu.memref_slice %arg9[%dma_start3A_49] : memref<10000xi32, #tpu.memory_space<vmem>> -> memref<80xi32, #tpu.memory_space<vmem>>
      %dma_start3A_51 = arith.constant 0 : i32
      %dma_start3A_52 = arith.constant 0 : i32
      %dma_start3A_53 = tpu.memref_slice %arg2[%dma_start3A_51, %dma_start3A_52] : memref<30000x128xf32, #tpu.memory_space<hbm>> -> memref<30000x128xf32, #tpu.memory_space<hbm>>
      tpu.enqueue_indirect_dma source(%dma_start3A_53 : memref<30000x128xf32, #tpu.memory_space<hbm>>) target(%arg11 : memref<80x128xf32, #tpu.memory_space<vmem>>) offsets(%dma_start3A_50 : memref<80xi32, #tpu.memory_space<vmem>>) semaphore(%arg14 : memref<!tpu.dma_semaphore, #tpu.memory_space<semaphore_mem>>)
      %scan3A = arith.constant 0 : i32
      %scan3A_54 = arith.constant 62 : i32
      %scan3A_55 = arith.addi %scan3A, %scan3A_54 : i32
      %scan3A_56 = arith.constant 1 : i32
      scf.for %scan3A_70 = %scan3A to %scan3A_55 step %scan3A_56  : i32 {
        %mul3A_71 = arith.constant 2 : i32
        %mul3A_72 = arith.muli %scan3A_70, %mul3A_71 : i32
        %add3A = arith.constant 0 : i32
        %add3A_73 = arith.addi %add3A, %mul3A_72 : i32
        %mul3A_74 = arith.constant 80 : i32
        %mul3A_75 = arith.muli %add3A_73, %mul3A_74 : i32
        %dma_wait3A_76 = tpu.memref_slice %arg9[%mul3A_75] : memref<10000xi32, #tpu.memory_space<vmem>> -> memref<80xi32, #tpu.memory_space<vmem>>
        %dma_wait3A_77 = arith.constant 0 : i32
        %dma_wait3A_78 = arith.constant 0 : i32
        %dma_wait3A_79 = tpu.memref_slice %arg2[%dma_wait3A_77, %dma_wait3A_78] : memref<30000x128xf32, #tpu.memory_space<hbm>> -> memref<30000x128xf32, #tpu.memory_space<hbm>>
        tpu.wait_indirect_dma semaphore(%arg14 : memref<!tpu.dma_semaphore, #tpu.memory_space<semaphore_mem>>) src(%dma_wait3A_79 : memref<30000x128xf32, #tpu.memory_space<hbm>>) dst(%arg11 : memref<80x128xf32, #tpu.memory_space<vmem>>)
        %gt3A = arith.constant 0 : i32
        %gt3A_80 = arith.cmpi sgt, %add3A_73, %gt3A : i32
        %convert_element_type3A_81 = arith.extui %gt3A_80 : i1 to i32
        %cond3A_82 = arith.constant 0 : i32
        %cond3A_83 = arith.cmpi ne, %convert_element_type3A_81, %cond3A_82 : i32
        scf.if %cond3A_83 {
          %sub3A = arith.constant 1 : i32
          %sub3A_128 = arith.subi %add3A_73, %sub3A : i32
          %dma_wait3A_129 = arith.constant 0 : i32
          %dma_wait3A_130 = tpu.memref_slice %arg10[%sub3A_128, %dma_wait3A_129] : memref<125x80xi32, #tpu.memory_space<vmem>> -> memref<1x80xi32, #tpu.memory_space<vmem>>
          %dma_wait3A_131 = tpu.memref_squeeze %dma_wait3A_130 : memref<1x80xi32, #tpu.memory_space<vmem>> -> memref<80xi32, #tpu.memory_space<vmem>>
          %dma_wait3A_132 = arith.constant 0 : i32
          %dma_wait3A_133 = arith.constant 0 : i32
          %dma_wait3A_134 = tpu.memref_slice %arg13[%dma_wait3A_132, %dma_wait3A_133] : memref<10240x128xf32, #tpu.memory_space<vmem_shared>> -> memref<10240x128xf32, #tpu.memory_space<vmem_shared>>
          tpu.wait_indirect_dma semaphore(%arg17 : memref<!tpu.dma_semaphore, #tpu.memory_space<semaphore_mem>>) src(%arg12 : memref<80x128xf32, #tpu.memory_space<vmem>>) dst(%dma_wait3A_134 : memref<10240x128xf32, #tpu.memory_space<vmem_shared>>)
        } else {
        }
        %add3A_84 = arith.constant 1 : i32
        %add3A_85 = arith.addi %add3A_73, %add3A_84 : i32
        %mul3A_86 = arith.constant 80 : i32
        %mul3A_87 = arith.muli %add3A_85, %mul3A_86 : i32
        %dma_start3A_88 = tpu.memref_slice %arg9[%mul3A_87] : memref<10000xi32, #tpu.memory_space<vmem>> -> memref<80xi32, #tpu.memory_space<vmem>>
        %dma_start3A_89 = arith.constant 0 : i32
        %dma_start3A_90 = arith.constant 0 : i32
        %dma_start3A_91 = tpu.memref_slice %arg2[%dma_start3A_89, %dma_start3A_90] : memref<30000x128xf32, #tpu.memory_space<hbm>> -> memref<30000x128xf32, #tpu.memory_space<hbm>>
        tpu.enqueue_indirect_dma source(%dma_start3A_91 : memref<30000x128xf32, #tpu.memory_space<hbm>>) target(%arg12 : memref<80x128xf32, #tpu.memory_space<vmem>>) offsets(%dma_start3A_88 : memref<80xi32, #tpu.memory_space<vmem>>) semaphore(%arg15 : memref<!tpu.dma_semaphore, #tpu.memory_space<semaphore_mem>>)
        %dma_start3A_92 = arith.constant 0 : i32
        %dma_start3A_93 = tpu.memref_slice %arg10[%add3A_73, %dma_start3A_92] : memref<125x80xi32, #tpu.memory_space<vmem>> -> memref<1x80xi32, #tpu.memory_space<vmem>>
        %dma_start3A_94 = tpu.memref_squeeze %dma_start3A_93 : memref<1x80xi32, #tpu.memory_space<vmem>> -> memref<80xi32, #tpu.memory_space<vmem>>
        %dma_start3A_95 = arith.constant 0 : i32
        %dma_start3A_96 = arith.constant 0 : i32
        %dma_start3A_97 = tpu.memref_slice %arg13[%dma_start3A_95, %dma_start3A_96] : memref<10240x128xf32, #tpu.memory_space<vmem_shared>> -> memref<10240x128xf32, #tpu.memory_space<vmem_shared>>
        tpu.enqueue_indirect_dma source(%arg11 : memref<80x128xf32, #tpu.memory_space<vmem>>) target(%dma_start3A_97 : memref<10240x128xf32, #tpu.memory_space<vmem_shared>>) offsets(%dma_start3A_94 : memref<80xi32, #tpu.memory_space<vmem>>) semaphore(%arg16 : memref<!tpu.dma_semaphore, #tpu.memory_space<semaphore_mem>>) {add = true}
        %add3A_98 = arith.constant 1 : i32
        %add3A_99 = arith.addi %add3A_73, %add3A_98 : i32
        %mul3A_100 = arith.constant 80 : i32
        %mul3A_101 = arith.muli %add3A_99, %mul3A_100 : i32
        %dma_wait3A_102 = tpu.memref_slice %arg9[%mul3A_101] : memref<10000xi32, #tpu.memory_space<vmem>> -> memref<80xi32, #tpu.memory_space<vmem>>
        %dma_wait3A_103 = arith.constant 0 : i32
        %dma_wait3A_104 = arith.constant 0 : i32
        %dma_wait3A_105 = tpu.memref_slice %arg2[%dma_wait3A_103, %dma_wait3A_104] : memref<30000x128xf32, #tpu.memory_space<hbm>> -> memref<30000x128xf32, #tpu.memory_space<hbm>>
        tpu.wait_indirect_dma semaphore(%arg15 : memref<!tpu.dma_semaphore, #tpu.memory_space<semaphore_mem>>) src(%dma_wait3A_105 : memref<30000x128xf32, #tpu.memory_space<hbm>>) dst(%arg12 : memref<80x128xf32, #tpu.memory_space<vmem>>)
        %dma_wait3A_106 = arith.constant 0 : i32
        %dma_wait3A_107 = tpu.memref_slice %arg10[%add3A_73, %dma_wait3A_106] : memref<125x80xi32, #tpu.memory_space<vmem>> -> memref<1x80xi32, #tpu.memory_space<vmem>>
        %dma_wait3A_108 = tpu.memref_squeeze %dma_wait3A_107 : memref<1x80xi32, #tpu.memory_space<vmem>> -> memref<80xi32, #tpu.memory_space<vmem>>
        %dma_wait3A_109 = arith.constant 0 : i32
        %dma_wait3A_110 = arith.constant 0 : i32
        %dma_wait3A_111 = tpu.memref_slice %arg13[%dma_wait3A_109, %dma_wait3A_110] : memref<10240x128xf32, #tpu.memory_space<vmem_shared>> -> memref<10240x128xf32, #tpu.memory_space<vmem_shared>>
        tpu.wait_indirect_dma semaphore(%arg16 : memref<!tpu.dma_semaphore, #tpu.memory_space<semaphore_mem>>) src(%arg11 : memref<80x128xf32, #tpu.memory_space<vmem>>) dst(%dma_wait3A_111 : memref<10240x128xf32, #tpu.memory_space<vmem_shared>>)
        %add3A_112 = arith.constant 2 : i32
        %add3A_113 = arith.addi %add3A_73, %add3A_112 : i32
        %mul3A_114 = arith.constant 80 : i32
        %mul3A_115 = arith.muli %add3A_113, %mul3A_114 : i32
        %dma_start3A_116 = tpu.memref_slice %arg9[%mul3A_115] : memref<10000xi32, #tpu.memory_space<vmem>> -> memref<80xi32, #tpu.memory_space<vmem>>
        %dma_start3A_117 = arith.constant 0 : i32
        %dma_start3A_118 = arith.constant 0 : i32
        %dma_start3A_119 = tpu.memref_slice %arg2[%dma_start3A_117, %dma_start3A_118] : memref<30000x128xf32, #tpu.memory_space<hbm>> -> memref<30000x128xf32, #tpu.memory_space<hbm>>
        tpu.enqueue_indirect_dma source(%dma_start3A_119 : memref<30000x128xf32, #tpu.memory_space<hbm>>) target(%arg11 : memref<80x128xf32, #tpu.memory_space<vmem>>) offsets(%dma_start3A_116 : memref<80xi32, #tpu.memory_space<vmem>>) semaphore(%arg14 : memref<!tpu.dma_semaphore, #tpu.memory_space<semaphore_mem>>)
        %add3A_120 = arith.constant 1 : i32
        %add3A_121 = arith.addi %add3A_73, %add3A_120 : i32
        %dma_start3A_122 = arith.constant 0 : i32
        %dma_start3A_123 = tpu.memref_slice %arg10[%add3A_121, %dma_start3A_122] : memref<125x80xi32, #tpu.memory_space<vmem>> -> memref<1x80xi32, #tpu.memory_space<vmem>>
        %dma_start3A_124 = tpu.memref_squeeze %dma_start3A_123 : memref<1x80xi32, #tpu.memory_space<vmem>> -> memref<80xi32, #tpu.memory_space<vmem>>
        %dma_start3A_125 = arith.constant 0 : i32
        %dma_start3A_126 = arith.constant 0 : i32
        %dma_start3A_127 = tpu.memref_slice %arg13[%dma_start3A_125, %dma_start3A_126] : memref<10240x128xf32, #tpu.memory_space<vmem_shared>> -> memref<10240x128xf32, #tpu.memory_space<vmem_shared>>
        tpu.enqueue_indirect_dma source(%arg12 : memref<80x128xf32, #tpu.memory_space<vmem>>) target(%dma_start3A_127 : memref<10240x128xf32, #tpu.memory_space<vmem_shared>>) offsets(%dma_start3A_124 : memref<80xi32, #tpu.memory_space<vmem>>) semaphore(%arg17 : memref<!tpu.dma_semaphore, #tpu.memory_space<semaphore_mem>>) {add = true}
      }
      %scan3A_57 = arith.constant 62 : i32
      %dma_wait3A_58 = arith.constant 9920 : i32
      %dma_wait3A_59 = tpu.memref_slice %arg9[%dma_wait3A_58] : memref<10000xi32, #tpu.memory_space<vmem>> -> memref<80xi32, #tpu.memory_space<vmem>>
      %dma_wait3A_60 = arith.constant 0 : i32
      %dma_wait3A_61 = arith.constant 0 : i32
      %dma_wait3A_62 = tpu.memref_slice %arg2[%dma_wait3A_60, %dma_wait3A_61] : memref<30000x128xf32, #tpu.memory_space<hbm>> -> memref<30000x128xf32, #tpu.memory_space<hbm>>
      tpu.wait_indirect_dma semaphore(%arg14 : memref<!tpu.dma_semaphore, #tpu.memory_space<semaphore_mem>>) src(%dma_wait3A_62 : memref<30000x128xf32, #tpu.memory_space<hbm>>) dst(%arg11 : memref<80x128xf32, #tpu.memory_space<vmem>>)
      %dma_wait3A_63 = arith.constant 123 : i32
      %dma_wait3A_64 = arith.constant 0 : i32
      %dma_wait3A_65 = tpu.memref_slice %arg10[%dma_wait3A_63, %dma_wait3A_64] : memref<125x80xi32, #tpu.memory_space<vmem>> -> memref<1x80xi32, #tpu.memory_space<vmem>>
      %dma_wait3A_66 = tpu.memref_squeeze %dma_wait3A_65 : memref<1x80xi32, #tpu.memory_space<vmem>> -> memref<80xi32, #tpu.memory_space<vmem>>
      %dma_wait3A_67 = arith.constant 0 : i32
      %dma_wait3A_68 = arith.constant 0 : i32
      %dma_wait3A_69 = tpu.memref_slice %arg13[%dma_wait3A_67, %dma_wait3A_68] : memref<10240x128xf32, #tpu.memory_space<vmem_shared>> -> memref<10240x128xf32, #tpu.memory_space<vmem_shared>>
      tpu.wait_indirect_dma semaphore(%arg17 : memref<!tpu.dma_semaphore, #tpu.memory_space<semaphore_mem>>) src(%arg12 : memref<80x128xf32, #tpu.memory_space<vmem>>) dst(%dma_wait3A_69 : memref<10240x128xf32, #tpu.memory_space<vmem_shared>>)
      %run_scoped3A = arith.constant 124 : i32
      "tpu.region"() ({
        %run_scoped3A_70 = tpu.sem_alloc : memref<!tpu.dma_semaphore, #tpu.memory_space<semaphore_mem>>
        %dma_start3A_71 = arith.constant 0 : i32
        %dma_start3A_72 = tpu.memref_slice %arg10[%run_scoped3A, %dma_start3A_71] : memref<125x80xi32, #tpu.memory_space<vmem>> -> memref<1x80xi32, #tpu.memory_space<vmem>>
        %dma_start3A_73 = tpu.memref_squeeze %dma_start3A_72 : memref<1x80xi32, #tpu.memory_space<vmem>> -> memref<80xi32, #tpu.memory_space<vmem>>
        %dma_start3A_74 = arith.constant 0 : i32
        %dma_start3A_75 = arith.constant 0 : i32
        %dma_start3A_76 = tpu.memref_slice %arg13[%dma_start3A_74, %dma_start3A_75] : memref<10240x128xf32, #tpu.memory_space<vmem_shared>> -> memref<10240x128xf32, #tpu.memory_space<vmem_shared>>
        tpu.enqueue_indirect_dma source(%arg11 : memref<80x128xf32, #tpu.memory_space<vmem>>) target(%dma_start3A_76 : memref<10240x128xf32, #tpu.memory_space<vmem_shared>>) offsets(%dma_start3A_73 : memref<80xi32, #tpu.memory_space<vmem>>) semaphore(%run_scoped3A_70 : memref<!tpu.dma_semaphore, #tpu.memory_space<semaphore_mem>>) {add = true}
        %dma_wait3A_77 = arith.constant 0 : i32
        %dma_wait3A_78 = tpu.memref_slice %arg10[%run_scoped3A, %dma_wait3A_77] : memref<125x80xi32, #tpu.memory_space<vmem>> -> memref<1x80xi32, #tpu.memory_space<vmem>>
        %dma_wait3A_79 = tpu.memref_squeeze %dma_wait3A_78 : memref<1x80xi32, #tpu.memory_space<vmem>> -> memref<80xi32, #tpu.memory_space<vmem>>
        %dma_wait3A_80 = arith.constant 0 : i32
        %dma_wait3A_81 = arith.constant 0 : i32
        %dma_wait3A_82 = tpu.memref_slice %arg13[%dma_wait3A_80, %dma_wait3A_81] : memref<10240x128xf32, #tpu.memory_space<vmem_shared>> -> memref<10240x128xf32, #tpu.memory_space<vmem_shared>>
        tpu.wait_indirect_dma semaphore(%run_scoped3A_70 : memref<!tpu.dma_semaphore, #tpu.memory_space<semaphore_mem>>) src(%arg11 : memref<80x128xf32, #tpu.memory_space<vmem>>) dst(%dma_wait3A_82 : memref<10240x128xf32, #tpu.memory_space<vmem_shared>>)
        tpu.yield
      }) : () -> ()
    } else {
    }
    %eq3A_31 = arith.constant 1 : i32
    %eq3A_32 = arith.cmpi eq, %arg0, %eq3A_31 : i32
    %convert_element_type3A_33 = arith.extui %eq3A_32 : i1 to i32
    %cond3A_34 = arith.constant 0 : i32
    %cond3A_35 = arith.cmpi ne, %convert_element_type3A_33, %cond3A_34 : i32
    scf.if %cond3A_35 {
      %dma_start3A_49 = arith.constant 0 : i32
      %dma_start3A_50 = tpu.memref_slice %arg9[%dma_start3A_49] : memref<10000xi32, #tpu.memory_space<vmem>> -> memref<80xi32, #tpu.memory_space<vmem>>
      %dma_start3A_51 = arith.constant 0 : i32
      %dma_start3A_52 = arith.constant 0 : i32
      %dma_start3A_53 = tpu.memref_slice %arg3[%dma_start3A_51, %dma_start3A_52] : memref<30000x128xf32, #tpu.memory_space<hbm>> -> memref<30000x128xf32, #tpu.memory_space<hbm>>
      tpu.enqueue_indirect_dma source(%dma_start3A_53 : memref<30000x128xf32, #tpu.memory_space<hbm>>) target(%arg11 : memref<80x128xf32, #tpu.memory_space<vmem>>) offsets(%dma_start3A_50 : memref<80xi32, #tpu.memory_space<vmem>>) semaphore(%arg14 : memref<!tpu.dma_semaphore, #tpu.memory_space<semaphore_mem>>)
      %scan3A = arith.constant 0 : i32
      %scan3A_54 = arith.constant 62 : i32
      %scan3A_55 = arith.addi %scan3A, %scan3A_54 : i32
      %scan3A_56 = arith.constant 1 : i32
      scf.for %scan3A_70 = %scan3A to %scan3A_55 step %scan3A_56  : i32 {
        %mul3A_71 = arith.constant 2 : i32
        %mul3A_72 = arith.muli %scan3A_70, %mul3A_71 : i32
        %add3A = arith.constant 0 : i32
        %add3A_73 = arith.addi %add3A, %mul3A_72 : i32
        %mul3A_74 = arith.constant 80 : i32
        %mul3A_75 = arith.muli %add3A_73, %mul3A_74 : i32
        %dma_wait3A_76 = tpu.memref_slice %arg9[%mul3A_75] : memref<10000xi32, #tpu.memory_space<vmem>> -> memref<80xi32, #tpu.memory_space<vmem>>
        %dma_wait3A_77 = arith.constant 0 : i32
        %dma_wait3A_78 = arith.constant 0 : i32
        %dma_wait3A_79 = tpu.memref_slice %arg3[%dma_wait3A_77, %dma_wait3A_78] : memref<30000x128xf32, #tpu.memory_space<hbm>> -> memref<30000x128xf32, #tpu.memory_space<hbm>>
        tpu.wait_indirect_dma semaphore(%arg14 : memref<!tpu.dma_semaphore, #tpu.memory_space<semaphore_mem>>) src(%dma_wait3A_79 : memref<30000x128xf32, #tpu.memory_space<hbm>>) dst(%arg11 : memref<80x128xf32, #tpu.memory_space<vmem>>)
        %gt3A = arith.constant 0 : i32
        %gt3A_80 = arith.cmpi sgt, %add3A_73, %gt3A : i32
        %convert_element_type3A_81 = arith.extui %gt3A_80 : i1 to i32
        %cond3A_82 = arith.constant 0 : i32
        %cond3A_83 = arith.cmpi ne, %convert_element_type3A_81, %cond3A_82 : i32
        scf.if %cond3A_83 {
          %sub3A = arith.constant 1 : i32
          %sub3A_128 = arith.subi %add3A_73, %sub3A : i32
          %dma_wait3A_129 = arith.constant 0 : i32
          %dma_wait3A_130 = tpu.memref_slice %arg10[%sub3A_128, %dma_wait3A_129] : memref<125x80xi32, #tpu.memory_space<vmem>> -> memref<1x80xi32, #tpu.memory_space<vmem>>
          %dma_wait3A_131 = tpu.memref_squeeze %dma_wait3A_130 : memref<1x80xi32, #tpu.memory_space<vmem>> -> memref<80xi32, #tpu.memory_space<vmem>>
          %dma_wait3A_132 = arith.constant 0 : i32
          %dma_wait3A_133 = arith.constant 0 : i32
          %dma_wait3A_134 = tpu.memref_slice %arg13[%dma_wait3A_132, %dma_wait3A_133] : memref<10240x128xf32, #tpu.memory_space<vmem_shared>> -> memref<10240x128xf32, #tpu.memory_space<vmem_shared>>
          tpu.wait_indirect_dma semaphore(%arg17 : memref<!tpu.dma_semaphore, #tpu.memory_space<semaphore_mem>>) src(%arg12 : memref<80x128xf32, #tpu.memory_space<vmem>>) dst(%dma_wait3A_134 : memref<10240x128xf32, #tpu.memory_space<vmem_shared>>)
        } else {
        }
        %add3A_84 = arith.constant 1 : i32
        %add3A_85 = arith.addi %add3A_73, %add3A_84 : i32
        %mul3A_86 = arith.constant 80 : i32
        %mul3A_87 = arith.muli %add3A_85, %mul3A_86 : i32
        %dma_start3A_88 = tpu.memref_slice %arg9[%mul3A_87] : memref<10000xi32, #tpu.memory_space<vmem>> -> memref<80xi32, #tpu.memory_space<vmem>>
        %dma_start3A_89 = arith.constant 0 : i32
        %dma_start3A_90 = arith.constant 0 : i32
        %dma_start3A_91 = tpu.memref_slice %arg3[%dma_start3A_89, %dma_start3A_90] : memref<30000x128xf32, #tpu.memory_space<hbm>> -> memref<30000x128xf32, #tpu.memory_space<hbm>>
        tpu.enqueue_indirect_dma source(%dma_start3A_91 : memref<30000x128xf32, #tpu.memory_space<hbm>>) target(%arg12 : memref<80x128xf32, #tpu.memory_space<vmem>>) offsets(%dma_start3A_88 : memref<80xi32, #tpu.memory_space<vmem>>) semaphore(%arg15 : memref<!tpu.dma_semaphore, #tpu.memory_space<semaphore_mem>>)
        %dma_start3A_92 = arith.constant 0 : i32
        %dma_start3A_93 = tpu.memref_slice %arg10[%add3A_73, %dma_start3A_92] : memref<125x80xi32, #tpu.memory_space<vmem>> -> memref<1x80xi32, #tpu.memory_space<vmem>>
        %dma_start3A_94 = tpu.memref_squeeze %dma_start3A_93 : memref<1x80xi32, #tpu.memory_space<vmem>> -> memref<80xi32, #tpu.memory_space<vmem>>
        %dma_start3A_95 = arith.constant 0 : i32
        %dma_start3A_96 = arith.constant 0 : i32
        %dma_start3A_97 = tpu.memref_slice %arg13[%dma_start3A_95, %dma_start3A_96] : memref<10240x128xf32, #tpu.memory_space<vmem_shared>> -> memref<10240x128xf32, #tpu.memory_space<vmem_shared>>
        tpu.enqueue_indirect_dma source(%arg11 : memref<80x128xf32, #tpu.memory_space<vmem>>) target(%dma_start3A_97 : memref<10240x128xf32, #tpu.memory_space<vmem_shared>>) offsets(%dma_start3A_94 : memref<80xi32, #tpu.memory_space<vmem>>) semaphore(%arg16 : memref<!tpu.dma_semaphore, #tpu.memory_space<semaphore_mem>>) {add = true}
        %add3A_98 = arith.constant 1 : i32
        %add3A_99 = arith.addi %add3A_73, %add3A_98 : i32
        %mul3A_100 = arith.constant 80 : i32
        %mul3A_101 = arith.muli %add3A_99, %mul3A_100 : i32
        %dma_wait3A_102 = tpu.memref_slice %arg9[%mul3A_101] : memref<10000xi32, #tpu.memory_space<vmem>> -> memref<80xi32, #tpu.memory_space<vmem>>
        %dma_wait3A_103 = arith.constant 0 : i32
        %dma_wait3A_104 = arith.constant 0 : i32
        %dma_wait3A_105 = tpu.memref_slice %arg3[%dma_wait3A_103, %dma_wait3A_104] : memref<30000x128xf32, #tpu.memory_space<hbm>> -> memref<30000x128xf32, #tpu.memory_space<hbm>>
        tpu.wait_indirect_dma semaphore(%arg15 : memref<!tpu.dma_semaphore, #tpu.memory_space<semaphore_mem>>) src(%dma_wait3A_105 : memref<30000x128xf32, #tpu.memory_space<hbm>>) dst(%arg12 : memref<80x128xf32, #tpu.memory_space<vmem>>)
        %dma_wait3A_106 = arith.constant 0 : i32
        %dma_wait3A_107 = tpu.memref_slice %arg10[%add3A_73, %dma_wait3A_106] : memref<125x80xi32, #tpu.memory_space<vmem>> -> memref<1x80xi32, #tpu.memory_space<vmem>>
        %dma_wait3A_108 = tpu.memref_squeeze %dma_wait3A_107 : memref<1x80xi32, #tpu.memory_space<vmem>> -> memref<80xi32, #tpu.memory_space<vmem>>
        %dma_wait3A_109 = arith.constant 0 : i32
        %dma_wait3A_110 = arith.constant 0 : i32
        %dma_wait3A_111 = tpu.memref_slice %arg13[%dma_wait3A_109, %dma_wait3A_110] : memref<10240x128xf32, #tpu.memory_space<vmem_shared>> -> memref<10240x128xf32, #tpu.memory_space<vmem_shared>>
        tpu.wait_indirect_dma semaphore(%arg16 : memref<!tpu.dma_semaphore, #tpu.memory_space<semaphore_mem>>) src(%arg11 : memref<80x128xf32, #tpu.memory_space<vmem>>) dst(%dma_wait3A_111 : memref<10240x128xf32, #tpu.memory_space<vmem_shared>>)
        %add3A_112 = arith.constant 2 : i32
        %add3A_113 = arith.addi %add3A_73, %add3A_112 : i32
        %mul3A_114 = arith.constant 80 : i32
        %mul3A_115 = arith.muli %add3A_113, %mul3A_114 : i32
        %dma_start3A_116 = tpu.memref_slice %arg9[%mul3A_115] : memref<10000xi32, #tpu.memory_space<vmem>> -> memref<80xi32, #tpu.memory_space<vmem>>
        %dma_start3A_117 = arith.constant 0 : i32
        %dma_start3A_118 = arith.constant 0 : i32
        %dma_start3A_119 = tpu.memref_slice %arg3[%dma_start3A_117, %dma_start3A_118] : memref<30000x128xf32, #tpu.memory_space<hbm>> -> memref<30000x128xf32, #tpu.memory_space<hbm>>
        tpu.enqueue_indirect_dma source(%dma_start3A_119 : memref<30000x128xf32, #tpu.memory_space<hbm>>) target(%arg11 : memref<80x128xf32, #tpu.memory_space<vmem>>) offsets(%dma_start3A_116 : memref<80xi32, #tpu.memory_space<vmem>>) semaphore(%arg14 : memref<!tpu.dma_semaphore, #tpu.memory_space<semaphore_mem>>)
        %add3A_120 = arith.constant 1 : i32
        %add3A_121 = arith.addi %add3A_73, %add3A_120 : i32
        %dma_start3A_122 = arith.constant 0 : i32
        %dma_start3A_123 = tpu.memref_slice %arg10[%add3A_121, %dma_start3A_122] : memref<125x80xi32, #tpu.memory_space<vmem>> -> memref<1x80xi32, #tpu.memory_space<vmem>>
        %dma_start3A_124 = tpu.memref_squeeze %dma_start3A_123 : memref<1x80xi32, #tpu.memory_space<vmem>> -> memref<80xi32, #tpu.memory_space<vmem>>
        %dma_start3A_125 = arith.constant 0 : i32
        %dma_start3A_126 = arith.constant 0 : i32
        %dma_start3A_127 = tpu.memref_slice %arg13[%dma_start3A_125, %dma_start3A_126] : memref<10240x128xf32, #tpu.memory_space<vmem_shared>> -> memref<10240x128xf32, #tpu.memory_space<vmem_shared>>
        tpu.enqueue_indirect_dma source(%arg12 : memref<80x128xf32, #tpu.memory_space<vmem>>) target(%dma_start3A_127 : memref<10240x128xf32, #tpu.memory_space<vmem_shared>>) offsets(%dma_start3A_124 : memref<80xi32, #tpu.memory_space<vmem>>) semaphore(%arg17 : memref<!tpu.dma_semaphore, #tpu.memory_space<semaphore_mem>>) {add = true}
      }
      %scan3A_57 = arith.constant 62 : i32
      %dma_wait3A_58 = arith.constant 9920 : i32
      %dma_wait3A_59 = tpu.memref_slice %arg9[%dma_wait3A_58] : memref<10000xi32, #tpu.memory_space<vmem>> -> memref<80xi32, #tpu.memory_space<vmem>>
      %dma_wait3A_60 = arith.constant 0 : i32
      %dma_wait3A_61 = arith.constant 0 : i32
      %dma_wait3A_62 = tpu.memref_slice %arg3[%dma_wait3A_60, %dma_wait3A_61] : memref<30000x128xf32, #tpu.memory_space<hbm>> -> memref<30000x128xf32, #tpu.memory_space<hbm>>
      tpu.wait_indirect_dma semaphore(%arg14 : memref<!tpu.dma_semaphore, #tpu.memory_space<semaphore_mem>>) src(%dma_wait3A_62 : memref<30000x128xf32, #tpu.memory_space<hbm>>) dst(%arg11 : memref<80x128xf32, #tpu.memory_space<vmem>>)
      %dma_wait3A_63 = arith.constant 123 : i32
      %dma_wait3A_64 = arith.constant 0 : i32
      %dma_wait3A_65 = tpu.memref_slice %arg10[%dma_wait3A_63, %dma_wait3A_64] : memref<125x80xi32, #tpu.memory_space<vmem>> -> memref<1x80xi32, #tpu.memory_space<vmem>>
      %dma_wait3A_66 = tpu.memref_squeeze %dma_wait3A_65 : memref<1x80xi32, #tpu.memory_space<vmem>> -> memref<80xi32, #tpu.memory_space<vmem>>
      %dma_wait3A_67 = arith.constant 0 : i32
      %dma_wait3A_68 = arith.constant 0 : i32
      %dma_wait3A_69 = tpu.memref_slice %arg13[%dma_wait3A_67, %dma_wait3A_68] : memref<10240x128xf32, #tpu.memory_space<vmem_shared>> -> memref<10240x128xf32, #tpu.memory_space<vmem_shared>>
      tpu.wait_indirect_dma semaphore(%arg17 : memref<!tpu.dma_semaphore, #tpu.memory_space<semaphore_mem>>) src(%arg12 : memref<80x128xf32, #tpu.memory_space<vmem>>) dst(%dma_wait3A_69 : memref<10240x128xf32, #tpu.memory_space<vmem_shared>>)
      %run_scoped3A = arith.constant 124 : i32
      "tpu.region"() ({
        %run_scoped3A_70 = tpu.sem_alloc : memref<!tpu.dma_semaphore, #tpu.memory_space<semaphore_mem>>
        %dma_start3A_71 = arith.constant 0 : i32
        %dma_start3A_72 = tpu.memref_slice %arg10[%run_scoped3A, %dma_start3A_71] : memref<125x80xi32, #tpu.memory_space<vmem>> -> memref<1x80xi32, #tpu.memory_space<vmem>>
        %dma_start3A_73 = tpu.memref_squeeze %dma_start3A_72 : memref<1x80xi32, #tpu.memory_space<vmem>> -> memref<80xi32, #tpu.memory_space<vmem>>
        %dma_start3A_74 = arith.constant 0 : i32
        %dma_start3A_75 = arith.constant 0 : i32
        %dma_start3A_76 = tpu.memref_slice %arg13[%dma_start3A_74, %dma_start3A_75] : memref<10240x128xf32, #tpu.memory_space<vmem_shared>> -> memref<10240x128xf32, #tpu.memory_space<vmem_shared>>
        tpu.enqueue_indirect_dma source(%arg11 : memref<80x128xf32, #tpu.memory_space<vmem>>) target(%dma_start3A_76 : memref<10240x128xf32, #tpu.memory_space<vmem_shared>>) offsets(%dma_start3A_73 : memref<80xi32, #tpu.memory_space<vmem>>) semaphore(%run_scoped3A_70 : memref<!tpu.dma_semaphore, #tpu.memory_space<semaphore_mem>>) {add = true}
        %dma_wait3A_77 = arith.constant 0 : i32
        %dma_wait3A_78 = tpu.memref_slice %arg10[%run_scoped3A, %dma_wait3A_77] : memref<125x80xi32, #tpu.memory_space<vmem>> -> memref<1x80xi32, #tpu.memory_space<vmem>>
        %dma_wait3A_79 = tpu.memref_squeeze %dma_wait3A_78 : memref<1x80xi32, #tpu.memory_space<vmem>> -> memref<80xi32, #tpu.memory_space<vmem>>
        %dma_wait3A_80 = arith.constant 0 : i32
        %dma_wait3A_81 = arith.constant 0 : i32
        %dma_wait3A_82 = tpu.memref_slice %arg13[%dma_wait3A_80, %dma_wait3A_81] : memref<10240x128xf32, #tpu.memory_space<vmem_shared>> -> memref<10240x128xf32, #tpu.memory_space<vmem_shared>>
        tpu.wait_indirect_dma semaphore(%run_scoped3A_70 : memref<!tpu.dma_semaphore, #tpu.memory_space<semaphore_mem>>) src(%arg11 : memref<80x128xf32, #tpu.memory_space<vmem>>) dst(%dma_wait3A_82 : memref<10240x128xf32, #tpu.memory_space<vmem_shared>>)
        tpu.yield
      }) : () -> ()
    } else {
    }
    %barrier3A_36 = arith.constant 0 : index
    tpu.barrier barrier_id(%barrier3A_36)
    %mul3A_37 = arith.constant 640 : i32
    %mul3A_38 = arith.muli %arg1, %mul3A_37 : i32
    %eq3A_39 = arith.constant 0 : i32
    %eq3A_40 = arith.cmpi eq, %arg0, %eq3A_39 : i32
    %convert_element_type3A_41 = arith.extui %eq3A_40 : i1 to i32
    %cond3A_42 = arith.constant 0 : i32
    %cond3A_43 = arith.cmpi ne, %convert_element_type3A_41, %cond3A_42 : i32
    scf.if %cond3A_43 {
      "tpu.region"() ({
        %run_scoped3A = tpu.sem_alloc : memref<!tpu.dma_semaphore, #tpu.memory_space<semaphore_mem>>
        %dma_start3A_49 = arith.constant 0 : i32
        %dma_start3A_50 = tpu.memref_slice %arg7[%mul3A_38, %dma_start3A_49] : memref<10240x128xf32, #tpu.memory_space<hbm>> -> memref<640x128xf32, #tpu.memory_space<hbm>>
        %dma_start3A_51 = arith.constant 0 : i32
        %dma_start3A_52 = tpu.memref_slice %arg13[%mul3A_38, %dma_start3A_51] : memref<10240x128xf32, #tpu.memory_space<vmem_shared>> -> memref<640x128xf32, #tpu.memory_space<vmem_shared>>
        tpu.enqueue_dma source(%dma_start3A_52 : memref<640x128xf32, #tpu.memory_space<vmem_shared>>) target(%dma_start3A_50 : memref<640x128xf32, #tpu.memory_space<hbm>>) target_semaphore(%run_scoped3A : memref<!tpu.dma_semaphore, #tpu.memory_space<semaphore_mem>>)
        %dma_wait3A_53 = arith.constant 0 : i32
        %dma_wait3A_54 = tpu.memref_slice %arg7[%mul3A_38, %dma_wait3A_53] : memref<10240x128xf32, #tpu.memory_space<hbm>> -> memref<640x128xf32, #tpu.memory_space<hbm>>
        %dma_wait3A_55 = arith.constant 0 : i32
        %dma_wait3A_56 = tpu.memref_slice %arg13[%mul3A_38, %dma_wait3A_55] : memref<10240x128xf32, #tpu.memory_space<vmem_shared>> -> memref<640x128xf32, #tpu.memory_space<vmem_shared>>
        tpu.wait_dma2 semaphore(%run_scoped3A : memref<!tpu.dma_semaphore, #tpu.memory_space<semaphore_mem>>) src(%dma_wait3A_56 : memref<640x128xf32, #tpu.memory_space<vmem_shared>>) dst(%dma_wait3A_54 : memref<640x128xf32, #tpu.memory_space<hbm>>)
        tpu.yield
      }) : () -> ()
    } else {
    }
    %eq3A_44 = arith.constant 1 : i32
    %eq3A_45 = arith.cmpi eq, %arg0, %eq3A_44 : i32
    %convert_element_type3A_46 = arith.extui %eq3A_45 : i1 to i32
    %cond3A_47 = arith.constant 0 : i32
    %cond3A_48 = arith.cmpi ne, %convert_element_type3A_46, %cond3A_47 : i32
    scf.if %cond3A_48 {
      "tpu.region"() ({
        %run_scoped3A = tpu.sem_alloc : memref<!tpu.dma_semaphore, #tpu.memory_space<semaphore_mem>>
        %dma_start3A_49 = arith.constant 0 : i32
        %dma_start3A_50 = tpu.memref_slice %arg8[%mul3A_38, %dma_start3A_49] : memref<10240x128xf32, #tpu.memory_space<hbm>> -> memref<640x128xf32, #tpu.memory_space<hbm>>
        %dma_start3A_51 = arith.constant 0 : i32
        %dma_start3A_52 = tpu.memref_slice %arg13[%mul3A_38, %dma_start3A_51] : memref<10240x128xf32, #tpu.memory_space<vmem_shared>> -> memref<640x128xf32, #tpu.memory_space<vmem_shared>>
        tpu.enqueue_dma source(%dma_start3A_52 : memref<640x128xf32, #tpu.memory_space<vmem_shared>>) target(%dma_start3A_50 : memref<640x128xf32, #tpu.memory_space<hbm>>) target_semaphore(%run_scoped3A : memref<!tpu.dma_semaphore, #tpu.memory_space<semaphore_mem>>)
        %dma_wait3A_53 = arith.constant 0 : i32
        %dma_wait3A_54 = tpu.memref_slice %arg8[%mul3A_38, %dma_wait3A_53] : memref<10240x128xf32, #tpu.memory_space<hbm>> -> memref<640x128xf32, #tpu.memory_space<hbm>>
        %dma_wait3A_55 = arith.constant 0 : i32
        %dma_wait3A_56 = tpu.memref_slice %arg13[%mul3A_38, %dma_wait3A_55] : memref<10240x128xf32, #tpu.memory_space<vmem_shared>> -> memref<640x128xf32, #tpu.memory_space<vmem_shared>>
        tpu.wait_dma2 semaphore(%run_scoped3A : memref<!tpu.dma_semaphore, #tpu.memory_space<semaphore_mem>>) src(%dma_wait3A_56 : memref<640x128xf32, #tpu.memory_space<vmem_shared>>) dst(%dma_wait3A_54 : memref<640x128xf32, #tpu.memory_space<hbm>>)
        tpu.yield
      }) : () -> ()
    } else {
    }
    return
  }
}

module attributes {stable_mosaic.version = 14 : i64} {
  func.func @_wh_body(%arg0: i32, %arg1: i32, %arg2: memref<1000x256xf32, #tpu.memory_space<vmem>>, %arg3: memref<1x256x256xbf16, #tpu.memory_space<vmem>>, %arg4: memref<1x1x256xf32, #tpu.memory_space<vmem>>, %arg5: memref<1000x128xf32, #tpu.memory_space<vmem>>, %arg6: memref<1000x128xf32, #tpu.memory_space<vmem>>) attributes {dimension_semantics = [#tpu.dimension_semantics<arbitrary>, #tpu.dimension_semantics<arbitrary>], iteration_bounds = array<i64: 1, 10>, scalar_prefetch = 0 : i64, scratch_operands = 0 : i64, tpu.core_type = #tpu.core_type<tc>, window_params = [{transform_indices = @transform_0, window_bounds = array<i64: 1000, 256>}, {transform_indices = @transform_1, window_bounds = array<i64: 1, 256, 256>}, {transform_indices = @transform_2, window_bounds = array<i64: 1, 1, 256>}, {transform_indices = @transform_3, window_bounds = array<i64: 1000, 128>}, {transform_indices = @transform_4, window_bounds = array<i64: 1000, 128>}]} {
    %get3A = arith.constant 0 : index
    %get3A_0 = arith.constant 0 : index
    %get3A_1 = vector.load %arg2[%get3A, %get3A_0] : memref<1000x256xf32, #tpu.memory_space<vmem>>, vector<1000x256xf32>
    %convert_element_type3A = arith.truncf %get3A_1 : vector<1000x256xf32> to vector<1000x256xbf16>
    %get3A_2 = arith.constant 0 : index
    %get3A_3 = arith.constant 0 : index
    %get3A_4 = arith.constant 0 : index
    %get3A_5 = vector.load %arg3[%get3A_2, %get3A_3, %get3A_4] : memref<1x256x256xbf16, #tpu.memory_space<vmem>>, vector<1x256x256xbf16>
    %get3A_6 = vector.shape_cast %get3A_5 : vector<1x256x256xbf16> to vector<256x256xbf16>
    %dot_general3A = arith.constant dense<0.000000e+00> : vector<1000x256xf32>
    %dot_general3A_7 = tpu.matmul %convert_element_type3A, %get3A_6, %dot_general3A {dimension_numbers = #tpu.dot_dimension_numbers<[1], [0], [0], [1], [0, 0, 1, 1], [], []>, transpose_lhs_hint = false} : vector<1000x256xbf16>, vector<256x256xbf16>, vector<1000x256xf32> -> vector<1000x256xf32>
    %get3A_8 = arith.constant 0 : index
    %get3A_9 = arith.constant 0 : index
    %get3A_10 = arith.constant 0 : index
    %get3A_11 = vector.load %arg4[%get3A_8, %get3A_9, %get3A_10] : memref<1x1x256xf32, #tpu.memory_space<vmem>>, vector<1x1x256xf32>
    %get3A_12 = vector.shape_cast %get3A_11 : vector<1x1x256xf32> to vector<1x256xf32>
    %add3A = vector.broadcast %get3A_12 : vector<1x256xf32> to vector<1000x256xf32>
    %add3A_13 = arith.addf %dot_general3A_7, %add3A : vector<1000x256xf32>
    %slice3A = vector.extract_strided_slice %add3A_13 {offsets = [0, 0], sizes = [1000, 128], strides = [1, 1]} : vector<1000x256xf32> to vector<1000x128xf32>
    %swap3A = arith.constant 0 : index
    %swap3A_14 = arith.constant 0 : index
    %swap3A_15 = vector.load %arg5[%swap3A, %swap3A_14] : memref<1000x128xf32, #tpu.memory_space<vmem>>, vector<1000x128xf32>
    tpu.vector_store %arg5[%swap3A, %swap3A_14], %slice3A {strides = array<i32>} : memref<1000x128xf32, #tpu.memory_space<vmem>>, vector<1000x128xf32>,
    %slice3A_16 = vector.extract_strided_slice %add3A_13 {offsets = [0, 128], sizes = [1000, 128], strides = [1, 1]} : vector<1000x256xf32> to vector<1000x128xf32>
    %swap3A_17 = arith.constant 0 : index
    %swap3A_18 = arith.constant 0 : index
    %swap3A_19 = vector.load %arg6[%swap3A_17, %swap3A_18] : memref<1000x128xf32, #tpu.memory_space<vmem>>, vector<1000x128xf32>
    tpu.vector_store %arg6[%swap3A_17, %swap3A_18], %slice3A_16 {strides = array<i32>} : memref<1000x128xf32, #tpu.memory_space<vmem>>, vector<1000x128xf32>,
    return
  }
  func.func @transform_0(%arg0: i32, %arg1: i32) -> (i32, i32) {
    %c0_i32 = arith.constant 0 : i32
    %c0_i32_0 = arith.constant 0 : i32
    return %arg1, %c0_i32 : i32, i32
  }
  func.func @transform_1(%arg0: i32, %arg1: i32) -> (i32, i32, i32) {
    %c0_i32 = arith.constant 0 : i32
    %c0_i32_0 = arith.constant 0 : i32
    %c0_i32_1 = arith.constant 0 : i32
    return %arg0, %c0_i32, %c0_i32_0 : i32, i32, i32
  }
  func.func @transform_2(%arg0: i32, %arg1: i32) -> (i32, i32, i32) {
    %c0_i32 = arith.constant 0 : i32
    %c0_i32_0 = arith.constant 0 : i32
    %c0_i32_1 = arith.constant 0 : i32
    return %arg0, %c0_i32, %c0_i32_0 : i32, i32, i32
  }
  func.func @transform_3(%arg0: i32, %arg1: i32) -> (i32, i32) {
    %mul3A = arith.constant 10 : i32
    %mul3A_0 = arith.muli %arg0, %mul3A : i32
    %add3A = arith.addi %mul3A_0, %arg1 : i32
    %c0_i32 = arith.constant 0 : i32
    %c0_i32_1 = arith.constant 0 : i32
    return %add3A, %c0_i32 : i32, i32
  }
  func.func @transform_4(%arg0: i32, %arg1: i32) -> (i32, i32) {
    %mul3A = arith.constant 10 : i32
    %mul3A_0 = arith.muli %arg0, %mul3A : i32
    %add3A = arith.addi %mul3A_0, %arg1 : i32
    %c0_i32 = arith.constant 0 : i32
    %c0_i32_1 = arith.constant 0 : i32
    return %add3A, %c0_i32 : i32, i32
  }
}

module attributes {stable_mosaic.version = 14 : i64} {
  func.func @body(%arg0: i32, %arg1: memref<1000x128xf32, #tpu.memory_space<vmem>>, %arg2: memref<1000x128xf32, #tpu.memory_space<vmem>>, %arg3: memref<1000x256xf32, #tpu.memory_space<vmem>>, %arg4: memref<256x768xbf16, #tpu.memory_space<vmem>>, %arg5: memref<1x768xf32, #tpu.memory_space<vmem>>, %arg6: memref<256x768xbf16, #tpu.memory_space<vmem>>, %arg7: memref<1x768xf32, #tpu.memory_space<vmem>>, %arg8: memref<1x256x256xbf16, #tpu.memory_space<vmem>>, %arg9: memref<1x1x256xf32, #tpu.memory_space<vmem>>, %arg10: memref<1000x256xf32, #tpu.memory_space<vmem>>, %arg11: memref<1x1000x128xf32, #tpu.memory_space<vmem>>, %arg12: memref<1x1000x128xf32, #tpu.memory_space<vmem>>) attributes {dimension_semantics = [#tpu.dimension_semantics<arbitrary>], iteration_bounds = array<i64: 10>, scalar_prefetch = 0 : i64, scratch_operands = 0 : i64, tpu.core_type = #tpu.core_type<tc>, window_params = [{transform_indices = @transform_0, window_bounds = array<i64: 1000, 128>}, {transform_indices = @transform_1, window_bounds = array<i64: 1000, 128>}, {transform_indices = @transform_2, window_bounds = array<i64: 1000, 256>}, {pipeline_mode = #tpu.pipeline_mode<synchronous>, transform_indices = @transform_3, window_bounds = array<i64: 256, 768>}, {pipeline_mode = #tpu.pipeline_mode<synchronous>, transform_indices = @transform_4, window_bounds = array<i64: 1, 768>}, {pipeline_mode = #tpu.pipeline_mode<synchronous>, transform_indices = @transform_5, window_bounds = array<i64: 256, 768>}, {pipeline_mode = #tpu.pipeline_mode<synchronous>, transform_indices = @transform_6, window_bounds = array<i64: 1, 768>}, {pipeline_mode = #tpu.pipeline_mode<synchronous>, transform_indices = @transform_7, window_bounds = array<i64: 1, 256, 256>}, {pipeline_mode = #tpu.pipeline_mode<synchronous>, transform_indices = @transform_8, window_bounds = array<i64: 1, 1, 256>}, {transform_indices = @transform_9, window_bounds = array<i64: 1000, 256>}, {transform_indices = @transform_10, window_bounds = array<i64: 1, 1000, 128>}, {transform_indices = @transform_11, window_bounds = array<i64: 1, 1000, 128>}]} {
    %get3A = arith.constant 0 : index
    %get3A_0 = arith.constant 0 : index
    %get3A_1 = vector.load %arg1[%get3A, %get3A_0] : memref<1000x128xf32, #tpu.memory_space<vmem>>, vector<1000x128xf32>
    %convert_element_type3A = arith.truncf %get3A_1 : vector<1000x128xf32> to vector<1000x128xbf16>
    %get3A_2 = arith.constant 0 : index
    %get3A_3 = arith.constant 0 : index
    %get3A_4 = vector.load %arg4[%get3A_2, %get3A_3] : memref<256x768xbf16, #tpu.memory_space<vmem>>, vector<128x768xbf16>
    %dot_general3A = arith.constant dense<0.000000e+00> : vector<1000x768xf32>
    %dot_general3A_5 = tpu.matmul %convert_element_type3A, %get3A_4, %dot_general3A {dimension_numbers = #tpu.dot_dimension_numbers<[1], [0], [0], [1], [0, 0, 1, 1], [], []>, transpose_lhs_hint = false} : vector<1000x128xbf16>, vector<128x768xbf16>, vector<1000x768xf32> -> vector<1000x768xf32>
    %get3A_6 = arith.constant 0 : index
    %get3A_7 = arith.constant 0 : index
    %get3A_8 = vector.load %arg2[%get3A_6, %get3A_7] : memref<1000x128xf32, #tpu.memory_space<vmem>>, vector<1000x128xf32>
    %convert_element_type3A_9 = arith.truncf %get3A_8 : vector<1000x128xf32> to vector<1000x128xbf16>
    %get3A_10 = arith.constant 128 : index
    %get3A_11 = arith.constant 0 : index
    %get3A_12 = vector.load %arg4[%get3A_10, %get3A_11] : memref<256x768xbf16, #tpu.memory_space<vmem>>, vector<128x768xbf16>
    %dot_general3A_13 = arith.constant dense<0.000000e+00> : vector<1000x768xf32>
    %dot_general3A_14 = tpu.matmul %convert_element_type3A_9, %get3A_12, %dot_general3A_13 {dimension_numbers = #tpu.dot_dimension_numbers<[1], [0], [0], [1], [0, 0, 1, 1], [], []>, transpose_lhs_hint = false} : vector<1000x128xbf16>, vector<128x768xbf16>, vector<1000x768xf32> -> vector<1000x768xf32>
    %add3A = arith.addf %dot_general3A_5, %dot_general3A_14 : vector<1000x768xf32>
    %get3A_15 = arith.constant 0 : index
    %get3A_16 = arith.constant 0 : index
    %get3A_17 = vector.load %arg5[%get3A_15, %get3A_16] : memref<1x768xf32, #tpu.memory_space<vmem>>, vector<1x768xf32>
    %add3A_18 = vector.broadcast %get3A_17 : vector<1x768xf32> to vector<1000x768xf32>
    %add3A_19 = arith.addf %add3A, %add3A_18 : vector<1000x768xf32>
    %get3A_20 = arith.constant 0 : index
    %get3A_21 = arith.constant 0 : index
    %get3A_22 = vector.load %arg3[%get3A_20, %get3A_21] : memref<1000x256xf32, #tpu.memory_space<vmem>>, vector<1000x256xf32>
    %convert_element_type3A_23 = arith.truncf %get3A_22 : vector<1000x256xf32> to vector<1000x256xbf16>
    %get3A_24 = arith.constant 0 : index
    %get3A_25 = arith.constant 0 : index
    %get3A_26 = vector.load %arg6[%get3A_24, %get3A_25] : memref<256x768xbf16, #tpu.memory_space<vmem>>, vector<256x768xbf16>
    %dot_general3A_27 = arith.constant dense<0.000000e+00> : vector<1000x768xf32>
    %dot_general3A_28 = tpu.matmul %convert_element_type3A_23, %get3A_26, %dot_general3A_27 {dimension_numbers = #tpu.dot_dimension_numbers<[1], [0], [0], [1], [0, 0, 1, 1], [], []>, transpose_lhs_hint = false} : vector<1000x256xbf16>, vector<256x768xbf16>, vector<1000x768xf32> -> vector<1000x768xf32>
    %get3A_29 = arith.constant 0 : index
    %get3A_30 = arith.constant 0 : index
    %get3A_31 = vector.load %arg7[%get3A_29, %get3A_30] : memref<1x768xf32, #tpu.memory_space<vmem>>, vector<1x768xf32>
    %add3A_32 = vector.broadcast %get3A_31 : vector<1x768xf32> to vector<1000x768xf32>
    %add3A_33 = arith.addf %dot_general3A_28, %add3A_32 : vector<1000x768xf32>
    %slice3A = vector.extract_strided_slice %add3A_19 {offsets = [0, 0], sizes = [1000, 256], strides = [1, 1]} : vector<1000x768xf32> to vector<1000x256xf32>
    %slice3A_34 = vector.extract_strided_slice %add3A_33 {offsets = [0, 0], sizes = [1000, 256], strides = [1, 1]} : vector<1000x768xf32> to vector<1000x256xf32>
    %add3A_35 = arith.addf %slice3A, %slice3A_34 : vector<1000x256xf32>
    %logistic3A = arith.negf %add3A_35 : vector<1000x256xf32>
    %logistic3A_36 = math.exp %logistic3A : vector<1000x256xf32>
    %logistic3A_37 = arith.constant 1.000000e+00 : f32
    %logistic3A_38 = vector.broadcast %logistic3A_37 : f32 to vector<1000x256xf32>
    %logistic3A_39 = arith.addf %logistic3A_38, %logistic3A_36 : vector<1000x256xf32>
    %logistic3A_40 = arith.divf %logistic3A_38, %logistic3A_39 : vector<1000x256xf32>
    %slice3A_41 = vector.extract_strided_slice %add3A_19 {offsets = [0, 256], sizes = [1000, 256], strides = [1, 1]} : vector<1000x768xf32> to vector<1000x256xf32>
    %slice3A_42 = vector.extract_strided_slice %add3A_33 {offsets = [0, 256], sizes = [1000, 256], strides = [1, 1]} : vector<1000x768xf32> to vector<1000x256xf32>
    %add3A_43 = arith.addf %slice3A_41, %slice3A_42 : vector<1000x256xf32>
    %logistic3A_44 = arith.negf %add3A_43 : vector<1000x256xf32>
    %logistic3A_45 = math.exp %logistic3A_44 : vector<1000x256xf32>
    %logistic3A_46 = arith.constant 1.000000e+00 : f32
    %logistic3A_47 = vector.broadcast %logistic3A_46 : f32 to vector<1000x256xf32>
    %logistic3A_48 = arith.addf %logistic3A_47, %logistic3A_45 : vector<1000x256xf32>
    %logistic3A_49 = arith.divf %logistic3A_47, %logistic3A_48 : vector<1000x256xf32>
    %slice3A_50 = vector.extract_strided_slice %add3A_19 {offsets = [0, 512], sizes = [1000, 256], strides = [1, 1]} : vector<1000x768xf32> to vector<1000x256xf32>
    %slice3A_51 = vector.extract_strided_slice %add3A_33 {offsets = [0, 512], sizes = [1000, 256], strides = [1, 1]} : vector<1000x768xf32> to vector<1000x256xf32>
    %mul3A = arith.mulf %logistic3A_40, %slice3A_51 : vector<1000x256xf32>
    %add3A_52 = arith.addf %slice3A_50, %mul3A : vector<1000x256xf32>
    %tanh3A = math.tanh %add3A_52 : vector<1000x256xf32>
    %sub3A = arith.constant 1.000000e+00 : f32
    %sub3A_53 = vector.broadcast %sub3A : f32 to vector<1000x256xf32>
    %sub3A_54 = arith.subf %sub3A_53, %logistic3A_49 : vector<1000x256xf32>
    %mul3A_55 = arith.mulf %sub3A_54, %tanh3A : vector<1000x256xf32>
    %mul3A_56 = arith.mulf %logistic3A_49, %get3A_22 : vector<1000x256xf32>
    %add3A_57 = arith.addf %mul3A_55, %mul3A_56 : vector<1000x256xf32>
    %swap3A = arith.constant 0 : index
    %swap3A_58 = arith.constant 0 : index
    %swap3A_59 = vector.load %arg10[%swap3A, %swap3A_58] : memref<1000x256xf32, #tpu.memory_space<vmem>>, vector<1000x256xf32>
    tpu.vector_store %arg10[%swap3A, %swap3A_58], %add3A_57 {strides = array<i32>} : memref<1000x256xf32, #tpu.memory_space<vmem>>, vector<1000x256xf32>,
    %convert_element_type3A_60 = arith.truncf %add3A_57 : vector<1000x256xf32> to vector<1000x256xbf16>
    %get3A_61 = arith.constant 0 : index
    %get3A_62 = arith.constant 0 : index
    %get3A_63 = arith.constant 0 : index
    %get3A_64 = vector.load %arg8[%get3A_61, %get3A_62, %get3A_63] : memref<1x256x256xbf16, #tpu.memory_space<vmem>>, vector<1x256x256xbf16>
    %get3A_65 = vector.shape_cast %get3A_64 : vector<1x256x256xbf16> to vector<256x256xbf16>
    %dot_general3A_66 = arith.constant dense<0.000000e+00> : vector<1000x256xf32>
    %dot_general3A_67 = tpu.matmul %convert_element_type3A_60, %get3A_65, %dot_general3A_66 {dimension_numbers = #tpu.dot_dimension_numbers<[1], [0], [0], [1], [0, 0, 1, 1], [], []>, transpose_lhs_hint = false} : vector<1000x256xbf16>, vector<256x256xbf16>, vector<1000x256xf32> -> vector<1000x256xf32>
    %get3A_68 = arith.constant 0 : index
    %get3A_69 = arith.constant 0 : index
    %get3A_70 = arith.constant 0 : index
    %get3A_71 = vector.load %arg9[%get3A_68, %get3A_69, %get3A_70] : memref<1x1x256xf32, #tpu.memory_space<vmem>>, vector<1x1x256xf32>
    %get3A_72 = vector.shape_cast %get3A_71 : vector<1x1x256xf32> to vector<1x256xf32>
    %add3A_73 = vector.broadcast %get3A_72 : vector<1x256xf32> to vector<1000x256xf32>
    %add3A_74 = arith.addf %dot_general3A_67, %add3A_73 : vector<1000x256xf32>
    %slice3A_75 = vector.extract_strided_slice %add3A_74 {offsets = [0, 0], sizes = [1000, 128], strides = [1, 1]} : vector<1000x256xf32> to vector<1000x128xf32>
    %swap3A_76 = arith.constant 0 : index
    %swap3A_77 = arith.constant 0 : index
    %swap3A_78 = arith.constant 0 : index
    %swap3A_79 = vector.load %arg11[%swap3A_76, %swap3A_77, %swap3A_78] : memref<1x1000x128xf32, #tpu.memory_space<vmem>>, vector<1x1000x128xf32>
    %swap3A_80 = vector.shape_cast %swap3A_79 : vector<1x1000x128xf32> to vector<1000x128xf32>
    %swap3A_81 = vector.shape_cast %slice3A_75 : vector<1000x128xf32> to vector<1x1000x128xf32>
    tpu.vector_store %arg11[%swap3A_76, %swap3A_77, %swap3A_78], %swap3A_81 {strides = array<i32>} : memref<1x1000x128xf32, #tpu.memory_space<vmem>>, vector<1x1000x128xf32>,
    %slice3A_82 = vector.extract_strided_slice %add3A_74 {offsets = [0, 128], sizes = [1000, 128], strides = [1, 1]} : vector<1000x256xf32> to vector<1000x128xf32>
    %swap3A_83 = arith.constant 0 : index
    %swap3A_84 = arith.constant 0 : index
    %swap3A_85 = arith.constant 0 : index
    %swap3A_86 = vector.load %arg12[%swap3A_83, %swap3A_84, %swap3A_85] : memref<1x1000x128xf32, #tpu.memory_space<vmem>>, vector<1x1000x128xf32>
    %swap3A_87 = vector.shape_cast %swap3A_86 : vector<1x1000x128xf32> to vector<1000x128xf32>
    %swap3A_88 = vector.shape_cast %slice3A_82 : vector<1000x128xf32> to vector<1x1000x128xf32>
    tpu.vector_store %arg12[%swap3A_83, %swap3A_84, %swap3A_85], %swap3A_88 {strides = array<i32>} : memref<1x1000x128xf32, #tpu.memory_space<vmem>>, vector<1x1000x128xf32>,
    return
  }
  func.func @transform_0(%arg0: i32) -> (i32, i32) {
    %c0_i32 = arith.constant 0 : i32
    %c0_i32_0 = arith.constant 0 : i32
    return %arg0, %c0_i32 : i32, i32
  }
  func.func @transform_1(%arg0: i32) -> (i32, i32) {
    %c0_i32 = arith.constant 0 : i32
    %c0_i32_0 = arith.constant 0 : i32
    return %arg0, %c0_i32 : i32, i32
  }
  func.func @transform_2(%arg0: i32) -> (i32, i32) {
    %c0_i32 = arith.constant 0 : i32
    %c0_i32_0 = arith.constant 0 : i32
    return %arg0, %c0_i32 : i32, i32
  }
  func.func @transform_3(%arg0: i32) -> (i32, i32) {
    %c0_i32 = arith.constant 0 : i32
    %c0_i32_0 = arith.constant 0 : i32
    %c0_i32_1 = arith.constant 0 : i32
    return %c0_i32, %c0_i32_0 : i32, i32
  }
  func.func @transform_4(%arg0: i32) -> (i32, i32) {
    %c0_i32 = arith.constant 0 : i32
    %c0_i32_0 = arith.constant 0 : i32
    %c0_i32_1 = arith.constant 0 : i32
    return %c0_i32, %c0_i32_0 : i32, i32
  }
  func.func @transform_5(%arg0: i32) -> (i32, i32) {
    %c0_i32 = arith.constant 0 : i32
    %c0_i32_0 = arith.constant 0 : i32
    %c0_i32_1 = arith.constant 0 : i32
    return %c0_i32, %c0_i32_0 : i32, i32
  }
  func.func @transform_6(%arg0: i32) -> (i32, i32) {
    %c0_i32 = arith.constant 0 : i32
    %c0_i32_0 = arith.constant 0 : i32
    %c0_i32_1 = arith.constant 0 : i32
    return %c0_i32, %c0_i32_0 : i32, i32
  }
  func.func @transform_7(%arg0: i32) -> (i32, i32, i32) {
    %c0_i32 = arith.constant 0 : i32
    %c0_i32_0 = arith.constant 0 : i32
    %c0_i32_1 = arith.constant 0 : i32
    %c0_i32_2 = arith.constant 0 : i32
    return %c0_i32, %c0_i32_0, %c0_i32_1 : i32, i32, i32
  }
  func.func @transform_8(%arg0: i32) -> (i32, i32, i32) {
    %c0_i32 = arith.constant 0 : i32
    %c0_i32_0 = arith.constant 0 : i32
    %c0_i32_1 = arith.constant 0 : i32
    %c0_i32_2 = arith.constant 0 : i32
    return %c0_i32, %c0_i32_0, %c0_i32_1 : i32, i32, i32
  }
  func.func @transform_9(%arg0: i32) -> (i32, i32) {
    %c0_i32 = arith.constant 0 : i32
    %c0_i32_0 = arith.constant 0 : i32
    return %arg0, %c0_i32 : i32, i32
  }
  func.func @transform_10(%arg0: i32) -> (i32, i32, i32) {
    %c0_i32 = arith.constant 0 : i32
    %c0_i32_0 = arith.constant 0 : i32
    %c0_i32_1 = arith.constant 0 : i32
    return %c0_i32, %arg0, %c0_i32_0 : i32, i32, i32
  }
  func.func @transform_11(%arg0: i32) -> (i32, i32, i32) {
    %c0_i32 = arith.constant 0 : i32
    %c0_i32_0 = arith.constant 0 : i32
    %c0_i32_1 = arith.constant 0 : i32
    return %c0_i32, %arg0, %c0_i32_0 : i32, i32, i32
  }
}

module attributes {stable_mosaic.version = 14 : i64} {
  func.func @body(%arg0: i32, %arg1: memref<1000x128xf32, #tpu.memory_space<vmem>>, %arg2: memref<1000x128xf32, #tpu.memory_space<vmem>>, %arg3: memref<1000x256xf32, #tpu.memory_space<vmem>>, %arg4: memref<256x768xbf16, #tpu.memory_space<vmem>>, %arg5: memref<1x768xf32, #tpu.memory_space<vmem>>, %arg6: memref<256x768xbf16, #tpu.memory_space<vmem>>, %arg7: memref<1x768xf32, #tpu.memory_space<vmem>>, %arg8: memref<1000x256xf32, #tpu.memory_space<vmem>>, %arg9: memref<256x256xbf16, #tpu.memory_space<vmem>>, %arg10: memref<256x256xbf16, #tpu.memory_space<vmem>>, %arg11: memref<1x256xf32, #tpu.memory_space<vmem>>, %arg12: memref<3x256x256xbf16, #tpu.memory_space<vmem>>, %arg13: memref<3x1x256xf32, #tpu.memory_space<vmem>>, %arg14: memref<1000x256xf32, #tpu.memory_space<vmem>>, %arg15: memref<3x1000x128xf32, #tpu.memory_space<vmem>>, %arg16: memref<3x1000x128xf32, #tpu.memory_space<vmem>>) attributes {dimension_semantics = [#tpu.dimension_semantics<arbitrary>], iteration_bounds = array<i64: 10>, scalar_prefetch = 0 : i64, scratch_operands = 0 : i64, tpu.core_type = #tpu.core_type<tc>, window_params = [{transform_indices = @transform_0, window_bounds = array<i64: 1000, 128>}, {transform_indices = @transform_1, window_bounds = array<i64: 1000, 128>}, {transform_indices = @transform_2, window_bounds = array<i64: 1000, 256>}, {pipeline_mode = #tpu.pipeline_mode<synchronous>, transform_indices = @transform_3, window_bounds = array<i64: 256, 768>}, {pipeline_mode = #tpu.pipeline_mode<synchronous>, transform_indices = @transform_4, window_bounds = array<i64: 1, 768>}, {pipeline_mode = #tpu.pipeline_mode<synchronous>, transform_indices = @transform_5, window_bounds = array<i64: 256, 768>}, {pipeline_mode = #tpu.pipeline_mode<synchronous>, transform_indices = @transform_6, window_bounds = array<i64: 1, 768>}, {transform_indices = @transform_7, window_bounds = array<i64: 1000, 256>}, {pipeline_mode = #tpu.pipeline_mode<synchronous>, transform_indices = @transform_8, window_bounds = array<i64: 256, 256>}, {pipeline_mode = #tpu.pipeline_mode<synchronous>, transform_indices = @transform_9, window_bounds = array<i64: 256, 256>}, {pipeline_mode = #tpu.pipeline_mode<synchronous>, transform_indices = @transform_10, window_bounds = array<i64: 1, 256>}, {pipeline_mode = #tpu.pipeline_mode<synchronous>, transform_indices = @transform_11, window_bounds = array<i64: 3, 256, 256>}, {pipeline_mode = #tpu.pipeline_mode<synchronous>, transform_indices = @transform_12, window_bounds = array<i64: 3, 1, 256>}, {transform_indices = @transform_13, window_bounds = array<i64: 1000, 256>}, {transform_indices = @transform_14, window_bounds = array<i64: 3, 1000, 128>}, {transform_indices = @transform_15, window_bounds = array<i64: 3, 1000, 128>}]} {
    %get3A = arith.constant 0 : index
    %get3A_0 = arith.constant 0 : index
    %get3A_1 = vector.load %arg1[%get3A, %get3A_0] : memref<1000x128xf32, #tpu.memory_space<vmem>>, vector<1000x128xf32>
    %convert_element_type3A = arith.truncf %get3A_1 : vector<1000x128xf32> to vector<1000x128xbf16>
    %get3A_2 = arith.constant 0 : index
    %get3A_3 = arith.constant 0 : index
    %get3A_4 = vector.load %arg4[%get3A_2, %get3A_3] : memref<256x768xbf16, #tpu.memory_space<vmem>>, vector<128x768xbf16>
    %dot_general3A = arith.constant dense<0.000000e+00> : vector<1000x768xf32>
    %dot_general3A_5 = tpu.matmul %convert_element_type3A, %get3A_4, %dot_general3A {dimension_numbers = #tpu.dot_dimension_numbers<[1], [0], [0], [1], [0, 0, 1, 1], [], []>, transpose_lhs_hint = false} : vector<1000x128xbf16>, vector<128x768xbf16>, vector<1000x768xf32> -> vector<1000x768xf32>
    %get3A_6 = arith.constant 0 : index
    %get3A_7 = arith.constant 0 : index
    %get3A_8 = vector.load %arg2[%get3A_6, %get3A_7] : memref<1000x128xf32, #tpu.memory_space<vmem>>, vector<1000x128xf32>
    %convert_element_type3A_9 = arith.truncf %get3A_8 : vector<1000x128xf32> to vector<1000x128xbf16>
    %get3A_10 = arith.constant 128 : index
    %get3A_11 = arith.constant 0 : index
    %get3A_12 = vector.load %arg4[%get3A_10, %get3A_11] : memref<256x768xbf16, #tpu.memory_space<vmem>>, vector<128x768xbf16>
    %dot_general3A_13 = arith.constant dense<0.000000e+00> : vector<1000x768xf32>
    %dot_general3A_14 = tpu.matmul %convert_element_type3A_9, %get3A_12, %dot_general3A_13 {dimension_numbers = #tpu.dot_dimension_numbers<[1], [0], [0], [1], [0, 0, 1, 1], [], []>, transpose_lhs_hint = false} : vector<1000x128xbf16>, vector<128x768xbf16>, vector<1000x768xf32> -> vector<1000x768xf32>
    %add3A = arith.addf %dot_general3A_5, %dot_general3A_14 : vector<1000x768xf32>
    %get3A_15 = arith.constant 0 : index
    %get3A_16 = arith.constant 0 : index
    %get3A_17 = vector.load %arg5[%get3A_15, %get3A_16] : memref<1x768xf32, #tpu.memory_space<vmem>>, vector<1x768xf32>
    %add3A_18 = vector.broadcast %get3A_17 : vector<1x768xf32> to vector<1000x768xf32>
    %add3A_19 = arith.addf %add3A, %add3A_18 : vector<1000x768xf32>
    %get3A_20 = arith.constant 0 : index
    %get3A_21 = arith.constant 0 : index
    %get3A_22 = vector.load %arg3[%get3A_20, %get3A_21] : memref<1000x256xf32, #tpu.memory_space<vmem>>, vector<1000x256xf32>
    %convert_element_type3A_23 = arith.truncf %get3A_22 : vector<1000x256xf32> to vector<1000x256xbf16>
    %get3A_24 = arith.constant 0 : index
    %get3A_25 = arith.constant 0 : index
    %get3A_26 = vector.load %arg6[%get3A_24, %get3A_25] : memref<256x768xbf16, #tpu.memory_space<vmem>>, vector<256x768xbf16>
    %dot_general3A_27 = arith.constant dense<0.000000e+00> : vector<1000x768xf32>
    %dot_general3A_28 = tpu.matmul %convert_element_type3A_23, %get3A_26, %dot_general3A_27 {dimension_numbers = #tpu.dot_dimension_numbers<[1], [0], [0], [1], [0, 0, 1, 1], [], []>, transpose_lhs_hint = false} : vector<1000x256xbf16>, vector<256x768xbf16>, vector<1000x768xf32> -> vector<1000x768xf32>
    %get3A_29 = arith.constant 0 : index
    %get3A_30 = arith.constant 0 : index
    %get3A_31 = vector.load %arg7[%get3A_29, %get3A_30] : memref<1x768xf32, #tpu.memory_space<vmem>>, vector<1x768xf32>
    %add3A_32 = vector.broadcast %get3A_31 : vector<1x768xf32> to vector<1000x768xf32>
    %add3A_33 = arith.addf %dot_general3A_28, %add3A_32 : vector<1000x768xf32>
    %slice3A = vector.extract_strided_slice %add3A_19 {offsets = [0, 0], sizes = [1000, 256], strides = [1, 1]} : vector<1000x768xf32> to vector<1000x256xf32>
    %slice3A_34 = vector.extract_strided_slice %add3A_33 {offsets = [0, 0], sizes = [1000, 256], strides = [1, 1]} : vector<1000x768xf32> to vector<1000x256xf32>
    %add3A_35 = arith.addf %slice3A, %slice3A_34 : vector<1000x256xf32>
    %logistic3A = arith.negf %add3A_35 : vector<1000x256xf32>
    %logistic3A_36 = math.exp %logistic3A : vector<1000x256xf32>
    %logistic3A_37 = arith.constant 1.000000e+00 : f32
    %logistic3A_38 = vector.broadcast %logistic3A_37 : f32 to vector<1000x256xf32>
    %logistic3A_39 = arith.addf %logistic3A_38, %logistic3A_36 : vector<1000x256xf32>
    %logistic3A_40 = arith.divf %logistic3A_38, %logistic3A_39 : vector<1000x256xf32>
    %slice3A_41 = vector.extract_strided_slice %add3A_19 {offsets = [0, 256], sizes = [1000, 256], strides = [1, 1]} : vector<1000x768xf32> to vector<1000x256xf32>
    %slice3A_42 = vector.extract_strided_slice %add3A_33 {offsets = [0, 256], sizes = [1000, 256], strides = [1, 1]} : vector<1000x768xf32> to vector<1000x256xf32>
    %add3A_43 = arith.addf %slice3A_41, %slice3A_42 : vector<1000x256xf32>
    %logistic3A_44 = arith.negf %add3A_43 : vector<1000x256xf32>
    %logistic3A_45 = math.exp %logistic3A_44 : vector<1000x256xf32>
    %logistic3A_46 = arith.constant 1.000000e+00 : f32
    %logistic3A_47 = vector.broadcast %logistic3A_46 : f32 to vector<1000x256xf32>
    %logistic3A_48 = arith.addf %logistic3A_47, %logistic3A_45 : vector<1000x256xf32>
    %logistic3A_49 = arith.divf %logistic3A_47, %logistic3A_48 : vector<1000x256xf32>
    %slice3A_50 = vector.extract_strided_slice %add3A_19 {offsets = [0, 512], sizes = [1000, 256], strides = [1, 1]} : vector<1000x768xf32> to vector<1000x256xf32>
    %slice3A_51 = vector.extract_strided_slice %add3A_33 {offsets = [0, 512], sizes = [1000, 256], strides = [1, 1]} : vector<1000x768xf32> to vector<1000x256xf32>
    %mul3A = arith.mulf %logistic3A_40, %slice3A_51 : vector<1000x256xf32>
    %add3A_52 = arith.addf %slice3A_50, %mul3A : vector<1000x256xf32>
    %tanh3A = math.tanh %add3A_52 : vector<1000x256xf32>
    %sub3A = arith.constant 1.000000e+00 : f32
    %sub3A_53 = vector.broadcast %sub3A : f32 to vector<1000x256xf32>
    %sub3A_54 = arith.subf %sub3A_53, %logistic3A_49 : vector<1000x256xf32>
    %mul3A_55 = arith.mulf %sub3A_54, %tanh3A : vector<1000x256xf32>
    %mul3A_56 = arith.mulf %logistic3A_49, %get3A_22 : vector<1000x256xf32>
    %add3A_57 = arith.addf %mul3A_55, %mul3A_56 : vector<1000x256xf32>
    %convert_element_type3A_58 = arith.truncf %add3A_57 : vector<1000x256xf32> to vector<1000x256xbf16>
    %get3A_59 = arith.constant 0 : index
    %get3A_60 = arith.constant 0 : index
    %get3A_61 = vector.load %arg9[%get3A_59, %get3A_60] : memref<256x256xbf16, #tpu.memory_space<vmem>>, vector<256x256xbf16>
    %dot_general3A_62 = arith.constant dense<0.000000e+00> : vector<1000x256xf32>
    %dot_general3A_63 = tpu.matmul %convert_element_type3A_58, %get3A_61, %dot_general3A_62 {dimension_numbers = #tpu.dot_dimension_numbers<[1], [0], [0], [1], [0, 0, 1, 1], [], []>, transpose_lhs_hint = false} : vector<1000x256xbf16>, vector<256x256xbf16>, vector<1000x256xf32> -> vector<1000x256xf32>
    %get3A_64 = arith.constant 0 : index
    %get3A_65 = arith.constant 0 : index
    %get3A_66 = vector.load %arg8[%get3A_64, %get3A_65] : memref<1000x256xf32, #tpu.memory_space<vmem>>, vector<1000x256xf32>
    %convert_element_type3A_67 = arith.truncf %get3A_66 : vector<1000x256xf32> to vector<1000x256xbf16>
    %get3A_68 = arith.constant 0 : index
    %get3A_69 = arith.constant 0 : index
    %get3A_70 = vector.load %arg10[%get3A_68, %get3A_69] : memref<256x256xbf16, #tpu.memory_space<vmem>>, vector<256x256xbf16>
    %dot_general3A_71 = arith.constant dense<0.000000e+00> : vector<1000x256xf32>
    %dot_general3A_72 = tpu.matmul %convert_element_type3A_67, %get3A_70, %dot_general3A_71 {dimension_numbers = #tpu.dot_dimension_numbers<[1], [0], [0], [1], [0, 0, 1, 1], [], []>, transpose_lhs_hint = false} : vector<1000x256xbf16>, vector<256x256xbf16>, vector<1000x256xf32> -> vector<1000x256xf32>
    %add3A_73 = arith.addf %dot_general3A_63, %dot_general3A_72 : vector<1000x256xf32>
    %get3A_74 = arith.constant 0 : index
    %get3A_75 = arith.constant 0 : index
    %get3A_76 = vector.load %arg11[%get3A_74, %get3A_75] : memref<1x256xf32, #tpu.memory_space<vmem>>, vector<1x256xf32>
    %add3A_77 = vector.broadcast %get3A_76 : vector<1x256xf32> to vector<1000x256xf32>
    %add3A_78 = arith.addf %add3A_73, %add3A_77 : vector<1000x256xf32>
    %swap3A = arith.constant 0 : index
    %swap3A_79 = arith.constant 0 : index
    %swap3A_80 = vector.load %arg14[%swap3A, %swap3A_79] : memref<1000x256xf32, #tpu.memory_space<vmem>>, vector<1000x256xf32>
    tpu.vector_store %arg14[%swap3A, %swap3A_79], %add3A_78 {strides = array<i32>} : memref<1000x256xf32, #tpu.memory_space<vmem>>, vector<1000x256xf32>,
    %convert_element_type3A_81 = arith.truncf %add3A_78 : vector<1000x256xf32> to vector<1000x256xbf16>
    %get3A_82 = arith.constant 0 : index
    %get3A_83 = arith.constant 0 : index
    %get3A_84 = arith.constant 0 : index
    %get3A_85 = vector.load %arg12[%get3A_82, %get3A_83, %get3A_84] : memref<3x256x256xbf16, #tpu.memory_space<vmem>>, vector<1x256x256xbf16>
    %get3A_86 = vector.shape_cast %get3A_85 : vector<1x256x256xbf16> to vector<256x256xbf16>
    %dot_general3A_87 = arith.constant dense<0.000000e+00> : vector<1000x256xf32>
    %dot_general3A_88 = tpu.matmul %convert_element_type3A_81, %get3A_86, %dot_general3A_87 {dimension_numbers = #tpu.dot_dimension_numbers<[1], [0], [0], [1], [0, 0, 1, 1], [], []>, transpose_lhs_hint = false} : vector<1000x256xbf16>, vector<256x256xbf16>, vector<1000x256xf32> -> vector<1000x256xf32>
    %get3A_89 = arith.constant 0 : index
    %get3A_90 = arith.constant 0 : index
    %get3A_91 = arith.constant 0 : index
    %get3A_92 = vector.load %arg13[%get3A_89, %get3A_90, %get3A_91] : memref<3x1x256xf32, #tpu.memory_space<vmem>>, vector<1x1x256xf32>
    %get3A_93 = vector.shape_cast %get3A_92 : vector<1x1x256xf32> to vector<1x256xf32>
    %add3A_94 = vector.broadcast %get3A_93 : vector<1x256xf32> to vector<1000x256xf32>
    %add3A_95 = arith.addf %dot_general3A_88, %add3A_94 : vector<1000x256xf32>
    %slice3A_96 = vector.extract_strided_slice %add3A_95 {offsets = [0, 0], sizes = [1000, 128], strides = [1, 1]} : vector<1000x256xf32> to vector<1000x128xf32>
    %swap3A_97 = arith.constant 0 : index
    %swap3A_98 = arith.constant 0 : index
    %swap3A_99 = arith.constant 0 : index
    %swap3A_100 = vector.load %arg15[%swap3A_97, %swap3A_98, %swap3A_99] : memref<3x1000x128xf32, #tpu.memory_space<vmem>>, vector<1x1000x128xf32>
    %swap3A_101 = vector.shape_cast %swap3A_100 : vector<1x1000x128xf32> to vector<1000x128xf32>
    %swap3A_102 = vector.shape_cast %slice3A_96 : vector<1000x128xf32> to vector<1x1000x128xf32>
    tpu.vector_store %arg15[%swap3A_97, %swap3A_98, %swap3A_99], %swap3A_102 {strides = array<i32>} : memref<3x1000x128xf32, #tpu.memory_space<vmem>>, vector<1x1000x128xf32>,
    %slice3A_103 = vector.extract_strided_slice %add3A_95 {offsets = [0, 128], sizes = [1000, 128], strides = [1, 1]} : vector<1000x256xf32> to vector<1000x128xf32>
    %swap3A_104 = arith.constant 0 : index
    %swap3A_105 = arith.constant 0 : index
    %swap3A_106 = arith.constant 0 : index
    %swap3A_107 = vector.load %arg16[%swap3A_104, %swap3A_105, %swap3A_106] : memref<3x1000x128xf32, #tpu.memory_space<vmem>>, vector<1x1000x128xf32>
    %swap3A_108 = vector.shape_cast %swap3A_107 : vector<1x1000x128xf32> to vector<1000x128xf32>
    %swap3A_109 = vector.shape_cast %slice3A_103 : vector<1000x128xf32> to vector<1x1000x128xf32>
    tpu.vector_store %arg16[%swap3A_104, %swap3A_105, %swap3A_106], %swap3A_109 {strides = array<i32>} : memref<3x1000x128xf32, #tpu.memory_space<vmem>>, vector<1x1000x128xf32>,
    %get3A_110 = arith.constant 1 : index
    %get3A_111 = arith.constant 0 : index
    %get3A_112 = arith.constant 0 : index
    %get3A_113 = vector.load %arg12[%get3A_110, %get3A_111, %get3A_112] : memref<3x256x256xbf16, #tpu.memory_space<vmem>>, vector<1x256x256xbf16>
    %get3A_114 = vector.shape_cast %get3A_113 : vector<1x256x256xbf16> to vector<256x256xbf16>
    %dot_general3A_115 = arith.constant dense<0.000000e+00> : vector<1000x256xf32>
    %dot_general3A_116 = tpu.matmul %convert_element_type3A_81, %get3A_114, %dot_general3A_115 {dimension_numbers = #tpu.dot_dimension_numbers<[1], [0], [0], [1], [0, 0, 1, 1], [], []>, transpose_lhs_hint = false} : vector<1000x256xbf16>, vector<256x256xbf16>, vector<1000x256xf32> -> vector<1000x256xf32>
    %get3A_117 = arith.constant 1 : index
    %get3A_118 = arith.constant 0 : index
    %get3A_119 = arith.constant 0 : index
    %get3A_120 = vector.load %arg13[%get3A_117, %get3A_118, %get3A_119] : memref<3x1x256xf32, #tpu.memory_space<vmem>>, vector<1x1x256xf32>
    %get3A_121 = vector.shape_cast %get3A_120 : vector<1x1x256xf32> to vector<1x256xf32>
    %add3A_122 = vector.broadcast %get3A_121 : vector<1x256xf32> to vector<1000x256xf32>
    %add3A_123 = arith.addf %dot_general3A_116, %add3A_122 : vector<1000x256xf32>
    %slice3A_124 = vector.extract_strided_slice %add3A_123 {offsets = [0, 0], sizes = [1000, 128], strides = [1, 1]} : vector<1000x256xf32> to vector<1000x128xf32>
    %swap3A_125 = arith.constant 1 : index
    %swap3A_126 = arith.constant 0 : index
    %swap3A_127 = arith.constant 0 : index
    %swap3A_128 = vector.load %arg15[%swap3A_125, %swap3A_126, %swap3A_127] : memref<3x1000x128xf32, #tpu.memory_space<vmem>>, vector<1x1000x128xf32>
    %swap3A_129 = vector.shape_cast %swap3A_128 : vector<1x1000x128xf32> to vector<1000x128xf32>
    %swap3A_130 = vector.shape_cast %slice3A_124 : vector<1000x128xf32> to vector<1x1000x128xf32>
    tpu.vector_store %arg15[%swap3A_125, %swap3A_126, %swap3A_127], %swap3A_130 {strides = array<i32>} : memref<3x1000x128xf32, #tpu.memory_space<vmem>>, vector<1x1000x128xf32>,
    %slice3A_131 = vector.extract_strided_slice %add3A_123 {offsets = [0, 128], sizes = [1000, 128], strides = [1, 1]} : vector<1000x256xf32> to vector<1000x128xf32>
    %swap3A_132 = arith.constant 1 : index
    %swap3A_133 = arith.constant 0 : index
    %swap3A_134 = arith.constant 0 : index
    %swap3A_135 = vector.load %arg16[%swap3A_132, %swap3A_133, %swap3A_134] : memref<3x1000x128xf32, #tpu.memory_space<vmem>>, vector<1x1000x128xf32>
    %swap3A_136 = vector.shape_cast %swap3A_135 : vector<1x1000x128xf32> to vector<1000x128xf32>
    %swap3A_137 = vector.shape_cast %slice3A_131 : vector<1000x128xf32> to vector<1x1000x128xf32>
    tpu.vector_store %arg16[%swap3A_132, %swap3A_133, %swap3A_134], %swap3A_137 {strides = array<i32>} : memref<3x1000x128xf32, #tpu.memory_space<vmem>>, vector<1x1000x128xf32>,
    %get3A_138 = arith.constant 2 : index
    %get3A_139 = arith.constant 0 : index
    %get3A_140 = arith.constant 0 : index
    %get3A_141 = vector.load %arg12[%get3A_138, %get3A_139, %get3A_140] : memref<3x256x256xbf16, #tpu.memory_space<vmem>>, vector<1x256x256xbf16>
    %get3A_142 = vector.shape_cast %get3A_141 : vector<1x256x256xbf16> to vector<256x256xbf16>
    %dot_general3A_143 = arith.constant dense<0.000000e+00> : vector<1000x256xf32>
    %dot_general3A_144 = tpu.matmul %convert_element_type3A_81, %get3A_142, %dot_general3A_143 {dimension_numbers = #tpu.dot_dimension_numbers<[1], [0], [0], [1], [0, 0, 1, 1], [], []>, transpose_lhs_hint = false} : vector<1000x256xbf16>, vector<256x256xbf16>, vector<1000x256xf32> -> vector<1000x256xf32>
    %get3A_145 = arith.constant 2 : index
    %get3A_146 = arith.constant 0 : index
    %get3A_147 = arith.constant 0 : index
    %get3A_148 = vector.load %arg13[%get3A_145, %get3A_146, %get3A_147] : memref<3x1x256xf32, #tpu.memory_space<vmem>>, vector<1x1x256xf32>
    %get3A_149 = vector.shape_cast %get3A_148 : vector<1x1x256xf32> to vector<1x256xf32>
    %add3A_150 = vector.broadcast %get3A_149 : vector<1x256xf32> to vector<1000x256xf32>
    %add3A_151 = arith.addf %dot_general3A_144, %add3A_150 : vector<1000x256xf32>
    %slice3A_152 = vector.extract_strided_slice %add3A_151 {offsets = [0, 0], sizes = [1000, 128], strides = [1, 1]} : vector<1000x256xf32> to vector<1000x128xf32>
    %swap3A_153 = arith.constant 2 : index
    %swap3A_154 = arith.constant 0 : index
    %swap3A_155 = arith.constant 0 : index
    %swap3A_156 = vector.load %arg15[%swap3A_153, %swap3A_154, %swap3A_155] : memref<3x1000x128xf32, #tpu.memory_space<vmem>>, vector<1x1000x128xf32>
    %swap3A_157 = vector.shape_cast %swap3A_156 : vector<1x1000x128xf32> to vector<1000x128xf32>
    %swap3A_158 = vector.shape_cast %slice3A_152 : vector<1000x128xf32> to vector<1x1000x128xf32>
    tpu.vector_store %arg15[%swap3A_153, %swap3A_154, %swap3A_155], %swap3A_158 {strides = array<i32>} : memref<3x1000x128xf32, #tpu.memory_space<vmem>>, vector<1x1000x128xf32>,
    %slice3A_159 = vector.extract_strided_slice %add3A_151 {offsets = [0, 128], sizes = [1000, 128], strides = [1, 1]} : vector<1000x256xf32> to vector<1000x128xf32>
    %swap3A_160 = arith.constant 2 : index
    %swap3A_161 = arith.constant 0 : index
    %swap3A_162 = arith.constant 0 : index
    %swap3A_163 = vector.load %arg16[%swap3A_160, %swap3A_161, %swap3A_162] : memref<3x1000x128xf32, #tpu.memory_space<vmem>>, vector<1x1000x128xf32>
    %swap3A_164 = vector.shape_cast %swap3A_163 : vector<1x1000x128xf32> to vector<1000x128xf32>
    %swap3A_165 = vector.shape_cast %slice3A_159 : vector<1000x128xf32> to vector<1x1000x128xf32>
    tpu.vector_store %arg16[%swap3A_160, %swap3A_161, %swap3A_162], %swap3A_165 {strides = array<i32>} : memref<3x1000x128xf32, #tpu.memory_space<vmem>>, vector<1x1000x128xf32>,
    return
  }
  func.func @transform_0(%arg0: i32) -> (i32, i32) {
    %c0_i32 = arith.constant 0 : i32
    %c0_i32_0 = arith.constant 0 : i32
    return %arg0, %c0_i32 : i32, i32
  }
  func.func @transform_1(%arg0: i32) -> (i32, i32) {
    %c0_i32 = arith.constant 0 : i32
    %c0_i32_0 = arith.constant 0 : i32
    return %arg0, %c0_i32 : i32, i32
  }
  func.func @transform_2(%arg0: i32) -> (i32, i32) {
    %c0_i32 = arith.constant 0 : i32
    %c0_i32_0 = arith.constant 0 : i32
    return %arg0, %c0_i32 : i32, i32
  }
  func.func @transform_3(%arg0: i32) -> (i32, i32) {
    %c0_i32 = arith.constant 0 : i32
    %c0_i32_0 = arith.constant 0 : i32
    %c0_i32_1 = arith.constant 0 : i32
    return %c0_i32, %c0_i32_0 : i32, i32
  }
  func.func @transform_4(%arg0: i32) -> (i32, i32) {
    %c0_i32 = arith.constant 0 : i32
    %c0_i32_0 = arith.constant 0 : i32
    %c0_i32_1 = arith.constant 0 : i32
    return %c0_i32, %c0_i32_0 : i32, i32
  }
  func.func @transform_5(%arg0: i32) -> (i32, i32) {
    %c0_i32 = arith.constant 0 : i32
    %c0_i32_0 = arith.constant 0 : i32
    %c0_i32_1 = arith.constant 0 : i32
    return %c0_i32, %c0_i32_0 : i32, i32
  }
  func.func @transform_6(%arg0: i32) -> (i32, i32) {
    %c0_i32 = arith.constant 0 : i32
    %c0_i32_0 = arith.constant 0 : i32
    %c0_i32_1 = arith.constant 0 : i32
    return %c0_i32, %c0_i32_0 : i32, i32
  }
  func.func @transform_7(%arg0: i32) -> (i32, i32) {
    %c0_i32 = arith.constant 0 : i32
    %c0_i32_0 = arith.constant 0 : i32
    return %arg0, %c0_i32 : i32, i32
  }
  func.func @transform_8(%arg0: i32) -> (i32, i32) {
    %c0_i32 = arith.constant 0 : i32
    %c0_i32_0 = arith.constant 0 : i32
    %c0_i32_1 = arith.constant 0 : i32
    return %c0_i32, %c0_i32_0 : i32, i32
  }
  func.func @transform_9(%arg0: i32) -> (i32, i32) {
    %c0_i32 = arith.constant 0 : i32
    %c0_i32_0 = arith.constant 0 : i32
    %c0_i32_1 = arith.constant 0 : i32
    return %c0_i32, %c0_i32_0 : i32, i32
  }
  func.func @transform_10(%arg0: i32) -> (i32, i32) {
    %c0_i32 = arith.constant 0 : i32
    %c0_i32_0 = arith.constant 0 : i32
    %c0_i32_1 = arith.constant 0 : i32
    return %c0_i32, %c0_i32_0 : i32, i32
  }
  func.func @transform_11(%arg0: i32) -> (i32, i32, i32) {
    %c0_i32 = arith.constant 0 : i32
    %c0_i32_0 = arith.constant 0 : i32
    %c0_i32_1 = arith.constant 0 : i32
    %c0_i32_2 = arith.constant 0 : i32
    return %c0_i32, %c0_i32_0, %c0_i32_1 : i32, i32, i32
  }
  func.func @transform_12(%arg0: i32) -> (i32, i32, i32) {
    %c0_i32 = arith.constant 0 : i32
    %c0_i32_0 = arith.constant 0 : i32
    %c0_i32_1 = arith.constant 0 : i32
    %c0_i32_2 = arith.constant 0 : i32
    return %c0_i32, %c0_i32_0, %c0_i32_1 : i32, i32, i32
  }
  func.func @transform_13(%arg0: i32) -> (i32, i32) {
    %c0_i32 = arith.constant 0 : i32
    %c0_i32_0 = arith.constant 0 : i32
    return %arg0, %c0_i32 : i32, i32
  }
  func.func @transform_14(%arg0: i32) -> (i32, i32, i32) {
    %c0_i32 = arith.constant 0 : i32
    %c0_i32_0 = arith.constant 0 : i32
    %c0_i32_1 = arith.constant 0 : i32
    return %c0_i32, %arg0, %c0_i32_0 : i32, i32, i32
  }
  func.func @transform_15(%arg0: i32) -> (i32, i32, i32) {
    %c0_i32 = arith.constant 0 : i32
    %c0_i32_0 = arith.constant 0 : i32
    %c0_i32_1 = arith.constant 0 : i32
    return %c0_i32, %arg0, %c0_i32_0 : i32, i32, i32
  }
}

module attributes {stable_mosaic.version = 14 : i64} {
  func.func @body(%arg0: i32, %arg1: memref<1000x128xf32, #tpu.memory_space<vmem>>, %arg2: memref<1000x128xf32, #tpu.memory_space<vmem>>, %arg3: memref<1000x256xf32, #tpu.memory_space<vmem>>, %arg4: memref<256x768xbf16, #tpu.memory_space<vmem>>, %arg5: memref<1x768xf32, #tpu.memory_space<vmem>>, %arg6: memref<256x768xbf16, #tpu.memory_space<vmem>>, %arg7: memref<1x768xf32, #tpu.memory_space<vmem>>, %arg8: memref<3x256x256xbf16, #tpu.memory_space<vmem>>, %arg9: memref<3x1x256xf32, #tpu.memory_space<vmem>>, %arg10: memref<1000x256xf32, #tpu.memory_space<vmem>>, %arg11: memref<3x1000x128xf32, #tpu.memory_space<vmem>>, %arg12: memref<3x1000x128xf32, #tpu.memory_space<vmem>>) attributes {dimension_semantics = [#tpu.dimension_semantics<arbitrary>], iteration_bounds = array<i64: 10>, scalar_prefetch = 0 : i64, scratch_operands = 0 : i64, tpu.core_type = #tpu.core_type<tc>, window_params = [{transform_indices = @transform_0, window_bounds = array<i64: 1000, 128>}, {transform_indices = @transform_1, window_bounds = array<i64: 1000, 128>}, {transform_indices = @transform_2, window_bounds = array<i64: 1000, 256>}, {pipeline_mode = #tpu.pipeline_mode<synchronous>, transform_indices = @transform_3, window_bounds = array<i64: 256, 768>}, {pipeline_mode = #tpu.pipeline_mode<synchronous>, transform_indices = @transform_4, window_bounds = array<i64: 1, 768>}, {pipeline_mode = #tpu.pipeline_mode<synchronous>, transform_indices = @transform_5, window_bounds = array<i64: 256, 768>}, {pipeline_mode = #tpu.pipeline_mode<synchronous>, transform_indices = @transform_6, window_bounds = array<i64: 1, 768>}, {pipeline_mode = #tpu.pipeline_mode<synchronous>, transform_indices = @transform_7, window_bounds = array<i64: 3, 256, 256>}, {pipeline_mode = #tpu.pipeline_mode<synchronous>, transform_indices = @transform_8, window_bounds = array<i64: 3, 1, 256>}, {transform_indices = @transform_9, window_bounds = array<i64: 1000, 256>}, {transform_indices = @transform_10, window_bounds = array<i64: 3, 1000, 128>}, {transform_indices = @transform_11, window_bounds = array<i64: 3, 1000, 128>}]} {
    %get3A = arith.constant 0 : index
    %get3A_0 = arith.constant 0 : index
    %get3A_1 = vector.load %arg1[%get3A, %get3A_0] : memref<1000x128xf32, #tpu.memory_space<vmem>>, vector<1000x128xf32>
    %convert_element_type3A = arith.truncf %get3A_1 : vector<1000x128xf32> to vector<1000x128xbf16>
    %get3A_2 = arith.constant 0 : index
    %get3A_3 = arith.constant 0 : index
    %get3A_4 = vector.load %arg4[%get3A_2, %get3A_3] : memref<256x768xbf16, #tpu.memory_space<vmem>>, vector<128x768xbf16>
    %dot_general3A = arith.constant dense<0.000000e+00> : vector<1000x768xf32>
    %dot_general3A_5 = tpu.matmul %convert_element_type3A, %get3A_4, %dot_general3A {dimension_numbers = #tpu.dot_dimension_numbers<[1], [0], [0], [1], [0, 0, 1, 1], [], []>, transpose_lhs_hint = false} : vector<1000x128xbf16>, vector<128x768xbf16>, vector<1000x768xf32> -> vector<1000x768xf32>
    %get3A_6 = arith.constant 0 : index
    %get3A_7 = arith.constant 0 : index
    %get3A_8 = vector.load %arg2[%get3A_6, %get3A_7] : memref<1000x128xf32, #tpu.memory_space<vmem>>, vector<1000x128xf32>
    %convert_element_type3A_9 = arith.truncf %get3A_8 : vector<1000x128xf32> to vector<1000x128xbf16>
    %get3A_10 = arith.constant 128 : index
    %get3A_11 = arith.constant 0 : index
    %get3A_12 = vector.load %arg4[%get3A_10, %get3A_11] : memref<256x768xbf16, #tpu.memory_space<vmem>>, vector<128x768xbf16>
    %dot_general3A_13 = arith.constant dense<0.000000e+00> : vector<1000x768xf32>
    %dot_general3A_14 = tpu.matmul %convert_element_type3A_9, %get3A_12, %dot_general3A_13 {dimension_numbers = #tpu.dot_dimension_numbers<[1], [0], [0], [1], [0, 0, 1, 1], [], []>, transpose_lhs_hint = false} : vector<1000x128xbf16>, vector<128x768xbf16>, vector<1000x768xf32> -> vector<1000x768xf32>
    %add3A = arith.addf %dot_general3A_5, %dot_general3A_14 : vector<1000x768xf32>
    %get3A_15 = arith.constant 0 : index
    %get3A_16 = arith.constant 0 : index
    %get3A_17 = vector.load %arg5[%get3A_15, %get3A_16] : memref<1x768xf32, #tpu.memory_space<vmem>>, vector<1x768xf32>
    %add3A_18 = vector.broadcast %get3A_17 : vector<1x768xf32> to vector<1000x768xf32>
    %add3A_19 = arith.addf %add3A, %add3A_18 : vector<1000x768xf32>
    %get3A_20 = arith.constant 0 : index
    %get3A_21 = arith.constant 0 : index
    %get3A_22 = vector.load %arg3[%get3A_20, %get3A_21] : memref<1000x256xf32, #tpu.memory_space<vmem>>, vector<1000x256xf32>
    %convert_element_type3A_23 = arith.truncf %get3A_22 : vector<1000x256xf32> to vector<1000x256xbf16>
    %get3A_24 = arith.constant 0 : index
    %get3A_25 = arith.constant 0 : index
    %get3A_26 = vector.load %arg6[%get3A_24, %get3A_25] : memref<256x768xbf16, #tpu.memory_space<vmem>>, vector<256x768xbf16>
    %dot_general3A_27 = arith.constant dense<0.000000e+00> : vector<1000x768xf32>
    %dot_general3A_28 = tpu.matmul %convert_element_type3A_23, %get3A_26, %dot_general3A_27 {dimension_numbers = #tpu.dot_dimension_numbers<[1], [0], [0], [1], [0, 0, 1, 1], [], []>, transpose_lhs_hint = false} : vector<1000x256xbf16>, vector<256x768xbf16>, vector<1000x768xf32> -> vector<1000x768xf32>
    %get3A_29 = arith.constant 0 : index
    %get3A_30 = arith.constant 0 : index
    %get3A_31 = vector.load %arg7[%get3A_29, %get3A_30] : memref<1x768xf32, #tpu.memory_space<vmem>>, vector<1x768xf32>
    %add3A_32 = vector.broadcast %get3A_31 : vector<1x768xf32> to vector<1000x768xf32>
    %add3A_33 = arith.addf %dot_general3A_28, %add3A_32 : vector<1000x768xf32>
    %slice3A = vector.extract_strided_slice %add3A_19 {offsets = [0, 0], sizes = [1000, 256], strides = [1, 1]} : vector<1000x768xf32> to vector<1000x256xf32>
    %slice3A_34 = vector.extract_strided_slice %add3A_33 {offsets = [0, 0], sizes = [1000, 256], strides = [1, 1]} : vector<1000x768xf32> to vector<1000x256xf32>
    %add3A_35 = arith.addf %slice3A, %slice3A_34 : vector<1000x256xf32>
    %logistic3A = arith.negf %add3A_35 : vector<1000x256xf32>
    %logistic3A_36 = math.exp %logistic3A : vector<1000x256xf32>
    %logistic3A_37 = arith.constant 1.000000e+00 : f32
    %logistic3A_38 = vector.broadcast %logistic3A_37 : f32 to vector<1000x256xf32>
    %logistic3A_39 = arith.addf %logistic3A_38, %logistic3A_36 : vector<1000x256xf32>
    %logistic3A_40 = arith.divf %logistic3A_38, %logistic3A_39 : vector<1000x256xf32>
    %slice3A_41 = vector.extract_strided_slice %add3A_19 {offsets = [0, 256], sizes = [1000, 256], strides = [1, 1]} : vector<1000x768xf32> to vector<1000x256xf32>
    %slice3A_42 = vector.extract_strided_slice %add3A_33 {offsets = [0, 256], sizes = [1000, 256], strides = [1, 1]} : vector<1000x768xf32> to vector<1000x256xf32>
    %add3A_43 = arith.addf %slice3A_41, %slice3A_42 : vector<1000x256xf32>
    %logistic3A_44 = arith.negf %add3A_43 : vector<1000x256xf32>
    %logistic3A_45 = math.exp %logistic3A_44 : vector<1000x256xf32>
    %logistic3A_46 = arith.constant 1.000000e+00 : f32
    %logistic3A_47 = vector.broadcast %logistic3A_46 : f32 to vector<1000x256xf32>
    %logistic3A_48 = arith.addf %logistic3A_47, %logistic3A_45 : vector<1000x256xf32>
    %logistic3A_49 = arith.divf %logistic3A_47, %logistic3A_48 : vector<1000x256xf32>
    %slice3A_50 = vector.extract_strided_slice %add3A_19 {offsets = [0, 512], sizes = [1000, 256], strides = [1, 1]} : vector<1000x768xf32> to vector<1000x256xf32>
    %slice3A_51 = vector.extract_strided_slice %add3A_33 {offsets = [0, 512], sizes = [1000, 256], strides = [1, 1]} : vector<1000x768xf32> to vector<1000x256xf32>
    %mul3A = arith.mulf %logistic3A_40, %slice3A_51 : vector<1000x256xf32>
    %add3A_52 = arith.addf %slice3A_50, %mul3A : vector<1000x256xf32>
    %tanh3A = math.tanh %add3A_52 : vector<1000x256xf32>
    %sub3A = arith.constant 1.000000e+00 : f32
    %sub3A_53 = vector.broadcast %sub3A : f32 to vector<1000x256xf32>
    %sub3A_54 = arith.subf %sub3A_53, %logistic3A_49 : vector<1000x256xf32>
    %mul3A_55 = arith.mulf %sub3A_54, %tanh3A : vector<1000x256xf32>
    %mul3A_56 = arith.mulf %logistic3A_49, %get3A_22 : vector<1000x256xf32>
    %add3A_57 = arith.addf %mul3A_55, %mul3A_56 : vector<1000x256xf32>
    %swap3A = arith.constant 0 : index
    %swap3A_58 = arith.constant 0 : index
    %swap3A_59 = vector.load %arg10[%swap3A, %swap3A_58] : memref<1000x256xf32, #tpu.memory_space<vmem>>, vector<1000x256xf32>
    tpu.vector_store %arg10[%swap3A, %swap3A_58], %add3A_57 {strides = array<i32>} : memref<1000x256xf32, #tpu.memory_space<vmem>>, vector<1000x256xf32>,
    %convert_element_type3A_60 = arith.truncf %add3A_57 : vector<1000x256xf32> to vector<1000x256xbf16>
    %get3A_61 = arith.constant 0 : index
    %get3A_62 = arith.constant 0 : index
    %get3A_63 = arith.constant 0 : index
    %get3A_64 = vector.load %arg8[%get3A_61, %get3A_62, %get3A_63] : memref<3x256x256xbf16, #tpu.memory_space<vmem>>, vector<1x256x256xbf16>
    %get3A_65 = vector.shape_cast %get3A_64 : vector<1x256x256xbf16> to vector<256x256xbf16>
    %dot_general3A_66 = arith.constant dense<0.000000e+00> : vector<1000x256xf32>
    %dot_general3A_67 = tpu.matmul %convert_element_type3A_60, %get3A_65, %dot_general3A_66 {dimension_numbers = #tpu.dot_dimension_numbers<[1], [0], [0], [1], [0, 0, 1, 1], [], []>, transpose_lhs_hint = false} : vector<1000x256xbf16>, vector<256x256xbf16>, vector<1000x256xf32> -> vector<1000x256xf32>
    %get3A_68 = arith.constant 0 : index
    %get3A_69 = arith.constant 0 : index
    %get3A_70 = arith.constant 0 : index
    %get3A_71 = vector.load %arg9[%get3A_68, %get3A_69, %get3A_70] : memref<3x1x256xf32, #tpu.memory_space<vmem>>, vector<1x1x256xf32>
    %get3A_72 = vector.shape_cast %get3A_71 : vector<1x1x256xf32> to vector<1x256xf32>
    %add3A_73 = vector.broadcast %get3A_72 : vector<1x256xf32> to vector<1000x256xf32>
    %add3A_74 = arith.addf %dot_general3A_67, %add3A_73 : vector<1000x256xf32>
    %slice3A_75 = vector.extract_strided_slice %add3A_74 {offsets = [0, 0], sizes = [1000, 128], strides = [1, 1]} : vector<1000x256xf32> to vector<1000x128xf32>
    %swap3A_76 = arith.constant 0 : index
    %swap3A_77 = arith.constant 0 : index
    %swap3A_78 = arith.constant 0 : index
    %swap3A_79 = vector.load %arg11[%swap3A_76, %swap3A_77, %swap3A_78] : memref<3x1000x128xf32, #tpu.memory_space<vmem>>, vector<1x1000x128xf32>
    %swap3A_80 = vector.shape_cast %swap3A_79 : vector<1x1000x128xf32> to vector<1000x128xf32>
    %swap3A_81 = vector.shape_cast %slice3A_75 : vector<1000x128xf32> to vector<1x1000x128xf32>
    tpu.vector_store %arg11[%swap3A_76, %swap3A_77, %swap3A_78], %swap3A_81 {strides = array<i32>} : memref<3x1000x128xf32, #tpu.memory_space<vmem>>, vector<1x1000x128xf32>,
    %slice3A_82 = vector.extract_strided_slice %add3A_74 {offsets = [0, 128], sizes = [1000, 128], strides = [1, 1]} : vector<1000x256xf32> to vector<1000x128xf32>
    %swap3A_83 = arith.constant 0 : index
    %swap3A_84 = arith.constant 0 : index
    %swap3A_85 = arith.constant 0 : index
    %swap3A_86 = vector.load %arg12[%swap3A_83, %swap3A_84, %swap3A_85] : memref<3x1000x128xf32, #tpu.memory_space<vmem>>, vector<1x1000x128xf32>
    %swap3A_87 = vector.shape_cast %swap3A_86 : vector<1x1000x128xf32> to vector<1000x128xf32>
    %swap3A_88 = vector.shape_cast %slice3A_82 : vector<1000x128xf32> to vector<1x1000x128xf32>
    tpu.vector_store %arg12[%swap3A_83, %swap3A_84, %swap3A_85], %swap3A_88 {strides = array<i32>} : memref<3x1000x128xf32, #tpu.memory_space<vmem>>, vector<1x1000x128xf32>,
    %get3A_89 = arith.constant 1 : index
    %get3A_90 = arith.constant 0 : index
    %get3A_91 = arith.constant 0 : index
    %get3A_92 = vector.load %arg8[%get3A_89, %get3A_90, %get3A_91] : memref<3x256x256xbf16, #tpu.memory_space<vmem>>, vector<1x256x256xbf16>
    %get3A_93 = vector.shape_cast %get3A_92 : vector<1x256x256xbf16> to vector<256x256xbf16>
    %dot_general3A_94 = arith.constant dense<0.000000e+00> : vector<1000x256xf32>
    %dot_general3A_95 = tpu.matmul %convert_element_type3A_60, %get3A_93, %dot_general3A_94 {dimension_numbers = #tpu.dot_dimension_numbers<[1], [0], [0], [1], [0, 0, 1, 1], [], []>, transpose_lhs_hint = false} : vector<1000x256xbf16>, vector<256x256xbf16>, vector<1000x256xf32> -> vector<1000x256xf32>
    %get3A_96 = arith.constant 1 : index
    %get3A_97 = arith.constant 0 : index
    %get3A_98 = arith.constant 0 : index
    %get3A_99 = vector.load %arg9[%get3A_96, %get3A_97, %get3A_98] : memref<3x1x256xf32, #tpu.memory_space<vmem>>, vector<1x1x256xf32>
    %get3A_100 = vector.shape_cast %get3A_99 : vector<1x1x256xf32> to vector<1x256xf32>
    %add3A_101 = vector.broadcast %get3A_100 : vector<1x256xf32> to vector<1000x256xf32>
    %add3A_102 = arith.addf %dot_general3A_95, %add3A_101 : vector<1000x256xf32>
    %slice3A_103 = vector.extract_strided_slice %add3A_102 {offsets = [0, 0], sizes = [1000, 128], strides = [1, 1]} : vector<1000x256xf32> to vector<1000x128xf32>
    %swap3A_104 = arith.constant 1 : index
    %swap3A_105 = arith.constant 0 : index
    %swap3A_106 = arith.constant 0 : index
    %swap3A_107 = vector.load %arg11[%swap3A_104, %swap3A_105, %swap3A_106] : memref<3x1000x128xf32, #tpu.memory_space<vmem>>, vector<1x1000x128xf32>
    %swap3A_108 = vector.shape_cast %swap3A_107 : vector<1x1000x128xf32> to vector<1000x128xf32>
    %swap3A_109 = vector.shape_cast %slice3A_103 : vector<1000x128xf32> to vector<1x1000x128xf32>
    tpu.vector_store %arg11[%swap3A_104, %swap3A_105, %swap3A_106], %swap3A_109 {strides = array<i32>} : memref<3x1000x128xf32, #tpu.memory_space<vmem>>, vector<1x1000x128xf32>,
    %slice3A_110 = vector.extract_strided_slice %add3A_102 {offsets = [0, 128], sizes = [1000, 128], strides = [1, 1]} : vector<1000x256xf32> to vector<1000x128xf32>
    %swap3A_111 = arith.constant 1 : index
    %swap3A_112 = arith.constant 0 : index
    %swap3A_113 = arith.constant 0 : index
    %swap3A_114 = vector.load %arg12[%swap3A_111, %swap3A_112, %swap3A_113] : memref<3x1000x128xf32, #tpu.memory_space<vmem>>, vector<1x1000x128xf32>
    %swap3A_115 = vector.shape_cast %swap3A_114 : vector<1x1000x128xf32> to vector<1000x128xf32>
    %swap3A_116 = vector.shape_cast %slice3A_110 : vector<1000x128xf32> to vector<1x1000x128xf32>
    tpu.vector_store %arg12[%swap3A_111, %swap3A_112, %swap3A_113], %swap3A_116 {strides = array<i32>} : memref<3x1000x128xf32, #tpu.memory_space<vmem>>, vector<1x1000x128xf32>,
    %get3A_117 = arith.constant 2 : index
    %get3A_118 = arith.constant 0 : index
    %get3A_119 = arith.constant 0 : index
    %get3A_120 = vector.load %arg8[%get3A_117, %get3A_118, %get3A_119] : memref<3x256x256xbf16, #tpu.memory_space<vmem>>, vector<1x256x256xbf16>
    %get3A_121 = vector.shape_cast %get3A_120 : vector<1x256x256xbf16> to vector<256x256xbf16>
    %dot_general3A_122 = arith.constant dense<0.000000e+00> : vector<1000x256xf32>
    %dot_general3A_123 = tpu.matmul %convert_element_type3A_60, %get3A_121, %dot_general3A_122 {dimension_numbers = #tpu.dot_dimension_numbers<[1], [0], [0], [1], [0, 0, 1, 1], [], []>, transpose_lhs_hint = false} : vector<1000x256xbf16>, vector<256x256xbf16>, vector<1000x256xf32> -> vector<1000x256xf32>
    %get3A_124 = arith.constant 2 : index
    %get3A_125 = arith.constant 0 : index
    %get3A_126 = arith.constant 0 : index
    %get3A_127 = vector.load %arg9[%get3A_124, %get3A_125, %get3A_126] : memref<3x1x256xf32, #tpu.memory_space<vmem>>, vector<1x1x256xf32>
    %get3A_128 = vector.shape_cast %get3A_127 : vector<1x1x256xf32> to vector<1x256xf32>
    %add3A_129 = vector.broadcast %get3A_128 : vector<1x256xf32> to vector<1000x256xf32>
    %add3A_130 = arith.addf %dot_general3A_123, %add3A_129 : vector<1000x256xf32>
    %slice3A_131 = vector.extract_strided_slice %add3A_130 {offsets = [0, 0], sizes = [1000, 128], strides = [1, 1]} : vector<1000x256xf32> to vector<1000x128xf32>
    %swap3A_132 = arith.constant 2 : index
    %swap3A_133 = arith.constant 0 : index
    %swap3A_134 = arith.constant 0 : index
    %swap3A_135 = vector.load %arg11[%swap3A_132, %swap3A_133, %swap3A_134] : memref<3x1000x128xf32, #tpu.memory_space<vmem>>, vector<1x1000x128xf32>
    %swap3A_136 = vector.shape_cast %swap3A_135 : vector<1x1000x128xf32> to vector<1000x128xf32>
    %swap3A_137 = vector.shape_cast %slice3A_131 : vector<1000x128xf32> to vector<1x1000x128xf32>
    tpu.vector_store %arg11[%swap3A_132, %swap3A_133, %swap3A_134], %swap3A_137 {strides = array<i32>} : memref<3x1000x128xf32, #tpu.memory_space<vmem>>, vector<1x1000x128xf32>,
    %slice3A_138 = vector.extract_strided_slice %add3A_130 {offsets = [0, 128], sizes = [1000, 128], strides = [1, 1]} : vector<1000x256xf32> to vector<1000x128xf32>
    %swap3A_139 = arith.constant 2 : index
    %swap3A_140 = arith.constant 0 : index
    %swap3A_141 = arith.constant 0 : index
    %swap3A_142 = vector.load %arg12[%swap3A_139, %swap3A_140, %swap3A_141] : memref<3x1000x128xf32, #tpu.memory_space<vmem>>, vector<1x1000x128xf32>
    %swap3A_143 = vector.shape_cast %swap3A_142 : vector<1x1000x128xf32> to vector<1000x128xf32>
    %swap3A_144 = vector.shape_cast %slice3A_138 : vector<1000x128xf32> to vector<1x1000x128xf32>
    tpu.vector_store %arg12[%swap3A_139, %swap3A_140, %swap3A_141], %swap3A_144 {strides = array<i32>} : memref<3x1000x128xf32, #tpu.memory_space<vmem>>, vector<1x1000x128xf32>,
    return
  }
  func.func @transform_0(%arg0: i32) -> (i32, i32) {
    %c0_i32 = arith.constant 0 : i32
    %c0_i32_0 = arith.constant 0 : i32
    return %arg0, %c0_i32 : i32, i32
  }
  func.func @transform_1(%arg0: i32) -> (i32, i32) {
    %c0_i32 = arith.constant 0 : i32
    %c0_i32_0 = arith.constant 0 : i32
    return %arg0, %c0_i32 : i32, i32
  }
  func.func @transform_2(%arg0: i32) -> (i32, i32) {
    %c0_i32 = arith.constant 0 : i32
    %c0_i32_0 = arith.constant 0 : i32
    return %arg0, %c0_i32 : i32, i32
  }
  func.func @transform_3(%arg0: i32) -> (i32, i32) {
    %c0_i32 = arith.constant 0 : i32
    %c0_i32_0 = arith.constant 0 : i32
    %c0_i32_1 = arith.constant 0 : i32
    return %c0_i32, %c0_i32_0 : i32, i32
  }
  func.func @transform_4(%arg0: i32) -> (i32, i32) {
    %c0_i32 = arith.constant 0 : i32
    %c0_i32_0 = arith.constant 0 : i32
    %c0_i32_1 = arith.constant 0 : i32
    return %c0_i32, %c0_i32_0 : i32, i32
  }
  func.func @transform_5(%arg0: i32) -> (i32, i32) {
    %c0_i32 = arith.constant 0 : i32
    %c0_i32_0 = arith.constant 0 : i32
    %c0_i32_1 = arith.constant 0 : i32
    return %c0_i32, %c0_i32_0 : i32, i32
  }
  func.func @transform_6(%arg0: i32) -> (i32, i32) {
    %c0_i32 = arith.constant 0 : i32
    %c0_i32_0 = arith.constant 0 : i32
    %c0_i32_1 = arith.constant 0 : i32
    return %c0_i32, %c0_i32_0 : i32, i32
  }
  func.func @transform_7(%arg0: i32) -> (i32, i32, i32) {
    %c0_i32 = arith.constant 0 : i32
    %c0_i32_0 = arith.constant 0 : i32
    %c0_i32_1 = arith.constant 0 : i32
    %c0_i32_2 = arith.constant 0 : i32
    return %c0_i32, %c0_i32_0, %c0_i32_1 : i32, i32, i32
  }
  func.func @transform_8(%arg0: i32) -> (i32, i32, i32) {
    %c0_i32 = arith.constant 0 : i32
    %c0_i32_0 = arith.constant 0 : i32
    %c0_i32_1 = arith.constant 0 : i32
    %c0_i32_2 = arith.constant 0 : i32
    return %c0_i32, %c0_i32_0, %c0_i32_1 : i32, i32, i32
  }
  func.func @transform_9(%arg0: i32) -> (i32, i32) {
    %c0_i32 = arith.constant 0 : i32
    %c0_i32_0 = arith.constant 0 : i32
    return %arg0, %c0_i32 : i32, i32
  }
  func.func @transform_10(%arg0: i32) -> (i32, i32, i32) {
    %c0_i32 = arith.constant 0 : i32
    %c0_i32_0 = arith.constant 0 : i32
    %c0_i32_1 = arith.constant 0 : i32
    return %c0_i32, %arg0, %c0_i32_0 : i32, i32, i32
  }
  func.func @transform_11(%arg0: i32) -> (i32, i32, i32) {
    %c0_i32 = arith.constant 0 : i32
    %c0_i32_0 = arith.constant 0 : i32
    %c0_i32_1 = arith.constant 0 : i32
    return %c0_i32, %arg0, %c0_i32_0 : i32, i32, i32
  }
}

module attributes {stable_mosaic.version = 14 : i64} {
  func.func @body(%arg0: i32, %arg1: memref<1000x128xf32, #tpu.memory_space<vmem>>, %arg2: memref<1000x128xf32, #tpu.memory_space<vmem>>, %arg3: memref<1000x256xf32, #tpu.memory_space<vmem>>, %arg4: memref<256x768xbf16, #tpu.memory_space<vmem>>, %arg5: memref<1x768xf32, #tpu.memory_space<vmem>>, %arg6: memref<256x768xbf16, #tpu.memory_space<vmem>>, %arg7: memref<1x768xf32, #tpu.memory_space<vmem>>, %arg8: memref<1000x256xf32, #tpu.memory_space<vmem>>, %arg9: memref<256x256xbf16, #tpu.memory_space<vmem>>, %arg10: memref<256x256xbf16, #tpu.memory_space<vmem>>, %arg11: memref<1x256xf32, #tpu.memory_space<vmem>>, %arg12: memref<1000x256xf32, #tpu.memory_space<vmem>>) attributes {dimension_semantics = [#tpu.dimension_semantics<arbitrary>], iteration_bounds = array<i64: 10>, scalar_prefetch = 0 : i64, scratch_operands = 0 : i64, tpu.core_type = #tpu.core_type<tc>, window_params = [{transform_indices = @transform_0, window_bounds = array<i64: 1000, 128>}, {transform_indices = @transform_1, window_bounds = array<i64: 1000, 128>}, {transform_indices = @transform_2, window_bounds = array<i64: 1000, 256>}, {pipeline_mode = #tpu.pipeline_mode<synchronous>, transform_indices = @transform_3, window_bounds = array<i64: 256, 768>}, {pipeline_mode = #tpu.pipeline_mode<synchronous>, transform_indices = @transform_4, window_bounds = array<i64: 1, 768>}, {pipeline_mode = #tpu.pipeline_mode<synchronous>, transform_indices = @transform_5, window_bounds = array<i64: 256, 768>}, {pipeline_mode = #tpu.pipeline_mode<synchronous>, transform_indices = @transform_6, window_bounds = array<i64: 1, 768>}, {transform_indices = @transform_7, window_bounds = array<i64: 1000, 256>}, {pipeline_mode = #tpu.pipeline_mode<synchronous>, transform_indices = @transform_8, window_bounds = array<i64: 256, 256>}, {pipeline_mode = #tpu.pipeline_mode<synchronous>, transform_indices = @transform_9, window_bounds = array<i64: 256, 256>}, {pipeline_mode = #tpu.pipeline_mode<synchronous>, transform_indices = @transform_10, window_bounds = array<i64: 1, 256>}, {transform_indices = @transform_11, window_bounds = array<i64: 1000, 256>}]} {
    %get3A = arith.constant 0 : index
    %get3A_0 = arith.constant 0 : index
    %get3A_1 = vector.load %arg1[%get3A, %get3A_0] : memref<1000x128xf32, #tpu.memory_space<vmem>>, vector<1000x128xf32>
    %convert_element_type3A = arith.truncf %get3A_1 : vector<1000x128xf32> to vector<1000x128xbf16>
    %get3A_2 = arith.constant 0 : index
    %get3A_3 = arith.constant 0 : index
    %get3A_4 = vector.load %arg4[%get3A_2, %get3A_3] : memref<256x768xbf16, #tpu.memory_space<vmem>>, vector<128x768xbf16>
    %dot_general3A = arith.constant dense<0.000000e+00> : vector<1000x768xf32>
    %dot_general3A_5 = tpu.matmul %convert_element_type3A, %get3A_4, %dot_general3A {dimension_numbers = #tpu.dot_dimension_numbers<[1], [0], [0], [1], [0, 0, 1, 1], [], []>, transpose_lhs_hint = false} : vector<1000x128xbf16>, vector<128x768xbf16>, vector<1000x768xf32> -> vector<1000x768xf32>
    %get3A_6 = arith.constant 0 : index
    %get3A_7 = arith.constant 0 : index
    %get3A_8 = vector.load %arg2[%get3A_6, %get3A_7] : memref<1000x128xf32, #tpu.memory_space<vmem>>, vector<1000x128xf32>
    %convert_element_type3A_9 = arith.truncf %get3A_8 : vector<1000x128xf32> to vector<1000x128xbf16>
    %get3A_10 = arith.constant 128 : index
    %get3A_11 = arith.constant 0 : index
    %get3A_12 = vector.load %arg4[%get3A_10, %get3A_11] : memref<256x768xbf16, #tpu.memory_space<vmem>>, vector<128x768xbf16>
    %dot_general3A_13 = arith.constant dense<0.000000e+00> : vector<1000x768xf32>
    %dot_general3A_14 = tpu.matmul %convert_element_type3A_9, %get3A_12, %dot_general3A_13 {dimension_numbers = #tpu.dot_dimension_numbers<[1], [0], [0], [1], [0, 0, 1, 1], [], []>, transpose_lhs_hint = false} : vector<1000x128xbf16>, vector<128x768xbf16>, vector<1000x768xf32> -> vector<1000x768xf32>
    %add3A = arith.addf %dot_general3A_5, %dot_general3A_14 : vector<1000x768xf32>
    %get3A_15 = arith.constant 0 : index
    %get3A_16 = arith.constant 0 : index
    %get3A_17 = vector.load %arg5[%get3A_15, %get3A_16] : memref<1x768xf32, #tpu.memory_space<vmem>>, vector<1x768xf32>
    %add3A_18 = vector.broadcast %get3A_17 : vector<1x768xf32> to vector<1000x768xf32>
    %add3A_19 = arith.addf %add3A, %add3A_18 : vector<1000x768xf32>
    %get3A_20 = arith.constant 0 : index
    %get3A_21 = arith.constant 0 : index
    %get3A_22 = vector.load %arg3[%get3A_20, %get3A_21] : memref<1000x256xf32, #tpu.memory_space<vmem>>, vector<1000x256xf32>
    %convert_element_type3A_23 = arith.truncf %get3A_22 : vector<1000x256xf32> to vector<1000x256xbf16>
    %get3A_24 = arith.constant 0 : index
    %get3A_25 = arith.constant 0 : index
    %get3A_26 = vector.load %arg6[%get3A_24, %get3A_25] : memref<256x768xbf16, #tpu.memory_space<vmem>>, vector<256x768xbf16>
    %dot_general3A_27 = arith.constant dense<0.000000e+00> : vector<1000x768xf32>
    %dot_general3A_28 = tpu.matmul %convert_element_type3A_23, %get3A_26, %dot_general3A_27 {dimension_numbers = #tpu.dot_dimension_numbers<[1], [0], [0], [1], [0, 0, 1, 1], [], []>, transpose_lhs_hint = false} : vector<1000x256xbf16>, vector<256x768xbf16>, vector<1000x768xf32> -> vector<1000x768xf32>
    %get3A_29 = arith.constant 0 : index
    %get3A_30 = arith.constant 0 : index
    %get3A_31 = vector.load %arg7[%get3A_29, %get3A_30] : memref<1x768xf32, #tpu.memory_space<vmem>>, vector<1x768xf32>
    %add3A_32 = vector.broadcast %get3A_31 : vector<1x768xf32> to vector<1000x768xf32>
    %add3A_33 = arith.addf %dot_general3A_28, %add3A_32 : vector<1000x768xf32>
    %slice3A = vector.extract_strided_slice %add3A_19 {offsets = [0, 0], sizes = [1000, 256], strides = [1, 1]} : vector<1000x768xf32> to vector<1000x256xf32>
    %slice3A_34 = vector.extract_strided_slice %add3A_33 {offsets = [0, 0], sizes = [1000, 256], strides = [1, 1]} : vector<1000x768xf32> to vector<1000x256xf32>
    %add3A_35 = arith.addf %slice3A, %slice3A_34 : vector<1000x256xf32>
    %logistic3A = arith.negf %add3A_35 : vector<1000x256xf32>
    %logistic3A_36 = math.exp %logistic3A : vector<1000x256xf32>
    %logistic3A_37 = arith.constant 1.000000e+00 : f32
    %logistic3A_38 = vector.broadcast %logistic3A_37 : f32 to vector<1000x256xf32>
    %logistic3A_39 = arith.addf %logistic3A_38, %logistic3A_36 : vector<1000x256xf32>
    %logistic3A_40 = arith.divf %logistic3A_38, %logistic3A_39 : vector<1000x256xf32>
    %slice3A_41 = vector.extract_strided_slice %add3A_19 {offsets = [0, 256], sizes = [1000, 256], strides = [1, 1]} : vector<1000x768xf32> to vector<1000x256xf32>
    %slice3A_42 = vector.extract_strided_slice %add3A_33 {offsets = [0, 256], sizes = [1000, 256], strides = [1, 1]} : vector<1000x768xf32> to vector<1000x256xf32>
    %add3A_43 = arith.addf %slice3A_41, %slice3A_42 : vector<1000x256xf32>
    %logistic3A_44 = arith.negf %add3A_43 : vector<1000x256xf32>
    %logistic3A_45 = math.exp %logistic3A_44 : vector<1000x256xf32>
    %logistic3A_46 = arith.constant 1.000000e+00 : f32
    %logistic3A_47 = vector.broadcast %logistic3A_46 : f32 to vector<1000x256xf32>
    %logistic3A_48 = arith.addf %logistic3A_47, %logistic3A_45 : vector<1000x256xf32>
    %logistic3A_49 = arith.divf %logistic3A_47, %logistic3A_48 : vector<1000x256xf32>
    %slice3A_50 = vector.extract_strided_slice %add3A_19 {offsets = [0, 512], sizes = [1000, 256], strides = [1, 1]} : vector<1000x768xf32> to vector<1000x256xf32>
    %slice3A_51 = vector.extract_strided_slice %add3A_33 {offsets = [0, 512], sizes = [1000, 256], strides = [1, 1]} : vector<1000x768xf32> to vector<1000x256xf32>
    %mul3A = arith.mulf %logistic3A_40, %slice3A_51 : vector<1000x256xf32>
    %add3A_52 = arith.addf %slice3A_50, %mul3A : vector<1000x256xf32>
    %tanh3A = math.tanh %add3A_52 : vector<1000x256xf32>
    %sub3A = arith.constant 1.000000e+00 : f32
    %sub3A_53 = vector.broadcast %sub3A : f32 to vector<1000x256xf32>
    %sub3A_54 = arith.subf %sub3A_53, %logistic3A_49 : vector<1000x256xf32>
    %mul3A_55 = arith.mulf %sub3A_54, %tanh3A : vector<1000x256xf32>
    %mul3A_56 = arith.mulf %logistic3A_49, %get3A_22 : vector<1000x256xf32>
    %add3A_57 = arith.addf %mul3A_55, %mul3A_56 : vector<1000x256xf32>
    %convert_element_type3A_58 = arith.truncf %add3A_57 : vector<1000x256xf32> to vector<1000x256xbf16>
    %get3A_59 = arith.constant 0 : index
    %get3A_60 = arith.constant 0 : index
    %get3A_61 = vector.load %arg9[%get3A_59, %get3A_60] : memref<256x256xbf16, #tpu.memory_space<vmem>>, vector<256x256xbf16>
    %dot_general3A_62 = arith.constant dense<0.000000e+00> : vector<1000x256xf32>
    %dot_general3A_63 = tpu.matmul %convert_element_type3A_58, %get3A_61, %dot_general3A_62 {dimension_numbers = #tpu.dot_dimension_numbers<[1], [0], [0], [1], [0, 0, 1, 1], [], []>, transpose_lhs_hint = false} : vector<1000x256xbf16>, vector<256x256xbf16>, vector<1000x256xf32> -> vector<1000x256xf32>
    %get3A_64 = arith.constant 0 : index
    %get3A_65 = arith.constant 0 : index
    %get3A_66 = vector.load %arg8[%get3A_64, %get3A_65] : memref<1000x256xf32, #tpu.memory_space<vmem>>, vector<1000x256xf32>
    %convert_element_type3A_67 = arith.truncf %get3A_66 : vector<1000x256xf32> to vector<1000x256xbf16>
    %get3A_68 = arith.constant 0 : index
    %get3A_69 = arith.constant 0 : index
    %get3A_70 = vector.load %arg10[%get3A_68, %get3A_69] : memref<256x256xbf16, #tpu.memory_space<vmem>>, vector<256x256xbf16>
    %dot_general3A_71 = arith.constant dense<0.000000e+00> : vector<1000x256xf32>
    %dot_general3A_72 = tpu.matmul %convert_element_type3A_67, %get3A_70, %dot_general3A_71 {dimension_numbers = #tpu.dot_dimension_numbers<[1], [0], [0], [1], [0, 0, 1, 1], [], []>, transpose_lhs_hint = false} : vector<1000x256xbf16>, vector<256x256xbf16>, vector<1000x256xf32> -> vector<1000x256xf32>
    %add3A_73 = arith.addf %dot_general3A_63, %dot_general3A_72 : vector<1000x256xf32>
    %get3A_74 = arith.constant 0 : index
    %get3A_75 = arith.constant 0 : index
    %get3A_76 = vector.load %arg11[%get3A_74, %get3A_75] : memref<1x256xf32, #tpu.memory_space<vmem>>, vector<1x256xf32>
    %add3A_77 = vector.broadcast %get3A_76 : vector<1x256xf32> to vector<1000x256xf32>
    %add3A_78 = arith.addf %add3A_73, %add3A_77 : vector<1000x256xf32>
    %swap3A = arith.constant 0 : index
    %swap3A_79 = arith.constant 0 : index
    %swap3A_80 = vector.load %arg12[%swap3A, %swap3A_79] : memref<1000x256xf32, #tpu.memory_space<vmem>>, vector<1000x256xf32>
    tpu.vector_store %arg12[%swap3A, %swap3A_79], %add3A_78 {strides = array<i32>} : memref<1000x256xf32, #tpu.memory_space<vmem>>, vector<1000x256xf32>,
    return
  }
  func.func @transform_0(%arg0: i32) -> (i32, i32) {
    %c0_i32 = arith.constant 0 : i32
    %c0_i32_0 = arith.constant 0 : i32
    return %arg0, %c0_i32 : i32, i32
  }
  func.func @transform_1(%arg0: i32) -> (i32, i32) {
    %c0_i32 = arith.constant 0 : i32
    %c0_i32_0 = arith.constant 0 : i32
    return %arg0, %c0_i32 : i32, i32
  }
  func.func @transform_2(%arg0: i32) -> (i32, i32) {
    %c0_i32 = arith.constant 0 : i32
    %c0_i32_0 = arith.constant 0 : i32
    return %arg0, %c0_i32 : i32, i32
  }
  func.func @transform_3(%arg0: i32) -> (i32, i32) {
    %c0_i32 = arith.constant 0 : i32
    %c0_i32_0 = arith.constant 0 : i32
    %c0_i32_1 = arith.constant 0 : i32
    return %c0_i32, %c0_i32_0 : i32, i32
  }
  func.func @transform_4(%arg0: i32) -> (i32, i32) {
    %c0_i32 = arith.constant 0 : i32
    %c0_i32_0 = arith.constant 0 : i32
    %c0_i32_1 = arith.constant 0 : i32
    return %c0_i32, %c0_i32_0 : i32, i32
  }
  func.func @transform_5(%arg0: i32) -> (i32, i32) {
    %c0_i32 = arith.constant 0 : i32
    %c0_i32_0 = arith.constant 0 : i32
    %c0_i32_1 = arith.constant 0 : i32
    return %c0_i32, %c0_i32_0 : i32, i32
  }
  func.func @transform_6(%arg0: i32) -> (i32, i32) {
    %c0_i32 = arith.constant 0 : i32
    %c0_i32_0 = arith.constant 0 : i32
    %c0_i32_1 = arith.constant 0 : i32
    return %c0_i32, %c0_i32_0 : i32, i32
  }
  func.func @transform_7(%arg0: i32) -> (i32, i32) {
    %c0_i32 = arith.constant 0 : i32
    %c0_i32_0 = arith.constant 0 : i32
    return %arg0, %c0_i32 : i32, i32
  }
  func.func @transform_8(%arg0: i32) -> (i32, i32) {
    %c0_i32 = arith.constant 0 : i32
    %c0_i32_0 = arith.constant 0 : i32
    %c0_i32_1 = arith.constant 0 : i32
    return %c0_i32, %c0_i32_0 : i32, i32
  }
  func.func @transform_9(%arg0: i32) -> (i32, i32) {
    %c0_i32 = arith.constant 0 : i32
    %c0_i32_0 = arith.constant 0 : i32
    %c0_i32_1 = arith.constant 0 : i32
    return %c0_i32, %c0_i32_0 : i32, i32
  }
  func.func @transform_10(%arg0: i32) -> (i32, i32) {
    %c0_i32 = arith.constant 0 : i32
    %c0_i32_0 = arith.constant 0 : i32
    %c0_i32_1 = arith.constant 0 : i32
    return %c0_i32, %c0_i32_0 : i32, i32
  }
  func.func @transform_11(%arg0: i32) -> (i32, i32) {
    %c0_i32 = arith.constant 0 : i32
    %c0_i32_0 = arith.constant 0 : i32
    return %arg0, %c0_i32 : i32, i32
  }
}

</mosaic_0001>

<sc_bundles>
// kernel: kernel.11.cloned.1.call-start
scs
__scs_entry_jumppad:
0x0: {  	(pc) =	sbr.rel $0x88, $3  }
0x1: {  	(tag) =	ssettag $0x0;
	lr =	simm.s32 $0x1  }
0x2: {  	[smem:$0x3F8D] =	sst lr;
	_ =	strace $0xD0000000  }
0x3: {  	_ = 	snop  }
0x4: {  	_ = 	snop  }
0x5: {  	_ = 	snop  }
0x6: {  	_ = 	snop  }
0x7: {  	_ = 	snop  }
__scs_overlays_trampoline_lowered:
0x8: {  	[smem:$0x3F9C] =	sst s0  }
0x9: {  	[smem:$0x3F9D] =	sst s1  }
0xa: {  	[smem:$0x3F9E] =	sst s2  }
0xb: {  	[smem:$0x3F9F] =	sst s3  }
0xc: {  	[smem:$0x3FA0] =	sst s4  }
0xd: {  	[smem:$0x3FA1] =	sst s5  }
0xe: {  	[smem:$0x3FA2] =	sst s6  }
0xf: {  	[smem:$0x3FA3] =	sst s7  }
0x10: {  	[smem:$0x3FA4] =	sst s8  }
0x11: {  	[smem:$0x3FA5] =	sst s9;
	s0 =	simm.s32 @!p0 $0x0  }
0x12: {  	s1 =	sld [smem:$0x3F8B];
	s0 =	simm.s32 @p0 $0x1  }
0x13: {  	[smem:$0x3FA6] =	sst s0;
	s0 =	simm.s32 @!p1 $0x0  }
0x14: {  	s2 =	sld [smem:$0x3F8A];
	s0 =	simm.s32 @p1 $0x1  }
0x15: {  	[smem:$0x3FA7] =	sst s0;
	s0 =	simm.s32 @!p2 $0x0  }
0x16: {  	s3 =	sld [smem:$0x3FDB];
	s0 =	simm.s32 @p2 $0x1  }
0x17: {  	s4 =	simm.s32 $0x1BF5;
	[smem:$0x3FA9] =	sst s0  }
0x18: {  	s0 =	sld [smem:$0x3F8C];
	_ =	swait.ge [sflag:s4], $0x0  }
0x19: {  	s7 =	sld [smem:$0x3F8D]  }
0x1a: {  	s8 =	sadd.s32 $0xFFFFE003, lr  }
0x1b: {  	s9 =	sadd.s32 $0xFFFFFEF7, lr;
	s5 =	simm.s32 $0xFFFFFFFF;
	p2 =	slt.u32 s8, $0xFFFFF086  }
0x1c: {  	p1 =	slt.u32 s9, $0xF7A;
	s5 =	simm.s32 @!p2 $0x0  }
0x1d: {  	s5 =	simm.s32 @p1 $0x1;
	p0 =	seq.s32 s7, s2  }
0x1e: {  	s7 =	smul.u32 @!p0 $0xF7A, s2;
	p2 =	seq.s32 @!p0 s5, $0x0  }
0x1f: {  	s9 =	smul.u32 $0xF7A, s1;
	s8 =	simm.s32 @!p0 $0x1BF5;
	p2 =	por !p2, p0  }
0x20: {  	[sflag:s8] =	ssyncset.s32 @!p0 $0xFFFFF086;
	s6 =	sadd.s32 @!p0 s3, s7;
	s7 =	simm.s32 @!p0 $0x108  }
0x21: {  	s3 =	sadd.s32 s3, s9;
	s6 =	sadd.s32 @!p0 $0x88, s6;
	s7 =	simm.s32 @p2 $0x1082  }
0x22: {  	[simem:s7], [sflag:s8] =	dma.local @!p0 [hbm:s6], $0xF7A  }
0x23: {  	s9 =	sor.u32 $0xD0000000, s2;
	s6 =	simm.s32 $0x108;
	_ =	swait.ge @!p0 [sflag:s8], $0x0  }
0x24: {  	s3 =	sadd.s32 $0x88, s3;
	s6 =	simm.s32 @!p1 $0x1082;
	[sflag:s4] =	ssyncset.s32 $0xFFFFF086  }
0x25: {  	[simem:s6], [sflag:s4] =	dma.local [hbm:s3], $0xF7A  }
0x26: {  	[smem:$0x3F8D] =	sst s1;
	(tag) =	ssettag s2;
	_ =	strace s9  }
0x27: {  	s1 =	sld [smem:$0x3F9D]  }
0x28: {  	s2 =	sld [smem:$0x3F9E]  }
0x29: {  	s4 =	sld [smem:$0x3FA0]  }
0x2a: {  	p0 =	seq.s32 s5, $0x0;
	s5 =	sld [smem:$0x3FA1]  }
0x2b: {  	s6 =	sld [smem:$0x3FA2]  }
0x2c: {  	s7 =	sld [smem:$0x3FA3]  }
0x2d: {  	s3 =	simm.s32 $0x108;
	s8 =	sld [smem:$0x3FA4]  }
0x2e: {  	s3 =	simm.s32 @!p0 $0x1082;
	s9 =	sld [smem:$0x3FA5]  }
0x2f: {  	lr =	sadd.s32 s0, s3;
	s0 =	sld [smem:$0x3F9C]  }
0x30: {  	s3 =	sld [smem:$0x3F9F]  }
0x31: {  	[smem:$0x3FA8] =	sst s10  }
0x32: {  	s10 =	sld [smem:$0x3FA6];
	_ =	sdelay $0x3  }
0x33: {  	p0 =	seq.s32 s10, $0x1;
	s10 =	sld [smem:$0x3FA8];
	_ =	sdelay $0x3  }
0x34: {  	[smem:$0x3FA8] =	sst s10  }
0x35: {  	s10 =	sld [smem:$0x3FA7];
	_ =	sdelay $0x3  }
0x36: {  	p1 =	seq.s32 s10, $0x1;
	s10 =	sld [smem:$0x3FA8];
	_ =	sdelay $0x3  }
0x37: {  	[smem:$0x3FA8] =	sst s10  }
0x38: {  	s10 =	sld [smem:$0x3FA9]  }
0x39: {  	_ = 	snop;
	(pc) =	sbr.ind lr, $3  }
0x3a: {  	_ = 	snop  }
0x3b: {  	_ = 	snop  }
0x3c: {  	p2 =	seq.s32 s10, $0x1;
	s10 =	sld [smem:$0x3FA8]  }
0x3d: {  	_ =	shalt  }
0x3e: {  	_ =	shalt  }
0x3f: {  	_ =	shalt  }
0x40: {  	_ =	shalt  }
0x41: {  	_ =	shalt  }
0x42: {  	_ =	shalt  }
0x43: {  	_ =	shalt  }
0x44: {  	_ =	shalt  }
0x45: {  	_ =	shalt  }
0x46: {  	_ =	shalt  }
0x47: {  	_ =	shalt  }
0x48: {  	_ =	shalt  }
0x49: {  	_ =	shalt  }
0x4a: {  	_ =	shalt  }
0x4b: {  	_ =	shalt  }
0x4c: {  	_ =	shalt  }
0x4d: {  	_ =	shalt  }
0x4e: {  	_ =	shalt  }
0x4f: {  	_ =	shalt  }
0x50: {  	_ =	shalt  }
0x51: {  	_ =	shalt  }
0x52: {  	_ =	shalt  }
0x53: {  	_ =	shalt  }
0x54: {  	_ =	shalt  }
0x55: {  	_ =	shalt  }
0x56: {  	_ =	shalt  }
0x57: {  	_ =	shalt  }
0x58: {  	_ =	shalt  }
0x59: {  	_ =	shalt  }
0x5a: {  	_ =	shalt  }
0x5b: {  	_ =	shalt  }
0x5c: {  	_ =	shalt  }
0x5d: {  	_ =	shalt  }
0x5e: {  	_ =	shalt  }
0x5f: {  	_ =	shalt  }
0x60: {  	_ =	shalt  }
0x61: {  	_ =	shalt  }
0x62: {  	_ =	shalt  }
0x63: {  	_ =	shalt  }
0x64: {  	_ =	shalt  }
0x65: {  	_ =	shalt  }
0x66: {  	_ =	shalt  }
0x67: {  	_ =	shalt  }
0x68: {  	_ =	shalt  }
0x69: {  	_ =	shalt  }
0x6a: {  	_ =	shalt  }
0x6b: {  	_ =	shalt  }
0x6c: {  	_ =	shalt  }
0x6d: {  	_ =	shalt  }
0x6e: {  	_ =	shalt  }
0x6f: {  	_ =	shalt  }
0x70: {  	_ =	shalt  }
0x71: {  	_ =	shalt  }
0x72: {  	_ =	shalt  }
0x73: {  	_ =	shalt  }
0x74: {  	_ =	shalt  }
0x75: {  	_ =	shalt  }
0x76: {  	_ =	shalt  }
0x77: {  	_ =	shalt  }
0x78: {  	_ =	shalt  }
0x79: {  	_ =	shalt  }
0x7a: {  	_ =	shalt  }
0x7b: {  	_ =	shalt  }
0x7c: {  	_ =	shalt  }
0x7d: {  	_ =	shalt  }
0x7e: {  	_ =	shalt  }
0x7f: {  	_ =	shalt  }
0x80: {  	_ =	shalt  }
0x81: {  	_ =	shalt  }
0x82: {  	_ =	shalt  }
0x83: {  	_ =	shalt  }
0x84: {  	_ =	shalt  }
0x85: {  	_ =	shalt  }
0x86: {  	_ =	shalt  }
0x87: {  	_ =	shalt  }
.Lfunc_end0:
.L_simem_size_0:
called_computation_lowered:
.L_overlay_start_0:
0x88: {  	s2 =	sld [smem:$0x3FD9]  }
0x89: {  	s3 =	sld [smem:$0x3FFE];
	_ =	sdelay $0x1  }
0x8a: {  	s1 =	srdreg.scid  }
0x8b: {  	s0 =	sand.u32 $0x1, s1  }
0x8c: {  	s17 =	sshll.u32 s0, $0xA;
	s2 =	sadd.s32 s3, s2  }
0x8d: {  	s2 =	sadd.s32 s2, s17  }
0x8e: {  	[smem:$0x3FB4] =	sst s2  }
0x8f: {  	_ = 	snop  }
0x90: {  	s2 =	sld [smem:$0x3FD0];
	(tm) =	ssettm $0x1  }
0x91: {  	s18 =	sld [smem:$0x3FFB];
	_ =	sdelay $0x3  }
0x92: {  	_ =	strace s18  }
0x93: {  	s3 =	sld [smem:$0x3FFC];
	_ =	sdelay $0x3  }
0x94: {  	_ =	strace s3  }
0x95: {  	s3 =	sld [smem:$0x3FFD];
	_ =	sdelay $0x3  }
0x96: {  	_ =	strace s3  }
0x97: {  	_ =	strace $0x8FFFFFFF  }
0x98: {  	s19 =	sld [smem:$0x3FDB];
	_ =	sdelay $0x1  }
0x99: {  	s4 =	simm.s32 $_scs_section_size  }
0x9a: {  	s5 =	simm.s32 $_size__tile_overlayer_lowered;
	s6 =	simm.s32 $_tile_overlayer_lowered  }
0x9b: {  	s22 =	simm.s32 $0x1BFF;
	s21 =	sshll.u32 s6, $0x1;
	s3 =	sadd.s32 s4, s19  }
0x9c: {  	s7 =	simm.s32 $0x0;
	s20 =	sshll.u32 s5, $0x1;
	s5 =	sadd.s32 s21, s3  }
0x9d: {  	[timem:s7], [sflag:s22] =	dma.local [hbm:s5], s20  }
0x9e: {  	_ =	swait.ge [sflag:s22], s20  }
0x9f: {  	s4 =	ssub.s32 $0x0, s20;
	[sflag:s22] =	ssyncset.done $0x0  }
0xa0: {  	[sflag:s22] =	ssyncadd.s32 s4;
	_ =	sdelay $0x1  }
0xa1: {  	s23 =	simm.s32 $0x1B8B  }
0xa2: {  	_ =	swait.ge [sflag:s23], $0x1  }
0xa3: {  	[sflag:s23] =	ssyncset.done $0x0  }
0xa4: {  	s25 =	simm.s32 $0x1B8E;
	s24 =	sld [smem:$0x3FFE];
	[sflag:s23] =	ssyncadd.s32 $0xFFFFFFFF  }
0xa5: {  	s26 =	simm.s32 $execute0_lowered;
	[smem:$0x3FD2] =	sst s25  }
0xa6: {  	s5 =	sshll.u32 s26, $0x1;
	_ =	strace $0x80000046;
	[dreg:$0x1] =	wrdreg $0xFFFFFFFF  }
0xa7: {  	s28 =	simm.s32 $_size_execute0_lowered;
	s3 =	sadd.s32 s3, s5;
	[dreg:$0x0] =	wrdreg $0x0  }
0xa8: {  	s5 =	sshll.u32 s28, $0x1;
	[dreg:$0x2] =	wrdreg s3  }
0xa9: {  	[dreg:$0x3] =	wrdreg s5  }
0xaa: {  	[dreg:$0x4] =	wrdreg $0xC0  }
0xab: {  	_ =	task [dreg:s7], $0x5FFFF  }
0xac: {  	[dreg:$0x1] =	wrdreg $0xFFFFFFFF  }
0xad: {  	[dreg:$0x0] =	wrdreg $0x60  }
0xae: {  	[dreg:$0x2] =	wrdreg s24  }
0xaf: {  	[dreg:$0x3] =	wrdreg s2  }
0xb0: {  	[dreg:$0x4] =	wrdreg $0xB7800  }
0xb1: {  	[dreg:$0x5] =	wrdreg $0x9  }
0xb2: {  	_ =	task.clear_ibuf [dreg:s7], $0x6FFFF;
	_ =	strace $0x90000046  }
0xb3: {  	s29 =	simm.s32 $0x9;
	_ =	strace $0x80000048  }
0xb4: {  	_ =	swait.ge [sflag:s29], $0x1  }
0xb5: {  	[sflag:s29] =	ssyncadd.s32 $0xFFFFFFFF  }
0xb6: {  	_ =	strace $0x90000048  }
0xb7: {  	_ =	sfence  }
0xb8: {  	s30 =	sld [smem:$0x0];
	_ =	sdelay $0x2  }
0xb9: {  	s31 =	sshll.u32 s1, $0xD;
	s1 =	sshrl.u32 s1, $0x2  }
0xba: {  	s3 =	sand.u32 $0x4000, s31;
	s1 =	sadd.s32 s1, s30  }
0xbb: {  	s0 =	sor.u32 s3, s0;
	s1 =	sshll.u32 s1, $0x11  }
0xbc: {  	s0 =	sor.u32 s1, s0  }
0xbd: {  	s0 =	sadd.s32 $0x8F2B, s0  }
0xbe: {  	[sflag:s0] =	ssyncadd.remote.s32 $0x1  }
0xbf: {  	_ =	sfence.sel $0xFFFF  }
0xc0: {  	[dreg:$0x0] =	wrdreg $0xFFFFFFFF;
	(pc) =	sbr.abs _section_cstart, $3  }
0xc1: {  	[dreg:$0x1] =	wrdreg $0xFFFFFFFF  }
0xc2: {  	_ =	task.clear_ibuf [dreg:s7], $0x2FFFF;
	_ =	strace $0x9FFFFFFF  }
0xc3: {  	(tm) =	ssettm $0x7FFFFFFF  }
tec
execute0_lowered:
.L_overlay_start_1:
0x0: {  	(tag) =	ssettag $0x1  }
0x1: {  	s0 =	rddreg [dreg:$0x0]  }
0x2: {  	s13 =	stileid.u32;
	s3 =	rddreg [dreg:$0x2]  }
0x3: {  	s4 =	simm.s32 $0x0;
	s24 =	srdreg.scid;
	s14 =	simm.s32 $0x80  }
0x4: {  	s15 =	simm.s32 $0x400;
	s16 =	simm.s32 $0x2780;
	s18 =	simm.s32 $0x6  }
0x5: {  	s19 =	simm.s32 $0x5;
	s20 =	simm.s32 $0x50;
	s21 =	simm.s32 $0x6780  }
0x6: {  	s22 =	simm.s32 $0x1;
	s23 =	simm.s32 $0x8F80;
	s28 =	simm.s32 $0x2800  }
0x7: {  	s29 =	simm.s32 $0x4;
	s30 =	simm.s32 $0x6580;
	s31 =	simm.s32 $0x0  }
0x8: {  	s1 =	sshrl.u32 s13, $0x3;
	s2 =	sshll.u32 s13, $0x7;
	[smem:$0x7FF] =	sst s4  }
0x9: {  	s5 =	sadd.s32 $0x39A00, s0;
	s6 =	sadd.s32 $0x12800, s0;
	s7 =	smul.u32 $0x2800, s13  }
0xa: {  	s8 =	sshll.u32 s13, $0xB;
	s11 =	smul.u32 $0x50000, s13;
	s13 =	sshll.u32 s13, $0x6  }
0xb: {  	s1 =	smul.u32 $0x13C00, s1;
	s2 =	sand.u32 $0x380, s2;
	_ =	strace $0x80000047  }
0xc: {  	s10 =	sadd.s32 s8, s0;
	s12 =	sadd.s32 s7, s0;
	s26 =	sshrl.u32 s11, $0x2  }
0xd: {  	s10 =	sadd.s32 $0x5800, s10;
	s1 =	sor.u32 s2, s1;
	s2 =	sand.u32 $0x1, s24  }
0xe: {  	s11 =	sadd.s32 $0x60C00, s12;
	s12 =	sor.u32 $0x1C06, s13;
	s24 =	simm.s32 $0x2  }
.Ltmp0:
0xf: {  	s1 =	sshrl.u32 s1, $0x3;
	s9 =	ssub.s32 $0x2, s2;
	(pc) =	sbr.rel .LBB2_1-.Ltmp0, $4  }
0x10: {  	s1 =	sadd.s32 s1, s0;
	s0 =	sadd.s32 $0x88C00, s0;
	s25 =	sshrl.u32 s9, $0x1  }
0x11: {  	p0 =	sne.s32 s2, $0x0;
	[dreg:$0x4] =	wrdreg s0;
	s0 =	ssub.s32 s9, s25  }
0x12: {  	s9 =	sadd.s32 $0xD800, s1;
	s1 =	sadd.s32 s26, s3;
	s25 =	simm.s32 $0x3  }
0x13: {  	s26 =	simm.s32 $0xA0;
	s13 =	smax.u32 s0, $0x1;
	s17 =	sshrl.u32 s1, $0x3  }
.LBB2_7:
0x14: {  	[spmem:s3] =	stream.indirect.scatter.add.f32 [tilespmem:s23], [sflag:$0x4], $0x80, s2, s20, $0xb8;
	[tilespmem:$0x1F780] =	vst v63  }
0x15: {  	s0 =	rddreg [dreg:$0x4]  }
.LBB2_8:
0x16: {  	_ =	swait.ge [sflag:s22], $0x2800  }
0x17: {  	[sflag:s22] =	ssyncset.done $0x0  }
0x18: {  	[sflag:s22] =	ssyncadd.s32 $0xFFFFD800  }
0x19: {  	_ =	swait.ge [sflag:s29], $0x2800  }
0x1a: {  	[sflag:s29] =	ssyncset.done $0x0  }
0x1b: {  	[sflag:s29] =	ssyncadd.s32 $0xFFFFD800  }
0x1c: {  	[spmem:s3] =	stream.indirect.scatter.add.f32 [tilespmem:s21], [sflag:$0x6], $0x80, s30, s20, $0xb8;
	[tilespmem:$0x1F780] =	vst v63  }
0x1d: {  	_ =	swait.ge [sflag:s18], $0x2800  }
0x1e: {  	s31 =	sadd.s32 $0x1, s31;
	[sflag:s18] =	ssyncset.done $0x0  }
0x1f: {  	p1 =	sne.s32 s31, s13;
	[sflag:s18] =	ssyncadd.s32 $0xFFFFD800  }
.Ltmp1:
0x20: {  	s0 =	sadd.s32 s0, s7;
	[bflag:$0x0] =	sbarrier.arrive $0xFFFF;
	(pc) =	sbr.rel @!p1 .LBB2_9-.Ltmp1, $4  }
0x21: {  	[hbm:s0], [sflag:s12] =	dma.local [spmem:s17], $0x2800  }
0x22: {  	_ =	swait.ge [sflag:s18], $0x2800  }
0x23: {  	[sflag:s18] =	ssyncset.done $0x0  }
0x24: {  	[sflag:s18] =	ssyncadd.s32 $0xFFFFD800  }
.LBB2_1:
0x25: {  	[tilespmem:s4], [sflag:$0x5] =	stream.strided.gather [hbm4b:s9+s14], $0x2780, s15, s14, $0x38;
	[tilespmem:$0x1F780] =	vst v63  }
0x26: {  	_ = 	snop  }
0x27: {  	[tilespmem:s16], [sflag:$0x5] =	stream.linear.gather [hbm4b:s10+s4], $0x3E80, $0x38;
	[tilespmem:$0x1F780] =	vst v63  }
0x28: {  	[spmem:s17], [sflag:s12] =	dma.local [hbm:s11], $0x2800  }
0x29: {  	_ =	swait.ge [sflag:s18], $0x2800  }
0x2a: {  	[sflag:s18] =	ssyncset.done $0x0  }
0x2b: {  	[sflag:s18] =	ssyncadd.s32 $0xFFFFD800  }
0x2c: {  	_ =	swait.ge [sflag:s19], $0x2780  }
0x2d: {  	[sflag:s19] =	ssyncset.done $0x0  }
0x2e: {  	[sflag:s19] =	ssyncadd.s32 $0xFFFFD880  }
.Ltmp2:
0x2f: {  	_ =	swait.ge [sflag:s19], $0x3E80;
	(pc) =	sbr.rel @p0 .LBB2_5-.Ltmp2, $3  }
0x30: {  	[sflag:s19] =	ssyncset.done $0x0  }
0x31: {  	[sflag:s19] =	ssyncadd.s32 $0xFFFFC180  }
0x32: {  	[bflag:$0x0] =	sbarrier.arrive $0xFFFF;
	_ =	sdelay $0x1  }
0x33: {  	[tilespmem:s21], [sflag:$0x1] =	stream.indirect.gather [hbm4b:s5+s20], $0x80, s4, s20, $0xb8;
	[tilespmem:$0x1F780] =	vst v63  }
0x34: {  	_ =	swait.ge [sflag:s22], $0x2800  }
0x35: {  	[sflag:s22] =	ssyncset.done $0x0  }
0x36: {  	[sflag:s22] =	ssyncadd.s32 $0xFFFFD800  }
0x37: {  	[tilespmem:s23], [sflag:$0x2] =	stream.indirect.gather [hbm4b:s5+s20], $0x80, s20, s20, $0xb8;
	[tilespmem:$0x1F780] =	vst v63  }
0x38: {  	_ = 	snop  }
0x39: {  	[spmem:s3] =	stream.indirect.scatter.add.f32 [tilespmem:s21], [sflag:$0x3], $0x80, s16, s20, $0xb8;
	[tilespmem:$0x1F780] =	vst v63  }
0x3a: {  	_ =	swait.ge [sflag:s24], $0x2800  }
0x3b: {  	[sflag:s24] =	ssyncset.done $0x0  }
0x3c: {  	[sflag:s24] =	ssyncadd.s32 $0xFFFFD800  }
0x3d: {  	_ =	swait.ge [sflag:s25], $0x2800  }
0x3e: {  	[sflag:s25] =	ssyncset.done $0x0  }
0x3f: {  	[sflag:s25] =	ssyncadd.s32 $0xFFFFD800  }
0x40: {  	[tilespmem:s21], [sflag:$0x1] =	stream.indirect.gather [hbm4b:s5+s20], $0x80, s26, s20, $0xb8;
	[tilespmem:$0x1F780] =	vst v63  }
0x41: {  	_ = 	snop  }
0x42: {  	[spmem:s3] =	stream.indirect.scatter.add.f32 [tilespmem:s23], [sflag:$0x4], $0x80, s28, s20, $0xb8;
	[tilespmem:$0x1F780] =	vst v63  }
0x43: {  	_ =	swait.ge [sflag:s22], $0x2800  }
0x44: {  	[sflag:s22] =	ssyncset.done $0x0  }
0x45: {  	[sflag:s22] =	ssyncadd.s32 $0xFFFFD800  }
0x46: {  	_ =	swait.ge [sflag:s29], $0x2800  }
0x47: {  	[sflag:s29] =	ssyncset.done $0x0  }
0x48: {  	s0 =	simm.s32 $0xF0;
	[sflag:s29] =	ssyncadd.s32 $0xFFFFD800  }
0x49: {  	[tilespmem:s23], [sflag:$0x2] =	stream.indirect.gather [hbm4b:s5+s20], $0x80, s0, s20, $0xb8;
	[tilespmem:$0x1F780] =	vst v63  }
0x4a: {  	s2 =	simm.s32 $0x2880  }
0x4b: {  	[spmem:s3] =	stream.indirect.scatter.add.f32 [tilespmem:s21], [sflag:$0x3], $0x80, s2, s20, $0xb8;
	[tilespmem:$0x1F780] =	vst v63  }
0x4c: {  	_ =	swait.ge [sflag:s24], $0x2800  }
0x4d: {  	[sflag:s24] =	ssyncset.done $0x0  }
0x4e: {  	[sflag:s24] =	ssyncadd.s32 $0xFFFFD800  }
0x4f: {  	_ =	swait.ge [sflag:s25], $0x2800  }
0x50: {  	s8 =	simm.s32 $0x140;
	s1 =	simm.s32 $0xFFFF6A00;
	[sflag:s25] =	ssyncset.done $0x0  }
0x51: {  	s0 =	simm.s32 $0x2980;
	s2 =	simm.s32 $0x2900;
	[sflag:s25] =	ssyncadd.s32 $0xFFFFD800  }
0x52: {  	[tilespmem:s21], [sflag:$0x1] =	stream.indirect.gather [hbm4b:s5+s20], $0x80, s8, s20, $0xb8;
	[tilespmem:$0x1F780] =	vst v63  }
.LBB2_3:
0x53: {  	[spmem:s3] =	stream.indirect.scatter.add.f32 [tilespmem:s23], [sflag:$0x4], $0x80, s2, s20, $0xb8;
	[tilespmem:$0x1F780] =	vst v63  }
0x54: {  	s2 =	smov.u32 s1  }
0x55: {  	p1 =	seq.s32 s1, $0xFFFFFD80;
	s1 =	sadd.s32 $0x280, s1;
	_ =	swait.ge [sflag:s22], $0x2800  }
0x56: {  	[sflag:s22] =	ssyncset.done $0x0  }
0x57: {  	[sflag:s22] =	ssyncadd.s32 $0xFFFFD800  }
0x58: {  	_ =	swait.ge [sflag:s29], $0x2800  }
0x59: {  	s2 =	sshra.s32 s2, $0x2;
	[sflag:s29] =	ssyncset.done $0x0  }
0x5a: {  	s8 =	sadd.s32 $0x2710, s2;
	[sflag:s29] =	ssyncadd.s32 $0xFFFFD800  }
0x5b: {  	[tilespmem:s23], [sflag:$0x2] =	stream.indirect.gather [hbm4b:s5+s20], $0x80, s8, s20, $0xb8;
	[tilespmem:$0x1F780] =	vst v63  }
0x5c: {  	_ = 	snop  }
0x5d: {  	[spmem:s3] =	stream.indirect.scatter.add.f32 [tilespmem:s21], [sflag:$0x3], $0x80, s0, s20, $0xb8;
	[tilespmem:$0x1F780] =	vst v63  }
0x5e: {  	_ =	swait.ge [sflag:s24], $0x2800  }
0x5f: {  	[sflag:s24] =	ssyncset.done $0x0  }
0x60: {  	[sflag:s24] =	ssyncadd.s32 $0xFFFFD800  }
.Ltmp3:
0x61: {  	_ =	swait.ge [sflag:s25], $0x2800;
	(pc) =	sbr.rel @!p1 .LBB2_3-.Ltmp3, $4  }
0x62: {  	[sflag:s25] =	ssyncset.done $0x0  }
0x63: {  	s2 =	sadd.s32 $0x2760, s2;
	[sflag:s25] =	ssyncadd.s32 $0xFFFFD800  }
0x64: {  	[tilespmem:s21], [sflag:$0x1] =	stream.indirect.gather [hbm4b:s5+s20], $0x80, s2, s20, $0xb8;
	[tilespmem:$0x1F780] =	vst v63  }
0x65: {  	s2 =	sadd.s32 $0x80, s0;
	s0 =	sadd.s32 $0x100, s0  }
.Ltmp4:
0x66: {  	(pc) =	sbr.rel .LBB2_8-.Ltmp4, $3  }
0x67: {  	_ =	sdelay $0x1  }
0x68: {  	[spmem:s3] =	stream.indirect.scatter.add.f32 [tilespmem:s23], [sflag:$0x4], $0x80, s2, s20, $0xb8;
	[tilespmem:$0x1F780] =	vst v63  }
0x69: {  	s0 =	rddreg [dreg:$0x1]  }
.LBB2_5:
0x6a: {  	[tilespmem:s21], [sflag:$0x1] =	stream.indirect.gather [hbm4b:s6+s20], $0x80, s4, s20, $0xb8;
	[tilespmem:$0x1F780] =	vst v63  }
0x6b: {  	_ =	swait.ge [sflag:s22], $0x2800  }
0x6c: {  	[sflag:s22] =	ssyncset.done $0x0  }
0x6d: {  	[sflag:s22] =	ssyncadd.s32 $0xFFFFD800  }
0x6e: {  	[tilespmem:s23], [sflag:$0x2] =	stream.indirect.gather [hbm4b:s6+s20], $0x80, s20, s20, $0xb8;
	[tilespmem:$0x1F780] =	vst v63  }
0x6f: {  	_ = 	snop  }
0x70: {  	[spmem:s3] =	stream.indirect.scatter.add.f32 [tilespmem:s21], [sflag:$0x3], $0x80, s16, s20, $0xb8;
	[tilespmem:$0x1F780] =	vst v63  }
0x71: {  	_ =	swait.ge [sflag:s24], $0x2800  }
0x72: {  	[sflag:s24] =	ssyncset.done $0x0  }
0x73: {  	[sflag:s24] =	ssyncadd.s32 $0xFFFFD800  }
0x74: {  	_ =	swait.ge [sflag:s25], $0x2800  }
0x75: {  	[sflag:s25] =	ssyncset.done $0x0  }
0x76: {  	[sflag:s25] =	ssyncadd.s32 $0xFFFFD800  }
0x77: {  	[tilespmem:s21], [sflag:$0x1] =	stream.indirect.gather [hbm4b:s6+s20], $0x80, s26, s20, $0xb8;
	[tilespmem:$0x1F780] =	vst v63  }
0x78: {  	_ = 	snop  }
0x79: {  	[spmem:s3] =	stream.indirect.scatter.add.f32 [tilespmem:s23], [sflag:$0x4], $0x80, s28, s20, $0xb8;
	[tilespmem:$0x1F780] =	vst v63  }
0x7a: {  	_ =	swait.ge [sflag:s22], $0x2800  }
0x7b: {  	[sflag:s22] =	ssyncset.done $0x0  }
0x7c: {  	[sflag:s22] =	ssyncadd.s32 $0xFFFFD800  }
0x7d: {  	_ =	swait.ge [sflag:s29], $0x2800  }
0x7e: {  	[sflag:s29] =	ssyncset.done $0x0  }
0x7f: {  	s0 =	simm.s32 $0xF0;
	[sflag:s29] =	ssyncadd.s32 $0xFFFFD800  }
0x80: {  	[tilespmem:s23], [sflag:$0x2] =	stream.indirect.gather [hbm4b:s6+s20], $0x80, s0, s20, $0xb8;
	[tilespmem:$0x1F780] =	vst v63  }
0x81: {  	s2 =	simm.s32 $0x2880  }
0x82: {  	[spmem:s3] =	stream.indirect.scatter.add.f32 [tilespmem:s21], [sflag:$0x3], $0x80, s2, s20, $0xb8;
	[tilespmem:$0x1F780] =	vst v63  }
0x83: {  	_ =	swait.ge [sflag:s24], $0x2800  }
0x84: {  	[sflag:s24] =	ssyncset.done $0x0  }
0x85: {  	[sflag:s24] =	ssyncadd.s32 $0xFFFFD800  }
0x86: {  	_ =	swait.ge [sflag:s25], $0x2800  }
0x87: {  	s8 =	simm.s32 $0x140;
	s1 =	simm.s32 $0xFFFF6A00;
	[sflag:s25] =	ssyncset.done $0x0  }
0x88: {  	s0 =	simm.s32 $0x2980;
	s2 =	simm.s32 $0x2900;
	[sflag:s25] =	ssyncadd.s32 $0xFFFFD800  }
0x89: {  	[tilespmem:s21], [sflag:$0x1] =	stream.indirect.gather [hbm4b:s6+s20], $0x80, s8, s20, $0xb8;
	[tilespmem:$0x1F780] =	vst v63  }
.LBB2_6:
0x8a: {  	[spmem:s3] =	stream.indirect.scatter.add.f32 [tilespmem:s23], [sflag:$0x4], $0x80, s2, s20, $0xb8;
	[tilespmem:$0x1F780] =	vst v63  }
0x8b: {  	s2 =	smov.u32 s1  }
0x8c: {  	p1 =	sne.s32 s1, $0xFFFFFD80;
	s1 =	sadd.s32 $0x280, s1;
	_ =	swait.ge [sflag:s22], $0x2800  }
0x8d: {  	[sflag:s22] =	ssyncset.done $0x0  }
0x8e: {  	[sflag:s22] =	ssyncadd.s32 $0xFFFFD800  }
0x8f: {  	_ =	swait.ge [sflag:s29], $0x2800  }
0x90: {  	s2 =	sshra.s32 s2, $0x2;
	[sflag:s29] =	ssyncset.done $0x0  }
0x91: {  	s8 =	sadd.s32 $0x2710, s2;
	[sflag:s29] =	ssyncadd.s32 $0xFFFFD800  }
0x92: {  	[tilespmem:s23], [sflag:$0x2] =	stream.indirect.gather [hbm4b:s6+s20], $0x80, s8, s20, $0xb8;
	[tilespmem:$0x1F780] =	vst v63  }
0x93: {  	_ = 	snop  }
0x94: {  	[spmem:s3] =	stream.indirect.scatter.add.f32 [tilespmem:s21], [sflag:$0x3], $0x80, s0, s20, $0xb8;
	[tilespmem:$0x1F780] =	vst v63  }
0x95: {  	_ =	swait.ge [sflag:s24], $0x2800  }
0x96: {  	[sflag:s24] =	ssyncset.done $0x0  }
0x97: {  	[sflag:s24] =	ssyncadd.s32 $0xFFFFD800  }
.Ltmp5:
0x98: {  	_ =	swait.ge [sflag:s25], $0x2800;
	(pc) =	sbr.rel @p1 .LBB2_6-.Ltmp5, $4  }
0x99: {  	[sflag:s25] =	ssyncset.done $0x0  }
0x9a: {  	s2 =	sadd.s32 $0x2760, s2;
	[sflag:s25] =	ssyncadd.s32 $0xFFFFD800  }
0x9b: {  	[tilespmem:s21], [sflag:$0x1] =	stream.indirect.gather [hbm4b:s6+s20], $0x80, s2, s20, $0xb8;
	[tilespmem:$0x1F780] =	vst v63  }
0x9c: {  	s2 =	sadd.s32 $0x80, s0;
	s0 =	sadd.s32 $0x100, s0  }
.Ltmp6:
0x9d: {  	_ = 	snop;
	(pc) =	sbr.rel .LBB2_7-.Ltmp6, $1  }
0x9e: {  	_ =	sdelay $0x3  }
.LBB2_9:
0x9f: {  	_ =	sfence.sel $0x180000  }
0xa0: {  	[bflag:$0x0] =	sbarrier.arrive $0xFFFF  }
0xa1: {  	_ =	strace $0x90000047  }
0xa2: {  	s0 =	stileid.u32;
	[bflag:$0x2] =	sbarrier.arrive $0xFFFF  }
0xa3: {  	p0 =	sne.s32 s0, $0x0;
	s0 =	rddreg [dreg:$0x3]  }
0xa4: {  	s0 =	sadd.s32 @!p0 $0x100000, s0  }
0xa5: {  	[sflag:s0] =	ssyncadd.tile.s32 @!p0 $0x1;
	_ =	shalt  }
.Lfunc_end2:
_tile_overlayer_lowered:
.L_overlay_start_2:
0xa6: {  	(tag) =	ssettag $0x2  }
0xa7: {  	s0 =	rddreg [dreg:$0x0];
	s2 =	stileid.u32  }
0xa8: {  	s1 =	rddreg [dreg:$0x1];
	p0 =	sne.s32 s2, $0x0  }
0xa9: {  	s3 =	rddreg [dreg:$0x2];
	[bflag:$0x3] =	sbarrier.arrive $0xFFFF;
	s2 =	simm.s32 @!p0 $0x1C06  }
0xaa: {  	[timem:s3], [sflag:s2] =	dma.local @!p0 [hbm:s0], s1  }
0xab: {  	s0 =	simm.s32 @!p0 $0x6  }
0xac: {  	_ =	swait.ge @!p0 [sflag:s0], s1  }
0xad: {  	s1 =	ssub.s32 @!p0 $0x0, s1;
	[sflag:s0] =	ssyncset.done @!p0 $0x0  }
0xae: {  	[sflag:s0] =	ssyncadd.s32 @!p0 s1  }
0xaf: {  	[bflag:$0x3] =	sbarrier.arrive $0xFFFF  }
0xb0: {  	_ =	shalt  }

// kernel: kernel.14.cloned.1.call-start
scs
__scs_entry_jumppad:
0x0: {  	(pc) =	sbr.rel $0x88, $3  }
0x1: {  	(tag) =	ssettag $0x0;
	lr =	simm.s32 $0x1  }
0x2: {  	[smem:$0x3F8D] =	sst lr;
	_ =	strace $0xD0000000  }
0x3: {  	_ = 	snop  }
0x4: {  	_ = 	snop  }
0x5: {  	_ = 	snop  }
0x6: {  	_ = 	snop  }
0x7: {  	_ = 	snop  }
__scs_overlays_trampoline_lowered:
0x8: {  	[smem:$0x3F9C] =	sst s0  }
0x9: {  	[smem:$0x3F9D] =	sst s1  }
0xa: {  	[smem:$0x3F9E] =	sst s2  }
0xb: {  	[smem:$0x3F9F] =	sst s3  }
0xc: {  	[smem:$0x3FA0] =	sst s4  }
0xd: {  	[smem:$0x3FA1] =	sst s5  }
0xe: {  	[smem:$0x3FA2] =	sst s6  }
0xf: {  	[smem:$0x3FA3] =	sst s7  }
0x10: {  	[smem:$0x3FA4] =	sst s8  }
0x11: {  	[smem:$0x3FA5] =	sst s9;
	s0 =	simm.s32 @!p0 $0x0  }
0x12: {  	s1 =	sld [smem:$0x3F8B];
	s0 =	simm.s32 @p0 $0x1  }
0x13: {  	[smem:$0x3FA6] =	sst s0;
	s0 =	simm.s32 @!p1 $0x0  }
0x14: {  	s2 =	sld [smem:$0x3F8A];
	s0 =	simm.s32 @p1 $0x1  }
0x15: {  	[smem:$0x3FA7] =	sst s0;
	s0 =	simm.s32 @!p2 $0x0  }
0x16: {  	s3 =	sld [smem:$0x3FDB];
	s0 =	simm.s32 @p2 $0x1  }
0x17: {  	s4 =	simm.s32 $0x1BF5;
	[smem:$0x3FA9] =	sst s0  }
0x18: {  	s0 =	sld [smem:$0x3F8C];
	_ =	swait.ge [sflag:s4], $0x0  }
0x19: {  	s7 =	sld [smem:$0x3F8D]  }
0x1a: {  	s8 =	sadd.s32 $0xFFFFE003, lr  }
0x1b: {  	s9 =	sadd.s32 $0xFFFFFEF7, lr;
	s5 =	simm.s32 $0xFFFFFFFF;
	p2 =	slt.u32 s8, $0xFFFFF086  }
0x1c: {  	p1 =	slt.u32 s9, $0xF7A;
	s5 =	simm.s32 @!p2 $0x0  }
0x1d: {  	s5 =	simm.s32 @p1 $0x1;
	p0 =	seq.s32 s7, s2  }
0x1e: {  	s7 =	smul.u32 @!p0 $0xF7A, s2;
	p2 =	seq.s32 @!p0 s5, $0x0  }
0x1f: {  	s9 =	smul.u32 $0xF7A, s1;
	s8 =	simm.s32 @!p0 $0x1BF5;
	p2 =	por !p2, p0  }
0x20: {  	[sflag:s8] =	ssyncset.s32 @!p0 $0xFFFFF086;
	s6 =	sadd.s32 @!p0 s3, s7;
	s7 =	simm.s32 @!p0 $0x108  }
0x21: {  	s3 =	sadd.s32 s3, s9;
	s6 =	sadd.s32 @!p0 $0x88, s6;
	s7 =	simm.s32 @p2 $0x1082  }
0x22: {  	[simem:s7], [sflag:s8] =	dma.local @!p0 [hbm:s6], $0xF7A  }
0x23: {  	s9 =	sor.u32 $0xD0000000, s2;
	s6 =	simm.s32 $0x108;
	_ =	swait.ge @!p0 [sflag:s8], $0x0  }
0x24: {  	s3 =	sadd.s32 $0x88, s3;
	s6 =	simm.s32 @!p1 $0x1082;
	[sflag:s4] =	ssyncset.s32 $0xFFFFF086  }
0x25: {  	[simem:s6], [sflag:s4] =	dma.local [hbm:s3], $0xF7A  }
0x26: {  	[smem:$0x3F8D] =	sst s1;
	(tag) =	ssettag s2;
	_ =	strace s9  }
0x27: {  	s1 =	sld [smem:$0x3F9D]  }
0x28: {  	s2 =	sld [smem:$0x3F9E]  }
0x29: {  	s4 =	sld [smem:$0x3FA0]  }
0x2a: {  	p0 =	seq.s32 s5, $0x0;
	s5 =	sld [smem:$0x3FA1]  }
0x2b: {  	s6 =	sld [smem:$0x3FA2]  }
0x2c: {  	s7 =	sld [smem:$0x3FA3]  }
0x2d: {  	s3 =	simm.s32 $0x108;
	s8 =	sld [smem:$0x3FA4]  }
0x2e: {  	s3 =	simm.s32 @!p0 $0x1082;
	s9 =	sld [smem:$0x3FA5]  }
0x2f: {  	lr =	sadd.s32 s0, s3;
	s0 =	sld [smem:$0x3F9C]  }
0x30: {  	s3 =	sld [smem:$0x3F9F]  }
0x31: {  	[smem:$0x3FA8] =	sst s10  }
0x32: {  	s10 =	sld [smem:$0x3FA6];
	_ =	sdelay $0x3  }
0x33: {  	p0 =	seq.s32 s10, $0x1;
	s10 =	sld [smem:$0x3FA8];
	_ =	sdelay $0x3  }
0x34: {  	[smem:$0x3FA8] =	sst s10  }
0x35: {  	s10 =	sld [smem:$0x3FA7];
	_ =	sdelay $0x3  }
0x36: {  	p1 =	seq.s32 s10, $0x1;
	s10 =	sld [smem:$0x3FA8];
	_ =	sdelay $0x3  }
0x37: {  	[smem:$0x3FA8] =	sst s10  }
0x38: {  	s10 =	sld [smem:$0x3FA9]  }
0x39: {  	_ = 	snop;
	(pc) =	sbr.ind lr, $3  }
0x3a: {  	_ = 	snop  }
0x3b: {  	_ = 	snop  }
0x3c: {  	p2 =	seq.s32 s10, $0x1;
	s10 =	sld [smem:$0x3FA8]  }
0x3d: {  	_ =	shalt  }
0x3e: {  	_ =	shalt  }
0x3f: {  	_ =	shalt  }
0x40: {  	_ =	shalt  }
0x41: {  	_ =	shalt  }
0x42: {  	_ =	shalt  }
0x43: {  	_ =	shalt  }
0x44: {  	_ =	shalt  }
0x45: {  	_ =	shalt  }
0x46: {  	_ =	shalt  }
0x47: {  	_ =	shalt  }
0x48: {  	_ =	shalt  }
0x49: {  	_ =	shalt  }
0x4a: {  	_ =	shalt  }
0x4b: {  	_ =	shalt  }
0x4c: {  	_ =	shalt  }
0x4d: {  	_ =	shalt  }
0x4e: {  	_ =	shalt  }
0x4f: {  	_ =	shalt  }
0x50: {  	_ =	shalt  }
0x51: {  	_ =	shalt  }
0x52: {  	_ =	shalt  }
0x53: {  	_ =	shalt  }
0x54: {  	_ =	shalt  }
0x55: {  	_ =	shalt  }
0x56: {  	_ =	shalt  }
0x57: {  	_ =	shalt  }
0x58: {  	_ =	shalt  }
0x59: {  	_ =	shalt  }
0x5a: {  	_ =	shalt  }
0x5b: {  	_ =	shalt  }
0x5c: {  	_ =	shalt  }
0x5d: {  	_ =	shalt  }
0x5e: {  	_ =	shalt  }
0x5f: {  	_ =	shalt  }
0x60: {  	_ =	shalt  }
0x61: {  	_ =	shalt  }
0x62: {  	_ =	shalt  }
0x63: {  	_ =	shalt  }
0x64: {  	_ =	shalt  }
0x65: {  	_ =	shalt  }
0x66: {  	_ =	shalt  }
0x67: {  	_ =	shalt  }
0x68: {  	_ =	shalt  }
0x69: {  	_ =	shalt  }
0x6a: {  	_ =	shalt  }
0x6b: {  	_ =	shalt  }
0x6c: {  	_ =	shalt  }
0x6d: {  	_ =	shalt  }
0x6e: {  	_ =	shalt  }
0x6f: {  	_ =	shalt  }
0x70: {  	_ =	shalt  }
0x71: {  	_ =	shalt  }
0x72: {  	_ =	shalt  }
0x73: {  	_ =	shalt  }
0x74: {  	_ =	shalt  }
0x75: {  	_ =	shalt  }
0x76: {  	_ =	shalt  }
0x77: {  	_ =	shalt  }
0x78: {  	_ =	shalt  }
0x79: {  	_ =	shalt  }
0x7a: {  	_ =	shalt  }
0x7b: {  	_ =	shalt  }
0x7c: {  	_ =	shalt  }
0x7d: {  	_ =	shalt  }
0x7e: {  	_ =	shalt  }
0x7f: {  	_ =	shalt  }
0x80: {  	_ =	shalt  }
0x81: {  	_ =	shalt  }
0x82: {  	_ =	shalt  }
0x83: {  	_ =	shalt  }
0x84: {  	_ =	shalt  }
0x85: {  	_ =	shalt  }
0x86: {  	_ =	shalt  }
0x87: {  	_ =	shalt  }
.Lfunc_end0:
.L_simem_size_0:
called_computation.1_lowered:
.L_overlay_start_0:
0x88: {  	s2 =	sld [smem:$0x3FD9]  }
0x89: {  	s3 =	sld [smem:$0x3FFE];
	_ =	sdelay $0x1  }
0x8a: {  	s1 =	srdreg.scid  }
0x8b: {  	s0 =	sand.u32 $0x1, s1  }
0x8c: {  	s16 =	sshll.u32 s0, $0xA;
	s2 =	sadd.s32 s3, s2  }
0x8d: {  	s2 =	sadd.s32 s2, s16  }
0x8e: {  	[smem:$0x3FB4] =	sst s2  }
0x8f: {  	_ = 	snop  }
0x90: {  	(tm) =	ssettm $0x1  }
0x91: {  	s17 =	sld [smem:$0x3FFB];
	_ =	sdelay $0x3  }
0x92: {  	_ =	strace s17  }
0x93: {  	s2 =	sld [smem:$0x3FFC];
	_ =	sdelay $0x3  }
0x94: {  	_ =	strace s2  }
0x95: {  	s2 =	sld [smem:$0x3FFD];
	_ =	sdelay $0x3  }
0x96: {  	_ =	strace s2  }
0x97: {  	_ =	strace $0x8FFFFFFF  }
0x98: {  	s18 =	sld [smem:$0x3FDB];
	_ =	sdelay $0x1  }
0x99: {  	s19 =	simm.s32 $_scs_section_size  }
0x9a: {  	s4 =	simm.s32 $_size__tile_overlayer_lowered;
	s5 =	simm.s32 $_tile_overlayer_lowered  }
0x9b: {  	s22 =	simm.s32 $0x1BFF;
	s21 =	sshll.u32 s5, $0x1;
	s2 =	sadd.s32 s19, s18  }
0x9c: {  	s6 =	simm.s32 $0x0;
	s20 =	sshll.u32 s4, $0x1;
	s4 =	sadd.s32 s21, s2  }
0x9d: {  	[timem:s6], [sflag:s22] =	dma.local [hbm:s4], s20  }
0x9e: {  	_ =	swait.ge [sflag:s22], s20  }
0x9f: {  	s3 =	ssub.s32 $0x0, s20;
	[sflag:s22] =	ssyncset.done $0x0  }
0xa0: {  	[sflag:s22] =	ssyncadd.s32 s3;
	_ =	sdelay $0x1  }
0xa1: {  	s23 =	simm.s32 $0x1B8B  }
0xa2: {  	_ =	swait.ge [sflag:s23], $0x1  }
0xa3: {  	[sflag:s23] =	ssyncset.done $0x0  }
0xa4: {  	s25 =	simm.s32 $0x1B8E;
	s24 =	sld [smem:$0x3FFE];
	[sflag:s23] =	ssyncadd.s32 $0xFFFFFFFF  }
0xa5: {  	s26 =	simm.s32 $execute0_lowered;
	[smem:$0x3FD2] =	sst s25  }
0xa6: {  	s4 =	sshll.u32 s26, $0x1;
	_ =	strace $0x80000049;
	[dreg:$0x1] =	wrdreg $0xFFFFFFFF  }
0xa7: {  	s28 =	simm.s32 $_size_execute0_lowered;
	s2 =	sadd.s32 s2, s4;
	[dreg:$0x0] =	wrdreg $0x0  }
0xa8: {  	s4 =	sshll.u32 s28, $0x1;
	[dreg:$0x2] =	wrdreg s2  }
0xa9: {  	[dreg:$0x3] =	wrdreg s4  }
0xaa: {  	[dreg:$0x4] =	wrdreg $0xC0  }
0xab: {  	_ =	task [dreg:s6], $0x5FFFF  }
0xac: {  	[dreg:$0x1] =	wrdreg $0xFFFFFFFF  }
0xad: {  	[dreg:$0x0] =	wrdreg $0x60  }
0xae: {  	[dreg:$0x2] =	wrdreg s24  }
0xaf: {  	[dreg:$0x3] =	wrdreg $0xB7800  }
0xb0: {  	[dreg:$0x4] =	wrdreg $0x9  }
0xb1: {  	_ =	task.clear_ibuf [dreg:s6], $0x5FFFF;
	_ =	strace $0x90000049  }
0xb2: {  	s29 =	simm.s32 $0x9;
	_ =	strace $0x8000004B  }
0xb3: {  	_ =	swait.ge [sflag:s29], $0x1  }
0xb4: {  	[sflag:s29] =	ssyncadd.s32 $0xFFFFFFFF  }
0xb5: {  	_ =	strace $0x9000004B  }
0xb6: {  	_ =	sfence  }
0xb7: {  	s30 =	sld [smem:$0x0];
	_ =	sdelay $0x2  }
0xb8: {  	s31 =	sshll.u32 s1, $0xD;
	s1 =	sshrl.u32 s1, $0x2  }
0xb9: {  	s3 =	sand.u32 $0x4000, s31;
	s1 =	sadd.s32 s1, s30  }
0xba: {  	s0 =	sor.u32 s3, s0;
	s1 =	sshll.u32 s1, $0x11  }
0xbb: {  	s0 =	sor.u32 s1, s0  }
0xbc: {  	s0 =	sadd.s32 $0x8F2B, s0  }
0xbd: {  	[sflag:s0] =	ssyncadd.remote.s32 $0x1  }
0xbe: {  	_ =	sfence.sel $0xFFFF  }
0xbf: {  	[dreg:$0x0] =	wrdreg $0xFFFFFFFF;
	(pc) =	sbr.abs _section_cstart, $3  }
0xc0: {  	[dreg:$0x1] =	wrdreg $0xFFFFFFFF  }
0xc1: {  	_ =	task.clear_ibuf [dreg:s6], $0x2FFFF;
	_ =	strace $0x9FFFFFFF  }
0xc2: {  	(tm) =	ssettm $0x7FFFFFFF  }
0xc3: {  	_ =	shalt  }
tec
execute0_lowered:
.L_overlay_start_1:
0x0: {  	(tag) =	ssettag $0x1  }
0x1: {  	s0 =	rddreg [dreg:$0x0]  }
0x2: {  	s2 =	rddreg [dreg:$0x1]  }
0x3: {  	s12 =	stileid.u32;
	s3 =	simm.s32 $0x0;
	s8 =	srdreg.scid  }
0x4: {  	s15 =	simm.s32 $0x400;
	s16 =	simm.s32 $0x2780;
	s18 =	simm.s32 $0x6  }
0x5: {  	s19 =	simm.s32 $0x5;
	s20 =	simm.s32 $0x50;
	s21 =	simm.s32 $0x6780  }
0x6: {  	s22 =	simm.s32 $0x1;
	s28 =	simm.s32 $0x2800;
	s29 =	simm.s32 $0x4  }
0x7: {  	s30 =	simm.s32 $0x6580;
	s31 =	simm.s32 $0x0;
	s1 =	sshrl.u32 s12, $0x3  }
0x8: {  	s4 =	sshll.u32 s12, $0x7;
	[smem:$0x7FF] =	sst s3;
	s5 =	sadd.s32 $0x39A00, s0  }
0x9: {  	s7 =	sshll.u32 s12, $0xB;
	s6 =	smul.u32 $0x2800, s12;
	s14 =	sand.u32 $0x1, s8  }
0xa: {  	s10 =	smul.u32 $0x50000, s12;
	s23 =	sadd.s32 $0x88C00, s0;
	s26 =	sshll.u32 s12, $0x6  }
0xb: {  	s1 =	smul.u32 $0x13C00, s1;
	s4 =	sand.u32 $0x380, s4;
	_ =	strace $0x8000004A  }
0xc: {  	s7 =	sadd.s32 s7, s0;
	s9 =	ssub.s32 $0x2, s14;
	[dreg:$0x3] =	wrdreg s23  }
0xd: {  	s12 =	sor.u32 $0x1C06, s26;
	p0 =	sne.s32 s14, $0x0;
	s14 =	simm.s32 $0x80  }
0xe: {  	s23 =	simm.s32 $0x8F80;
	s26 =	simm.s32 $0xA0;
	s11 =	sadd.s32 s6, s0  }
0xf: {  	s24 =	sshrl.u32 s9, $0x1;
	s25 =	sshrl.u32 s10, $0x2;
	s1 =	sor.u32 s4, s1  }
.Ltmp0:
0x10: {  	s10 =	sadd.s32 $0x5800, s7;
	s1 =	sshrl.u32 s1, $0x3;
	(pc) =	sbr.rel .LBB2_1-.Ltmp0, $4  }
0x11: {  	s4 =	sadd.s32 $0x12800, s0;
	s1 =	sadd.s32 s1, s0;
	s0 =	sadd.s32 $0xB0C00, s0  }
0x12: {  	s11 =	sadd.s32 $0x60C00, s11;
	[dreg:$0x4] =	wrdreg s0;
	s0 =	ssub.s32 s9, s24  }
0x13: {  	s9 =	sadd.s32 $0xD800, s1;
	s1 =	sadd.s32 s25, s2;
	s24 =	simm.s32 $0x2  }
0x14: {  	s25 =	simm.s32 $0x3;
	s13 =	smax.u32 s0, $0x1;
	s17 =	sshrl.u32 s1, $0x3  }
.LBB2_7:
0x15: {  	[spmem:s2] =	stream.indirect.scatter.add.f32 [tilespmem:s23], [sflag:$0x4], $0x80, s7, s20, $0xb8;
	[tilespmem:$0x1F780] =	vst v63  }
0x16: {  	s0 =	rddreg [dreg:$0x4]  }
.LBB2_8:
0x17: {  	_ =	swait.ge [sflag:s22], $0x2800  }
0x18: {  	[sflag:s22] =	ssyncset.done $0x0  }
0x19: {  	[sflag:s22] =	ssyncadd.s32 $0xFFFFD800  }
0x1a: {  	_ =	swait.ge [sflag:s29], $0x2800  }
0x1b: {  	[sflag:s29] =	ssyncset.done $0x0  }
0x1c: {  	[sflag:s29] =	ssyncadd.s32 $0xFFFFD800  }
0x1d: {  	[spmem:s2] =	stream.indirect.scatter.add.f32 [tilespmem:s21], [sflag:$0x6], $0x80, s30, s20, $0xb8;
	[tilespmem:$0x1F780] =	vst v63  }
0x1e: {  	_ =	swait.ge [sflag:s18], $0x2800  }
0x1f: {  	s31 =	sadd.s32 $0x1, s31;
	[sflag:s18] =	ssyncset.done $0x0  }
0x20: {  	p1 =	sne.s32 s31, s13;
	[sflag:s18] =	ssyncadd.s32 $0xFFFFD800  }
.Ltmp1:
0x21: {  	s0 =	sadd.s32 s0, s6;
	[bflag:$0x0] =	sbarrier.arrive $0xFFFF;
	(pc) =	sbr.rel @!p1 .LBB2_9-.Ltmp1, $4  }
0x22: {  	[hbm:s0], [sflag:s12] =	dma.local [spmem:s17], $0x2800  }
0x23: {  	_ =	swait.ge [sflag:s18], $0x2800  }
0x24: {  	[sflag:s18] =	ssyncset.done $0x0  }
0x25: {  	[sflag:s18] =	ssyncadd.s32 $0xFFFFD800  }
.LBB2_1:
0x26: {  	[tilespmem:s3], [sflag:$0x5] =	stream.strided.gather [hbm4b:s9+s14], $0x2780, s15, s14, $0x38;
	[tilespmem:$0x1F780] =	vst v63  }
0x27: {  	_ = 	snop  }
0x28: {  	[tilespmem:s16], [sflag:$0x5] =	stream.linear.gather [hbm4b:s10+s3], $0x3E80, $0x38;
	[tilespmem:$0x1F780] =	vst v63  }
0x29: {  	[spmem:s17], [sflag:s12] =	dma.local [hbm:s11], $0x2800  }
0x2a: {  	_ =	swait.ge [sflag:s18], $0x2800  }
0x2b: {  	[sflag:s18] =	ssyncset.done $0x0  }
0x2c: {  	[sflag:s18] =	ssyncadd.s32 $0xFFFFD800  }
0x2d: {  	_ =	swait.ge [sflag:s19], $0x2780  }
0x2e: {  	[sflag:s19] =	ssyncset.done $0x0  }
0x2f: {  	[sflag:s19] =	ssyncadd.s32 $0xFFFFD880  }
.Ltmp2:
0x30: {  	_ =	swait.ge [sflag:s19], $0x3E80;
	(pc) =	sbr.rel @p0 .LBB2_5-.Ltmp2, $3  }
0x31: {  	[sflag:s19] =	ssyncset.done $0x0  }
0x32: {  	[sflag:s19] =	ssyncadd.s32 $0xFFFFC180  }
0x33: {  	[bflag:$0x0] =	sbarrier.arrive $0xFFFF;
	_ =	sdelay $0x1  }
0x34: {  	[tilespmem:s21], [sflag:$0x1] =	stream.indirect.gather [hbm4b:s4+s20], $0x80, s3, s20, $0xb8;
	[tilespmem:$0x1F780] =	vst v63  }
0x35: {  	_ =	swait.ge [sflag:s22], $0x2800  }
0x36: {  	[sflag:s22] =	ssyncset.done $0x0  }
0x37: {  	[sflag:s22] =	ssyncadd.s32 $0xFFFFD800  }
0x38: {  	[tilespmem:s23], [sflag:$0x2] =	stream.indirect.gather [hbm4b:s4+s20], $0x80, s20, s20, $0xb8;
	[tilespmem:$0x1F780] =	vst v63  }
0x39: {  	_ = 	snop  }
0x3a: {  	[spmem:s2] =	stream.indirect.scatter.add.f32 [tilespmem:s21], [sflag:$0x3], $0x80, s16, s20, $0xb8;
	[tilespmem:$0x1F780] =	vst v63  }
0x3b: {  	_ =	swait.ge [sflag:s24], $0x2800  }
0x3c: {  	[sflag:s24] =	ssyncset.done $0x0  }
0x3d: {  	[sflag:s24] =	ssyncadd.s32 $0xFFFFD800  }
0x3e: {  	_ =	swait.ge [sflag:s25], $0x2800  }
0x3f: {  	[sflag:s25] =	ssyncset.done $0x0  }
0x40: {  	[sflag:s25] =	ssyncadd.s32 $0xFFFFD800  }
0x41: {  	[tilespmem:s21], [sflag:$0x1] =	stream.indirect.gather [hbm4b:s4+s20], $0x80, s26, s20, $0xb8;
	[tilespmem:$0x1F780] =	vst v63  }
0x42: {  	_ = 	snop  }
0x43: {  	[spmem:s2] =	stream.indirect.scatter.add.f32 [tilespmem:s23], [sflag:$0x4], $0x80, s28, s20, $0xb8;
	[tilespmem:$0x1F780] =	vst v63  }
0x44: {  	_ =	swait.ge [sflag:s22], $0x2800  }
0x45: {  	[sflag:s22] =	ssyncset.done $0x0  }
0x46: {  	[sflag:s22] =	ssyncadd.s32 $0xFFFFD800  }
0x47: {  	_ =	swait.ge [sflag:s29], $0x2800  }
0x48: {  	[sflag:s29] =	ssyncset.done $0x0  }
0x49: {  	s0 =	simm.s32 $0xF0;
	[sflag:s29] =	ssyncadd.s32 $0xFFFFD800  }
0x4a: {  	[tilespmem:s23], [sflag:$0x2] =	stream.indirect.gather [hbm4b:s4+s20], $0x80, s0, s20, $0xb8;
	[tilespmem:$0x1F780] =	vst v63  }
0x4b: {  	s7 =	simm.s32 $0x2880  }
0x4c: {  	[spmem:s2] =	stream.indirect.scatter.add.f32 [tilespmem:s21], [sflag:$0x3], $0x80, s7, s20, $0xb8;
	[tilespmem:$0x1F780] =	vst v63  }
0x4d: {  	_ =	swait.ge [sflag:s24], $0x2800  }
0x4e: {  	[sflag:s24] =	ssyncset.done $0x0  }
0x4f: {  	[sflag:s24] =	ssyncadd.s32 $0xFFFFD800  }
0x50: {  	_ =	swait.ge [sflag:s25], $0x2800  }
0x51: {  	s8 =	simm.s32 $0x140;
	s1 =	simm.s32 $0x2980;
	[sflag:s25] =	ssyncset.done $0x0  }
0x52: {  	s0 =	simm.s32 $0xFFFF6A00;
	s7 =	simm.s32 $0x2900;
	[sflag:s25] =	ssyncadd.s32 $0xFFFFD800  }
0x53: {  	[tilespmem:s21], [sflag:$0x1] =	stream.indirect.gather [hbm4b:s4+s20], $0x80, s8, s20, $0xb8;
	[tilespmem:$0x1F780] =	vst v63  }
.LBB2_3:
0x54: {  	[spmem:s2] =	stream.indirect.scatter.add.f32 [tilespmem:s23], [sflag:$0x4], $0x80, s7, s20, $0xb8;
	[tilespmem:$0x1F780] =	vst v63  }
0x55: {  	s7 =	smov.u32 s0  }
0x56: {  	p1 =	seq.s32 s0, $0xFFFFFD80;
	s0 =	sadd.s32 $0x280, s0;
	_ =	swait.ge [sflag:s22], $0x2800  }
0x57: {  	[sflag:s22] =	ssyncset.done $0x0  }
0x58: {  	[sflag:s22] =	ssyncadd.s32 $0xFFFFD800  }
0x59: {  	_ =	swait.ge [sflag:s29], $0x2800  }
0x5a: {  	s7 =	sshra.s32 s7, $0x2;
	[sflag:s29] =	ssyncset.done $0x0  }
0x5b: {  	s8 =	sadd.s32 $0x2710, s7;
	[sflag:s29] =	ssyncadd.s32 $0xFFFFD800  }
0x5c: {  	[tilespmem:s23], [sflag:$0x2] =	stream.indirect.gather [hbm4b:s4+s20], $0x80, s8, s20, $0xb8;
	[tilespmem:$0x1F780] =	vst v63  }
0x5d: {  	_ = 	snop  }
0x5e: {  	[spmem:s2] =	stream.indirect.scatter.add.f32 [tilespmem:s21], [sflag:$0x3], $0x80, s1, s20, $0xb8;
	[tilespmem:$0x1F780] =	vst v63  }
0x5f: {  	_ =	swait.ge [sflag:s24], $0x2800  }
0x60: {  	[sflag:s24] =	ssyncset.done $0x0  }
0x61: {  	[sflag:s24] =	ssyncadd.s32 $0xFFFFD800  }
.Ltmp3:
0x62: {  	_ =	swait.ge [sflag:s25], $0x2800;
	(pc) =	sbr.rel @!p1 .LBB2_3-.Ltmp3, $4  }
0x63: {  	[sflag:s25] =	ssyncset.done $0x0  }
0x64: {  	s7 =	sadd.s32 $0x2760, s7;
	[sflag:s25] =	ssyncadd.s32 $0xFFFFD800  }
0x65: {  	[tilespmem:s21], [sflag:$0x1] =	stream.indirect.gather [hbm4b:s4+s20], $0x80, s7, s20, $0xb8;
	[tilespmem:$0x1F780] =	vst v63  }
0x66: {  	s7 =	sadd.s32 $0x80, s1;
	s1 =	sadd.s32 $0x100, s1  }
.Ltmp4:
0x67: {  	(pc) =	sbr.rel .LBB2_8-.Ltmp4, $3  }
0x68: {  	_ =	sdelay $0x1  }
0x69: {  	[spmem:s2] =	stream.indirect.scatter.add.f32 [tilespmem:s23], [sflag:$0x4], $0x80, s7, s20, $0xb8;
	[tilespmem:$0x1F780] =	vst v63  }
0x6a: {  	s0 =	rddreg [dreg:$0x3]  }
.LBB2_5:
0x6b: {  	[tilespmem:s21], [sflag:$0x1] =	stream.indirect.gather [hbm4b:s5+s20], $0x80, s3, s20, $0xb8;
	[tilespmem:$0x1F780] =	vst v63  }
0x6c: {  	_ =	swait.ge [sflag:s22], $0x2800  }
0x6d: {  	[sflag:s22] =	ssyncset.done $0x0  }
0x6e: {  	[sflag:s22] =	ssyncadd.s32 $0xFFFFD800  }
0x6f: {  	[tilespmem:s23], [sflag:$0x2] =	stream.indirect.gather [hbm4b:s5+s20], $0x80, s20, s20, $0xb8;
	[tilespmem:$0x1F780] =	vst v63  }
0x70: {  	_ = 	snop  }
0x71: {  	[spmem:s2] =	stream.indirect.scatter.add.f32 [tilespmem:s21], [sflag:$0x3], $0x80, s16, s20, $0xb8;
	[tilespmem:$0x1F780] =	vst v63  }
0x72: {  	_ =	swait.ge [sflag:s24], $0x2800  }
0x73: {  	[sflag:s24] =	ssyncset.done $0x0  }
0x74: {  	[sflag:s24] =	ssyncadd.s32 $0xFFFFD800  }
0x75: {  	_ =	swait.ge [sflag:s25], $0x2800  }
0x76: {  	[sflag:s25] =	ssyncset.done $0x0  }
0x77: {  	[sflag:s25] =	ssyncadd.s32 $0xFFFFD800  }
0x78: {  	[tilespmem:s21], [sflag:$0x1] =	stream.indirect.gather [hbm4b:s5+s20], $0x80, s26, s20, $0xb8;
	[tilespmem:$0x1F780] =	vst v63  }
0x79: {  	_ = 	snop  }
0x7a: {  	[spmem:s2] =	stream.indirect.scatter.add.f32 [tilespmem:s23], [sflag:$0x4], $0x80, s28, s20, $0xb8;
	[tilespmem:$0x1F780] =	vst v63  }
0x7b: {  	_ =	swait.ge [sflag:s22], $0x2800  }
0x7c: {  	[sflag:s22] =	ssyncset.done $0x0  }
0x7d: {  	[sflag:s22] =	ssyncadd.s32 $0xFFFFD800  }
0x7e: {  	_ =	swait.ge [sflag:s29], $0x2800  }
0x7f: {  	[sflag:s29] =	ssyncset.done $0x0  }
0x80: {  	s0 =	simm.s32 $0xF0;
	[sflag:s29] =	ssyncadd.s32 $0xFFFFD800  }
0x81: {  	[tilespmem:s23], [sflag:$0x2] =	stream.indirect.gather [hbm4b:s5+s20], $0x80, s0, s20, $0xb8;
	[tilespmem:$0x1F780] =	vst v63  }
0x82: {  	s7 =	simm.s32 $0x2880  }
0x83: {  	[spmem:s2] =	stream.indirect.scatter.add.f32 [tilespmem:s21], [sflag:$0x3], $0x80, s7, s20, $0xb8;
	[tilespmem:$0x1F780] =	vst v63  }
0x84: {  	_ =	swait.ge [sflag:s24], $0x2800  }
0x85: {  	[sflag:s24] =	ssyncset.done $0x0  }
0x86: {  	[sflag:s24] =	ssyncadd.s32 $0xFFFFD800  }
0x87: {  	_ =	swait.ge [sflag:s25], $0x2800  }
0x88: {  	s8 =	simm.s32 $0x140;
	s1 =	simm.s32 $0x2980;
	[sflag:s25] =	ssyncset.done $0x0  }
0x89: {  	s0 =	simm.s32 $0xFFFF6A00;
	s7 =	simm.s32 $0x2900;
	[sflag:s25] =	ssyncadd.s32 $0xFFFFD800  }
0x8a: {  	[tilespmem:s21], [sflag:$0x1] =	stream.indirect.gather [hbm4b:s5+s20], $0x80, s8, s20, $0xb8;
	[tilespmem:$0x1F780] =	vst v63  }
.LBB2_6:
0x8b: {  	[spmem:s2] =	stream.indirect.scatter.add.f32 [tilespmem:s23], [sflag:$0x4], $0x80, s7, s20, $0xb8;
	[tilespmem:$0x1F780] =	vst v63  }
0x8c: {  	s7 =	smov.u32 s0  }
0x8d: {  	p1 =	sne.s32 s0, $0xFFFFFD80;
	s0 =	sadd.s32 $0x280, s0;
	_ =	swait.ge [sflag:s22], $0x2800  }
0x8e: {  	[sflag:s22] =	ssyncset.done $0x0  }
0x8f: {  	[sflag:s22] =	ssyncadd.s32 $0xFFFFD800  }
0x90: {  	_ =	swait.ge [sflag:s29], $0x2800  }
0x91: {  	s7 =	sshra.s32 s7, $0x2;
	[sflag:s29] =	ssyncset.done $0x0  }
0x92: {  	s8 =	sadd.s32 $0x2710, s7;
	[sflag:s29] =	ssyncadd.s32 $0xFFFFD800  }
0x93: {  	[tilespmem:s23], [sflag:$0x2] =	stream.indirect.gather [hbm4b:s5+s20], $0x80, s8, s20, $0xb8;
	[tilespmem:$0x1F780] =	vst v63  }
0x94: {  	_ = 	snop  }
0x95: {  	[spmem:s2] =	stream.indirect.scatter.add.f32 [tilespmem:s21], [sflag:$0x3], $0x80, s1, s20, $0xb8;
	[tilespmem:$0x1F780] =	vst v63  }
0x96: {  	_ =	swait.ge [sflag:s24], $0x2800  }
0x97: {  	[sflag:s24] =	ssyncset.done $0x0  }
0x98: {  	[sflag:s24] =	ssyncadd.s32 $0xFFFFD800  }
.Ltmp5:
0x99: {  	_ =	swait.ge [sflag:s25], $0x2800;
	(pc) =	sbr.rel @p1 .LBB2_6-.Ltmp5, $4  }
0x9a: {  	[sflag:s25] =	ssyncset.done $0x0  }
0x9b: {  	s7 =	sadd.s32 $0x2760, s7;
	[sflag:s25] =	ssyncadd.s32 $0xFFFFD800  }
0x9c: {  	[tilespmem:s21], [sflag:$0x1] =	stream.indirect.gather [hbm4b:s5+s20], $0x80, s7, s20, $0xb8;
	[tilespmem:$0x1F780] =	vst v63  }
0x9d: {  	s7 =	sadd.s32 $0x80, s1;
	s1 =	sadd.s32 $0x100, s1  }
.Ltmp6:
0x9e: {  	_ = 	snop;
	(pc) =	sbr.rel .LBB2_7-.Ltmp6, $1  }
0x9f: {  	_ =	sdelay $0x3  }
.LBB2_9:
0xa0: {  	_ =	sfence.sel $0x180000  }
0xa1: {  	[bflag:$0x0] =	sbarrier.arrive $0xFFFF  }
0xa2: {  	_ =	strace $0x9000004A  }
0xa3: {  	s0 =	stileid.u32;
	[bflag:$0x2] =	sbarrier.arrive $0xFFFF  }
0xa4: {  	p0 =	sne.s32 s0, $0x0;
	s0 =	rddreg [dreg:$0x2]  }
0xa5: {  	s0 =	sadd.s32 @!p0 $0x100000, s0  }
0xa6: {  	[sflag:s0] =	ssyncadd.tile.s32 @!p0 $0x1;
	_ =	shalt  }
.Lfunc_end2:
_tile_overlayer_lowered:
.L_overlay_start_2:
0xa7: {  	(tag) =	ssettag $0x2  }
0xa8: {  	s0 =	rddreg [dreg:$0x0];
	s2 =	stileid.u32  }
0xa9: {  	s1 =	rddreg [dreg:$0x1];
	p0 =	sne.s32 s2, $0x0  }
0xaa: {  	s3 =	rddreg [dreg:$0x2];
	[bflag:$0x3] =	sbarrier.arrive $0xFFFF;
	s2 =	simm.s32 @!p0 $0x1C06  }
0xab: {  	[timem:s3], [sflag:s2] =	dma.local @!p0 [hbm:s0], s1  }
0xac: {  	s0 =	simm.s32 @!p0 $0x6  }
0xad: {  	_ =	swait.ge @!p0 [sflag:s0], s1  }
0xae: {  	s1 =	ssub.s32 @!p0 $0x0, s1;
	[sflag:s0] =	ssyncset.done @!p0 $0x0  }
0xaf: {  	[sflag:s0] =	ssyncadd.s32 @!p0 s1  }
0xb0: {  	[bflag:$0x3] =	sbarrier.arrive $0xFFFF  }
0xb1: {  	_ =	shalt  }

// kernel: kernel.17.cloned.1.call-start
scs
__scs_entry_jumppad:
0x0: {  	(pc) =	sbr.rel $0x88, $3  }
0x1: {  	(tag) =	ssettag $0x0;
	lr =	simm.s32 $0x1  }
0x2: {  	[smem:$0x3F8D] =	sst lr;
	_ =	strace $0xD0000000  }
0x3: {  	_ = 	snop  }
0x4: {  	_ = 	snop  }
0x5: {  	_ = 	snop  }
0x6: {  	_ = 	snop  }
0x7: {  	_ = 	snop  }
__scs_overlays_trampoline_lowered:
0x8: {  	[smem:$0x3F9C] =	sst s0  }
0x9: {  	[smem:$0x3F9D] =	sst s1  }
0xa: {  	[smem:$0x3F9E] =	sst s2  }
0xb: {  	[smem:$0x3F9F] =	sst s3  }
0xc: {  	[smem:$0x3FA0] =	sst s4  }
0xd: {  	[smem:$0x3FA1] =	sst s5  }
0xe: {  	[smem:$0x3FA2] =	sst s6  }
0xf: {  	[smem:$0x3FA3] =	sst s7  }
0x10: {  	[smem:$0x3FA4] =	sst s8  }
0x11: {  	[smem:$0x3FA5] =	sst s9;
	s0 =	simm.s32 @!p0 $0x0  }
0x12: {  	s1 =	sld [smem:$0x3F8B];
	s0 =	simm.s32 @p0 $0x1  }
0x13: {  	[smem:$0x3FA6] =	sst s0;
	s0 =	simm.s32 @!p1 $0x0  }
0x14: {  	s2 =	sld [smem:$0x3F8A];
	s0 =	simm.s32 @p1 $0x1  }
0x15: {  	[smem:$0x3FA7] =	sst s0;
	s0 =	simm.s32 @!p2 $0x0  }
0x16: {  	s3 =	sld [smem:$0x3FDB];
	s0 =	simm.s32 @p2 $0x1  }
0x17: {  	s4 =	simm.s32 $0x1BF5;
	[smem:$0x3FA9] =	sst s0  }
0x18: {  	s0 =	sld [smem:$0x3F8C];
	_ =	swait.ge [sflag:s4], $0x0  }
0x19: {  	s7 =	sld [smem:$0x3F8D]  }
0x1a: {  	s8 =	sadd.s32 $0xFFFFE003, lr  }
0x1b: {  	s9 =	sadd.s32 $0xFFFFFEF7, lr;
	s5 =	simm.s32 $0xFFFFFFFF;
	p2 =	slt.u32 s8, $0xFFFFF086  }
0x1c: {  	p1 =	slt.u32 s9, $0xF7A;
	s5 =	simm.s32 @!p2 $0x0  }
0x1d: {  	s5 =	simm.s32 @p1 $0x1;
	p0 =	seq.s32 s7, s2  }
0x1e: {  	s7 =	smul.u32 @!p0 $0xF7A, s2;
	p2 =	seq.s32 @!p0 s5, $0x0  }
0x1f: {  	s9 =	smul.u32 $0xF7A, s1;
	s8 =	simm.s32 @!p0 $0x1BF5;
	p2 =	por !p2, p0  }
0x20: {  	[sflag:s8] =	ssyncset.s32 @!p0 $0xFFFFF086;
	s6 =	sadd.s32 @!p0 s3, s7;
	s7 =	simm.s32 @!p0 $0x108  }
0x21: {  	s3 =	sadd.s32 s3, s9;
	s6 =	sadd.s32 @!p0 $0x88, s6;
	s7 =	simm.s32 @p2 $0x1082  }
0x22: {  	[simem:s7], [sflag:s8] =	dma.local @!p0 [hbm:s6], $0xF7A  }
0x23: {  	s9 =	sor.u32 $0xD0000000, s2;
	s6 =	simm.s32 $0x108;
	_ =	swait.ge @!p0 [sflag:s8], $0x0  }
0x24: {  	s3 =	sadd.s32 $0x88, s3;
	s6 =	simm.s32 @!p1 $0x1082;
	[sflag:s4] =	ssyncset.s32 $0xFFFFF086  }
0x25: {  	[simem:s6], [sflag:s4] =	dma.local [hbm:s3], $0xF7A  }
0x26: {  	[smem:$0x3F8D] =	sst s1;
	(tag) =	ssettag s2;
	_ =	strace s9  }
0x27: {  	s1 =	sld [smem:$0x3F9D]  }
0x28: {  	s2 =	sld [smem:$0x3F9E]  }
0x29: {  	s4 =	sld [smem:$0x3FA0]  }
0x2a: {  	p0 =	seq.s32 s5, $0x0;
	s5 =	sld [smem:$0x3FA1]  }
0x2b: {  	s6 =	sld [smem:$0x3FA2]  }
0x2c: {  	s7 =	sld [smem:$0x3FA3]  }
0x2d: {  	s3 =	simm.s32 $0x108;
	s8 =	sld [smem:$0x3FA4]  }
0x2e: {  	s3 =	simm.s32 @!p0 $0x1082;
	s9 =	sld [smem:$0x3FA5]  }
0x2f: {  	lr =	sadd.s32 s0, s3;
	s0 =	sld [smem:$0x3F9C]  }
0x30: {  	s3 =	sld [smem:$0x3F9F]  }
0x31: {  	[smem:$0x3FA8] =	sst s10  }
0x32: {  	s10 =	sld [smem:$0x3FA6];
	_ =	sdelay $0x3  }
0x33: {  	p0 =	seq.s32 s10, $0x1;
	s10 =	sld [smem:$0x3FA8];
	_ =	sdelay $0x3  }
0x34: {  	[smem:$0x3FA8] =	sst s10  }
0x35: {  	s10 =	sld [smem:$0x3FA7];
	_ =	sdelay $0x3  }
0x36: {  	p1 =	seq.s32 s10, $0x1;
	s10 =	sld [smem:$0x3FA8];
	_ =	sdelay $0x3  }
0x37: {  	[smem:$0x3FA8] =	sst s10  }
0x38: {  	s10 =	sld [smem:$0x3FA9]  }
0x39: {  	_ = 	snop;
	(pc) =	sbr.ind lr, $3  }
0x3a: {  	_ = 	snop  }
0x3b: {  	_ = 	snop  }
0x3c: {  	p2 =	seq.s32 s10, $0x1;
	s10 =	sld [smem:$0x3FA8]  }
0x3d: {  	_ =	shalt  }
0x3e: {  	_ =	shalt  }
0x3f: {  	_ =	shalt  }
0x40: {  	_ =	shalt  }
0x41: {  	_ =	shalt  }
0x42: {  	_ =	shalt  }
0x43: {  	_ =	shalt  }
0x44: {  	_ =	shalt  }
0x45: {  	_ =	shalt  }
0x46: {  	_ =	shalt  }
0x47: {  	_ =	shalt  }
0x48: {  	_ =	shalt  }
0x49: {  	_ =	shalt  }
0x4a: {  	_ =	shalt  }
0x4b: {  	_ =	shalt  }
0x4c: {  	_ =	shalt  }
0x4d: {  	_ =	shalt  }
0x4e: {  	_ =	shalt  }
0x4f: {  	_ =	shalt  }
0x50: {  	_ =	shalt  }
0x51: {  	_ =	shalt  }
0x52: {  	_ =	shalt  }
0x53: {  	_ =	shalt  }
0x54: {  	_ =	shalt  }
0x55: {  	_ =	shalt  }
0x56: {  	_ =	shalt  }
0x57: {  	_ =	shalt  }
0x58: {  	_ =	shalt  }
0x59: {  	_ =	shalt  }
0x5a: {  	_ =	shalt  }
0x5b: {  	_ =	shalt  }
0x5c: {  	_ =	shalt  }
0x5d: {  	_ =	shalt  }
0x5e: {  	_ =	shalt  }
0x5f: {  	_ =	shalt  }
0x60: {  	_ =	shalt  }
0x61: {  	_ =	shalt  }
0x62: {  	_ =	shalt  }
0x63: {  	_ =	shalt  }
0x64: {  	_ =	shalt  }
0x65: {  	_ =	shalt  }
0x66: {  	_ =	shalt  }
0x67: {  	_ =	shalt  }
0x68: {  	_ =	shalt  }
0x69: {  	_ =	shalt  }
0x6a: {  	_ =	shalt  }
0x6b: {  	_ =	shalt  }
0x6c: {  	_ =	shalt  }
0x6d: {  	_ =	shalt  }
0x6e: {  	_ =	shalt  }
0x6f: {  	_ =	shalt  }
0x70: {  	_ =	shalt  }
0x71: {  	_ =	shalt  }
0x72: {  	_ =	shalt  }
0x73: {  	_ =	shalt  }
0x74: {  	_ =	shalt  }
0x75: {  	_ =	shalt  }
0x76: {  	_ =	shalt  }
0x77: {  	_ =	shalt  }
0x78: {  	_ =	shalt  }
0x79: {  	_ =	shalt  }
0x7a: {  	_ =	shalt  }
0x7b: {  	_ =	shalt  }
0x7c: {  	_ =	shalt  }
0x7d: {  	_ =	shalt  }
0x7e: {  	_ =	shalt  }
0x7f: {  	_ =	shalt  }
0x80: {  	_ =	shalt  }
0x81: {  	_ =	shalt  }
0x82: {  	_ =	shalt  }
0x83: {  	_ =	shalt  }
0x84: {  	_ =	shalt  }
0x85: {  	_ =	shalt  }
0x86: {  	_ =	shalt  }
0x87: {  	_ =	shalt  }
.Lfunc_end0:
.L_simem_size_0:
called_computation.2_lowered:
.L_overlay_start_0:
0x88: {  	s2 =	sld [smem:$0x3FD9]  }
0x89: {  	s3 =	sld [smem:$0x3FFE];
	_ =	sdelay $0x1  }
0x8a: {  	s1 =	srdreg.scid  }
0x8b: {  	s0 =	sand.u32 $0x1, s1  }
0x8c: {  	s17 =	sshll.u32 s0, $0xA;
	s2 =	sadd.s32 s3, s2  }
0x8d: {  	s2 =	sadd.s32 s2, s17  }
0x8e: {  	[smem:$0x3FB4] =	sst s2  }
0x8f: {  	_ = 	snop  }
0x90: {  	s2 =	sld [smem:$0x3FD0];
	(tm) =	ssettm $0x1  }
0x91: {  	s18 =	sld [smem:$0x3FFB];
	_ =	sdelay $0x3  }
0x92: {  	_ =	strace s18  }
0x93: {  	s3 =	sld [smem:$0x3FFC];
	_ =	sdelay $0x3  }
0x94: {  	_ =	strace s3  }
0x95: {  	s3 =	sld [smem:$0x3FFD];
	_ =	sdelay $0x3  }
0x96: {  	_ =	strace s3  }
0x97: {  	_ =	strace $0x8FFFFFFF  }
0x98: {  	s19 =	sld [smem:$0x3FDB];
	_ =	sdelay $0x1  }
0x99: {  	s4 =	simm.s32 $_scs_section_size  }
0x9a: {  	s5 =	simm.s32 $_size__tile_overlayer_lowered;
	s6 =	simm.s32 $_tile_overlayer_lowered  }
0x9b: {  	s22 =	simm.s32 $0x1BFF;
	s21 =	sshll.u32 s6, $0x1;
	s3 =	sadd.s32 s4, s19  }
0x9c: {  	s7 =	simm.s32 $0x0;
	s20 =	sshll.u32 s5, $0x1;
	s5 =	sadd.s32 s21, s3  }
0x9d: {  	[timem:s7], [sflag:s22] =	dma.local [hbm:s5], s20  }
0x9e: {  	_ =	swait.ge [sflag:s22], s20  }
0x9f: {  	s4 =	ssub.s32 $0x0, s20;
	[sflag:s22] =	ssyncset.done $0x0  }
0xa0: {  	[sflag:s22] =	ssyncadd.s32 s4;
	_ =	sdelay $0x1  }
0xa1: {  	s23 =	simm.s32 $0x1B8B  }
0xa2: {  	_ =	swait.ge [sflag:s23], $0x1  }
0xa3: {  	[sflag:s23] =	ssyncset.done $0x0  }
0xa4: {  	s25 =	simm.s32 $0x1B8E;
	s24 =	sld [smem:$0x3FFE];
	[sflag:s23] =	ssyncadd.s32 $0xFFFFFFFF  }
0xa5: {  	s26 =	simm.s32 $execute0_lowered;
	[smem:$0x3FD2] =	sst s25  }
0xa6: {  	s5 =	sshll.u32 s26, $0x1;
	_ =	strace $0x8000004C;
	[dreg:$0x1] =	wrdreg $0xFFFFFFFF  }
0xa7: {  	s28 =	simm.s32 $_size_execute0_lowered;
	s3 =	sadd.s32 s3, s5;
	[dreg:$0x0] =	wrdreg $0x0  }
0xa8: {  	s5 =	sshll.u32 s28, $0x1;
	[dreg:$0x2] =	wrdreg s3  }
0xa9: {  	[dreg:$0x3] =	wrdreg s5  }
0xaa: {  	[dreg:$0x4] =	wrdreg $0xC0  }
0xab: {  	_ =	task [dreg:s7], $0x5FFFF  }
0xac: {  	[dreg:$0x1] =	wrdreg $0xFFFFFFFF  }
0xad: {  	[dreg:$0x0] =	wrdreg $0x60  }
0xae: {  	[dreg:$0x2] =	wrdreg s24  }
0xaf: {  	[dreg:$0x3] =	wrdreg s2  }
0xb0: {  	[dreg:$0x4] =	wrdreg $0xB7800  }
0xb1: {  	[dreg:$0x5] =	wrdreg $0x9  }
0xb2: {  	_ =	task.clear_ibuf [dreg:s7], $0x6FFFF;
	_ =	strace $0x9000004C  }
0xb3: {  	s29 =	simm.s32 $0x9;
	_ =	strace $0x8000004E  }
0xb4: {  	_ =	swait.ge [sflag:s29], $0x1  }
0xb5: {  	[sflag:s29] =	ssyncadd.s32 $0xFFFFFFFF  }
0xb6: {  	_ =	strace $0x9000004E  }
0xb7: {  	_ =	sfence  }
0xb8: {  	s30 =	sld [smem:$0x0];
	_ =	sdelay $0x2  }
0xb9: {  	s31 =	sshll.u32 s1, $0xD;
	s1 =	sshrl.u32 s1, $0x2  }
0xba: {  	s3 =	sand.u32 $0x4000, s31;
	s1 =	sadd.s32 s1, s30  }
0xbb: {  	s0 =	sor.u32 s3, s0;
	s1 =	sshll.u32 s1, $0x11  }
0xbc: {  	s0 =	sor.u32 s1, s0  }
0xbd: {  	s0 =	sadd.s32 $0x8F2B, s0  }
0xbe: {  	[sflag:s0] =	ssyncadd.remote.s32 $0x1  }
0xbf: {  	_ =	sfence.sel $0xFFFF  }
0xc0: {  	[dreg:$0x0] =	wrdreg $0xFFFFFFFF;
	(pc) =	sbr.abs _section_cstart, $3  }
0xc1: {  	[dreg:$0x1] =	wrdreg $0xFFFFFFFF  }
0xc2: {  	_ =	task.clear_ibuf [dreg:s7], $0x2FFFF;
	_ =	strace $0x9FFFFFFF  }
0xc3: {  	(tm) =	ssettm $0x7FFFFFFF  }
tec
execute0_lowered:
.L_overlay_start_1:
0x0: {  	(tag) =	ssettag $0x1  }
0x1: {  	s0 =	rddreg [dreg:$0x0]  }
0x2: {  	s13 =	stileid.u32;
	s3 =	rddreg [dreg:$0x2]  }
0x3: {  	s4 =	simm.s32 $0x0;
	s24 =	srdreg.scid;
	s14 =	simm.s32 $0x80  }
0x4: {  	s15 =	simm.s32 $0x400;
	s16 =	simm.s32 $0x2780;
	s18 =	simm.s32 $0x6  }
0x5: {  	s19 =	simm.s32 $0x5;
	s20 =	simm.s32 $0x50;
	s21 =	simm.s32 $0x6780  }
0x6: {  	s22 =	simm.s32 $0x1;
	s23 =	simm.s32 $0x8F80;
	s28 =	simm.s32 $0x2800  }
0x7: {  	s29 =	simm.s32 $0x4;
	s30 =	simm.s32 $0x6580;
	s31 =	simm.s32 $0x0  }
0x8: {  	s1 =	sshrl.u32 s13, $0x3;
	s2 =	sshll.u32 s13, $0x7;
	[smem:$0x7FF] =	sst s4  }
0x9: {  	s5 =	sadd.s32 $0xE5C00, s0;
	s6 =	sadd.s32 $0x15B000, s0;
	s7 =	smul.u32 $0x2800, s13  }
0xa: {  	s8 =	sshll.u32 s13, $0xB;
	s11 =	smul.u32 $0x50000, s13;
	s13 =	sshll.u32 s13, $0x6  }
0xb: {  	s1 =	smul.u32 $0x13C00, s1;
	s2 =	sand.u32 $0x380, s2;
	_ =	strace $0x8000004D  }
0xc: {  	s10 =	sadd.s32 s8, s0;
	s12 =	sadd.s32 s7, s0;
	s26 =	sshrl.u32 s11, $0x2  }
0xd: {  	s10 =	sadd.s32 $0xDDC00, s10;
	s1 =	sor.u32 s2, s1;
	s2 =	sand.u32 $0x1, s24  }
0xe: {  	s11 =	sadd.s32 $0x60C00, s12;
	s12 =	sor.u32 $0x1C06, s13;
	s24 =	simm.s32 $0x2  }
.Ltmp0:
0xf: {  	s1 =	sshrl.u32 s1, $0x3;
	s9 =	ssub.s32 $0x2, s2;
	(pc) =	sbr.rel .LBB2_1-.Ltmp0, $4  }
0x10: {  	s1 =	sadd.s32 s1, s0;
	s0 =	sadd.s32 $0x5800, s0;
	s25 =	sshrl.u32 s9, $0x1  }
0x11: {  	p0 =	sne.s32 s2, $0x0;
	[dreg:$0x4] =	wrdreg s0;
	s0 =	ssub.s32 s9, s25  }
0x12: {  	s9 =	sadd.s32 $0xD8C00, s1;
	s1 =	sadd.s32 s26, s3;
	s25 =	simm.s32 $0x3  }
0x13: {  	s26 =	simm.s32 $0xA0;
	s13 =	smax.u32 s0, $0x1;
	s17 =	sshrl.u32 s1, $0x3  }
.LBB2_7:
0x14: {  	[spmem:s3] =	stream.indirect.scatter.add.f32 [tilespmem:s23], [sflag:$0x4], $0x80, s2, s20, $0xb8;
	[tilespmem:$0x1F780] =	vst v63  }
0x15: {  	s0 =	rddreg [dreg:$0x4]  }
.LBB2_8:
0x16: {  	_ =	swait.ge [sflag:s22], $0x2800  }
0x17: {  	[sflag:s22] =	ssyncset.done $0x0  }
0x18: {  	[sflag:s22] =	ssyncadd.s32 $0xFFFFD800  }
0x19: {  	_ =	swait.ge [sflag:s29], $0x2800  }
0x1a: {  	[sflag:s29] =	ssyncset.done $0x0  }
0x1b: {  	[sflag:s29] =	ssyncadd.s32 $0xFFFFD800  }
0x1c: {  	[spmem:s3] =	stream.indirect.scatter.add.f32 [tilespmem:s21], [sflag:$0x6], $0x80, s30, s20, $0xb8;
	[tilespmem:$0x1F780] =	vst v63  }
0x1d: {  	_ =	swait.ge [sflag:s18], $0x2800  }
0x1e: {  	s31 =	sadd.s32 $0x1, s31;
	[sflag:s18] =	ssyncset.done $0x0  }
0x1f: {  	p1 =	sne.s32 s31, s13;
	[sflag:s18] =	ssyncadd.s32 $0xFFFFD800  }
.Ltmp1:
0x20: {  	s0 =	sadd.s32 s0, s7;
	[bflag:$0x0] =	sbarrier.arrive $0xFFFF;
	(pc) =	sbr.rel @!p1 .LBB2_9-.Ltmp1, $4  }
0x21: {  	[hbm:s0], [sflag:s12] =	dma.local [spmem:s17], $0x2800  }
0x22: {  	_ =	swait.ge [sflag:s18], $0x2800  }
0x23: {  	[sflag:s18] =	ssyncset.done $0x0  }
0x24: {  	[sflag:s18] =	ssyncadd.s32 $0xFFFFD800  }
.LBB2_1:
0x25: {  	[tilespmem:s4], [sflag:$0x5] =	stream.strided.gather [hbm4b:s9+s14], $0x2780, s15, s14, $0x38;
	[tilespmem:$0x1F780] =	vst v63  }
0x26: {  	_ = 	snop  }
0x27: {  	[tilespmem:s16], [sflag:$0x5] =	stream.linear.gather [hbm4b:s10+s4], $0x3E80, $0x38;
	[tilespmem:$0x1F780] =	vst v63  }
0x28: {  	[spmem:s17], [sflag:s12] =	dma.local [hbm:s11], $0x2800  }
0x29: {  	_ =	swait.ge [sflag:s18], $0x2800  }
0x2a: {  	[sflag:s18] =	ssyncset.done $0x0  }
0x2b: {  	[sflag:s18] =	ssyncadd.s32 $0xFFFFD800  }
0x2c: {  	_ =	swait.ge [sflag:s19], $0x2780  }
0x2d: {  	[sflag:s19] =	ssyncset.done $0x0  }
0x2e: {  	[sflag:s19] =	ssyncadd.s32 $0xFFFFD880  }
.Ltmp2:
0x2f: {  	_ =	swait.ge [sflag:s19], $0x3E80;
	(pc) =	sbr.rel @p0 .LBB2_5-.Ltmp2, $3  }
0x30: {  	[sflag:s19] =	ssyncset.done $0x0  }
0x31: {  	[sflag:s19] =	ssyncadd.s32 $0xFFFFC180  }
0x32: {  	[bflag:$0x0] =	sbarrier.arrive $0xFFFF;
	_ =	sdelay $0x1  }
0x33: {  	[tilespmem:s21], [sflag:$0x1] =	stream.indirect.gather [hbm4b:s5+s20], $0x80, s4, s20, $0xb8;
	[tilespmem:$0x1F780] =	vst v63  }
0x34: {  	_ =	swait.ge [sflag:s22], $0x2800  }
0x35: {  	[sflag:s22] =	ssyncset.done $0x0  }
0x36: {  	[sflag:s22] =	ssyncadd.s32 $0xFFFFD800  }
0x37: {  	[tilespmem:s23], [sflag:$0x2] =	stream.indirect.gather [hbm4b:s5+s20], $0x80, s20, s20, $0xb8;
	[tilespmem:$0x1F780] =	vst v63  }
0x38: {  	_ = 	snop  }
0x39: {  	[spmem:s3] =	stream.indirect.scatter.add.f32 [tilespmem:s21], [sflag:$0x3], $0x80, s16, s20, $0xb8;
	[tilespmem:$0x1F780] =	vst v63  }
0x3a: {  	_ =	swait.ge [sflag:s24], $0x2800  }
0x3b: {  	[sflag:s24] =	ssyncset.done $0x0  }
0x3c: {  	[sflag:s24] =	ssyncadd.s32 $0xFFFFD800  }
0x3d: {  	_ =	swait.ge [sflag:s25], $0x2800  }
0x3e: {  	[sflag:s25] =	ssyncset.done $0x0  }
0x3f: {  	[sflag:s25] =	ssyncadd.s32 $0xFFFFD800  }
0x40: {  	[tilespmem:s21], [sflag:$0x1] =	stream.indirect.gather [hbm4b:s5+s20], $0x80, s26, s20, $0xb8;
	[tilespmem:$0x1F780] =	vst v63  }
0x41: {  	_ = 	snop  }
0x42: {  	[spmem:s3] =	stream.indirect.scatter.add.f32 [tilespmem:s23], [sflag:$0x4], $0x80, s28, s20, $0xb8;
	[tilespmem:$0x1F780] =	vst v63  }
0x43: {  	_ =	swait.ge [sflag:s22], $0x2800  }
0x44: {  	[sflag:s22] =	ssyncset.done $0x0  }
0x45: {  	[sflag:s22] =	ssyncadd.s32 $0xFFFFD800  }
0x46: {  	_ =	swait.ge [sflag:s29], $0x2800  }
0x47: {  	[sflag:s29] =	ssyncset.done $0x0  }
0x48: {  	s0 =	simm.s32 $0xF0;
	[sflag:s29] =	ssyncadd.s32 $0xFFFFD800  }
0x49: {  	[tilespmem:s23], [sflag:$0x2] =	stream.indirect.gather [hbm4b:s5+s20], $0x80, s0, s20, $0xb8;
	[tilespmem:$0x1F780] =	vst v63  }
0x4a: {  	s2 =	simm.s32 $0x2880  }
0x4b: {  	[spmem:s3] =	stream.indirect.scatter.add.f32 [tilespmem:s21], [sflag:$0x3], $0x80, s2, s20, $0xb8;
	[tilespmem:$0x1F780] =	vst v63  }
0x4c: {  	_ =	swait.ge [sflag:s24], $0x2800  }
0x4d: {  	[sflag:s24] =	ssyncset.done $0x0  }
0x4e: {  	[sflag:s24] =	ssyncadd.s32 $0xFFFFD800  }
0x4f: {  	_ =	swait.ge [sflag:s25], $0x2800  }
0x50: {  	s8 =	simm.s32 $0x140;
	s1 =	simm.s32 $0xFFFF6A00;
	[sflag:s25] =	ssyncset.done $0x0  }
0x51: {  	s0 =	simm.s32 $0x2980;
	s2 =	simm.s32 $0x2900;
	[sflag:s25] =	ssyncadd.s32 $0xFFFFD800  }
0x52: {  	[tilespmem:s21], [sflag:$0x1] =	stream.indirect.gather [hbm4b:s5+s20], $0x80, s8, s20, $0xb8;
	[tilespmem:$0x1F780] =	vst v63  }
.LBB2_3:
0x53: {  	[spmem:s3] =	stream.indirect.scatter.add.f32 [tilespmem:s23], [sflag:$0x4], $0x80, s2, s20, $0xb8;
	[tilespmem:$0x1F780] =	vst v63  }
0x54: {  	s2 =	smov.u32 s1  }
0x55: {  	p1 =	seq.s32 s1, $0xFFFFFD80;
	s1 =	sadd.s32 $0x280, s1;
	_ =	swait.ge [sflag:s22], $0x2800  }
0x56: {  	[sflag:s22] =	ssyncset.done $0x0  }
0x57: {  	[sflag:s22] =	ssyncadd.s32 $0xFFFFD800  }
0x58: {  	_ =	swait.ge [sflag:s29], $0x2800  }
0x59: {  	s2 =	sshra.s32 s2, $0x2;
	[sflag:s29] =	ssyncset.done $0x0  }
0x5a: {  	s8 =	sadd.s32 $0x2710, s2;
	[sflag:s29] =	ssyncadd.s32 $0xFFFFD800  }
0x5b: {  	[tilespmem:s23], [sflag:$0x2] =	stream.indirect.gather [hbm4b:s5+s20], $0x80, s8, s20, $0xb8;
	[tilespmem:$0x1F780] =	vst v63  }
0x5c: {  	_ = 	snop  }
0x5d: {  	[spmem:s3] =	stream.indirect.scatter.add.f32 [tilespmem:s21], [sflag:$0x3], $0x80, s0, s20, $0xb8;
	[tilespmem:$0x1F780] =	vst v63  }
0x5e: {  	_ =	swait.ge [sflag:s24], $0x2800  }
0x5f: {  	[sflag:s24] =	ssyncset.done $0x0  }
0x60: {  	[sflag:s24] =	ssyncadd.s32 $0xFFFFD800  }
.Ltmp3:
0x61: {  	_ =	swait.ge [sflag:s25], $0x2800;
	(pc) =	sbr.rel @!p1 .LBB2_3-.Ltmp3, $4  }
0x62: {  	[sflag:s25] =	ssyncset.done $0x0  }
0x63: {  	s2 =	sadd.s32 $0x2760, s2;
	[sflag:s25] =	ssyncadd.s32 $0xFFFFD800  }
0x64: {  	[tilespmem:s21], [sflag:$0x1] =	stream.indirect.gather [hbm4b:s5+s20], $0x80, s2, s20, $0xb8;
	[tilespmem:$0x1F780] =	vst v63  }
0x65: {  	s2 =	sadd.s32 $0x80, s0;
	s0 =	sadd.s32 $0x100, s0  }
.Ltmp4:
0x66: {  	(pc) =	sbr.rel .LBB2_8-.Ltmp4, $3  }
0x67: {  	_ =	sdelay $0x1  }
0x68: {  	[spmem:s3] =	stream.indirect.scatter.add.f32 [tilespmem:s23], [sflag:$0x4], $0x80, s2, s20, $0xb8;
	[tilespmem:$0x1F780] =	vst v63  }
0x69: {  	s0 =	rddreg [dreg:$0x1]  }
.LBB2_5:
0x6a: {  	[tilespmem:s21], [sflag:$0x1] =	stream.indirect.gather [hbm4b:s6+s20], $0x80, s4, s20, $0xb8;
	[tilespmem:$0x1F780] =	vst v63  }
0x6b: {  	_ =	swait.ge [sflag:s22], $0x2800  }
0x6c: {  	[sflag:s22] =	ssyncset.done $0x0  }
0x6d: {  	[sflag:s22] =	ssyncadd.s32 $0xFFFFD800  }
0x6e: {  	[tilespmem:s23], [sflag:$0x2] =	stream.indirect.gather [hbm4b:s6+s20], $0x80, s20, s20, $0xb8;
	[tilespmem:$0x1F780] =	vst v63  }
0x6f: {  	_ = 	snop  }
0x70: {  	[spmem:s3] =	stream.indirect.scatter.add.f32 [tilespmem:s21], [sflag:$0x3], $0x80, s16, s20, $0xb8;
	[tilespmem:$0x1F780] =	vst v63  }
0x71: {  	_ =	swait.ge [sflag:s24], $0x2800  }
0x72: {  	[sflag:s24] =	ssyncset.done $0x0  }
0x73: {  	[sflag:s24] =	ssyncadd.s32 $0xFFFFD800  }
0x74: {  	_ =	swait.ge [sflag:s25], $0x2800  }
0x75: {  	[sflag:s25] =	ssyncset.done $0x0  }
0x76: {  	[sflag:s25] =	ssyncadd.s32 $0xFFFFD800  }
0x77: {  	[tilespmem:s21], [sflag:$0x1] =	stream.indirect.gather [hbm4b:s6+s20], $0x80, s26, s20, $0xb8;
	[tilespmem:$0x1F780] =	vst v63  }
0x78: {  	_ = 	snop  }
0x79: {  	[spmem:s3] =	stream.indirect.scatter.add.f32 [tilespmem:s23], [sflag:$0x4], $0x80, s28, s20, $0xb8;
	[tilespmem:$0x1F780] =	vst v63  }
0x7a: {  	_ =	swait.ge [sflag:s22], $0x2800  }
0x7b: {  	[sflag:s22] =	ssyncset.done $0x0  }
0x7c: {  	[sflag:s22] =	ssyncadd.s32 $0xFFFFD800  }
0x7d: {  	_ =	swait.ge [sflag:s29], $0x2800  }
0x7e: {  	[sflag:s29] =	ssyncset.done $0x0  }
0x7f: {  	s0 =	simm.s32 $0xF0;
	[sflag:s29] =	ssyncadd.s32 $0xFFFFD800  }
0x80: {  	[tilespmem:s23], [sflag:$0x2] =	stream.indirect.gather [hbm4b:s6+s20], $0x80, s0, s20, $0xb8;
	[tilespmem:$0x1F780] =	vst v63  }
0x81: {  	s2 =	simm.s32 $0x2880  }
0x82: {  	[spmem:s3] =	stream.indirect.scatter.add.f32 [tilespmem:s21], [sflag:$0x3], $0x80, s2, s20, $0xb8;
	[tilespmem:$0x1F780] =	vst v63  }
0x83: {  	_ =	swait.ge [sflag:s24], $0x2800  }
0x84: {  	[sflag:s24] =	ssyncset.done $0x0  }
0x85: {  	[sflag:s24] =	ssyncadd.s32 $0xFFFFD800  }
0x86: {  	_ =	swait.ge [sflag:s25], $0x2800  }
0x87: {  	s8 =	simm.s32 $0x140;
	s1 =	simm.s32 $0xFFFF6A00;
	[sflag:s25] =	ssyncset.done $0x0  }
0x88: {  	s0 =	simm.s32 $0x2980;
	s2 =	simm.s32 $0x2900;
	[sflag:s25] =	ssyncadd.s32 $0xFFFFD800  }
0x89: {  	[tilespmem:s21], [sflag:$0x1] =	stream.indirect.gather [hbm4b:s6+s20], $0x80, s8, s20, $0xb8;
	[tilespmem:$0x1F780] =	vst v63  }
.LBB2_6:
0x8a: {  	[spmem:s3] =	stream.indirect.scatter.add.f32 [tilespmem:s23], [sflag:$0x4], $0x80, s2, s20, $0xb8;
	[tilespmem:$0x1F780] =	vst v63  }
0x8b: {  	s2 =	smov.u32 s1  }
0x8c: {  	p1 =	sne.s32 s1, $0xFFFFFD80;
	s1 =	sadd.s32 $0x280, s1;
	_ =	swait.ge [sflag:s22], $0x2800  }
0x8d: {  	[sflag:s22] =	ssyncset.done $0x0  }
0x8e: {  	[sflag:s22] =	ssyncadd.s32 $0xFFFFD800  }
0x8f: {  	_ =	swait.ge [sflag:s29], $0x2800  }
0x90: {  	s2 =	sshra.s32 s2, $0x2;
	[sflag:s29] =	ssyncset.done $0x0  }
0x91: {  	s8 =	sadd.s32 $0x2710, s2;
	[sflag:s29] =	ssyncadd.s32 $0xFFFFD800  }
0x92: {  	[tilespmem:s23], [sflag:$0x2] =	stream.indirect.gather [hbm4b:s6+s20], $0x80, s8, s20, $0xb8;
	[tilespmem:$0x1F780] =	vst v63  }
0x93: {  	_ = 	snop  }
0x94: {  	[spmem:s3] =	stream.indirect.scatter.add.f32 [tilespmem:s21], [sflag:$0x3], $0x80, s0, s20, $0xb8;
	[tilespmem:$0x1F780] =	vst v63  }
0x95: {  	_ =	swait.ge [sflag:s24], $0x2800  }
0x96: {  	[sflag:s24] =	ssyncset.done $0x0  }
0x97: {  	[sflag:s24] =	ssyncadd.s32 $0xFFFFD800  }
.Ltmp5:
0x98: {  	_ =	swait.ge [sflag:s25], $0x2800;
	(pc) =	sbr.rel @p1 .LBB2_6-.Ltmp5, $4  }
0x99: {  	[sflag:s25] =	ssyncset.done $0x0  }
0x9a: {  	s2 =	sadd.s32 $0x2760, s2;
	[sflag:s25] =	ssyncadd.s32 $0xFFFFD800  }
0x9b: {  	[tilespmem:s21], [sflag:$0x1] =	stream.indirect.gather [hbm4b:s6+s20], $0x80, s2, s20, $0xb8;
	[tilespmem:$0x1F780] =	vst v63  }
0x9c: {  	s2 =	sadd.s32 $0x80, s0;
	s0 =	sadd.s32 $0x100, s0  }
.Ltmp6:
0x9d: {  	_ = 	snop;
	(pc) =	sbr.rel .LBB2_7-.Ltmp6, $1  }
0x9e: {  	_ =	sdelay $0x3  }
.LBB2_9:
0x9f: {  	_ =	sfence.sel $0x180000  }
0xa0: {  	[bflag:$0x0] =	sbarrier.arrive $0xFFFF  }
0xa1: {  	_ =	strace $0x9000004D  }
0xa2: {  	s0 =	stileid.u32;
	[bflag:$0x2] =	sbarrier.arrive $0xFFFF  }
0xa3: {  	p0 =	sne.s32 s0, $0x0;
	s0 =	rddreg [dreg:$0x3]  }
0xa4: {  	s0 =	sadd.s32 @!p0 $0x100000, s0  }
0xa5: {  	[sflag:s0] =	ssyncadd.tile.s32 @!p0 $0x1;
	_ =	shalt  }
.Lfunc_end2:
_tile_overlayer_lowered:
.L_overlay_start_2:
0xa6: {  	(tag) =	ssettag $0x2  }
0xa7: {  	s0 =	rddreg [dreg:$0x0];
	s2 =	stileid.u32  }
0xa8: {  	s1 =	rddreg [dreg:$0x1];
	p0 =	sne.s32 s2, $0x0  }
0xa9: {  	s3 =	rddreg [dreg:$0x2];
	[bflag:$0x3] =	sbarrier.arrive $0xFFFF;
	s2 =	simm.s32 @!p0 $0x1C06  }
0xaa: {  	[timem:s3], [sflag:s2] =	dma.local @!p0 [hbm:s0], s1  }
0xab: {  	s0 =	simm.s32 @!p0 $0x6  }
0xac: {  	_ =	swait.ge @!p0 [sflag:s0], s1  }
0xad: {  	s1 =	ssub.s32 @!p0 $0x0, s1;
	[sflag:s0] =	ssyncset.done @!p0 $0x0  }
0xae: {  	[sflag:s0] =	ssyncadd.s32 @!p0 s1  }
0xaf: {  	[bflag:$0x3] =	sbarrier.arrive $0xFFFF  }
0xb0: {  	_ =	shalt  }

// kernel: kernel.20.cloned.1.call-start
scs
__scs_entry_jumppad:
0x0: {  	(pc) =	sbr.rel $0x88, $3  }
0x1: {  	(tag) =	ssettag $0x0;
	lr =	simm.s32 $0x1  }
0x2: {  	[smem:$0x3F8D] =	sst lr;
	_ =	strace $0xD0000000  }
0x3: {  	_ = 	snop  }
0x4: {  	_ = 	snop  }
0x5: {  	_ = 	snop  }
0x6: {  	_ = 	snop  }
0x7: {  	_ = 	snop  }
__scs_overlays_trampoline_lowered:
0x8: {  	[smem:$0x3F9C] =	sst s0  }
0x9: {  	[smem:$0x3F9D] =	sst s1  }
0xa: {  	[smem:$0x3F9E] =	sst s2  }
0xb: {  	[smem:$0x3F9F] =	sst s3  }
0xc: {  	[smem:$0x3FA0] =	sst s4  }
0xd: {  	[smem:$0x3FA1] =	sst s5  }
0xe: {  	[smem:$0x3FA2] =	sst s6  }
0xf: {  	[smem:$0x3FA3] =	sst s7  }
0x10: {  	[smem:$0x3FA4] =	sst s8  }
0x11: {  	[smem:$0x3FA5] =	sst s9;
	s0 =	simm.s32 @!p0 $0x0  }
0x12: {  	s1 =	sld [smem:$0x3F8B];
	s0 =	simm.s32 @p0 $0x1  }
0x13: {  	[smem:$0x3FA6] =	sst s0;
	s0 =	simm.s32 @!p1 $0x0  }
0x14: {  	s2 =	sld [smem:$0x3F8A];
	s0 =	simm.s32 @p1 $0x1  }
0x15: {  	[smem:$0x3FA7] =	sst s0;
	s0 =	simm.s32 @!p2 $0x0  }
0x16: {  	s3 =	sld [smem:$0x3FDB];
	s0 =	simm.s32 @p2 $0x1  }
0x17: {  	s4 =	simm.s32 $0x1BF5;
	[smem:$0x3FA9] =	sst s0  }
0x18: {  	s0 =	sld [smem:$0x3F8C];
	_ =	swait.ge [sflag:s4], $0x0  }
0x19: {  	s7 =	sld [smem:$0x3F8D]  }
0x1a: {  	s8 =	sadd.s32 $0xFFFFE003, lr  }
0x1b: {  	s9 =	sadd.s32 $0xFFFFFEF7, lr;
	s5 =	simm.s32 $0xFFFFFFFF;
	p2 =	slt.u32 s8, $0xFFFFF086  }
0x1c: {  	p1 =	slt.u32 s9, $0xF7A;
	s5 =	simm.s32 @!p2 $0x0  }
0x1d: {  	s5 =	simm.s32 @p1 $0x1;
	p0 =	seq.s32 s7, s2  }
0x1e: {  	s7 =	smul.u32 @!p0 $0xF7A, s2;
	p2 =	seq.s32 @!p0 s5, $0x0  }
0x1f: {  	s9 =	smul.u32 $0xF7A, s1;
	s8 =	simm.s32 @!p0 $0x1BF5;
	p2 =	por !p2, p0  }
0x20: {  	[sflag:s8] =	ssyncset.s32 @!p0 $0xFFFFF086;
	s6 =	sadd.s32 @!p0 s3, s7;
	s7 =	simm.s32 @!p0 $0x108  }
0x21: {  	s3 =	sadd.s32 s3, s9;
	s6 =	sadd.s32 @!p0 $0x88, s6;
	s7 =	simm.s32 @p2 $0x1082  }
0x22: {  	[simem:s7], [sflag:s8] =	dma.local @!p0 [hbm:s6], $0xF7A  }
0x23: {  	s9 =	sor.u32 $0xD0000000, s2;
	s6 =	simm.s32 $0x108;
	_ =	swait.ge @!p0 [sflag:s8], $0x0  }
0x24: {  	s3 =	sadd.s32 $0x88, s3;
	s6 =	simm.s32 @!p1 $0x1082;
	[sflag:s4] =	ssyncset.s32 $0xFFFFF086  }
0x25: {  	[simem:s6], [sflag:s4] =	dma.local [hbm:s3], $0xF7A  }
0x26: {  	[smem:$0x3F8D] =	sst s1;
	(tag) =	ssettag s2;
	_ =	strace s9  }
0x27: {  	s1 =	sld [smem:$0x3F9D]  }
0x28: {  	s2 =	sld [smem:$0x3F9E]  }
0x29: {  	s4 =	sld [smem:$0x3FA0]  }
0x2a: {  	p0 =	seq.s32 s5, $0x0;
	s5 =	sld [smem:$0x3FA1]  }
0x2b: {  	s6 =	sld [smem:$0x3FA2]  }
0x2c: {  	s7 =	sld [smem:$0x3FA3]  }
0x2d: {  	s3 =	simm.s32 $0x108;
	s8 =	sld [smem:$0x3FA4]  }
0x2e: {  	s3 =	simm.s32 @!p0 $0x1082;
	s9 =	sld [smem:$0x3FA5]  }
0x2f: {  	lr =	sadd.s32 s0, s3;
	s0 =	sld [smem:$0x3F9C]  }
0x30: {  	s3 =	sld [smem:$0x3F9F]  }
0x31: {  	[smem:$0x3FA8] =	sst s10  }
0x32: {  	s10 =	sld [smem:$0x3FA6];
	_ =	sdelay $0x3  }
0x33: {  	p0 =	seq.s32 s10, $0x1;
	s10 =	sld [smem:$0x3FA8];
	_ =	sdelay $0x3  }
0x34: {  	[smem:$0x3FA8] =	sst s10  }
0x35: {  	s10 =	sld [smem:$0x3FA7];
	_ =	sdelay $0x3  }
0x36: {  	p1 =	seq.s32 s10, $0x1;
	s10 =	sld [smem:$0x3FA8];
	_ =	sdelay $0x3  }
0x37: {  	[smem:$0x3FA8] =	sst s10  }
0x38: {  	s10 =	sld [smem:$0x3FA9]  }
0x39: {  	_ = 	snop;
	(pc) =	sbr.ind lr, $3  }
0x3a: {  	_ = 	snop  }
0x3b: {  	_ = 	snop  }
0x3c: {  	p2 =	seq.s32 s10, $0x1;
	s10 =	sld [smem:$0x3FA8]  }
0x3d: {  	_ =	shalt  }
0x3e: {  	_ =	shalt  }
0x3f: {  	_ =	shalt  }
0x40: {  	_ =	shalt  }
0x41: {  	_ =	shalt  }
0x42: {  	_ =	shalt  }
0x43: {  	_ =	shalt  }
0x44: {  	_ =	shalt  }
0x45: {  	_ =	shalt  }
0x46: {  	_ =	shalt  }
0x47: {  	_ =	shalt  }
0x48: {  	_ =	shalt  }
0x49: {  	_ =	shalt  }
0x4a: {  	_ =	shalt  }
0x4b: {  	_ =	shalt  }
0x4c: {  	_ =	shalt  }
0x4d: {  	_ =	shalt  }
0x4e: {  	_ =	shalt  }
0x4f: {  	_ =	shalt  }
0x50: {  	_ =	shalt  }
0x51: {  	_ =	shalt  }
0x52: {  	_ =	shalt  }
0x53: {  	_ =	shalt  }
0x54: {  	_ =	shalt  }
0x55: {  	_ =	shalt  }
0x56: {  	_ =	shalt  }
0x57: {  	_ =	shalt  }
0x58: {  	_ =	shalt  }
0x59: {  	_ =	shalt  }
0x5a: {  	_ =	shalt  }
0x5b: {  	_ =	shalt  }
0x5c: {  	_ =	shalt  }
0x5d: {  	_ =	shalt  }
0x5e: {  	_ =	shalt  }
0x5f: {  	_ =	shalt  }
0x60: {  	_ =	shalt  }
0x61: {  	_ =	shalt  }
0x62: {  	_ =	shalt  }
0x63: {  	_ =	shalt  }
0x64: {  	_ =	shalt  }
0x65: {  	_ =	shalt  }
0x66: {  	_ =	shalt  }
0x67: {  	_ =	shalt  }
0x68: {  	_ =	shalt  }
0x69: {  	_ =	shalt  }
0x6a: {  	_ =	shalt  }
0x6b: {  	_ =	shalt  }
0x6c: {  	_ =	shalt  }
0x6d: {  	_ =	shalt  }
0x6e: {  	_ =	shalt  }
0x6f: {  	_ =	shalt  }
0x70: {  	_ =	shalt  }
0x71: {  	_ =	shalt  }
0x72: {  	_ =	shalt  }
0x73: {  	_ =	shalt  }
0x74: {  	_ =	shalt  }
0x75: {  	_ =	shalt  }
0x76: {  	_ =	shalt  }
0x77: {  	_ =	shalt  }
0x78: {  	_ =	shalt  }
0x79: {  	_ =	shalt  }
0x7a: {  	_ =	shalt  }
0x7b: {  	_ =	shalt  }
0x7c: {  	_ =	shalt  }
0x7d: {  	_ =	shalt  }
0x7e: {  	_ =	shalt  }
0x7f: {  	_ =	shalt  }
0x80: {  	_ =	shalt  }
0x81: {  	_ =	shalt  }
0x82: {  	_ =	shalt  }
0x83: {  	_ =	shalt  }
0x84: {  	_ =	shalt  }
0x85: {  	_ =	shalt  }
0x86: {  	_ =	shalt  }
0x87: {  	_ =	shalt  }
.Lfunc_end0:
.L_simem_size_0:
called_computation.3_lowered:
.L_overlay_start_0:
0x88: {  	s2 =	sld [smem:$0x3FD9]  }
0x89: {  	s3 =	sld [smem:$0x3FFE];
	_ =	sdelay $0x1  }
0x8a: {  	s1 =	srdreg.scid  }
0x8b: {  	s0 =	sand.u32 $0x1, s1  }
0x8c: {  	s17 =	sshll.u32 s0, $0xA;
	s2 =	sadd.s32 s3, s2  }
0x8d: {  	s2 =	sadd.s32 s2, s17  }
0x8e: {  	[smem:$0x3FB4] =	sst s2  }
0x8f: {  	_ = 	snop  }
0x90: {  	s2 =	sld [smem:$0x3FD0];
	(tm) =	ssettm $0x1  }
0x91: {  	s18 =	sld [smem:$0x3FFB];
	_ =	sdelay $0x3  }
0x92: {  	_ =	strace s18  }
0x93: {  	s3 =	sld [smem:$0x3FFC];
	_ =	sdelay $0x3  }
0x94: {  	_ =	strace s3  }
0x95: {  	s3 =	sld [smem:$0x3FFD];
	_ =	sdelay $0x3  }
0x96: {  	_ =	strace s3  }
0x97: {  	_ =	strace $0x8FFFFFFF  }
0x98: {  	s19 =	sld [smem:$0x3FDB];
	_ =	sdelay $0x1  }
0x99: {  	s4 =	simm.s32 $_scs_section_size  }
0x9a: {  	s5 =	simm.s32 $_size__tile_overlayer_lowered;
	s6 =	simm.s32 $_tile_overlayer_lowered  }
0x9b: {  	s22 =	simm.s32 $0x1BFF;
	s21 =	sshll.u32 s6, $0x1;
	s3 =	sadd.s32 s4, s19  }
0x9c: {  	s7 =	simm.s32 $0x0;
	s20 =	sshll.u32 s5, $0x1;
	s5 =	sadd.s32 s21, s3  }
0x9d: {  	[timem:s7], [sflag:s22] =	dma.local [hbm:s5], s20  }
0x9e: {  	_ =	swait.ge [sflag:s22], s20  }
0x9f: {  	s4 =	ssub.s32 $0x0, s20;
	[sflag:s22] =	ssyncset.done $0x0  }
0xa0: {  	[sflag:s22] =	ssyncadd.s32 s4;
	_ =	sdelay $0x1  }
0xa1: {  	s23 =	simm.s32 $0x1B8B  }
0xa2: {  	_ =	swait.ge [sflag:s23], $0x1  }
0xa3: {  	[sflag:s23] =	ssyncset.done $0x0  }
0xa4: {  	s25 =	simm.s32 $0x1B8E;
	s24 =	sld [smem:$0x3FFE];
	[sflag:s23] =	ssyncadd.s32 $0xFFFFFFFF  }
0xa5: {  	s26 =	simm.s32 $execute0_lowered;
	[smem:$0x3FD2] =	sst s25  }
0xa6: {  	s5 =	sshll.u32 s26, $0x1;
	_ =	strace $0x8000004F;
	[dreg:$0x1] =	wrdreg $0xFFFFFFFF  }
0xa7: {  	s28 =	simm.s32 $_size_execute0_lowered;
	s3 =	sadd.s32 s3, s5;
	[dreg:$0x0] =	wrdreg $0x0  }
0xa8: {  	s5 =	sshll.u32 s28, $0x1;
	[dreg:$0x2] =	wrdreg s3  }
0xa9: {  	[dreg:$0x3] =	wrdreg s5  }
0xaa: {  	[dreg:$0x4] =	wrdreg $0xC0  }
0xab: {  	_ =	task [dreg:s7], $0x5FFFF  }
0xac: {  	[dreg:$0x1] =	wrdreg $0xFFFFFFFF  }
0xad: {  	[dreg:$0x0] =	wrdreg $0x60  }
0xae: {  	[dreg:$0x2] =	wrdreg s24  }
0xaf: {  	[dreg:$0x3] =	wrdreg s2  }
0xb0: {  	[dreg:$0x4] =	wrdreg $0xB7800  }
0xb1: {  	[dreg:$0x5] =	wrdreg $0x9  }
0xb2: {  	_ =	task.clear_ibuf [dreg:s7], $0x6FFFF;
	_ =	strace $0x9000004F  }
0xb3: {  	s29 =	simm.s32 $0x9;
	_ =	strace $0x80000051  }
0xb4: {  	_ =	swait.ge [sflag:s29], $0x1  }
0xb5: {  	[sflag:s29] =	ssyncadd.s32 $0xFFFFFFFF  }
0xb6: {  	_ =	strace $0x90000051  }
0xb7: {  	_ =	sfence  }
0xb8: {  	s30 =	sld [smem:$0x0];
	_ =	sdelay $0x2  }
0xb9: {  	s31 =	sshll.u32 s1, $0xD;
	s1 =	sshrl.u32 s1, $0x2  }
0xba: {  	s3 =	sand.u32 $0x4000, s31;
	s1 =	sadd.s32 s1, s30  }
0xbb: {  	s0 =	sor.u32 s3, s0;
	s1 =	sshll.u32 s1, $0x11  }
0xbc: {  	s0 =	sor.u32 s1, s0  }
0xbd: {  	s0 =	sadd.s32 $0x8F2B, s0  }
0xbe: {  	[sflag:s0] =	ssyncadd.remote.s32 $0x1  }
0xbf: {  	_ =	sfence.sel $0xFFFF  }
0xc0: {  	[dreg:$0x0] =	wrdreg $0xFFFFFFFF;
	(pc) =	sbr.abs _section_cstart, $3  }
0xc1: {  	[dreg:$0x1] =	wrdreg $0xFFFFFFFF  }
0xc2: {  	_ =	task.clear_ibuf [dreg:s7], $0x2FFFF;
	_ =	strace $0x9FFFFFFF  }
0xc3: {  	(tm) =	ssettm $0x7FFFFFFF  }
tec
execute0_lowered:
.L_overlay_start_1:
0x0: {  	(tag) =	ssettag $0x1  }
0x1: {  	s0 =	rddreg [dreg:$0x0]  }
0x2: {  	s13 =	stileid.u32;
	s3 =	rddreg [dreg:$0x2]  }
0x3: {  	s4 =	simm.s32 $0x0;
	s24 =	srdreg.scid;
	s14 =	simm.s32 $0x80  }
0x4: {  	s15 =	simm.s32 $0x400;
	s16 =	simm.s32 $0x2780;
	s18 =	simm.s32 $0x6  }
0x5: {  	s19 =	simm.s32 $0x5;
	s20 =	simm.s32 $0x50;
	s21 =	simm.s32 $0x6780  }
0x6: {  	s22 =	simm.s32 $0x1;
	s23 =	simm.s32 $0x8F80;
	s28 =	simm.s32 $0x2800  }
0x7: {  	s29 =	simm.s32 $0x4;
	s30 =	simm.s32 $0x6580;
	s31 =	simm.s32 $0x0  }
0x8: {  	s1 =	sshrl.u32 s13, $0x3;
	s2 =	sshll.u32 s13, $0x7;
	[smem:$0x7FF] =	sst s4  }
0x9: {  	s5 =	sadd.s32 $0xE5C00, s0;
	s6 =	sadd.s32 $0x15B000, s0;
	s7 =	smul.u32 $0x2800, s13  }
0xa: {  	s8 =	sshll.u32 s13, $0xB;
	s11 =	smul.u32 $0x50000, s13;
	s13 =	sshll.u32 s13, $0x6  }
0xb: {  	s1 =	smul.u32 $0x13C00, s1;
	s2 =	sand.u32 $0x380, s2;
	_ =	strace $0x80000050  }
0xc: {  	s10 =	sadd.s32 s8, s0;
	s12 =	sadd.s32 s7, s0;
	s26 =	sshrl.u32 s11, $0x2  }
0xd: {  	s10 =	sadd.s32 $0xDDC00, s10;
	s1 =	sor.u32 s2, s1;
	s2 =	sand.u32 $0x1, s24  }
0xe: {  	s11 =	sadd.s32 $0x60C00, s12;
	s12 =	sor.u32 $0x1C06, s13;
	s24 =	simm.s32 $0x2  }
.Ltmp0:
0xf: {  	s1 =	sshrl.u32 s1, $0x3;
	s9 =	ssub.s32 $0x2, s2;
	(pc) =	sbr.rel .LBB2_1-.Ltmp0, $4  }
0x10: {  	s1 =	sadd.s32 s1, s0;
	s0 =	sadd.s32 $0x5800, s0;
	s25 =	sshrl.u32 s9, $0x1  }
0x11: {  	p0 =	sne.s32 s2, $0x0;
	[dreg:$0x4] =	wrdreg s0;
	s0 =	ssub.s32 s9, s25  }
0x12: {  	s9 =	sadd.s32 $0xD8C00, s1;
	s1 =	sadd.s32 s26, s3;
	s25 =	simm.s32 $0x3  }
0x13: {  	s26 =	simm.s32 $0xA0;
	s13 =	smax.u32 s0, $0x1;
	s17 =	sshrl.u32 s1, $0x3  }
.LBB2_7:
0x14: {  	[spmem:s3] =	stream.indirect.scatter.add.f32 [tilespmem:s23], [sflag:$0x4], $0x80, s2, s20, $0xb8;
	[tilespmem:$0x1F780] =	vst v63  }
0x15: {  	s0 =	rddreg [dreg:$0x4]  }
.LBB2_8:
0x16: {  	_ =	swait.ge [sflag:s22], $0x2800  }
0x17: {  	[sflag:s22] =	ssyncset.done $0x0  }
0x18: {  	[sflag:s22] =	ssyncadd.s32 $0xFFFFD800  }
0x19: {  	_ =	swait.ge [sflag:s29], $0x2800  }
0x1a: {  	[sflag:s29] =	ssyncset.done $0x0  }
0x1b: {  	[sflag:s29] =	ssyncadd.s32 $0xFFFFD800  }
0x1c: {  	[spmem:s3] =	stream.indirect.scatter.add.f32 [tilespmem:s21], [sflag:$0x6], $0x80, s30, s20, $0xb8;
	[tilespmem:$0x1F780] =	vst v63  }
0x1d: {  	_ =	swait.ge [sflag:s18], $0x2800  }
0x1e: {  	s31 =	sadd.s32 $0x1, s31;
	[sflag:s18] =	ssyncset.done $0x0  }
0x1f: {  	p1 =	sne.s32 s31, s13;
	[sflag:s18] =	ssyncadd.s32 $0xFFFFD800  }
.Ltmp1:
0x20: {  	s0 =	sadd.s32 s0, s7;
	[bflag:$0x0] =	sbarrier.arrive $0xFFFF;
	(pc) =	sbr.rel @!p1 .LBB2_9-.Ltmp1, $4  }
0x21: {  	[hbm:s0], [sflag:s12] =	dma.local [spmem:s17], $0x2800  }
0x22: {  	_ =	swait.ge [sflag:s18], $0x2800  }
0x23: {  	[sflag:s18] =	ssyncset.done $0x0  }
0x24: {  	[sflag:s18] =	ssyncadd.s32 $0xFFFFD800  }
.LBB2_1:
0x25: {  	[tilespmem:s4], [sflag:$0x5] =	stream.strided.gather [hbm4b:s9+s14], $0x2780, s15, s14, $0x38;
	[tilespmem:$0x1F780] =	vst v63  }
0x26: {  	_ = 	snop  }
0x27: {  	[tilespmem:s16], [sflag:$0x5] =	stream.linear.gather [hbm4b:s10+s4], $0x3E80, $0x38;
	[tilespmem:$0x1F780] =	vst v63  }
0x28: {  	[spmem:s17], [sflag:s12] =	dma.local [hbm:s11], $0x2800  }
0x29: {  	_ =	swait.ge [sflag:s18], $0x2800  }
0x2a: {  	[sflag:s18] =	ssyncset.done $0x0  }
0x2b: {  	[sflag:s18] =	ssyncadd.s32 $0xFFFFD800  }
0x2c: {  	_ =	swait.ge [sflag:s19], $0x2780  }
0x2d: {  	[sflag:s19] =	ssyncset.done $0x0  }
0x2e: {  	[sflag:s19] =	ssyncadd.s32 $0xFFFFD880  }
.Ltmp2:
0x2f: {  	_ =	swait.ge [sflag:s19], $0x3E80;
	(pc) =	sbr.rel @p0 .LBB2_5-.Ltmp2, $3  }
0x30: {  	[sflag:s19] =	ssyncset.done $0x0  }
0x31: {  	[sflag:s19] =	ssyncadd.s32 $0xFFFFC180  }
0x32: {  	[bflag:$0x0] =	sbarrier.arrive $0xFFFF;
	_ =	sdelay $0x1  }
0x33: {  	[tilespmem:s21], [sflag:$0x1] =	stream.indirect.gather [hbm4b:s5+s20], $0x80, s4, s20, $0xb8;
	[tilespmem:$0x1F780] =	vst v63  }
0x34: {  	_ =	swait.ge [sflag:s22], $0x2800  }
0x35: {  	[sflag:s22] =	ssyncset.done $0x0  }
0x36: {  	[sflag:s22] =	ssyncadd.s32 $0xFFFFD800  }
0x37: {  	[tilespmem:s23], [sflag:$0x2] =	stream.indirect.gather [hbm4b:s5+s20], $0x80, s20, s20, $0xb8;
	[tilespmem:$0x1F780] =	vst v63  }
0x38: {  	_ = 	snop  }
0x39: {  	[spmem:s3] =	stream.indirect.scatter.add.f32 [tilespmem:s21], [sflag:$0x3], $0x80, s16, s20, $0xb8;
	[tilespmem:$0x1F780] =	vst v63  }
0x3a: {  	_ =	swait.ge [sflag:s24], $0x2800  }
0x3b: {  	[sflag:s24] =	ssyncset.done $0x0  }
0x3c: {  	[sflag:s24] =	ssyncadd.s32 $0xFFFFD800  }
0x3d: {  	_ =	swait.ge [sflag:s25], $0x2800  }
0x3e: {  	[sflag:s25] =	ssyncset.done $0x0  }
0x3f: {  	[sflag:s25] =	ssyncadd.s32 $0xFFFFD800  }
0x40: {  	[tilespmem:s21], [sflag:$0x1] =	stream.indirect.gather [hbm4b:s5+s20], $0x80, s26, s20, $0xb8;
	[tilespmem:$0x1F780] =	vst v63  }
0x41: {  	_ = 	snop  }
0x42: {  	[spmem:s3] =	stream.indirect.scatter.add.f32 [tilespmem:s23], [sflag:$0x4], $0x80, s28, s20, $0xb8;
	[tilespmem:$0x1F780] =	vst v63  }
0x43: {  	_ =	swait.ge [sflag:s22], $0x2800  }
0x44: {  	[sflag:s22] =	ssyncset.done $0x0  }
0x45: {  	[sflag:s22] =	ssyncadd.s32 $0xFFFFD800  }
0x46: {  	_ =	swait.ge [sflag:s29], $0x2800  }
0x47: {  	[sflag:s29] =	ssyncset.done $0x0  }
0x48: {  	s0 =	simm.s32 $0xF0;
	[sflag:s29] =	ssyncadd.s32 $0xFFFFD800  }
0x49: {  	[tilespmem:s23], [sflag:$0x2] =	stream.indirect.gather [hbm4b:s5+s20], $0x80, s0, s20, $0xb8;
	[tilespmem:$0x1F780] =	vst v63  }
0x4a: {  	s2 =	simm.s32 $0x2880  }
0x4b: {  	[spmem:s3] =	stream.indirect.scatter.add.f32 [tilespmem:s21], [sflag:$0x3], $0x80, s2, s20, $0xb8;
	[tilespmem:$0x1F780] =	vst v63  }
0x4c: {  	_ =	swait.ge [sflag:s24], $0x2800  }
0x4d: {  	[sflag:s24] =	ssyncset.done $0x0  }
0x4e: {  	[sflag:s24] =	ssyncadd.s32 $0xFFFFD800  }
0x4f: {  	_ =	swait.ge [sflag:s25], $0x2800  }
0x50: {  	s8 =	simm.s32 $0x140;
	s1 =	simm.s32 $0xFFFF6A00;
	[sflag:s25] =	ssyncset.done $0x0  }
0x51: {  	s0 =	simm.s32 $0x2980;
	s2 =	simm.s32 $0x2900;
	[sflag:s25] =	ssyncadd.s32 $0xFFFFD800  }
0x52: {  	[tilespmem:s21], [sflag:$0x1] =	stream.indirect.gather [hbm4b:s5+s20], $0x80, s8, s20, $0xb8;
	[tilespmem:$0x1F780] =	vst v63  }
.LBB2_3:
0x53: {  	[spmem:s3] =	stream.indirect.scatter.add.f32 [tilespmem:s23], [sflag:$0x4], $0x80, s2, s20, $0xb8;
	[tilespmem:$0x1F780] =	vst v63  }
0x54: {  	s2 =	smov.u32 s1  }
0x55: {  	p1 =	seq.s32 s1, $0xFFFFFD80;
	s1 =	sadd.s32 $0x280, s1;
	_ =	swait.ge [sflag:s22], $0x2800  }
0x56: {  	[sflag:s22] =	ssyncset.done $0x0  }
0x57: {  	[sflag:s22] =	ssyncadd.s32 $0xFFFFD800  }
0x58: {  	_ =	swait.ge [sflag:s29], $0x2800  }
0x59: {  	s2 =	sshra.s32 s2, $0x2;
	[sflag:s29] =	ssyncset.done $0x0  }
0x5a: {  	s8 =	sadd.s32 $0x2710, s2;
	[sflag:s29] =	ssyncadd.s32 $0xFFFFD800  }
0x5b: {  	[tilespmem:s23], [sflag:$0x2] =	stream.indirect.gather [hbm4b:s5+s20], $0x80, s8, s20, $0xb8;
	[tilespmem:$0x1F780] =	vst v63  }
0x5c: {  	_ = 	snop  }
0x5d: {  	[spmem:s3] =	stream.indirect.scatter.add.f32 [tilespmem:s21], [sflag:$0x3], $0x80, s0, s20, $0xb8;
	[tilespmem:$0x1F780] =	vst v63  }
0x5e: {  	_ =	swait.ge [sflag:s24], $0x2800  }
0x5f: {  	[sflag:s24] =	ssyncset.done $0x0  }
0x60: {  	[sflag:s24] =	ssyncadd.s32 $0xFFFFD800  }
.Ltmp3:
0x61: {  	_ =	swait.ge [sflag:s25], $0x2800;
	(pc) =	sbr.rel @!p1 .LBB2_3-.Ltmp3, $4  }
0x62: {  	[sflag:s25] =	ssyncset.done $0x0  }
0x63: {  	s2 =	sadd.s32 $0x2760, s2;
	[sflag:s25] =	ssyncadd.s32 $0xFFFFD800  }
0x64: {  	[tilespmem:s21], [sflag:$0x1] =	stream.indirect.gather [hbm4b:s5+s20], $0x80, s2, s20, $0xb8;
	[tilespmem:$0x1F780] =	vst v63  }
0x65: {  	s2 =	sadd.s32 $0x80, s0;
	s0 =	sadd.s32 $0x100, s0  }
.Ltmp4:
0x66: {  	(pc) =	sbr.rel .LBB2_8-.Ltmp4, $3  }
0x67: {  	_ =	sdelay $0x1  }
0x68: {  	[spmem:s3] =	stream.indirect.scatter.add.f32 [tilespmem:s23], [sflag:$0x4], $0x80, s2, s20, $0xb8;
	[tilespmem:$0x1F780] =	vst v63  }
0x69: {  	s0 =	rddreg [dreg:$0x1]  }
.LBB2_5:
0x6a: {  	[tilespmem:s21], [sflag:$0x1] =	stream.indirect.gather [hbm4b:s6+s20], $0x80, s4, s20, $0xb8;
	[tilespmem:$0x1F780] =	vst v63  }
0x6b: {  	_ =	swait.ge [sflag:s22], $0x2800  }
0x6c: {  	[sflag:s22] =	ssyncset.done $0x0  }
0x6d: {  	[sflag:s22] =	ssyncadd.s32 $0xFFFFD800  }
0x6e: {  	[tilespmem:s23], [sflag:$0x2] =	stream.indirect.gather [hbm4b:s6+s20], $0x80, s20, s20, $0xb8;
	[tilespmem:$0x1F780] =	vst v63  }
0x6f: {  	_ = 	snop  }
0x70: {  	[spmem:s3] =	stream.indirect.scatter.add.f32 [tilespmem:s21], [sflag:$0x3], $0x80, s16, s20, $0xb8;
	[tilespmem:$0x1F780] =	vst v63  }
0x71: {  	_ =	swait.ge [sflag:s24], $0x2800  }
0x72: {  	[sflag:s24] =	ssyncset.done $0x0  }
0x73: {  	[sflag:s24] =	ssyncadd.s32 $0xFFFFD800  }
0x74: {  	_ =	swait.ge [sflag:s25], $0x2800  }
0x75: {  	[sflag:s25] =	ssyncset.done $0x0  }
0x76: {  	[sflag:s25] =	ssyncadd.s32 $0xFFFFD800  }
0x77: {  	[tilespmem:s21], [sflag:$0x1] =	stream.indirect.gather [hbm4b:s6+s20], $0x80, s26, s20, $0xb8;
	[tilespmem:$0x1F780] =	vst v63  }
0x78: {  	_ = 	snop  }
0x79: {  	[spmem:s3] =	stream.indirect.scatter.add.f32 [tilespmem:s23], [sflag:$0x4], $0x80, s28, s20, $0xb8;
	[tilespmem:$0x1F780] =	vst v63  }
0x7a: {  	_ =	swait.ge [sflag:s22], $0x2800  }
0x7b: {  	[sflag:s22] =	ssyncset.done $0x0  }
0x7c: {  	[sflag:s22] =	ssyncadd.s32 $0xFFFFD800  }
0x7d: {  	_ =	swait.ge [sflag:s29], $0x2800  }
0x7e: {  	[sflag:s29] =	ssyncset.done $0x0  }
0x7f: {  	s0 =	simm.s32 $0xF0;
	[sflag:s29] =	ssyncadd.s32 $0xFFFFD800  }
0x80: {  	[tilespmem:s23], [sflag:$0x2] =	stream.indirect.gather [hbm4b:s6+s20], $0x80, s0, s20, $0xb8;
	[tilespmem:$0x1F780] =	vst v63  }
0x81: {  	s2 =	simm.s32 $0x2880  }
0x82: {  	[spmem:s3] =	stream.indirect.scatter.add.f32 [tilespmem:s21], [sflag:$0x3], $0x80, s2, s20, $0xb8;
	[tilespmem:$0x1F780] =	vst v63  }
0x83: {  	_ =	swait.ge [sflag:s24], $0x2800  }
0x84: {  	[sflag:s24] =	ssyncset.done $0x0  }
0x85: {  	[sflag:s24] =	ssyncadd.s32 $0xFFFFD800  }
0x86: {  	_ =	swait.ge [sflag:s25], $0x2800  }
0x87: {  	s8 =	simm.s32 $0x140;
	s1 =	simm.s32 $0xFFFF6A00;
	[sflag:s25] =	ssyncset.done $0x0  }
0x88: {  	s0 =	simm.s32 $0x2980;
	s2 =	simm.s32 $0x2900;
	[sflag:s25] =	ssyncadd.s32 $0xFFFFD800  }
0x89: {  	[tilespmem:s21], [sflag:$0x1] =	stream.indirect.gather [hbm4b:s6+s20], $0x80, s8, s20, $0xb8;
	[tilespmem:$0x1F780] =	vst v63  }
.LBB2_6:
0x8a: {  	[spmem:s3] =	stream.indirect.scatter.add.f32 [tilespmem:s23], [sflag:$0x4], $0x80, s2, s20, $0xb8;
	[tilespmem:$0x1F780] =	vst v63  }
0x8b: {  	s2 =	smov.u32 s1  }
0x8c: {  	p1 =	sne.s32 s1, $0xFFFFFD80;
	s1 =	sadd.s32 $0x280, s1;
	_ =	swait.ge [sflag:s22], $0x2800  }
0x8d: {  	[sflag:s22] =	ssyncset.done $0x0  }
0x8e: {  	[sflag:s22] =	ssyncadd.s32 $0xFFFFD800  }
0x8f: {  	_ =	swait.ge [sflag:s29], $0x2800  }
0x90: {  	s2 =	sshra.s32 s2, $0x2;
	[sflag:s29] =	ssyncset.done $0x0  }
0x91: {  	s8 =	sadd.s32 $0x2710, s2;
	[sflag:s29] =	ssyncadd.s32 $0xFFFFD800  }
0x92: {  	[tilespmem:s23], [sflag:$0x2] =	stream.indirect.gather [hbm4b:s6+s20], $0x80, s8, s20, $0xb8;
	[tilespmem:$0x1F780] =	vst v63  }
0x93: {  	_ = 	snop  }
0x94: {  	[spmem:s3] =	stream.indirect.scatter.add.f32 [tilespmem:s21], [sflag:$0x3], $0x80, s0, s20, $0xb8;
	[tilespmem:$0x1F780] =	vst v63  }
0x95: {  	_ =	swait.ge [sflag:s24], $0x2800  }
0x96: {  	[sflag:s24] =	ssyncset.done $0x0  }
0x97: {  	[sflag:s24] =	ssyncadd.s32 $0xFFFFD800  }
.Ltmp5:
0x98: {  	_ =	swait.ge [sflag:s25], $0x2800;
	(pc) =	sbr.rel @p1 .LBB2_6-.Ltmp5, $4  }
0x99: {  	[sflag:s25] =	ssyncset.done $0x0  }
0x9a: {  	s2 =	sadd.s32 $0x2760, s2;
	[sflag:s25] =	ssyncadd.s32 $0xFFFFD800  }
0x9b: {  	[tilespmem:s21], [sflag:$0x1] =	stream.indirect.gather [hbm4b:s6+s20], $0x80, s2, s20, $0xb8;
	[tilespmem:$0x1F780] =	vst v63  }
0x9c: {  	s2 =	sadd.s32 $0x80, s0;
	s0 =	sadd.s32 $0x100, s0  }
.Ltmp6:
0x9d: {  	_ = 	snop;
	(pc) =	sbr.rel .LBB2_7-.Ltmp6, $1  }
0x9e: {  	_ =	sdelay $0x3  }
.LBB2_9:
0x9f: {  	_ =	sfence.sel $0x180000  }
0xa0: {  	[bflag:$0x0] =	sbarrier.arrive $0xFFFF  }
0xa1: {  	_ =	strace $0x90000050  }
0xa2: {  	s0 =	stileid.u32;
	[bflag:$0x2] =	sbarrier.arrive $0xFFFF  }
0xa3: {  	p0 =	sne.s32 s0, $0x0;
	s0 =	rddreg [dreg:$0x3]  }
0xa4: {  	s0 =	sadd.s32 @!p0 $0x100000, s0  }
0xa5: {  	[sflag:s0] =	ssyncadd.tile.s32 @!p0 $0x1;
	_ =	shalt  }
.Lfunc_end2:
_tile_overlayer_lowered:
.L_overlay_start_2:
0xa6: {  	(tag) =	ssettag $0x2  }
0xa7: {  	s0 =	rddreg [dreg:$0x0];
	s2 =	stileid.u32  }
0xa8: {  	s1 =	rddreg [dreg:$0x1];
	p0 =	sne.s32 s2, $0x0  }
0xa9: {  	s3 =	rddreg [dreg:$0x2];
	[bflag:$0x3] =	sbarrier.arrive $0xFFFF;
	s2 =	simm.s32 @!p0 $0x1C06  }
0xaa: {  	[timem:s3], [sflag:s2] =	dma.local @!p0 [hbm:s0], s1  }
0xab: {  	s0 =	simm.s32 @!p0 $0x6  }
0xac: {  	_ =	swait.ge @!p0 [sflag:s0], s1  }
0xad: {  	s1 =	ssub.s32 @!p0 $0x0, s1;
	[sflag:s0] =	ssyncset.done @!p0 $0x0  }
0xae: {  	[sflag:s0] =	ssyncadd.s32 @!p0 s1  }
0xaf: {  	[bflag:$0x3] =	sbarrier.arrive $0xFFFF  }
0xb0: {  	_ =	shalt  }

</sc_bundles>
